<compile_context>
chip_gen: v7x
topology: tpu7x:2x2x1
jax: 0.10.2.dev20260603
libtpu: 0.0.44.dev20260713+nightly
codegen_flags: <defaults>
</compile_context>

<pallas_src>
import functools

import jax
import jax.numpy as jnp
from jax import lax
from jax.experimental import pallas as pl
from jax.experimental.pallas import tpu as pltpu
from jax.experimental.pallas import tpu_sc as plsc

_NC = 2
_NS = 16
_NW = _NC * _NS
_L = 16


@functools.partial(jax.jit, static_argnums=(3, 4))
def _sc_add_gather(x, idx, tab, n_rows, d):
    bs, T, _ = x.shape
    rows_per_w = n_rows // _NW
    assert bs == _NW and T == rows_per_w
    C = 16
    NBUF = 3
    n_chunks = rows_per_w // C
    n_grp = n_chunks // NBUF
    mesh = plsc.VectorSubcoreMesh(core_axis_name="c", subcore_axis_name="s")

    @functools.partial(
        pl.kernel,
        out_type=jax.ShapeDtypeStruct((bs, T, d), jnp.float32),
        mesh=mesh,
        scratch_types=(
            [pltpu.VMEM((rows_per_w,), jnp.int32)]
            + [pltpu.VMEM((C, d), jnp.float32) for _ in range(3 * NBUF)]
            + [pltpu.SemaphoreType.DMA for _ in range(3 * NBUF)]
        ),
    )
    def k(x_hbm, idx_hbm, tab_hbm, out_hbm, idx_v, *bufs_and_sems):
        in_v = bufs_and_sems[:NBUF]
        row_v = bufs_and_sems[NBUF:2 * NBUF]
        out_v = bufs_and_sems[2 * NBUF:3 * NBUF]
        sem_in = bufs_and_sems[3 * NBUF:4 * NBUF]
        sem_tab = bufs_and_sems[4 * NBUF:5 * NBUF]
        sem_out = bufs_and_sems[5 * NBUF:6 * NBUF]

        wid = lax.axis_index("s") * _NC + lax.axis_index("c")

        pltpu.sync_copy(idx_hbm.at[wid], idx_v)

        def issue(ci, b):
            pltpu.async_copy(x_hbm.at[wid, pl.ds(ci * C, C)], in_v[b], sem_in[b])
            pltpu.async_copy(
                tab_hbm.at[idx_v.at[pl.ds(ci * C, C)]], row_v[b], sem_tab[b]
            )

        for b in range(NBUF):
            issue(b, b)

        def grp(g, _):
            for b in range(NBUF):
                ci = g * NBUF + b
                pltpu.make_async_copy(
                    x_hbm.at[wid, pl.ds(0, C)], in_v[b], sem_in[b]
                ).wait()
                pltpu.make_async_copy(
                    tab_hbm.at[idx_v.at[pl.ds(0, C)]], row_v[b], sem_tab[b]
                ).wait()

                @pl.when(g > 0)
                def _drain():
                    pltpu.make_async_copy(
                        out_v[b], out_hbm.at[wid, pl.ds(0, C)], sem_out[b]
                    ).wait()

                @plsc.parallel_loop(0, C, 1, unroll=2)
                def _radd(r):
                    for j in range(d // _L):
                        out_v[b][r, pl.ds(j * _L, _L)] = (
                            in_v[b][r, pl.ds(j * _L, _L)]
                            + row_v[b][r, pl.ds(j * _L, _L)]
                        )

                pltpu.async_copy(
                    out_v[b], out_hbm.at[wid, pl.ds(ci * C, C)], sem_out[b]
                )

                @pl.when(g < n_grp - 1)
                def _refill():
                    issue(ci + NBUF, b)

            return 0

        lax.fori_loop(0, n_grp, grp, 0)

        for b in range(NBUF):
            pltpu.make_async_copy(
            out_v[b], out_hbm.at[wid, pl.ds(0, C)], sem_out[b]
        ).wait()

    return k(x, idx, tab)


def kernel(inputs, spatial_pos_grid_size, inputs_positions, pos_embedding):
    bs, T, d = inputs.shape
    idx = inputs_positions.astype(jnp.int32)
    tab = pos_embedding[0]
    return _sc_add_gather(inputs, idx, tab, bs * T, d)

# --- scband reference (transcript-rebuilt; emitter-appended) ---
"""Pipeline reference for scband-add-hash-spatial-position-embs-4698694222126 (READ-ONLY COPY).

The authoritative reference and input builder live on the scoring server;
editing this copy changes nothing except your own understanding.
"""

import jax, jax.numpy as jnp
import numpy as np


def setup_inputs(seed: int = 0) -> dict:
    key = jax.random.key(seed)
    k1, k2, k3 = jax.random.split(key, 3)
    bs, T, d = 32, 576, 768
    grid = 100
    inputs = jax.random.normal(k1, (bs, T, d), dtype=jnp.float32)
    inputs_positions = jax.random.randint(k2, (bs, T), 0, grid * grid)
    # learned parameter: hash-based spatial positional embedding table
    pos_embedding = jax.random.normal(k3, (1, grid * grid, d), dtype=jnp.float32) * 0.02
    return {
        "inputs": inputs,
        "spatial_pos_grid_size": grid,
        "inputs_positions": inputs_positions,
        "pos_embedding": pos_embedding,
    }


def reference(inputs, spatial_pos_grid_size, inputs_positions, pos_embedding):
    # pos_embedding has shape (1, grid*grid, d), matching the flax param
    assert inputs.ndim == 3
    pe = pos_embedding
    return inputs + jnp.take(pe[0], inputs_positions, axis=0)

if __name__ == "__main__":
    import jax
    _d = setup_inputs()
    print(jax.jit(kernel)(*tuple(_d.values())))

</pallas_src>

<mosaic_0001>
#map = affine_map<(d0, d1) -> (0, 0, 0)>
#map1 = affine_map<(d0, d1) -> (0, 0)>
module attributes {stable_mosaic.version = 14 : i64} {
  func.func @k(%arg0: i32, %arg1: i32, %arg2: memref<32x576x768xf32, #tpu.memory_space<hbm>>, %arg3: memref<32x576xi32, #tpu.memory_space<hbm>>, %arg4: memref<10000x768xf32, #tpu.memory_space<hbm>>, %arg5: memref<32x576x768xf32, #tpu.memory_space<hbm>>, %arg6: memref<576xi32, #tpu.memory_space<vmem>>, %arg7: memref<16x768xf32, #tpu.memory_space<vmem>>, %arg8: memref<16x768xf32, #tpu.memory_space<vmem>>, %arg9: memref<16x768xf32, #tpu.memory_space<vmem>>, %arg10: memref<16x768xf32, #tpu.memory_space<vmem>>, %arg11: memref<16x768xf32, #tpu.memory_space<vmem>>, %arg12: memref<16x768xf32, #tpu.memory_space<vmem>>, %arg13: memref<16x768xf32, #tpu.memory_space<vmem>>, %arg14: memref<16x768xf32, #tpu.memory_space<vmem>>, %arg15: memref<16x768xf32, #tpu.memory_space<vmem>>, %arg16: memref<!tpu.dma_semaphore, #tpu.memory_space<semaphore_mem>>, %arg17: memref<!tpu.dma_semaphore, #tpu.memory_space<semaphore_mem>>, %arg18: memref<!tpu.dma_semaphore, #tpu.memory_space<semaphore_mem>>, %arg19: memref<!tpu.dma_semaphore, #tpu.memory_space<semaphore_mem>>, %arg20: memref<!tpu.dma_semaphore, #tpu.memory_space<semaphore_mem>>, %arg21: memref<!tpu.dma_semaphore, #tpu.memory_space<semaphore_mem>>, %arg22: memref<!tpu.dma_semaphore, #tpu.memory_space<semaphore_mem>>, %arg23: memref<!tpu.dma_semaphore, #tpu.memory_space<semaphore_mem>>, %arg24: memref<!tpu.dma_semaphore, #tpu.memory_space<semaphore_mem>>) attributes {dimension_semantics = [#tpu.dimension_semantics<core_parallel>, #tpu.dimension_semantics<subcore_parallel>], iteration_bounds = array<i64: 2, 16>, scalar_prefetch = 0 : i64, scratch_operands = 19 : i64, tpu.core_type = #tpu.core_type<sc_vector_subcore>, window_params = [{transform_indices = #map}, {transform_indices = #map1}, {transform_indices = #map1}, {transform_indices = #map}]} {
    %mul3A = arith.constant 2 : i32
    %mul3A_0 = arith.muli %arg1, %mul3A : i32
    %add3A = arith.addi %mul3A_0, %arg0 : i32
    "tpu.region"() ({
      %run_scoped3A = tpu.sem_alloc : memref<!tpu.dma_semaphore, #tpu.memory_space<semaphore_mem>>
      %dma_start3A_68 = arith.constant 0 : i32
      %dma_start3A_69 = tpu.memref_slice %arg3[%add3A, %dma_start3A_68] : memref<32x576xi32, #tpu.memory_space<hbm>> -> memref<1x576xi32, #tpu.memory_space<hbm>>
      %dma_start3A_70 = tpu.memref_squeeze %dma_start3A_69 : memref<1x576xi32, #tpu.memory_space<hbm>> -> memref<576xi32, #tpu.memory_space<hbm>>
      %dma_start3A_71 = arith.constant 0 : i32
      %dma_start3A_72 = tpu.memref_slice %arg3[%add3A, %dma_start3A_71] : memref<32x576xi32, #tpu.memory_space<hbm>> -> memref<1x576xi32, #tpu.memory_space<hbm>>
      %dma_start3A_73 = tpu.memref_squeeze %dma_start3A_72 : memref<1x576xi32, #tpu.memory_space<hbm>> -> memref<576xi32, #tpu.memory_space<hbm>>
      tpu.enqueue_dma source(%dma_start3A_73 : memref<576xi32, #tpu.memory_space<hbm>>) target(%arg6 : memref<576xi32, #tpu.memory_space<vmem>>) target_semaphore(%run_scoped3A : memref<!tpu.dma_semaphore, #tpu.memory_space<semaphore_mem>>)
      %dma_wait3A_74 = arith.constant 0 : i32
      %dma_wait3A_75 = tpu.memref_slice %arg3[%add3A, %dma_wait3A_74] : memref<32x576xi32, #tpu.memory_space<hbm>> -> memref<1x576xi32, #tpu.memory_space<hbm>>
      %dma_wait3A_76 = tpu.memref_squeeze %dma_wait3A_75 : memref<1x576xi32, #tpu.memory_space<hbm>> -> memref<576xi32, #tpu.memory_space<hbm>>
      %dma_wait3A_77 = arith.constant 0 : i32
      %dma_wait3A_78 = tpu.memref_slice %arg3[%add3A, %dma_wait3A_77] : memref<32x576xi32, #tpu.memory_space<hbm>> -> memref<1x576xi32, #tpu.memory_space<hbm>>
      %dma_wait3A_79 = tpu.memref_squeeze %dma_wait3A_78 : memref<1x576xi32, #tpu.memory_space<hbm>> -> memref<576xi32, #tpu.memory_space<hbm>>
      tpu.wait_dma2 semaphore(%run_scoped3A : memref<!tpu.dma_semaphore, #tpu.memory_space<semaphore_mem>>) src(%dma_wait3A_79 : memref<576xi32, #tpu.memory_space<hbm>>) dst(%arg6 : memref<576xi32, #tpu.memory_space<vmem>>)
      tpu.yield
    }) : () -> ()
    %dma_start3A = arith.constant 0 : i32
    %dma_start3A_1 = arith.constant 0 : i32
    %dma_start3A_2 = tpu.memref_slice %arg2[%add3A, %dma_start3A, %dma_start3A_1] : memref<32x576x768xf32, #tpu.memory_space<hbm>> -> memref<1x16x768xf32, #tpu.memory_space<hbm>>
    %dma_start3A_3 = tpu.memref_squeeze %dma_start3A_2 : memref<1x16x768xf32, #tpu.memory_space<hbm>> -> memref<16x768xf32, #tpu.memory_space<hbm>>
    %dma_start3A_4 = arith.constant 0 : i32
    %dma_start3A_5 = arith.constant 0 : i32
    %dma_start3A_6 = tpu.memref_slice %arg2[%add3A, %dma_start3A_4, %dma_start3A_5] : memref<32x576x768xf32, #tpu.memory_space<hbm>> -> memref<1x16x768xf32, #tpu.memory_space<hbm>>
    %dma_start3A_7 = tpu.memref_squeeze %dma_start3A_6 : memref<1x16x768xf32, #tpu.memory_space<hbm>> -> memref<16x768xf32, #tpu.memory_space<hbm>>
    tpu.enqueue_dma source(%dma_start3A_7 : memref<16x768xf32, #tpu.memory_space<hbm>>) target(%arg7 : memref<16x768xf32, #tpu.memory_space<vmem>>) target_semaphore(%arg16 : memref<!tpu.dma_semaphore, #tpu.memory_space<semaphore_mem>>)
    %dma_start3A_8 = arith.constant 0 : i32
    %dma_start3A_9 = tpu.memref_slice %arg6[%dma_start3A_8] : memref<576xi32, #tpu.memory_space<vmem>> -> memref<16xi32, #tpu.memory_space<vmem>>
    %dma_start3A_10 = arith.constant 0 : i32
    %dma_start3A_11 = arith.constant 0 : i32
    %dma_start3A_12 = tpu.memref_slice %arg4[%dma_start3A_10, %dma_start3A_11] : memref<10000x768xf32, #tpu.memory_space<hbm>> -> memref<10000x768xf32, #tpu.memory_space<hbm>>
    tpu.enqueue_indirect_dma source(%dma_start3A_12 : memref<10000x768xf32, #tpu.memory_space<hbm>>) target(%arg10 : memref<16x768xf32, #tpu.memory_space<vmem>>) offsets(%dma_start3A_9 : memref<16xi32, #tpu.memory_space<vmem>>) semaphore(%arg19 : memref<!tpu.dma_semaphore, #tpu.memory_space<semaphore_mem>>)
    %dma_start3A_13 = arith.constant 16 : i32
    %dma_start3A_14 = arith.constant 0 : i32
    %dma_start3A_15 = tpu.memref_slice %arg2[%add3A, %dma_start3A_13, %dma_start3A_14] : memref<32x576x768xf32, #tpu.memory_space<hbm>> -> memref<1x16x768xf32, #tpu.memory_space<hbm>>
    %dma_start3A_16 = tpu.memref_squeeze %dma_start3A_15 : memref<1x16x768xf32, #tpu.memory_space<hbm>> -> memref<16x768xf32, #tpu.memory_space<hbm>>
    %dma_start3A_17 = arith.constant 16 : i32
    %dma_start3A_18 = arith.constant 0 : i32
    %dma_start3A_19 = tpu.memref_slice %arg2[%add3A, %dma_start3A_17, %dma_start3A_18] : memref<32x576x768xf32, #tpu.memory_space<hbm>> -> memref<1x16x768xf32, #tpu.memory_space<hbm>>
    %dma_start3A_20 = tpu.memref_squeeze %dma_start3A_19 : memref<1x16x768xf32, #tpu.memory_space<hbm>> -> memref<16x768xf32, #tpu.memory_space<hbm>>
    tpu.enqueue_dma source(%dma_start3A_20 : memref<16x768xf32, #tpu.memory_space<hbm>>) target(%arg8 : memref<16x768xf32, #tpu.memory_space<vmem>>) target_semaphore(%arg17 : memref<!tpu.dma_semaphore, #tpu.memory_space<semaphore_mem>>)
    %dma_start3A_21 = arith.constant 16 : i32
    %dma_start3A_22 = tpu.memref_slice %arg6[%dma_start3A_21] : memref<576xi32, #tpu.memory_space<vmem>> -> memref<16xi32, #tpu.memory_space<vmem>>
    %dma_start3A_23 = arith.constant 0 : i32
    %dma_start3A_24 = arith.constant 0 : i32
    %dma_start3A_25 = tpu.memref_slice %arg4[%dma_start3A_23, %dma_start3A_24] : memref<10000x768xf32, #tpu.memory_space<hbm>> -> memref<10000x768xf32, #tpu.memory_space<hbm>>
    tpu.enqueue_indirect_dma source(%dma_start3A_25 : memref<10000x768xf32, #tpu.memory_space<hbm>>) target(%arg11 : memref<16x768xf32, #tpu.memory_space<vmem>>) offsets(%dma_start3A_22 : memref<16xi32, #tpu.memory_space<vmem>>) semaphore(%arg20 : memref<!tpu.dma_semaphore, #tpu.memory_space<semaphore_mem>>)
    %dma_start3A_26 = arith.constant 32 : i32
    %dma_start3A_27 = arith.constant 0 : i32
    %dma_start3A_28 = tpu.memref_slice %arg2[%add3A, %dma_start3A_26, %dma_start3A_27] : memref<32x576x768xf32, #tpu.memory_space<hbm>> -> memref<1x16x768xf32, #tpu.memory_space<hbm>>
    %dma_start3A_29 = tpu.memref_squeeze %dma_start3A_28 : memref<1x16x768xf32, #tpu.memory_space<hbm>> -> memref<16x768xf32, #tpu.memory_space<hbm>>
    %dma_start3A_30 = arith.constant 32 : i32
    %dma_start3A_31 = arith.constant 0 : i32
    %dma_start3A_32 = tpu.memref_slice %arg2[%add3A, %dma_start3A_30, %dma_start3A_31] : memref<32x576x768xf32, #tpu.memory_space<hbm>> -> memref<1x16x768xf32, #tpu.memory_space<hbm>>
    %dma_start3A_33 = tpu.memref_squeeze %dma_start3A_32 : memref<1x16x768xf32, #tpu.memory_space<hbm>> -> memref<16x768xf32, #tpu.memory_space<hbm>>
    tpu.enqueue_dma source(%dma_start3A_33 : memref<16x768xf32, #tpu.memory_space<hbm>>) target(%arg9 : memref<16x768xf32, #tpu.memory_space<vmem>>) target_semaphore(%arg18 : memref<!tpu.dma_semaphore, #tpu.memory_space<semaphore_mem>>)
    %dma_start3A_34 = arith.constant 32 : i32
    %dma_start3A_35 = tpu.memref_slice %arg6[%dma_start3A_34] : memref<576xi32, #tpu.memory_space<vmem>> -> memref<16xi32, #tpu.memory_space<vmem>>
    %dma_start3A_36 = arith.constant 0 : i32
    %dma_start3A_37 = arith.constant 0 : i32
    %dma_start3A_38 = tpu.memref_slice %arg4[%dma_start3A_36, %dma_start3A_37] : memref<10000x768xf32, #tpu.memory_space<hbm>> -> memref<10000x768xf32, #tpu.memory_space<hbm>>
    tpu.enqueue_indirect_dma source(%dma_start3A_38 : memref<10000x768xf32, #tpu.memory_space<hbm>>) target(%arg12 : memref<16x768xf32, #tpu.memory_space<vmem>>) offsets(%dma_start3A_35 : memref<16xi32, #tpu.memory_space<vmem>>) semaphore(%arg21 : memref<!tpu.dma_semaphore, #tpu.memory_space<semaphore_mem>>)
    %scan3A = arith.constant 0 : i32
    %scan3A_39 = arith.constant 0 : i32
    %scan3A_40 = arith.constant 12 : i32
    %scan3A_41 = arith.addi %scan3A_39, %scan3A_40 : i32
    %scan3A_42 = arith.constant 1 : i32
    %scan3A_43 = scf.for %scan3A_68 = %scan3A_39 to %scan3A_41 step %scan3A_42 iter_args(%scan3A_69 = %scan3A) -> (i32)  : i32 {
      %mul3A_70 = arith.constant 3 : i32
      %mul3A_71 = arith.muli %scan3A_68, %mul3A_70 : i32
      %add3A_72 = arith.constant 0 : i32
      %add3A_73 = arith.addi %mul3A_71, %add3A_72 : i32
      %dma_wait3A_74 = arith.constant 0 : i32
      %dma_wait3A_75 = arith.constant 0 : i32
      %dma_wait3A_76 = tpu.memref_slice %arg2[%add3A, %dma_wait3A_74, %dma_wait3A_75] : memref<32x576x768xf32, #tpu.memory_space<hbm>> -> memref<1x16x768xf32, #tpu.memory_space<hbm>>
      %dma_wait3A_77 = tpu.memref_squeeze %dma_wait3A_76 : memref<1x16x768xf32, #tpu.memory_space<hbm>> -> memref<16x768xf32, #tpu.memory_space<hbm>>
      %dma_wait3A_78 = arith.constant 0 : i32
      %dma_wait3A_79 = arith.constant 0 : i32
      %dma_wait3A_80 = tpu.memref_slice %arg2[%add3A, %dma_wait3A_78, %dma_wait3A_79] : memref<32x576x768xf32, #tpu.memory_space<hbm>> -> memref<1x16x768xf32, #tpu.memory_space<hbm>>
      %dma_wait3A_81 = tpu.memref_squeeze %dma_wait3A_80 : memref<1x16x768xf32, #tpu.memory_space<hbm>> -> memref<16x768xf32, #tpu.memory_space<hbm>>
      tpu.wait_dma2 semaphore(%arg16 : memref<!tpu.dma_semaphore, #tpu.memory_space<semaphore_mem>>) src(%dma_wait3A_81 : memref<16x768xf32, #tpu.memory_space<hbm>>) dst(%arg7 : memref<16x768xf32, #tpu.memory_space<vmem>>)
      %dma_wait3A_82 = arith.constant 0 : i32
      %dma_wait3A_83 = tpu.memref_slice %arg6[%dma_wait3A_82] : memref<576xi32, #tpu.memory_space<vmem>> -> memref<16xi32, #tpu.memory_space<vmem>>
      %dma_wait3A_84 = arith.constant 0 : i32
      %dma_wait3A_85 = arith.constant 0 : i32
      %dma_wait3A_86 = tpu.memref_slice %arg4[%dma_wait3A_84, %dma_wait3A_85] : memref<10000x768xf32, #tpu.memory_space<hbm>> -> memref<10000x768xf32, #tpu.memory_space<hbm>>
      tpu.wait_indirect_dma semaphore(%arg19 : memref<!tpu.dma_semaphore, #tpu.memory_space<semaphore_mem>>) src(%dma_wait3A_86 : memref<10000x768xf32, #tpu.memory_space<hbm>>) dst(%arg10 : memref<16x768xf32, #tpu.memory_space<vmem>>)
      %gt3A = arith.constant 0 : i32
      %gt3A_87 = arith.cmpi sgt, %scan3A_68, %gt3A : i32
      %convert_element_type3A = arith.extui %gt3A_87 : i1 to i32
      %cond3A = arith.constant 0 : i32
      %cond3A_88 = arith.cmpi ne, %convert_element_type3A, %cond3A : i32
      scf.if %cond3A_88 {
        %dma_wait3A_180 = arith.constant 0 : i32
        %dma_wait3A_181 = arith.constant 0 : i32
        %dma_wait3A_182 = tpu.memref_slice %arg5[%add3A, %dma_wait3A_180, %dma_wait3A_181] : memref<32x576x768xf32, #tpu.memory_space<hbm>> -> memref<1x16x768xf32, #tpu.memory_space<hbm>>
        %dma_wait3A_183 = tpu.memref_squeeze %dma_wait3A_182 : memref<1x16x768xf32, #tpu.memory_space<hbm>> -> memref<16x768xf32, #tpu.memory_space<hbm>>
        %dma_wait3A_184 = arith.constant 0 : i32
        %dma_wait3A_185 = arith.constant 0 : i32
        %dma_wait3A_186 = tpu.memref_slice %arg5[%add3A, %dma_wait3A_184, %dma_wait3A_185] : memref<32x576x768xf32, #tpu.memory_space<hbm>> -> memref<1x16x768xf32, #tpu.memory_space<hbm>>
        %dma_wait3A_187 = tpu.memref_squeeze %dma_wait3A_186 : memref<1x16x768xf32, #tpu.memory_space<hbm>> -> memref<16x768xf32, #tpu.memory_space<hbm>>
        tpu.wait_dma2 semaphore(%arg22 : memref<!tpu.dma_semaphore, #tpu.memory_space<semaphore_mem>>) src(%arg13 : memref<16x768xf32, #tpu.memory_space<vmem>>) dst(%dma_wait3A_187 : memref<16x768xf32, #tpu.memory_space<hbm>>)
      } else {
      }
      %parallel_loop3A = arith.constant 0 : i32
      %parallel_loop3A_89 = arith.constant 16 : i32
      %parallel_loop3A_90 = arith.constant 1 : i32
      scf.for %parallel_loop3A_180 = %parallel_loop3A to %parallel_loop3A_89 step %parallel_loop3A_90  : i32 {
        %parallel_loop3A_181 = arith.index_cast %parallel_loop3A_180 : i32 to index
        %parallel_loop3A_182 = arith.constant 0 : index
        %parallel_loop3A_183 = tpu.vector_load %arg7[%parallel_loop3A_181, %parallel_loop3A_182] {strides = array<i32>} : memref<16x768xf32, #tpu.memory_space<vmem>>, vector<1x16xf32>,
        %parallel_loop3A_184 = vector.shape_cast %parallel_loop3A_183 : vector<1x16xf32> to vector<16xf32>
        %parallel_loop3A_185 = arith.index_cast %parallel_loop3A_180 : i32 to index
        %parallel_loop3A_186 = arith.constant 0 : index
        %parallel_loop3A_187 = tpu.vector_load %arg10[%parallel_loop3A_185, %parallel_loop3A_186] {strides = array<i32>} : memref<16x768xf32, #tpu.memory_space<vmem>>, vector<1x16xf32>,
        %parallel_loop3A_188 = vector.shape_cast %parallel_loop3A_187 : vector<1x16xf32> to vector<16xf32>
        %parallel_loop3A_189 = arith.addf %parallel_loop3A_184, %parallel_loop3A_188 : vector<16xf32>
        %parallel_loop3A_190 = arith.index_cast %parallel_loop3A_180 : i32 to index
        %parallel_loop3A_191 = arith.constant 0 : index
        %parallel_loop3A_192 = tpu.vector_load %arg13[%parallel_loop3A_190, %parallel_loop3A_191] {strides = array<i32>} : memref<16x768xf32, #tpu.memory_space<vmem>>, vector<1x16xf32>,
        %parallel_loop3A_193 = vector.shape_cast %parallel_loop3A_192 : vector<1x16xf32> to vector<16xf32>
        %parallel_loop3A_194 = vector.shape_cast %parallel_loop3A_189 : vector<16xf32> to vector<1x16xf32>
        tpu.vector_store %arg13[%parallel_loop3A_190, %parallel_loop3A_191], %parallel_loop3A_194 {strides = array<i32>} : memref<16x768xf32, #tpu.memory_space<vmem>>, vector<1x16xf32>,
        %parallel_loop3A_195 = arith.index_cast %parallel_loop3A_180 : i32 to index
        %parallel_loop3A_196 = arith.constant 16 : index
        %parallel_loop3A_197 = tpu.vector_load %arg7[%parallel_loop3A_195, %parallel_loop3A_196] {strides = array<i32>} : memref<16x768xf32, #tpu.memory_space<vmem>>, vector<1x16xf32>,
        %parallel_loop3A_198 = vector.shape_cast %parallel_loop3A_197 : vector<1x16xf32> to vector<16xf32>
        %parallel_loop3A_199 = arith.index_cast %parallel_loop3A_180 : i32 to index
        %parallel_loop3A_200 = arith.constant 16 : index
        %parallel_loop3A_201 = tpu.vector_load %arg10[%parallel_loop3A_199, %parallel_loop3A_200] {strides = array<i32>} : memref<16x768xf32, #tpu.memory_space<vmem>>, vector<1x16xf32>,
        %parallel_loop3A_202 = vector.shape_cast %parallel_loop3A_201 : vector<1x16xf32> to vector<16xf32>
        %parallel_loop3A_203 = arith.addf %parallel_loop3A_198, %parallel_loop3A_202 : vector<16xf32>
        %parallel_loop3A_204 = arith.index_cast %parallel_loop3A_180 : i32 to index
        %parallel_loop3A_205 = arith.constant 16 : index
        %parallel_loop3A_206 = tpu.vector_load %arg13[%parallel_loop3A_204, %parallel_loop3A_205] {strides = array<i32>} : memref<16x768xf32, #tpu.memory_space<vmem>>, vector<1x16xf32>,
        %parallel_loop3A_207 = vector.shape_cast %parallel_loop3A_206 : vector<1x16xf32> to vector<16xf32>
        %parallel_loop3A_208 = vector.shape_cast %parallel_loop3A_203 : vector<16xf32> to vector<1x16xf32>
        tpu.vector_store %arg13[%parallel_loop3A_204, %parallel_loop3A_205], %parallel_loop3A_208 {strides = array<i32>} : memref<16x768xf32, #tpu.memory_space<vmem>>, vector<1x16xf32>,
        %parallel_loop3A_209 = arith.index_cast %parallel_loop3A_180 : i32 to index
        %parallel_loop3A_210 = arith.constant 32 : index
        %parallel_loop3A_211 = tpu.vector_load %arg7[%parallel_loop3A_209, %parallel_loop3A_210] {strides = array<i32>} : memref<16x768xf32, #tpu.memory_space<vmem>>, vector<1x16xf32>,
        %parallel_loop3A_212 = vector.shape_cast %parallel_loop3A_211 : vector<1x16xf32> to vector<16xf32>
        %parallel_loop3A_213 = arith.index_cast %parallel_loop3A_180 : i32 to index
        %parallel_loop3A_214 = arith.constant 32 : index
        %parallel_loop3A_215 = tpu.vector_load %arg10[%parallel_loop3A_213, %parallel_loop3A_214] {strides = array<i32>} : memref<16x768xf32, #tpu.memory_space<vmem>>, vector<1x16xf32>,
        %parallel_loop3A_216 = vector.shape_cast %parallel_loop3A_215 : vector<1x16xf32> to vector<16xf32>
        %parallel_loop3A_217 = arith.addf %parallel_loop3A_212, %parallel_loop3A_216 : vector<16xf32>
        %parallel_loop3A_218 = arith.index_cast %parallel_loop3A_180 : i32 to index
        %parallel_loop3A_219 = arith.constant 32 : index
        %parallel_loop3A_220 = tpu.vector_load %arg13[%parallel_loop3A_218, %parallel_loop3A_219] {strides = array<i32>} : memref<16x768xf32, #tpu.memory_space<vmem>>, vector<1x16xf32>,
        %parallel_loop3A_221 = vector.shape_cast %parallel_loop3A_220 : vector<1x16xf32> to vector<16xf32>
        %parallel_loop3A_222 = vector.shape_cast %parallel_loop3A_217 : vector<16xf32> to vector<1x16xf32>
        tpu.vector_store %arg13[%parallel_loop3A_218, %parallel_loop3A_219], %parallel_loop3A_222 {strides = array<i32>} : memref<16x768xf32, #tpu.memory_space<vmem>>, vector<1x16xf32>,
        %parallel_loop3A_223 = arith.index_cast %parallel_loop3A_180 : i32 to index
        %parallel_loop3A_224 = arith.constant 48 : index
        %parallel_loop3A_225 = tpu.vector_load %arg7[%parallel_loop3A_223, %parallel_loop3A_224] {strides = array<i32>} : memref<16x768xf32, #tpu.memory_space<vmem>>, vector<1x16xf32>,
        %parallel_loop3A_226 = vector.shape_cast %parallel_loop3A_225 : vector<1x16xf32> to vector<16xf32>
        %parallel_loop3A_227 = arith.index_cast %parallel_loop3A_180 : i32 to index
        %parallel_loop3A_228 = arith.constant 48 : index
        %parallel_loop3A_229 = tpu.vector_load %arg10[%parallel_loop3A_227, %parallel_loop3A_228] {strides = array<i32>} : memref<16x768xf32, #tpu.memory_space<vmem>>, vector<1x16xf32>,
        %parallel_loop3A_230 = vector.shape_cast %parallel_loop3A_229 : vector<1x16xf32> to vector<16xf32>
        %parallel_loop3A_231 = arith.addf %parallel_loop3A_226, %parallel_loop3A_230 : vector<16xf32>
        %parallel_loop3A_232 = arith.index_cast %parallel_loop3A_180 : i32 to index
        %parallel_loop3A_233 = arith.constant 48 : index
        %parallel_loop3A_234 = tpu.vector_load %arg13[%parallel_loop3A_232, %parallel_loop3A_233] {strides = array<i32>} : memref<16x768xf32, #tpu.memory_space<vmem>>, vector<1x16xf32>,
        %parallel_loop3A_235 = vector.shape_cast %parallel_loop3A_234 : vector<1x16xf32> to vector<16xf32>
        %parallel_loop3A_236 = vector.shape_cast %parallel_loop3A_231 : vector<16xf32> to vector<1x16xf32>
        tpu.vector_store %arg13[%parallel_loop3A_232, %parallel_loop3A_233], %parallel_loop3A_236 {strides = array<i32>} : memref<16x768xf32, #tpu.memory_space<vmem>>, vector<1x16xf32>,
        %parallel_loop3A_237 = arith.index_cast %parallel_loop3A_180 : i32 to index
        %parallel_loop3A_238 = arith.constant 64 : index
        %parallel_loop3A_239 = tpu.vector_load %arg7[%parallel_loop3A_237, %parallel_loop3A_238] {strides = array<i32>} : memref<16x768xf32, #tpu.memory_space<vmem>>, vector<1x16xf32>,
        %parallel_loop3A_240 = vector.shape_cast %parallel_loop3A_239 : vector<1x16xf32> to vector<16xf32>
        %parallel_loop3A_241 = arith.index_cast %parallel_loop3A_180 : i32 to index
        %parallel_loop3A_242 = arith.constant 64 : index
        %parallel_loop3A_243 = tpu.vector_load %arg10[%parallel_loop3A_241, %parallel_loop3A_242] {strides = array<i32>} : memref<16x768xf32, #tpu.memory_space<vmem>>, vector<1x16xf32>,
        %parallel_loop3A_244 = vector.shape_cast %parallel_loop3A_243 : vector<1x16xf32> to vector<16xf32>
        %parallel_loop3A_245 = arith.addf %parallel_loop3A_240, %parallel_loop3A_244 : vector<16xf32>
        %parallel_loop3A_246 = arith.index_cast %parallel_loop3A_180 : i32 to index
        %parallel_loop3A_247 = arith.constant 64 : index
        %parallel_loop3A_248 = tpu.vector_load %arg13[%parallel_loop3A_246, %parallel_loop3A_247] {strides = array<i32>} : memref<16x768xf32, #tpu.memory_space<vmem>>, vector<1x16xf32>,
        %parallel_loop3A_249 = vector.shape_cast %parallel_loop3A_248 : vector<1x16xf32> to vector<16xf32>
        %parallel_loop3A_250 = vector.shape_cast %parallel_loop3A_245 : vector<16xf32> to vector<1x16xf32>
        tpu.vector_store %arg13[%parallel_loop3A_246, %parallel_loop3A_247], %parallel_loop3A_250 {strides = array<i32>} : memref<16x768xf32, #tpu.memory_space<vmem>>, vector<1x16xf32>,
        %parallel_loop3A_251 = arith.index_cast %parallel_loop3A_180 : i32 to index
        %parallel_loop3A_252 = arith.constant 80 : index
        %parallel_loop3A_253 = tpu.vector_load %arg7[%parallel_loop3A_251, %parallel_loop3A_252] {strides = array<i32>} : memref<16x768xf32, #tpu.memory_space<vmem>>, vector<1x16xf32>,
        %parallel_loop3A_254 = vector.shape_cast %parallel_loop3A_253 : vector<1x16xf32> to vector<16xf32>
        %parallel_loop3A_255 = arith.index_cast %parallel_loop3A_180 : i32 to index
        %parallel_loop3A_256 = arith.constant 80 : index
        %parallel_loop3A_257 = tpu.vector_load %arg10[%parallel_loop3A_255, %parallel_loop3A_256] {strides = array<i32>} : memref<16x768xf32, #tpu.memory_space<vmem>>, vector<1x16xf32>,
        %parallel_loop3A_258 = vector.shape_cast %parallel_loop3A_257 : vector<1x16xf32> to vector<16xf32>
        %parallel_loop3A_259 = arith.addf %parallel_loop3A_254, %parallel_loop3A_258 : vector<16xf32>
        %parallel_loop3A_260 = arith.index_cast %parallel_loop3A_180 : i32 to index
        %parallel_loop3A_261 = arith.constant 80 : index
        %parallel_loop3A_262 = tpu.vector_load %arg13[%parallel_loop3A_260, %parallel_loop3A_261] {strides = array<i32>} : memref<16x768xf32, #tpu.memory_space<vmem>>, vector<1x16xf32>,
        %parallel_loop3A_263 = vector.shape_cast %parallel_loop3A_262 : vector<1x16xf32> to vector<16xf32>
        %parallel_loop3A_264 = vector.shape_cast %parallel_loop3A_259 : vector<16xf32> to vector<1x16xf32>
        tpu.vector_store %arg13[%parallel_loop3A_260, %parallel_loop3A_261], %parallel_loop3A_264 {strides = array<i32>} : memref<16x768xf32, #tpu.memory_space<vmem>>, vector<1x16xf32>,
        %parallel_loop3A_265 = arith.index_cast %parallel_loop3A_180 : i32 to index
        %parallel_loop3A_266 = arith.constant 96 : index
        %parallel_loop3A_267 = tpu.vector_load %arg7[%parallel_loop3A_265, %parallel_loop3A_266] {strides = array<i32>} : memref<16x768xf32, #tpu.memory_space<vmem>>, vector<1x16xf32>,
        %parallel_loop3A_268 = vector.shape_cast %parallel_loop3A_267 : vector<1x16xf32> to vector<16xf32>
        %parallel_loop3A_269 = arith.index_cast %parallel_loop3A_180 : i32 to index
        %parallel_loop3A_270 = arith.constant 96 : index
        %parallel_loop3A_271 = tpu.vector_load %arg10[%parallel_loop3A_269, %parallel_loop3A_270] {strides = array<i32>} : memref<16x768xf32, #tpu.memory_space<vmem>>, vector<1x16xf32>,
        %parallel_loop3A_272 = vector.shape_cast %parallel_loop3A_271 : vector<1x16xf32> to vector<16xf32>
        %parallel_loop3A_273 = arith.addf %parallel_loop3A_268, %parallel_loop3A_272 : vector<16xf32>
        %parallel_loop3A_274 = arith.index_cast %parallel_loop3A_180 : i32 to index
        %parallel_loop3A_275 = arith.constant 96 : index
        %parallel_loop3A_276 = tpu.vector_load %arg13[%parallel_loop3A_274, %parallel_loop3A_275] {strides = array<i32>} : memref<16x768xf32, #tpu.memory_space<vmem>>, vector<1x16xf32>,
        %parallel_loop3A_277 = vector.shape_cast %parallel_loop3A_276 : vector<1x16xf32> to vector<16xf32>
        %parallel_loop3A_278 = vector.shape_cast %parallel_loop3A_273 : vector<16xf32> to vector<1x16xf32>
        tpu.vector_store %arg13[%parallel_loop3A_274, %parallel_loop3A_275], %parallel_loop3A_278 {strides = array<i32>} : memref<16x768xf32, #tpu.memory_space<vmem>>, vector<1x16xf32>,
        %parallel_loop3A_279 = arith.index_cast %parallel_loop3A_180 : i32 to index
        %parallel_loop3A_280 = arith.constant 112 : index
        %parallel_loop3A_281 = tpu.vector_load %arg7[%parallel_loop3A_279, %parallel_loop3A_280] {strides = array<i32>} : memref<16x768xf32, #tpu.memory_space<vmem>>, vector<1x16xf32>,
        %parallel_loop3A_282 = vector.shape_cast %parallel_loop3A_281 : vector<1x16xf32> to vector<16xf32>
        %parallel_loop3A_283 = arith.index_cast %parallel_loop3A_180 : i32 to index
        %parallel_loop3A_284 = arith.constant 112 : index
        %parallel_loop3A_285 = tpu.vector_load %arg10[%parallel_loop3A_283, %parallel_loop3A_284] {strides = array<i32>} : memref<16x768xf32, #tpu.memory_space<vmem>>, vector<1x16xf32>,
        %parallel_loop3A_286 = vector.shape_cast %parallel_loop3A_285 : vector<1x16xf32> to vector<16xf32>
        %parallel_loop3A_287 = arith.addf %parallel_loop3A_282, %parallel_loop3A_286 : vector<16xf32>
        %parallel_loop3A_288 = arith.index_cast %parallel_loop3A_180 : i32 to index
        %parallel_loop3A_289 = arith.constant 112 : index
        %parallel_loop3A_290 = tpu.vector_load %arg13[%parallel_loop3A_288, %parallel_loop3A_289] {strides = array<i32>} : memref<16x768xf32, #tpu.memory_space<vmem>>, vector<1x16xf32>,
        %parallel_loop3A_291 = vector.shape_cast %parallel_loop3A_290 : vector<1x16xf32> to vector<16xf32>
        %parallel_loop3A_292 = vector.shape_cast %parallel_loop3A_287 : vector<16xf32> to vector<1x16xf32>
        tpu.vector_store %arg13[%parallel_loop3A_288, %parallel_loop3A_289], %parallel_loop3A_292 {strides = array<i32>} : memref<16x768xf32, #tpu.memory_space<vmem>>, vector<1x16xf32>,
        %parallel_loop3A_293 = arith.index_cast %parallel_loop3A_180 : i32 to index
        %parallel_loop3A_294 = arith.constant 128 : index
        %parallel_loop3A_295 = tpu.vector_load %arg7[%parallel_loop3A_293, %parallel_loop3A_294] {strides = array<i32>} : memref<16x768xf32, #tpu.memory_space<vmem>>, vector<1x16xf32>,
        %parallel_loop3A_296 = vector.shape_cast %parallel_loop3A_295 : vector<1x16xf32> to vector<16xf32>
        %parallel_loop3A_297 = arith.index_cast %parallel_loop3A_180 : i32 to index
        %parallel_loop3A_298 = arith.constant 128 : index
        %parallel_loop3A_299 = tpu.vector_load %arg10[%parallel_loop3A_297, %parallel_loop3A_298] {strides = array<i32>} : memref<16x768xf32, #tpu.memory_space<vmem>>, vector<1x16xf32>,
        %parallel_loop3A_300 = vector.shape_cast %parallel_loop3A_299 : vector<1x16xf32> to vector<16xf32>
        %parallel_loop3A_301 = arith.addf %parallel_loop3A_296, %parallel_loop3A_300 : vector<16xf32>
        %parallel_loop3A_302 = arith.index_cast %parallel_loop3A_180 : i32 to index
        %parallel_loop3A_303 = arith.constant 128 : index
        %parallel_loop3A_304 = tpu.vector_load %arg13[%parallel_loop3A_302, %parallel_loop3A_303] {strides = array<i32>} : memref<16x768xf32, #tpu.memory_space<vmem>>, vector<1x16xf32>,
        %parallel_loop3A_305 = vector.shape_cast %parallel_loop3A_304 : vector<1x16xf32> to vector<16xf32>
        %parallel_loop3A_306 = vector.shape_cast %parallel_loop3A_301 : vector<16xf32> to vector<1x16xf32>
        tpu.vector_store %arg13[%parallel_loop3A_302, %parallel_loop3A_303], %parallel_loop3A_306 {strides = array<i32>} : memref<16x768xf32, #tpu.memory_space<vmem>>, vector<1x16xf32>,
        %parallel_loop3A_307 = arith.index_cast %parallel_loop3A_180 : i32 to index
        %parallel_loop3A_308 = arith.constant 144 : index
        %parallel_loop3A_309 = tpu.vector_load %arg7[%parallel_loop3A_307, %parallel_loop3A_308] {strides = array<i32>} : memref<16x768xf32, #tpu.memory_space<vmem>>, vector<1x16xf32>,
        %parallel_loop3A_310 = vector.shape_cast %parallel_loop3A_309 : vector<1x16xf32> to vector<16xf32>
        %parallel_loop3A_311 = arith.index_cast %parallel_loop3A_180 : i32 to index
        %parallel_loop3A_312 = arith.constant 144 : index
        %parallel_loop3A_313 = tpu.vector_load %arg10[%parallel_loop3A_311, %parallel_loop3A_312] {strides = array<i32>} : memref<16x768xf32, #tpu.memory_space<vmem>>, vector<1x16xf32>,
        %parallel_loop3A_314 = vector.shape_cast %parallel_loop3A_313 : vector<1x16xf32> to vector<16xf32>
        %parallel_loop3A_315 = arith.addf %parallel_loop3A_310, %parallel_loop3A_314 : vector<16xf32>
        %parallel_loop3A_316 = arith.index_cast %parallel_loop3A_180 : i32 to index
        %parallel_loop3A_317 = arith.constant 144 : index
        %parallel_loop3A_318 = tpu.vector_load %arg13[%parallel_loop3A_316, %parallel_loop3A_317] {strides = array<i32>} : memref<16x768xf32, #tpu.memory_space<vmem>>, vector<1x16xf32>,
        %parallel_loop3A_319 = vector.shape_cast %parallel_loop3A_318 : vector<1x16xf32> to vector<16xf32>
        %parallel_loop3A_320 = vector.shape_cast %parallel_loop3A_315 : vector<16xf32> to vector<1x16xf32>
        tpu.vector_store %arg13[%parallel_loop3A_316, %parallel_loop3A_317], %parallel_loop3A_320 {strides = array<i32>} : memref<16x768xf32, #tpu.memory_space<vmem>>, vector<1x16xf32>,
        %parallel_loop3A_321 = arith.index_cast %parallel_loop3A_180 : i32 to index
        %parallel_loop3A_322 = arith.constant 160 : index
        %parallel_loop3A_323 = tpu.vector_load %arg7[%parallel_loop3A_321, %parallel_loop3A_322] {strides = array<i32>} : memref<16x768xf32, #tpu.memory_space<vmem>>, vector<1x16xf32>,
        %parallel_loop3A_324 = vector.shape_cast %parallel_loop3A_323 : vector<1x16xf32> to vector<16xf32>
        %parallel_loop3A_325 = arith.index_cast %parallel_loop3A_180 : i32 to index
        %parallel_loop3A_326 = arith.constant 160 : index
        %parallel_loop3A_327 = tpu.vector_load %arg10[%parallel_loop3A_325, %parallel_loop3A_326] {strides = array<i32>} : memref<16x768xf32, #tpu.memory_space<vmem>>, vector<1x16xf32>,
        %parallel_loop3A_328 = vector.shape_cast %parallel_loop3A_327 : vector<1x16xf32> to vector<16xf32>
        %parallel_loop3A_329 = arith.addf %parallel_loop3A_324, %parallel_loop3A_328 : vector<16xf32>
        %parallel_loop3A_330 = arith.index_cast %parallel_loop3A_180 : i32 to index
        %parallel_loop3A_331 = arith.constant 160 : index
        %parallel_loop3A_332 = tpu.vector_load %arg13[%parallel_loop3A_330, %parallel_loop3A_331] {strides = array<i32>} : memref<16x768xf32, #tpu.memory_space<vmem>>, vector<1x16xf32>,
        %parallel_loop3A_333 = vector.shape_cast %parallel_loop3A_332 : vector<1x16xf32> to vector<16xf32>
        %parallel_loop3A_334 = vector.shape_cast %parallel_loop3A_329 : vector<16xf32> to vector<1x16xf32>
        tpu.vector_store %arg13[%parallel_loop3A_330, %parallel_loop3A_331], %parallel_loop3A_334 {strides = array<i32>} : memref<16x768xf32, #tpu.memory_space<vmem>>, vector<1x16xf32>,
        %parallel_loop3A_335 = arith.index_cast %parallel_loop3A_180 : i32 to index
        %parallel_loop3A_336 = arith.constant 176 : index
        %parallel_loop3A_337 = tpu.vector_load %arg7[%parallel_loop3A_335, %parallel_loop3A_336] {strides = array<i32>} : memref<16x768xf32, #tpu.memory_space<vmem>>, vector<1x16xf32>,
        %parallel_loop3A_338 = vector.shape_cast %parallel_loop3A_337 : vector<1x16xf32> to vector<16xf32>
        %parallel_loop3A_339 = arith.index_cast %parallel_loop3A_180 : i32 to index
        %parallel_loop3A_340 = arith.constant 176 : index
        %parallel_loop3A_341 = tpu.vector_load %arg10[%parallel_loop3A_339, %parallel_loop3A_340] {strides = array<i32>} : memref<16x768xf32, #tpu.memory_space<vmem>>, vector<1x16xf32>,
        %parallel_loop3A_342 = vector.shape_cast %parallel_loop3A_341 : vector<1x16xf32> to vector<16xf32>
        %parallel_loop3A_343 = arith.addf %parallel_loop3A_338, %parallel_loop3A_342 : vector<16xf32>
        %parallel_loop3A_344 = arith.index_cast %parallel_loop3A_180 : i32 to index
        %parallel_loop3A_345 = arith.constant 176 : index
        %parallel_loop3A_346 = tpu.vector_load %arg13[%parallel_loop3A_344, %parallel_loop3A_345] {strides = array<i32>} : memref<16x768xf32, #tpu.memory_space<vmem>>, vector<1x16xf32>,
        %parallel_loop3A_347 = vector.shape_cast %parallel_loop3A_346 : vector<1x16xf32> to vector<16xf32>
        %parallel_loop3A_348 = vector.shape_cast %parallel_loop3A_343 : vector<16xf32> to vector<1x16xf32>
        tpu.vector_store %arg13[%parallel_loop3A_344, %parallel_loop3A_345], %parallel_loop3A_348 {strides = array<i32>} : memref<16x768xf32, #tpu.memory_space<vmem>>, vector<1x16xf32>,
        %parallel_loop3A_349 = arith.index_cast %parallel_loop3A_180 : i32 to index
        %parallel_loop3A_350 = arith.constant 192 : index
        %parallel_loop3A_351 = tpu.vector_load %arg7[%parallel_loop3A_349, %parallel_loop3A_350] {strides = array<i32>} : memref<16x768xf32, #tpu.memory_space<vmem>>, vector<1x16xf32>,
        %parallel_loop3A_352 = vector.shape_cast %parallel_loop3A_351 : vector<1x16xf32> to vector<16xf32>
        %parallel_loop3A_353 = arith.index_cast %parallel_loop3A_180 : i32 to index
        %parallel_loop3A_354 = arith.constant 192 : index
        %parallel_loop3A_355 = tpu.vector_load %arg10[%parallel_loop3A_353, %parallel_loop3A_354] {strides = array<i32>} : memref<16x768xf32, #tpu.memory_space<vmem>>, vector<1x16xf32>,
        %parallel_loop3A_356 = vector.shape_cast %parallel_loop3A_355 : vector<1x16xf32> to vector<16xf32>
        %parallel_loop3A_357 = arith.addf %parallel_loop3A_352, %parallel_loop3A_356 : vector<16xf32>
        %parallel_loop3A_358 = arith.index_cast %parallel_loop3A_180 : i32 to index
        %parallel_loop3A_359 = arith.constant 192 : index
        %parallel_loop3A_360 = tpu.vector_load %arg13[%parallel_loop3A_358, %parallel_loop3A_359] {strides = array<i32>} : memref<16x768xf32, #tpu.memory_space<vmem>>, vector<1x16xf32>,
        %parallel_loop3A_361 = vector.shape_cast %parallel_loop3A_360 : vector<1x16xf32> to vector<16xf32>
        %parallel_loop3A_362 = vector.shape_cast %parallel_loop3A_357 : vector<16xf32> to vector<1x16xf32>
        tpu.vector_store %arg13[%parallel_loop3A_358, %parallel_loop3A_359], %parallel_loop3A_362 {strides = array<i32>} : memref<16x768xf32, #tpu.memory_space<vmem>>, vector<1x16xf32>,
        %parallel_loop3A_363 = arith.index_cast %parallel_loop3A_180 : i32 to index
        %parallel_loop3A_364 = arith.constant 208 : index
        %parallel_loop3A_365 = tpu.vector_load %arg7[%parallel_loop3A_363, %parallel_loop3A_364] {strides = array<i32>} : memref<16x768xf32, #tpu.memory_space<vmem>>, vector<1x16xf32>,
        %parallel_loop3A_366 = vector.shape_cast %parallel_loop3A_365 : vector<1x16xf32> to vector<16xf32>
        %parallel_loop3A_367 = arith.index_cast %parallel_loop3A_180 : i32 to index
        %parallel_loop3A_368 = arith.constant 208 : index
        %parallel_loop3A_369 = tpu.vector_load %arg10[%parallel_loop3A_367, %parallel_loop3A_368] {strides = array<i32>} : memref<16x768xf32, #tpu.memory_space<vmem>>, vector<1x16xf32>,
        %parallel_loop3A_370 = vector.shape_cast %parallel_loop3A_369 : vector<1x16xf32> to vector<16xf32>
        %parallel_loop3A_371 = arith.addf %parallel_loop3A_366, %parallel_loop3A_370 : vector<16xf32>
        %parallel_loop3A_372 = arith.index_cast %parallel_loop3A_180 : i32 to index
        %parallel_loop3A_373 = arith.constant 208 : index
        %parallel_loop3A_374 = tpu.vector_load %arg13[%parallel_loop3A_372, %parallel_loop3A_373] {strides = array<i32>} : memref<16x768xf32, #tpu.memory_space<vmem>>, vector<1x16xf32>,
        %parallel_loop3A_375 = vector.shape_cast %parallel_loop3A_374 : vector<1x16xf32> to vector<16xf32>
        %parallel_loop3A_376 = vector.shape_cast %parallel_loop3A_371 : vector<16xf32> to vector<1x16xf32>
        tpu.vector_store %arg13[%parallel_loop3A_372, %parallel_loop3A_373], %parallel_loop3A_376 {strides = array<i32>} : memref<16x768xf32, #tpu.memory_space<vmem>>, vector<1x16xf32>,
        %parallel_loop3A_377 = arith.index_cast %parallel_loop3A_180 : i32 to index
        %parallel_loop3A_378 = arith.constant 224 : index
        %parallel_loop3A_379 = tpu.vector_load %arg7[%parallel_loop3A_377, %parallel_loop3A_378] {strides = array<i32>} : memref<16x768xf32, #tpu.memory_space<vmem>>, vector<1x16xf32>,
        %parallel_loop3A_380 = vector.shape_cast %parallel_loop3A_379 : vector<1x16xf32> to vector<16xf32>
        %parallel_loop3A_381 = arith.index_cast %parallel_loop3A_180 : i32 to index
        %parallel_loop3A_382 = arith.constant 224 : index
        %parallel_loop3A_383 = tpu.vector_load %arg10[%parallel_loop3A_381, %parallel_loop3A_382] {strides = array<i32>} : memref<16x768xf32, #tpu.memory_space<vmem>>, vector<1x16xf32>,
        %parallel_loop3A_384 = vector.shape_cast %parallel_loop3A_383 : vector<1x16xf32> to vector<16xf32>
        %parallel_loop3A_385 = arith.addf %parallel_loop3A_380, %parallel_loop3A_384 : vector<16xf32>
        %parallel_loop3A_386 = arith.index_cast %parallel_loop3A_180 : i32 to index
        %parallel_loop3A_387 = arith.constant 224 : index
        %parallel_loop3A_388 = tpu.vector_load %arg13[%parallel_loop3A_386, %parallel_loop3A_387] {strides = array<i32>} : memref<16x768xf32, #tpu.memory_space<vmem>>, vector<1x16xf32>,
        %parallel_loop3A_389 = vector.shape_cast %parallel_loop3A_388 : vector<1x16xf32> to vector<16xf32>
        %parallel_loop3A_390 = vector.shape_cast %parallel_loop3A_385 : vector<16xf32> to vector<1x16xf32>
        tpu.vector_store %arg13[%parallel_loop3A_386, %parallel_loop3A_387], %parallel_loop3A_390 {strides = array<i32>} : memref<16x768xf32, #tpu.memory_space<vmem>>, vector<1x16xf32>,
        %parallel_loop3A_391 = arith.index_cast %parallel_loop3A_180 : i32 to index
        %parallel_loop3A_392 = arith.constant 240 : index
        %parallel_loop3A_393 = tpu.vector_load %arg7[%parallel_loop3A_391, %parallel_loop3A_392] {strides = array<i32>} : memref<16x768xf32, #tpu.memory_space<vmem>>, vector<1x16xf32>,
        %parallel_loop3A_394 = vector.shape_cast %parallel_loop3A_393 : vector<1x16xf32> to vector<16xf32>
        %parallel_loop3A_395 = arith.index_cast %parallel_loop3A_180 : i32 to index
        %parallel_loop3A_396 = arith.constant 240 : index
        %parallel_loop3A_397 = tpu.vector_load %arg10[%parallel_loop3A_395, %parallel_loop3A_396] {strides = array<i32>} : memref<16x768xf32, #tpu.memory_space<vmem>>, vector<1x16xf32>,
        %parallel_loop3A_398 = vector.shape_cast %parallel_loop3A_397 : vector<1x16xf32> to vector<16xf32>
        %parallel_loop3A_399 = arith.addf %parallel_loop3A_394, %parallel_loop3A_398 : vector<16xf32>
        %parallel_loop3A_400 = arith.index_cast %parallel_loop3A_180 : i32 to index
        %parallel_loop3A_401 = arith.constant 240 : index
        %parallel_loop3A_402 = tpu.vector_load %arg13[%parallel_loop3A_400, %parallel_loop3A_401] {strides = array<i32>} : memref<16x768xf32, #tpu.memory_space<vmem>>, vector<1x16xf32>,
        %parallel_loop3A_403 = vector.shape_cast %parallel_loop3A_402 : vector<1x16xf32> to vector<16xf32>
        %parallel_loop3A_404 = vector.shape_cast %parallel_loop3A_399 : vector<16xf32> to vector<1x16xf32>
        tpu.vector_store %arg13[%parallel_loop3A_400, %parallel_loop3A_401], %parallel_loop3A_404 {strides = array<i32>} : memref<16x768xf32, #tpu.memory_space<vmem>>, vector<1x16xf32>,
        %parallel_loop3A_405 = arith.index_cast %parallel_loop3A_180 : i32 to index
        %parallel_loop3A_406 = arith.constant 256 : index
        %parallel_loop3A_407 = tpu.vector_load %arg7[%parallel_loop3A_405, %parallel_loop3A_406] {strides = array<i32>} : memref<16x768xf32, #tpu.memory_space<vmem>>, vector<1x16xf32>,
        %parallel_loop3A_408 = vector.shape_cast %parallel_loop3A_407 : vector<1x16xf32> to vector<16xf32>
        %parallel_loop3A_409 = arith.index_cast %parallel_loop3A_180 : i32 to index
        %parallel_loop3A_410 = arith.constant 256 : index
        %parallel_loop3A_411 = tpu.vector_load %arg10[%parallel_loop3A_409, %parallel_loop3A_410] {strides = array<i32>} : memref<16x768xf32, #tpu.memory_space<vmem>>, vector<1x16xf32>,
        %parallel_loop3A_412 = vector.shape_cast %parallel_loop3A_411 : vector<1x16xf32> to vector<16xf32>
        %parallel_loop3A_413 = arith.addf %parallel_loop3A_408, %parallel_loop3A_412 : vector<16xf32>
        %parallel_loop3A_414 = arith.index_cast %parallel_loop3A_180 : i32 to index
        %parallel_loop3A_415 = arith.constant 256 : index
        %parallel_loop3A_416 = tpu.vector_load %arg13[%parallel_loop3A_414, %parallel_loop3A_415] {strides = array<i32>} : memref<16x768xf32, #tpu.memory_space<vmem>>, vector<1x16xf32>,
        %parallel_loop3A_417 = vector.shape_cast %parallel_loop3A_416 : vector<1x16xf32> to vector<16xf32>
        %parallel_loop3A_418 = vector.shape_cast %parallel_loop3A_413 : vector<16xf32> to vector<1x16xf32>
        tpu.vector_store %arg13[%parallel_loop3A_414, %parallel_loop3A_415], %parallel_loop3A_418 {strides = array<i32>} : memref<16x768xf32, #tpu.memory_space<vmem>>, vector<1x16xf32>,
        %parallel_loop3A_419 = arith.index_cast %parallel_loop3A_180 : i32 to index
        %parallel_loop3A_420 = arith.constant 272 : index
        %parallel_loop3A_421 = tpu.vector_load %arg7[%parallel_loop3A_419, %parallel_loop3A_420] {strides = array<i32>} : memref<16x768xf32, #tpu.memory_space<vmem>>, vector<1x16xf32>,
        %parallel_loop3A_422 = vector.shape_cast %parallel_loop3A_421 : vector<1x16xf32> to vector<16xf32>
        %parallel_loop3A_423 = arith.index_cast %parallel_loop3A_180 : i32 to index
        %parallel_loop3A_424 = arith.constant 272 : index
        %parallel_loop3A_425 = tpu.vector_load %arg10[%parallel_loop3A_423, %parallel_loop3A_424] {strides = array<i32>} : memref<16x768xf32, #tpu.memory_space<vmem>>, vector<1x16xf32>,
        %parallel_loop3A_426 = vector.shape_cast %parallel_loop3A_425 : vector<1x16xf32> to vector<16xf32>
        %parallel_loop3A_427 = arith.addf %parallel_loop3A_422, %parallel_loop3A_426 : vector<16xf32>
        %parallel_loop3A_428 = arith.index_cast %parallel_loop3A_180 : i32 to index
        %parallel_loop3A_429 = arith.constant 272 : index
        %parallel_loop3A_430 = tpu.vector_load %arg13[%parallel_loop3A_428, %parallel_loop3A_429] {strides = array<i32>} : memref<16x768xf32, #tpu.memory_space<vmem>>, vector<1x16xf32>,
        %parallel_loop3A_431 = vector.shape_cast %parallel_loop3A_430 : vector<1x16xf32> to vector<16xf32>
        %parallel_loop3A_432 = vector.shape_cast %parallel_loop3A_427 : vector<16xf32> to vector<1x16xf32>
        tpu.vector_store %arg13[%parallel_loop3A_428, %parallel_loop3A_429], %parallel_loop3A_432 {strides = array<i32>} : memref<16x768xf32, #tpu.memory_space<vmem>>, vector<1x16xf32>,
        %parallel_loop3A_433 = arith.index_cast %parallel_loop3A_180 : i32 to index
        %parallel_loop3A_434 = arith.constant 288 : index
        %parallel_loop3A_435 = tpu.vector_load %arg7[%parallel_loop3A_433, %parallel_loop3A_434] {strides = array<i32>} : memref<16x768xf32, #tpu.memory_space<vmem>>, vector<1x16xf32>,
        %parallel_loop3A_436 = vector.shape_cast %parallel_loop3A_435 : vector<1x16xf32> to vector<16xf32>
        %parallel_loop3A_437 = arith.index_cast %parallel_loop3A_180 : i32 to index
        %parallel_loop3A_438 = arith.constant 288 : index
        %parallel_loop3A_439 = tpu.vector_load %arg10[%parallel_loop3A_437, %parallel_loop3A_438] {strides = array<i32>} : memref<16x768xf32, #tpu.memory_space<vmem>>, vector<1x16xf32>,
        %parallel_loop3A_440 = vector.shape_cast %parallel_loop3A_439 : vector<1x16xf32> to vector<16xf32>
        %parallel_loop3A_441 = arith.addf %parallel_loop3A_436, %parallel_loop3A_440 : vector<16xf32>
        %parallel_loop3A_442 = arith.index_cast %parallel_loop3A_180 : i32 to index
        %parallel_loop3A_443 = arith.constant 288 : index
        %parallel_loop3A_444 = tpu.vector_load %arg13[%parallel_loop3A_442, %parallel_loop3A_443] {strides = array<i32>} : memref<16x768xf32, #tpu.memory_space<vmem>>, vector<1x16xf32>,
        %parallel_loop3A_445 = vector.shape_cast %parallel_loop3A_444 : vector<1x16xf32> to vector<16xf32>
        %parallel_loop3A_446 = vector.shape_cast %parallel_loop3A_441 : vector<16xf32> to vector<1x16xf32>
        tpu.vector_store %arg13[%parallel_loop3A_442, %parallel_loop3A_443], %parallel_loop3A_446 {strides = array<i32>} : memref<16x768xf32, #tpu.memory_space<vmem>>, vector<1x16xf32>,
        %parallel_loop3A_447 = arith.index_cast %parallel_loop3A_180 : i32 to index
        %parallel_loop3A_448 = arith.constant 304 : index
        %parallel_loop3A_449 = tpu.vector_load %arg7[%parallel_loop3A_447, %parallel_loop3A_448] {strides = array<i32>} : memref<16x768xf32, #tpu.memory_space<vmem>>, vector<1x16xf32>,
        %parallel_loop3A_450 = vector.shape_cast %parallel_loop3A_449 : vector<1x16xf32> to vector<16xf32>
        %parallel_loop3A_451 = arith.index_cast %parallel_loop3A_180 : i32 to index
        %parallel_loop3A_452 = arith.constant 304 : index
        %parallel_loop3A_453 = tpu.vector_load %arg10[%parallel_loop3A_451, %parallel_loop3A_452] {strides = array<i32>} : memref<16x768xf32, #tpu.memory_space<vmem>>, vector<1x16xf32>,
        %parallel_loop3A_454 = vector.shape_cast %parallel_loop3A_453 : vector<1x16xf32> to vector<16xf32>
        %parallel_loop3A_455 = arith.addf %parallel_loop3A_450, %parallel_loop3A_454 : vector<16xf32>
        %parallel_loop3A_456 = arith.index_cast %parallel_loop3A_180 : i32 to index
        %parallel_loop3A_457 = arith.constant 304 : index
        %parallel_loop3A_458 = tpu.vector_load %arg13[%parallel_loop3A_456, %parallel_loop3A_457] {strides = array<i32>} : memref<16x768xf32, #tpu.memory_space<vmem>>, vector<1x16xf32>,
        %parallel_loop3A_459 = vector.shape_cast %parallel_loop3A_458 : vector<1x16xf32> to vector<16xf32>
        %parallel_loop3A_460 = vector.shape_cast %parallel_loop3A_455 : vector<16xf32> to vector<1x16xf32>
        tpu.vector_store %arg13[%parallel_loop3A_456, %parallel_loop3A_457], %parallel_loop3A_460 {strides = array<i32>} : memref<16x768xf32, #tpu.memory_space<vmem>>, vector<1x16xf32>,
        %parallel_loop3A_461 = arith.index_cast %parallel_loop3A_180 : i32 to index
        %parallel_loop3A_462 = arith.constant 320 : index
        %parallel_loop3A_463 = tpu.vector_load %arg7[%parallel_loop3A_461, %parallel_loop3A_462] {strides = array<i32>} : memref<16x768xf32, #tpu.memory_space<vmem>>, vector<1x16xf32>,
        %parallel_loop3A_464 = vector.shape_cast %parallel_loop3A_463 : vector<1x16xf32> to vector<16xf32>
        %parallel_loop3A_465 = arith.index_cast %parallel_loop3A_180 : i32 to index
        %parallel_loop3A_466 = arith.constant 320 : index
        %parallel_loop3A_467 = tpu.vector_load %arg10[%parallel_loop3A_465, %parallel_loop3A_466] {strides = array<i32>} : memref<16x768xf32, #tpu.memory_space<vmem>>, vector<1x16xf32>,
        %parallel_loop3A_468 = vector.shape_cast %parallel_loop3A_467 : vector<1x16xf32> to vector<16xf32>
        %parallel_loop3A_469 = arith.addf %parallel_loop3A_464, %parallel_loop3A_468 : vector<16xf32>
        %parallel_loop3A_470 = arith.index_cast %parallel_loop3A_180 : i32 to index
        %parallel_loop3A_471 = arith.constant 320 : index
        %parallel_loop3A_472 = tpu.vector_load %arg13[%parallel_loop3A_470, %parallel_loop3A_471] {strides = array<i32>} : memref<16x768xf32, #tpu.memory_space<vmem>>, vector<1x16xf32>,
        %parallel_loop3A_473 = vector.shape_cast %parallel_loop3A_472 : vector<1x16xf32> to vector<16xf32>
        %parallel_loop3A_474 = vector.shape_cast %parallel_loop3A_469 : vector<16xf32> to vector<1x16xf32>
        tpu.vector_store %arg13[%parallel_loop3A_470, %parallel_loop3A_471], %parallel_loop3A_474 {strides = array<i32>} : memref<16x768xf32, #tpu.memory_space<vmem>>, vector<1x16xf32>,
        %parallel_loop3A_475 = arith.index_cast %parallel_loop3A_180 : i32 to index
        %parallel_loop3A_476 = arith.constant 336 : index
        %parallel_loop3A_477 = tpu.vector_load %arg7[%parallel_loop3A_475, %parallel_loop3A_476] {strides = array<i32>} : memref<16x768xf32, #tpu.memory_space<vmem>>, vector<1x16xf32>,
        %parallel_loop3A_478 = vector.shape_cast %parallel_loop3A_477 : vector<1x16xf32> to vector<16xf32>
        %parallel_loop3A_479 = arith.index_cast %parallel_loop3A_180 : i32 to index
        %parallel_loop3A_480 = arith.constant 336 : index
        %parallel_loop3A_481 = tpu.vector_load %arg10[%parallel_loop3A_479, %parallel_loop3A_480] {strides = array<i32>} : memref<16x768xf32, #tpu.memory_space<vmem>>, vector<1x16xf32>,
        %parallel_loop3A_482 = vector.shape_cast %parallel_loop3A_481 : vector<1x16xf32> to vector<16xf32>
        %parallel_loop3A_483 = arith.addf %parallel_loop3A_478, %parallel_loop3A_482 : vector<16xf32>
        %parallel_loop3A_484 = arith.index_cast %parallel_loop3A_180 : i32 to index
        %parallel_loop3A_485 = arith.constant 336 : index
        %parallel_loop3A_486 = tpu.vector_load %arg13[%parallel_loop3A_484, %parallel_loop3A_485] {strides = array<i32>} : memref<16x768xf32, #tpu.memory_space<vmem>>, vector<1x16xf32>,
        %parallel_loop3A_487 = vector.shape_cast %parallel_loop3A_486 : vector<1x16xf32> to vector<16xf32>
        %parallel_loop3A_488 = vector.shape_cast %parallel_loop3A_483 : vector<16xf32> to vector<1x16xf32>
        tpu.vector_store %arg13[%parallel_loop3A_484, %parallel_loop3A_485], %parallel_loop3A_488 {strides = array<i32>} : memref<16x768xf32, #tpu.memory_space<vmem>>, vector<1x16xf32>,
        %parallel_loop3A_489 = arith.index_cast %parallel_loop3A_180 : i32 to index
        %parallel_loop3A_490 = arith.constant 352 : index
        %parallel_loop3A_491 = tpu.vector_load %arg7[%parallel_loop3A_489, %parallel_loop3A_490] {strides = array<i32>} : memref<16x768xf32, #tpu.memory_space<vmem>>, vector<1x16xf32>,
        %parallel_loop3A_492 = vector.shape_cast %parallel_loop3A_491 : vector<1x16xf32> to vector<16xf32>
        %parallel_loop3A_493 = arith.index_cast %parallel_loop3A_180 : i32 to index
        %parallel_loop3A_494 = arith.constant 352 : index
        %parallel_loop3A_495 = tpu.vector_load %arg10[%parallel_loop3A_493, %parallel_loop3A_494] {strides = array<i32>} : memref<16x768xf32, #tpu.memory_space<vmem>>, vector<1x16xf32>,
        %parallel_loop3A_496 = vector.shape_cast %parallel_loop3A_495 : vector<1x16xf32> to vector<16xf32>
        %parallel_loop3A_497 = arith.addf %parallel_loop3A_492, %parallel_loop3A_496 : vector<16xf32>
        %parallel_loop3A_498 = arith.index_cast %parallel_loop3A_180 : i32 to index
        %parallel_loop3A_499 = arith.constant 352 : index
        %parallel_loop3A_500 = tpu.vector_load %arg13[%parallel_loop3A_498, %parallel_loop3A_499] {strides = array<i32>} : memref<16x768xf32, #tpu.memory_space<vmem>>, vector<1x16xf32>,
        %parallel_loop3A_501 = vector.shape_cast %parallel_loop3A_500 : vector<1x16xf32> to vector<16xf32>
        %parallel_loop3A_502 = vector.shape_cast %parallel_loop3A_497 : vector<16xf32> to vector<1x16xf32>
        tpu.vector_store %arg13[%parallel_loop3A_498, %parallel_loop3A_499], %parallel_loop3A_502 {strides = array<i32>} : memref<16x768xf32, #tpu.memory_space<vmem>>, vector<1x16xf32>,
        %parallel_loop3A_503 = arith.index_cast %parallel_loop3A_180 : i32 to index
        %parallel_loop3A_504 = arith.constant 368 : index
        %parallel_loop3A_505 = tpu.vector_load %arg7[%parallel_loop3A_503, %parallel_loop3A_504] {strides = array<i32>} : memref<16x768xf32, #tpu.memory_space<vmem>>, vector<1x16xf32>,
        %parallel_loop3A_506 = vector.shape_cast %parallel_loop3A_505 : vector<1x16xf32> to vector<16xf32>
        %parallel_loop3A_507 = arith.index_cast %parallel_loop3A_180 : i32 to index
        %parallel_loop3A_508 = arith.constant 368 : index
        %parallel_loop3A_509 = tpu.vector_load %arg10[%parallel_loop3A_507, %parallel_loop3A_508] {strides = array<i32>} : memref<16x768xf32, #tpu.memory_space<vmem>>, vector<1x16xf32>,
        %parallel_loop3A_510 = vector.shape_cast %parallel_loop3A_509 : vector<1x16xf32> to vector<16xf32>
        %parallel_loop3A_511 = arith.addf %parallel_loop3A_506, %parallel_loop3A_510 : vector<16xf32>
        %parallel_loop3A_512 = arith.index_cast %parallel_loop3A_180 : i32 to index
        %parallel_loop3A_513 = arith.constant 368 : index
        %parallel_loop3A_514 = tpu.vector_load %arg13[%parallel_loop3A_512, %parallel_loop3A_513] {strides = array<i32>} : memref<16x768xf32, #tpu.memory_space<vmem>>, vector<1x16xf32>,
        %parallel_loop3A_515 = vector.shape_cast %parallel_loop3A_514 : vector<1x16xf32> to vector<16xf32>
        %parallel_loop3A_516 = vector.shape_cast %parallel_loop3A_511 : vector<16xf32> to vector<1x16xf32>
        tpu.vector_store %arg13[%parallel_loop3A_512, %parallel_loop3A_513], %parallel_loop3A_516 {strides = array<i32>} : memref<16x768xf32, #tpu.memory_space<vmem>>, vector<1x16xf32>,
        %parallel_loop3A_517 = arith.index_cast %parallel_loop3A_180 : i32 to index
        %parallel_loop3A_518 = arith.constant 384 : index
        %parallel_loop3A_519 = tpu.vector_load %arg7[%parallel_loop3A_517, %parallel_loop3A_518] {strides = array<i32>} : memref<16x768xf32, #tpu.memory_space<vmem>>, vector<1x16xf32>,
        %parallel_loop3A_520 = vector.shape_cast %parallel_loop3A_519 : vector<1x16xf32> to vector<16xf32>
        %parallel_loop3A_521 = arith.index_cast %parallel_loop3A_180 : i32 to index
        %parallel_loop3A_522 = arith.constant 384 : index
        %parallel_loop3A_523 = tpu.vector_load %arg10[%parallel_loop3A_521, %parallel_loop3A_522] {strides = array<i32>} : memref<16x768xf32, #tpu.memory_space<vmem>>, vector<1x16xf32>,
        %parallel_loop3A_524 = vector.shape_cast %parallel_loop3A_523 : vector<1x16xf32> to vector<16xf32>
        %parallel_loop3A_525 = arith.addf %parallel_loop3A_520, %parallel_loop3A_524 : vector<16xf32>
        %parallel_loop3A_526 = arith.index_cast %parallel_loop3A_180 : i32 to index
        %parallel_loop3A_527 = arith.constant 384 : index
        %parallel_loop3A_528 = tpu.vector_load %arg13[%parallel_loop3A_526, %parallel_loop3A_527] {strides = array<i32>} : memref<16x768xf32, #tpu.memory_space<vmem>>, vector<1x16xf32>,
        %parallel_loop3A_529 = vector.shape_cast %parallel_loop3A_528 : vector<1x16xf32> to vector<16xf32>
        %parallel_loop3A_530 = vector.shape_cast %parallel_loop3A_525 : vector<16xf32> to vector<1x16xf32>
        tpu.vector_store %arg13[%parallel_loop3A_526, %parallel_loop3A_527], %parallel_loop3A_530 {strides = array<i32>} : memref<16x768xf32, #tpu.memory_space<vmem>>, vector<1x16xf32>,
        %parallel_loop3A_531 = arith.index_cast %parallel_loop3A_180 : i32 to index
        %parallel_loop3A_532 = arith.constant 400 : index
        %parallel_loop3A_533 = tpu.vector_load %arg7[%parallel_loop3A_531, %parallel_loop3A_532] {strides = array<i32>} : memref<16x768xf32, #tpu.memory_space<vmem>>, vector<1x16xf32>,
        %parallel_loop3A_534 = vector.shape_cast %parallel_loop3A_533 : vector<1x16xf32> to vector<16xf32>
        %parallel_loop3A_535 = arith.index_cast %parallel_loop3A_180 : i32 to index
        %parallel_loop3A_536 = arith.constant 400 : index
        %parallel_loop3A_537 = tpu.vector_load %arg10[%parallel_loop3A_535, %parallel_loop3A_536] {strides = array<i32>} : memref<16x768xf32, #tpu.memory_space<vmem>>, vector<1x16xf32>,
        %parallel_loop3A_538 = vector.shape_cast %parallel_loop3A_537 : vector<1x16xf32> to vector<16xf32>
        %parallel_loop3A_539 = arith.addf %parallel_loop3A_534, %parallel_loop3A_538 : vector<16xf32>
        %parallel_loop3A_540 = arith.index_cast %parallel_loop3A_180 : i32 to index
        %parallel_loop3A_541 = arith.constant 400 : index
        %parallel_loop3A_542 = tpu.vector_load %arg13[%parallel_loop3A_540, %parallel_loop3A_541] {strides = array<i32>} : memref<16x768xf32, #tpu.memory_space<vmem>>, vector<1x16xf32>,
        %parallel_loop3A_543 = vector.shape_cast %parallel_loop3A_542 : vector<1x16xf32> to vector<16xf32>
        %parallel_loop3A_544 = vector.shape_cast %parallel_loop3A_539 : vector<16xf32> to vector<1x16xf32>
        tpu.vector_store %arg13[%parallel_loop3A_540, %parallel_loop3A_541], %parallel_loop3A_544 {strides = array<i32>} : memref<16x768xf32, #tpu.memory_space<vmem>>, vector<1x16xf32>,
        %parallel_loop3A_545 = arith.index_cast %parallel_loop3A_180 : i32 to index
        %parallel_loop3A_546 = arith.constant 416 : index
        %parallel_loop3A_547 = tpu.vector_load %arg7[%parallel_loop3A_545, %parallel_loop3A_546] {strides = array<i32>} : memref<16x768xf32, #tpu.memory_space<vmem>>, vector<1x16xf32>,
        %parallel_loop3A_548 = vector.shape_cast %parallel_loop3A_547 : vector<1x16xf32> to vector<16xf32>
        %parallel_loop3A_549 = arith.index_cast %parallel_loop3A_180 : i32 to index
        %parallel_loop3A_550 = arith.constant 416 : index
        %parallel_loop3A_551 = tpu.vector_load %arg10[%parallel_loop3A_549, %parallel_loop3A_550] {strides = array<i32>} : memref<16x768xf32, #tpu.memory_space<vmem>>, vector<1x16xf32>,
        %parallel_loop3A_552 = vector.shape_cast %parallel_loop3A_551 : vector<1x16xf32> to vector<16xf32>
        %parallel_loop3A_553 = arith.addf %parallel_loop3A_548, %parallel_loop3A_552 : vector<16xf32>
        %parallel_loop3A_554 = arith.index_cast %parallel_loop3A_180 : i32 to index
        %parallel_loop3A_555 = arith.constant 416 : index
        %parallel_loop3A_556 = tpu.vector_load %arg13[%parallel_loop3A_554, %parallel_loop3A_555] {strides = array<i32>} : memref<16x768xf32, #tpu.memory_space<vmem>>, vector<1x16xf32>,
        %parallel_loop3A_557 = vector.shape_cast %parallel_loop3A_556 : vector<1x16xf32> to vector<16xf32>
        %parallel_loop3A_558 = vector.shape_cast %parallel_loop3A_553 : vector<16xf32> to vector<1x16xf32>
        tpu.vector_store %arg13[%parallel_loop3A_554, %parallel_loop3A_555], %parallel_loop3A_558 {strides = array<i32>} : memref<16x768xf32, #tpu.memory_space<vmem>>, vector<1x16xf32>,
        %parallel_loop3A_559 = arith.index_cast %parallel_loop3A_180 : i32 to index
        %parallel_loop3A_560 = arith.constant 432 : index
        %parallel_loop3A_561 = tpu.vector_load %arg7[%parallel_loop3A_559, %parallel_loop3A_560] {strides = array<i32>} : memref<16x768xf32, #tpu.memory_space<vmem>>, vector<1x16xf32>,
        %parallel_loop3A_562 = vector.shape_cast %parallel_loop3A_561 : vector<1x16xf32> to vector<16xf32>
        %parallel_loop3A_563 = arith.index_cast %parallel_loop3A_180 : i32 to index
        %parallel_loop3A_564 = arith.constant 432 : index
        %parallel_loop3A_565 = tpu.vector_load %arg10[%parallel_loop3A_563, %parallel_loop3A_564] {strides = array<i32>} : memref<16x768xf32, #tpu.memory_space<vmem>>, vector<1x16xf32>,
        %parallel_loop3A_566 = vector.shape_cast %parallel_loop3A_565 : vector<1x16xf32> to vector<16xf32>
        %parallel_loop3A_567 = arith.addf %parallel_loop3A_562, %parallel_loop3A_566 : vector<16xf32>
        %parallel_loop3A_568 = arith.index_cast %parallel_loop3A_180 : i32 to index
        %parallel_loop3A_569 = arith.constant 432 : index
        %parallel_loop3A_570 = tpu.vector_load %arg13[%parallel_loop3A_568, %parallel_loop3A_569] {strides = array<i32>} : memref<16x768xf32, #tpu.memory_space<vmem>>, vector<1x16xf32>,
        %parallel_loop3A_571 = vector.shape_cast %parallel_loop3A_570 : vector<1x16xf32> to vector<16xf32>
        %parallel_loop3A_572 = vector.shape_cast %parallel_loop3A_567 : vector<16xf32> to vector<1x16xf32>
        tpu.vector_store %arg13[%parallel_loop3A_568, %parallel_loop3A_569], %parallel_loop3A_572 {strides = array<i32>} : memref<16x768xf32, #tpu.memory_space<vmem>>, vector<1x16xf32>,
        %parallel_loop3A_573 = arith.index_cast %parallel_loop3A_180 : i32 to index
        %parallel_loop3A_574 = arith.constant 448 : index
        %parallel_loop3A_575 = tpu.vector_load %arg7[%parallel_loop3A_573, %parallel_loop3A_574] {strides = array<i32>} : memref<16x768xf32, #tpu.memory_space<vmem>>, vector<1x16xf32>,
        %parallel_loop3A_576 = vector.shape_cast %parallel_loop3A_575 : vector<1x16xf32> to vector<16xf32>
        %parallel_loop3A_577 = arith.index_cast %parallel_loop3A_180 : i32 to index
        %parallel_loop3A_578 = arith.constant 448 : index
        %parallel_loop3A_579 = tpu.vector_load %arg10[%parallel_loop3A_577, %parallel_loop3A_578] {strides = array<i32>} : memref<16x768xf32, #tpu.memory_space<vmem>>, vector<1x16xf32>,
        %parallel_loop3A_580 = vector.shape_cast %parallel_loop3A_579 : vector<1x16xf32> to vector<16xf32>
        %parallel_loop3A_581 = arith.addf %parallel_loop3A_576, %parallel_loop3A_580 : vector<16xf32>
        %parallel_loop3A_582 = arith.index_cast %parallel_loop3A_180 : i32 to index
        %parallel_loop3A_583 = arith.constant 448 : index
        %parallel_loop3A_584 = tpu.vector_load %arg13[%parallel_loop3A_582, %parallel_loop3A_583] {strides = array<i32>} : memref<16x768xf32, #tpu.memory_space<vmem>>, vector<1x16xf32>,
        %parallel_loop3A_585 = vector.shape_cast %parallel_loop3A_584 : vector<1x16xf32> to vector<16xf32>
        %parallel_loop3A_586 = vector.shape_cast %parallel_loop3A_581 : vector<16xf32> to vector<1x16xf32>
        tpu.vector_store %arg13[%parallel_loop3A_582, %parallel_loop3A_583], %parallel_loop3A_586 {strides = array<i32>} : memref<16x768xf32, #tpu.memory_space<vmem>>, vector<1x16xf32>,
        %parallel_loop3A_587 = arith.index_cast %parallel_loop3A_180 : i32 to index
        %parallel_loop3A_588 = arith.constant 464 : index
        %parallel_loop3A_589 = tpu.vector_load %arg7[%parallel_loop3A_587, %parallel_loop3A_588] {strides = array<i32>} : memref<16x768xf32, #tpu.memory_space<vmem>>, vector<1x16xf32>,
        %parallel_loop3A_590 = vector.shape_cast %parallel_loop3A_589 : vector<1x16xf32> to vector<16xf32>
        %parallel_loop3A_591 = arith.index_cast %parallel_loop3A_180 : i32 to index
        %parallel_loop3A_592 = arith.constant 464 : index
        %parallel_loop3A_593 = tpu.vector_load %arg10[%parallel_loop3A_591, %parallel_loop3A_592] {strides = array<i32>} : memref<16x768xf32, #tpu.memory_space<vmem>>, vector<1x16xf32>,
        %parallel_loop3A_594 = vector.shape_cast %parallel_loop3A_593 : vector<1x16xf32> to vector<16xf32>
        %parallel_loop3A_595 = arith.addf %parallel_loop3A_590, %parallel_loop3A_594 : vector<16xf32>
        %parallel_loop3A_596 = arith.index_cast %parallel_loop3A_180 : i32 to index
        %parallel_loop3A_597 = arith.constant 464 : index
        %parallel_loop3A_598 = tpu.vector_load %arg13[%parallel_loop3A_596, %parallel_loop3A_597] {strides = array<i32>} : memref<16x768xf32, #tpu.memory_space<vmem>>, vector<1x16xf32>,
        %parallel_loop3A_599 = vector.shape_cast %parallel_loop3A_598 : vector<1x16xf32> to vector<16xf32>
        %parallel_loop3A_600 = vector.shape_cast %parallel_loop3A_595 : vector<16xf32> to vector<1x16xf32>
        tpu.vector_store %arg13[%parallel_loop3A_596, %parallel_loop3A_597], %parallel_loop3A_600 {strides = array<i32>} : memref<16x768xf32, #tpu.memory_space<vmem>>, vector<1x16xf32>,
        %parallel_loop3A_601 = arith.index_cast %parallel_loop3A_180 : i32 to index
        %parallel_loop3A_602 = arith.constant 480 : index
        %parallel_loop3A_603 = tpu.vector_load %arg7[%parallel_loop3A_601, %parallel_loop3A_602] {strides = array<i32>} : memref<16x768xf32, #tpu.memory_space<vmem>>, vector<1x16xf32>,
        %parallel_loop3A_604 = vector.shape_cast %parallel_loop3A_603 : vector<1x16xf32> to vector<16xf32>
        %parallel_loop3A_605 = arith.index_cast %parallel_loop3A_180 : i32 to index
        %parallel_loop3A_606 = arith.constant 480 : index
        %parallel_loop3A_607 = tpu.vector_load %arg10[%parallel_loop3A_605, %parallel_loop3A_606] {strides = array<i32>} : memref<16x768xf32, #tpu.memory_space<vmem>>, vector<1x16xf32>,
        %parallel_loop3A_608 = vector.shape_cast %parallel_loop3A_607 : vector<1x16xf32> to vector<16xf32>
        %parallel_loop3A_609 = arith.addf %parallel_loop3A_604, %parallel_loop3A_608 : vector<16xf32>
        %parallel_loop3A_610 = arith.index_cast %parallel_loop3A_180 : i32 to index
        %parallel_loop3A_611 = arith.constant 480 : index
        %parallel_loop3A_612 = tpu.vector_load %arg13[%parallel_loop3A_610, %parallel_loop3A_611] {strides = array<i32>} : memref<16x768xf32, #tpu.memory_space<vmem>>, vector<1x16xf32>,
        %parallel_loop3A_613 = vector.shape_cast %parallel_loop3A_612 : vector<1x16xf32> to vector<16xf32>
        %parallel_loop3A_614 = vector.shape_cast %parallel_loop3A_609 : vector<16xf32> to vector<1x16xf32>
        tpu.vector_store %arg13[%parallel_loop3A_610, %parallel_loop3A_611], %parallel_loop3A_614 {strides = array<i32>} : memref<16x768xf32, #tpu.memory_space<vmem>>, vector<1x16xf32>,
        %parallel_loop3A_615 = arith.index_cast %parallel_loop3A_180 : i32 to index
        %parallel_loop3A_616 = arith.constant 496 : index
        %parallel_loop3A_617 = tpu.vector_load %arg7[%parallel_loop3A_615, %parallel_loop3A_616] {strides = array<i32>} : memref<16x768xf32, #tpu.memory_space<vmem>>, vector<1x16xf32>,
        %parallel_loop3A_618 = vector.shape_cast %parallel_loop3A_617 : vector<1x16xf32> to vector<16xf32>
        %parallel_loop3A_619 = arith.index_cast %parallel_loop3A_180 : i32 to index
        %parallel_loop3A_620 = arith.constant 496 : index
        %parallel_loop3A_621 = tpu.vector_load %arg10[%parallel_loop3A_619, %parallel_loop3A_620] {strides = array<i32>} : memref<16x768xf32, #tpu.memory_space<vmem>>, vector<1x16xf32>,
        %parallel_loop3A_622 = vector.shape_cast %parallel_loop3A_621 : vector<1x16xf32> to vector<16xf32>
        %parallel_loop3A_623 = arith.addf %parallel_loop3A_618, %parallel_loop3A_622 : vector<16xf32>
        %parallel_loop3A_624 = arith.index_cast %parallel_loop3A_180 : i32 to index
        %parallel_loop3A_625 = arith.constant 496 : index
        %parallel_loop3A_626 = tpu.vector_load %arg13[%parallel_loop3A_624, %parallel_loop3A_625] {strides = array<i32>} : memref<16x768xf32, #tpu.memory_space<vmem>>, vector<1x16xf32>,
        %parallel_loop3A_627 = vector.shape_cast %parallel_loop3A_626 : vector<1x16xf32> to vector<16xf32>
        %parallel_loop3A_628 = vector.shape_cast %parallel_loop3A_623 : vector<16xf32> to vector<1x16xf32>
        tpu.vector_store %arg13[%parallel_loop3A_624, %parallel_loop3A_625], %parallel_loop3A_628 {strides = array<i32>} : memref<16x768xf32, #tpu.memory_space<vmem>>, vector<1x16xf32>,
        %parallel_loop3A_629 = arith.index_cast %parallel_loop3A_180 : i32 to index
        %parallel_loop3A_630 = arith.constant 512 : index
        %parallel_loop3A_631 = tpu.vector_load %arg7[%parallel_loop3A_629, %parallel_loop3A_630] {strides = array<i32>} : memref<16x768xf32, #tpu.memory_space<vmem>>, vector<1x16xf32>,
        %parallel_loop3A_632 = vector.shape_cast %parallel_loop3A_631 : vector<1x16xf32> to vector<16xf32>
        %parallel_loop3A_633 = arith.index_cast %parallel_loop3A_180 : i32 to index
        %parallel_loop3A_634 = arith.constant 512 : index
        %parallel_loop3A_635 = tpu.vector_load %arg10[%parallel_loop3A_633, %parallel_loop3A_634] {strides = array<i32>} : memref<16x768xf32, #tpu.memory_space<vmem>>, vector<1x16xf32>,
        %parallel_loop3A_636 = vector.shape_cast %parallel_loop3A_635 : vector<1x16xf32> to vector<16xf32>
        %parallel_loop3A_637 = arith.addf %parallel_loop3A_632, %parallel_loop3A_636 : vector<16xf32>
        %parallel_loop3A_638 = arith.index_cast %parallel_loop3A_180 : i32 to index
        %parallel_loop3A_639 = arith.constant 512 : index
        %parallel_loop3A_640 = tpu.vector_load %arg13[%parallel_loop3A_638, %parallel_loop3A_639] {strides = array<i32>} : memref<16x768xf32, #tpu.memory_space<vmem>>, vector<1x16xf32>,
        %parallel_loop3A_641 = vector.shape_cast %parallel_loop3A_640 : vector<1x16xf32> to vector<16xf32>
        %parallel_loop3A_642 = vector.shape_cast %parallel_loop3A_637 : vector<16xf32> to vector<1x16xf32>
        tpu.vector_store %arg13[%parallel_loop3A_638, %parallel_loop3A_639], %parallel_loop3A_642 {strides = array<i32>} : memref<16x768xf32, #tpu.memory_space<vmem>>, vector<1x16xf32>,
        %parallel_loop3A_643 = arith.index_cast %parallel_loop3A_180 : i32 to index
        %parallel_loop3A_644 = arith.constant 528 : index
        %parallel_loop3A_645 = tpu.vector_load %arg7[%parallel_loop3A_643, %parallel_loop3A_644] {strides = array<i32>} : memref<16x768xf32, #tpu.memory_space<vmem>>, vector<1x16xf32>,
        %parallel_loop3A_646 = vector.shape_cast %parallel_loop3A_645 : vector<1x16xf32> to vector<16xf32>
        %parallel_loop3A_647 = arith.index_cast %parallel_loop3A_180 : i32 to index
        %parallel_loop3A_648 = arith.constant 528 : index
        %parallel_loop3A_649 = tpu.vector_load %arg10[%parallel_loop3A_647, %parallel_loop3A_648] {strides = array<i32>} : memref<16x768xf32, #tpu.memory_space<vmem>>, vector<1x16xf32>,
        %parallel_loop3A_650 = vector.shape_cast %parallel_loop3A_649 : vector<1x16xf32> to vector<16xf32>
        %parallel_loop3A_651 = arith.addf %parallel_loop3A_646, %parallel_loop3A_650 : vector<16xf32>
        %parallel_loop3A_652 = arith.index_cast %parallel_loop3A_180 : i32 to index
        %parallel_loop3A_653 = arith.constant 528 : index
        %parallel_loop3A_654 = tpu.vector_load %arg13[%parallel_loop3A_652, %parallel_loop3A_653] {strides = array<i32>} : memref<16x768xf32, #tpu.memory_space<vmem>>, vector<1x16xf32>,
        %parallel_loop3A_655 = vector.shape_cast %parallel_loop3A_654 : vector<1x16xf32> to vector<16xf32>
        %parallel_loop3A_656 = vector.shape_cast %parallel_loop3A_651 : vector<16xf32> to vector<1x16xf32>
        tpu.vector_store %arg13[%parallel_loop3A_652, %parallel_loop3A_653], %parallel_loop3A_656 {strides = array<i32>} : memref<16x768xf32, #tpu.memory_space<vmem>>, vector<1x16xf32>,
        %parallel_loop3A_657 = arith.index_cast %parallel_loop3A_180 : i32 to index
        %parallel_loop3A_658 = arith.constant 544 : index
        %parallel_loop3A_659 = tpu.vector_load %arg7[%parallel_loop3A_657, %parallel_loop3A_658] {strides = array<i32>} : memref<16x768xf32, #tpu.memory_space<vmem>>, vector<1x16xf32>,
        %parallel_loop3A_660 = vector.shape_cast %parallel_loop3A_659 : vector<1x16xf32> to vector<16xf32>
        %parallel_loop3A_661 = arith.index_cast %parallel_loop3A_180 : i32 to index
        %parallel_loop3A_662 = arith.constant 544 : index
        %parallel_loop3A_663 = tpu.vector_load %arg10[%parallel_loop3A_661, %parallel_loop3A_662] {strides = array<i32>} : memref<16x768xf32, #tpu.memory_space<vmem>>, vector<1x16xf32>,
        %parallel_loop3A_664 = vector.shape_cast %parallel_loop3A_663 : vector<1x16xf32> to vector<16xf32>
        %parallel_loop3A_665 = arith.addf %parallel_loop3A_660, %parallel_loop3A_664 : vector<16xf32>
        %parallel_loop3A_666 = arith.index_cast %parallel_loop3A_180 : i32 to index
        %parallel_loop3A_667 = arith.constant 544 : index
        %parallel_loop3A_668 = tpu.vector_load %arg13[%parallel_loop3A_666, %parallel_loop3A_667] {strides = array<i32>} : memref<16x768xf32, #tpu.memory_space<vmem>>, vector<1x16xf32>,
        %parallel_loop3A_669 = vector.shape_cast %parallel_loop3A_668 : vector<1x16xf32> to vector<16xf32>
        %parallel_loop3A_670 = vector.shape_cast %parallel_loop3A_665 : vector<16xf32> to vector<1x16xf32>
        tpu.vector_store %arg13[%parallel_loop3A_666, %parallel_loop3A_667], %parallel_loop3A_670 {strides = array<i32>} : memref<16x768xf32, #tpu.memory_space<vmem>>, vector<1x16xf32>,
        %parallel_loop3A_671 = arith.index_cast %parallel_loop3A_180 : i32 to index
        %parallel_loop3A_672 = arith.constant 560 : index
        %parallel_loop3A_673 = tpu.vector_load %arg7[%parallel_loop3A_671, %parallel_loop3A_672] {strides = array<i32>} : memref<16x768xf32, #tpu.memory_space<vmem>>, vector<1x16xf32>,
        %parallel_loop3A_674 = vector.shape_cast %parallel_loop3A_673 : vector<1x16xf32> to vector<16xf32>
        %parallel_loop3A_675 = arith.index_cast %parallel_loop3A_180 : i32 to index
        %parallel_loop3A_676 = arith.constant 560 : index
        %parallel_loop3A_677 = tpu.vector_load %arg10[%parallel_loop3A_675, %parallel_loop3A_676] {strides = array<i32>} : memref<16x768xf32, #tpu.memory_space<vmem>>, vector<1x16xf32>,
        %parallel_loop3A_678 = vector.shape_cast %parallel_loop3A_677 : vector<1x16xf32> to vector<16xf32>
        %parallel_loop3A_679 = arith.addf %parallel_loop3A_674, %parallel_loop3A_678 : vector<16xf32>
        %parallel_loop3A_680 = arith.index_cast %parallel_loop3A_180 : i32 to index
        %parallel_loop3A_681 = arith.constant 560 : index
        %parallel_loop3A_682 = tpu.vector_load %arg13[%parallel_loop3A_680, %parallel_loop3A_681] {strides = array<i32>} : memref<16x768xf32, #tpu.memory_space<vmem>>, vector<1x16xf32>,
        %parallel_loop3A_683 = vector.shape_cast %parallel_loop3A_682 : vector<1x16xf32> to vector<16xf32>
        %parallel_loop3A_684 = vector.shape_cast %parallel_loop3A_679 : vector<16xf32> to vector<1x16xf32>
        tpu.vector_store %arg13[%parallel_loop3A_680, %parallel_loop3A_681], %parallel_loop3A_684 {strides = array<i32>} : memref<16x768xf32, #tpu.memory_space<vmem>>, vector<1x16xf32>,
        %parallel_loop3A_685 = arith.index_cast %parallel_loop3A_180 : i32 to index
        %parallel_loop3A_686 = arith.constant 576 : index
        %parallel_loop3A_687 = tpu.vector_load %arg7[%parallel_loop3A_685, %parallel_loop3A_686] {strides = array<i32>} : memref<16x768xf32, #tpu.memory_space<vmem>>, vector<1x16xf32>,
        %parallel_loop3A_688 = vector.shape_cast %parallel_loop3A_687 : vector<1x16xf32> to vector<16xf32>
        %parallel_loop3A_689 = arith.index_cast %parallel_loop3A_180 : i32 to index
        %parallel_loop3A_690 = arith.constant 576 : index
        %parallel_loop3A_691 = tpu.vector_load %arg10[%parallel_loop3A_689, %parallel_loop3A_690] {strides = array<i32>} : memref<16x768xf32, #tpu.memory_space<vmem>>, vector<1x16xf32>,
        %parallel_loop3A_692 = vector.shape_cast %parallel_loop3A_691 : vector<1x16xf32> to vector<16xf32>
        %parallel_loop3A_693 = arith.addf %parallel_loop3A_688, %parallel_loop3A_692 : vector<16xf32>
        %parallel_loop3A_694 = arith.index_cast %parallel_loop3A_180 : i32 to index
        %parallel_loop3A_695 = arith.constant 576 : index
        %parallel_loop3A_696 = tpu.vector_load %arg13[%parallel_loop3A_694, %parallel_loop3A_695] {strides = array<i32>} : memref<16x768xf32, #tpu.memory_space<vmem>>, vector<1x16xf32>,
        %parallel_loop3A_697 = vector.shape_cast %parallel_loop3A_696 : vector<1x16xf32> to vector<16xf32>
        %parallel_loop3A_698 = vector.shape_cast %parallel_loop3A_693 : vector<16xf32> to vector<1x16xf32>
        tpu.vector_store %arg13[%parallel_loop3A_694, %parallel_loop3A_695], %parallel_loop3A_698 {strides = array<i32>} : memref<16x768xf32, #tpu.memory_space<vmem>>, vector<1x16xf32>,
        %parallel_loop3A_699 = arith.index_cast %parallel_loop3A_180 : i32 to index
        %parallel_loop3A_700 = arith.constant 592 : index
        %parallel_loop3A_701 = tpu.vector_load %arg7[%parallel_loop3A_699, %parallel_loop3A_700] {strides = array<i32>} : memref<16x768xf32, #tpu.memory_space<vmem>>, vector<1x16xf32>,
        %parallel_loop3A_702 = vector.shape_cast %parallel_loop3A_701 : vector<1x16xf32> to vector<16xf32>
        %parallel_loop3A_703 = arith.index_cast %parallel_loop3A_180 : i32 to index
        %parallel_loop3A_704 = arith.constant 592 : index
        %parallel_loop3A_705 = tpu.vector_load %arg10[%parallel_loop3A_703, %parallel_loop3A_704] {strides = array<i32>} : memref<16x768xf32, #tpu.memory_space<vmem>>, vector<1x16xf32>,
        %parallel_loop3A_706 = vector.shape_cast %parallel_loop3A_705 : vector<1x16xf32> to vector<16xf32>
        %parallel_loop3A_707 = arith.addf %parallel_loop3A_702, %parallel_loop3A_706 : vector<16xf32>
        %parallel_loop3A_708 = arith.index_cast %parallel_loop3A_180 : i32 to index
        %parallel_loop3A_709 = arith.constant 592 : index
        %parallel_loop3A_710 = tpu.vector_load %arg13[%parallel_loop3A_708, %parallel_loop3A_709] {strides = array<i32>} : memref<16x768xf32, #tpu.memory_space<vmem>>, vector<1x16xf32>,
        %parallel_loop3A_711 = vector.shape_cast %parallel_loop3A_710 : vector<1x16xf32> to vector<16xf32>
        %parallel_loop3A_712 = vector.shape_cast %parallel_loop3A_707 : vector<16xf32> to vector<1x16xf32>
        tpu.vector_store %arg13[%parallel_loop3A_708, %parallel_loop3A_709], %parallel_loop3A_712 {strides = array<i32>} : memref<16x768xf32, #tpu.memory_space<vmem>>, vector<1x16xf32>,
        %parallel_loop3A_713 = arith.index_cast %parallel_loop3A_180 : i32 to index
        %parallel_loop3A_714 = arith.constant 608 : index
        %parallel_loop3A_715 = tpu.vector_load %arg7[%parallel_loop3A_713, %parallel_loop3A_714] {strides = array<i32>} : memref<16x768xf32, #tpu.memory_space<vmem>>, vector<1x16xf32>,
        %parallel_loop3A_716 = vector.shape_cast %parallel_loop3A_715 : vector<1x16xf32> to vector<16xf32>
        %parallel_loop3A_717 = arith.index_cast %parallel_loop3A_180 : i32 to index
        %parallel_loop3A_718 = arith.constant 608 : index
        %parallel_loop3A_719 = tpu.vector_load %arg10[%parallel_loop3A_717, %parallel_loop3A_718] {strides = array<i32>} : memref<16x768xf32, #tpu.memory_space<vmem>>, vector<1x16xf32>,
        %parallel_loop3A_720 = vector.shape_cast %parallel_loop3A_719 : vector<1x16xf32> to vector<16xf32>
        %parallel_loop3A_721 = arith.addf %parallel_loop3A_716, %parallel_loop3A_720 : vector<16xf32>
        %parallel_loop3A_722 = arith.index_cast %parallel_loop3A_180 : i32 to index
        %parallel_loop3A_723 = arith.constant 608 : index
        %parallel_loop3A_724 = tpu.vector_load %arg13[%parallel_loop3A_722, %parallel_loop3A_723] {strides = array<i32>} : memref<16x768xf32, #tpu.memory_space<vmem>>, vector<1x16xf32>,
        %parallel_loop3A_725 = vector.shape_cast %parallel_loop3A_724 : vector<1x16xf32> to vector<16xf32>
        %parallel_loop3A_726 = vector.shape_cast %parallel_loop3A_721 : vector<16xf32> to vector<1x16xf32>
        tpu.vector_store %arg13[%parallel_loop3A_722, %parallel_loop3A_723], %parallel_loop3A_726 {strides = array<i32>} : memref<16x768xf32, #tpu.memory_space<vmem>>, vector<1x16xf32>,
        %parallel_loop3A_727 = arith.index_cast %parallel_loop3A_180 : i32 to index
        %parallel_loop3A_728 = arith.constant 624 : index
        %parallel_loop3A_729 = tpu.vector_load %arg7[%parallel_loop3A_727, %parallel_loop3A_728] {strides = array<i32>} : memref<16x768xf32, #tpu.memory_space<vmem>>, vector<1x16xf32>,
        %parallel_loop3A_730 = vector.shape_cast %parallel_loop3A_729 : vector<1x16xf32> to vector<16xf32>
        %parallel_loop3A_731 = arith.index_cast %parallel_loop3A_180 : i32 to index
        %parallel_loop3A_732 = arith.constant 624 : index
        %parallel_loop3A_733 = tpu.vector_load %arg10[%parallel_loop3A_731, %parallel_loop3A_732] {strides = array<i32>} : memref<16x768xf32, #tpu.memory_space<vmem>>, vector<1x16xf32>,
        %parallel_loop3A_734 = vector.shape_cast %parallel_loop3A_733 : vector<1x16xf32> to vector<16xf32>
        %parallel_loop3A_735 = arith.addf %parallel_loop3A_730, %parallel_loop3A_734 : vector<16xf32>
        %parallel_loop3A_736 = arith.index_cast %parallel_loop3A_180 : i32 to index
        %parallel_loop3A_737 = arith.constant 624 : index
        %parallel_loop3A_738 = tpu.vector_load %arg13[%parallel_loop3A_736, %parallel_loop3A_737] {strides = array<i32>} : memref<16x768xf32, #tpu.memory_space<vmem>>, vector<1x16xf32>,
        %parallel_loop3A_739 = vector.shape_cast %parallel_loop3A_738 : vector<1x16xf32> to vector<16xf32>
        %parallel_loop3A_740 = vector.shape_cast %parallel_loop3A_735 : vector<16xf32> to vector<1x16xf32>
        tpu.vector_store %arg13[%parallel_loop3A_736, %parallel_loop3A_737], %parallel_loop3A_740 {strides = array<i32>} : memref<16x768xf32, #tpu.memory_space<vmem>>, vector<1x16xf32>,
        %parallel_loop3A_741 = arith.index_cast %parallel_loop3A_180 : i32 to index
        %parallel_loop3A_742 = arith.constant 640 : index
        %parallel_loop3A_743 = tpu.vector_load %arg7[%parallel_loop3A_741, %parallel_loop3A_742] {strides = array<i32>} : memref<16x768xf32, #tpu.memory_space<vmem>>, vector<1x16xf32>,
        %parallel_loop3A_744 = vector.shape_cast %parallel_loop3A_743 : vector<1x16xf32> to vector<16xf32>
        %parallel_loop3A_745 = arith.index_cast %parallel_loop3A_180 : i32 to index
        %parallel_loop3A_746 = arith.constant 640 : index
        %parallel_loop3A_747 = tpu.vector_load %arg10[%parallel_loop3A_745, %parallel_loop3A_746] {strides = array<i32>} : memref<16x768xf32, #tpu.memory_space<vmem>>, vector<1x16xf32>,
        %parallel_loop3A_748 = vector.shape_cast %parallel_loop3A_747 : vector<1x16xf32> to vector<16xf32>
        %parallel_loop3A_749 = arith.addf %parallel_loop3A_744, %parallel_loop3A_748 : vector<16xf32>
        %parallel_loop3A_750 = arith.index_cast %parallel_loop3A_180 : i32 to index
        %parallel_loop3A_751 = arith.constant 640 : index
        %parallel_loop3A_752 = tpu.vector_load %arg13[%parallel_loop3A_750, %parallel_loop3A_751] {strides = array<i32>} : memref<16x768xf32, #tpu.memory_space<vmem>>, vector<1x16xf32>,
        %parallel_loop3A_753 = vector.shape_cast %parallel_loop3A_752 : vector<1x16xf32> to vector<16xf32>
        %parallel_loop3A_754 = vector.shape_cast %parallel_loop3A_749 : vector<16xf32> to vector<1x16xf32>
        tpu.vector_store %arg13[%parallel_loop3A_750, %parallel_loop3A_751], %parallel_loop3A_754 {strides = array<i32>} : memref<16x768xf32, #tpu.memory_space<vmem>>, vector<1x16xf32>,
        %parallel_loop3A_755 = arith.index_cast %parallel_loop3A_180 : i32 to index
        %parallel_loop3A_756 = arith.constant 656 : index
        %parallel_loop3A_757 = tpu.vector_load %arg7[%parallel_loop3A_755, %parallel_loop3A_756] {strides = array<i32>} : memref<16x768xf32, #tpu.memory_space<vmem>>, vector<1x16xf32>,
        %parallel_loop3A_758 = vector.shape_cast %parallel_loop3A_757 : vector<1x16xf32> to vector<16xf32>
        %parallel_loop3A_759 = arith.index_cast %parallel_loop3A_180 : i32 to index
        %parallel_loop3A_760 = arith.constant 656 : index
        %parallel_loop3A_761 = tpu.vector_load %arg10[%parallel_loop3A_759, %parallel_loop3A_760] {strides = array<i32>} : memref<16x768xf32, #tpu.memory_space<vmem>>, vector<1x16xf32>,
        %parallel_loop3A_762 = vector.shape_cast %parallel_loop3A_761 : vector<1x16xf32> to vector<16xf32>
        %parallel_loop3A_763 = arith.addf %parallel_loop3A_758, %parallel_loop3A_762 : vector<16xf32>
        %parallel_loop3A_764 = arith.index_cast %parallel_loop3A_180 : i32 to index
        %parallel_loop3A_765 = arith.constant 656 : index
        %parallel_loop3A_766 = tpu.vector_load %arg13[%parallel_loop3A_764, %parallel_loop3A_765] {strides = array<i32>} : memref<16x768xf32, #tpu.memory_space<vmem>>, vector<1x16xf32>,
        %parallel_loop3A_767 = vector.shape_cast %parallel_loop3A_766 : vector<1x16xf32> to vector<16xf32>
        %parallel_loop3A_768 = vector.shape_cast %parallel_loop3A_763 : vector<16xf32> to vector<1x16xf32>
        tpu.vector_store %arg13[%parallel_loop3A_764, %parallel_loop3A_765], %parallel_loop3A_768 {strides = array<i32>} : memref<16x768xf32, #tpu.memory_space<vmem>>, vector<1x16xf32>,
        %parallel_loop3A_769 = arith.index_cast %parallel_loop3A_180 : i32 to index
        %parallel_loop3A_770 = arith.constant 672 : index
        %parallel_loop3A_771 = tpu.vector_load %arg7[%parallel_loop3A_769, %parallel_loop3A_770] {strides = array<i32>} : memref<16x768xf32, #tpu.memory_space<vmem>>, vector<1x16xf32>,
        %parallel_loop3A_772 = vector.shape_cast %parallel_loop3A_771 : vector<1x16xf32> to vector<16xf32>
        %parallel_loop3A_773 = arith.index_cast %parallel_loop3A_180 : i32 to index
        %parallel_loop3A_774 = arith.constant 672 : index
        %parallel_loop3A_775 = tpu.vector_load %arg10[%parallel_loop3A_773, %parallel_loop3A_774] {strides = array<i32>} : memref<16x768xf32, #tpu.memory_space<vmem>>, vector<1x16xf32>,
        %parallel_loop3A_776 = vector.shape_cast %parallel_loop3A_775 : vector<1x16xf32> to vector<16xf32>
        %parallel_loop3A_777 = arith.addf %parallel_loop3A_772, %parallel_loop3A_776 : vector<16xf32>
        %parallel_loop3A_778 = arith.index_cast %parallel_loop3A_180 : i32 to index
        %parallel_loop3A_779 = arith.constant 672 : index
        %parallel_loop3A_780 = tpu.vector_load %arg13[%parallel_loop3A_778, %parallel_loop3A_779] {strides = array<i32>} : memref<16x768xf32, #tpu.memory_space<vmem>>, vector<1x16xf32>,
        %parallel_loop3A_781 = vector.shape_cast %parallel_loop3A_780 : vector<1x16xf32> to vector<16xf32>
        %parallel_loop3A_782 = vector.shape_cast %parallel_loop3A_777 : vector<16xf32> to vector<1x16xf32>
        tpu.vector_store %arg13[%parallel_loop3A_778, %parallel_loop3A_779], %parallel_loop3A_782 {strides = array<i32>} : memref<16x768xf32, #tpu.memory_space<vmem>>, vector<1x16xf32>,
        %parallel_loop3A_783 = arith.index_cast %parallel_loop3A_180 : i32 to index
        %parallel_loop3A_784 = arith.constant 688 : index
        %parallel_loop3A_785 = tpu.vector_load %arg7[%parallel_loop3A_783, %parallel_loop3A_784] {strides = array<i32>} : memref<16x768xf32, #tpu.memory_space<vmem>>, vector<1x16xf32>,
        %parallel_loop3A_786 = vector.shape_cast %parallel_loop3A_785 : vector<1x16xf32> to vector<16xf32>
        %parallel_loop3A_787 = arith.index_cast %parallel_loop3A_180 : i32 to index
        %parallel_loop3A_788 = arith.constant 688 : index
        %parallel_loop3A_789 = tpu.vector_load %arg10[%parallel_loop3A_787, %parallel_loop3A_788] {strides = array<i32>} : memref<16x768xf32, #tpu.memory_space<vmem>>, vector<1x16xf32>,
        %parallel_loop3A_790 = vector.shape_cast %parallel_loop3A_789 : vector<1x16xf32> to vector<16xf32>
        %parallel_loop3A_791 = arith.addf %parallel_loop3A_786, %parallel_loop3A_790 : vector<16xf32>
        %parallel_loop3A_792 = arith.index_cast %parallel_loop3A_180 : i32 to index
        %parallel_loop3A_793 = arith.constant 688 : index
        %parallel_loop3A_794 = tpu.vector_load %arg13[%parallel_loop3A_792, %parallel_loop3A_793] {strides = array<i32>} : memref<16x768xf32, #tpu.memory_space<vmem>>, vector<1x16xf32>,
        %parallel_loop3A_795 = vector.shape_cast %parallel_loop3A_794 : vector<1x16xf32> to vector<16xf32>
        %parallel_loop3A_796 = vector.shape_cast %parallel_loop3A_791 : vector<16xf32> to vector<1x16xf32>
        tpu.vector_store %arg13[%parallel_loop3A_792, %parallel_loop3A_793], %parallel_loop3A_796 {strides = array<i32>} : memref<16x768xf32, #tpu.memory_space<vmem>>, vector<1x16xf32>,
        %parallel_loop3A_797 = arith.index_cast %parallel_loop3A_180 : i32 to index
        %parallel_loop3A_798 = arith.constant 704 : index
        %parallel_loop3A_799 = tpu.vector_load %arg7[%parallel_loop3A_797, %parallel_loop3A_798] {strides = array<i32>} : memref<16x768xf32, #tpu.memory_space<vmem>>, vector<1x16xf32>,
        %parallel_loop3A_800 = vector.shape_cast %parallel_loop3A_799 : vector<1x16xf32> to vector<16xf32>
        %parallel_loop3A_801 = arith.index_cast %parallel_loop3A_180 : i32 to index
        %parallel_loop3A_802 = arith.constant 704 : index
        %parallel_loop3A_803 = tpu.vector_load %arg10[%parallel_loop3A_801, %parallel_loop3A_802] {strides = array<i32>} : memref<16x768xf32, #tpu.memory_space<vmem>>, vector<1x16xf32>,
        %parallel_loop3A_804 = vector.shape_cast %parallel_loop3A_803 : vector<1x16xf32> to vector<16xf32>
        %parallel_loop3A_805 = arith.addf %parallel_loop3A_800, %parallel_loop3A_804 : vector<16xf32>
        %parallel_loop3A_806 = arith.index_cast %parallel_loop3A_180 : i32 to index
        %parallel_loop3A_807 = arith.constant 704 : index
        %parallel_loop3A_808 = tpu.vector_load %arg13[%parallel_loop3A_806, %parallel_loop3A_807] {strides = array<i32>} : memref<16x768xf32, #tpu.memory_space<vmem>>, vector<1x16xf32>,
        %parallel_loop3A_809 = vector.shape_cast %parallel_loop3A_808 : vector<1x16xf32> to vector<16xf32>
        %parallel_loop3A_810 = vector.shape_cast %parallel_loop3A_805 : vector<16xf32> to vector<1x16xf32>
        tpu.vector_store %arg13[%parallel_loop3A_806, %parallel_loop3A_807], %parallel_loop3A_810 {strides = array<i32>} : memref<16x768xf32, #tpu.memory_space<vmem>>, vector<1x16xf32>,
        %parallel_loop3A_811 = arith.index_cast %parallel_loop3A_180 : i32 to index
        %parallel_loop3A_812 = arith.constant 720 : index
        %parallel_loop3A_813 = tpu.vector_load %arg7[%parallel_loop3A_811, %parallel_loop3A_812] {strides = array<i32>} : memref<16x768xf32, #tpu.memory_space<vmem>>, vector<1x16xf32>,
        %parallel_loop3A_814 = vector.shape_cast %parallel_loop3A_813 : vector<1x16xf32> to vector<16xf32>
        %parallel_loop3A_815 = arith.index_cast %parallel_loop3A_180 : i32 to index
        %parallel_loop3A_816 = arith.constant 720 : index
        %parallel_loop3A_817 = tpu.vector_load %arg10[%parallel_loop3A_815, %parallel_loop3A_816] {strides = array<i32>} : memref<16x768xf32, #tpu.memory_space<vmem>>, vector<1x16xf32>,
        %parallel_loop3A_818 = vector.shape_cast %parallel_loop3A_817 : vector<1x16xf32> to vector<16xf32>
        %parallel_loop3A_819 = arith.addf %parallel_loop3A_814, %parallel_loop3A_818 : vector<16xf32>
        %parallel_loop3A_820 = arith.index_cast %parallel_loop3A_180 : i32 to index
        %parallel_loop3A_821 = arith.constant 720 : index
        %parallel_loop3A_822 = tpu.vector_load %arg13[%parallel_loop3A_820, %parallel_loop3A_821] {strides = array<i32>} : memref<16x768xf32, #tpu.memory_space<vmem>>, vector<1x16xf32>,
        %parallel_loop3A_823 = vector.shape_cast %parallel_loop3A_822 : vector<1x16xf32> to vector<16xf32>
        %parallel_loop3A_824 = vector.shape_cast %parallel_loop3A_819 : vector<16xf32> to vector<1x16xf32>
        tpu.vector_store %arg13[%parallel_loop3A_820, %parallel_loop3A_821], %parallel_loop3A_824 {strides = array<i32>} : memref<16x768xf32, #tpu.memory_space<vmem>>, vector<1x16xf32>,
        %parallel_loop3A_825 = arith.index_cast %parallel_loop3A_180 : i32 to index
        %parallel_loop3A_826 = arith.constant 736 : index
        %parallel_loop3A_827 = tpu.vector_load %arg7[%parallel_loop3A_825, %parallel_loop3A_826] {strides = array<i32>} : memref<16x768xf32, #tpu.memory_space<vmem>>, vector<1x16xf32>,
        %parallel_loop3A_828 = vector.shape_cast %parallel_loop3A_827 : vector<1x16xf32> to vector<16xf32>
        %parallel_loop3A_829 = arith.index_cast %parallel_loop3A_180 : i32 to index
        %parallel_loop3A_830 = arith.constant 736 : index
        %parallel_loop3A_831 = tpu.vector_load %arg10[%parallel_loop3A_829, %parallel_loop3A_830] {strides = array<i32>} : memref<16x768xf32, #tpu.memory_space<vmem>>, vector<1x16xf32>,
        %parallel_loop3A_832 = vector.shape_cast %parallel_loop3A_831 : vector<1x16xf32> to vector<16xf32>
        %parallel_loop3A_833 = arith.addf %parallel_loop3A_828, %parallel_loop3A_832 : vector<16xf32>
        %parallel_loop3A_834 = arith.index_cast %parallel_loop3A_180 : i32 to index
        %parallel_loop3A_835 = arith.constant 736 : index
        %parallel_loop3A_836 = tpu.vector_load %arg13[%parallel_loop3A_834, %parallel_loop3A_835] {strides = array<i32>} : memref<16x768xf32, #tpu.memory_space<vmem>>, vector<1x16xf32>,
        %parallel_loop3A_837 = vector.shape_cast %parallel_loop3A_836 : vector<1x16xf32> to vector<16xf32>
        %parallel_loop3A_838 = vector.shape_cast %parallel_loop3A_833 : vector<16xf32> to vector<1x16xf32>
        tpu.vector_store %arg13[%parallel_loop3A_834, %parallel_loop3A_835], %parallel_loop3A_838 {strides = array<i32>} : memref<16x768xf32, #tpu.memory_space<vmem>>, vector<1x16xf32>,
        %parallel_loop3A_839 = arith.index_cast %parallel_loop3A_180 : i32 to index
        %parallel_loop3A_840 = arith.constant 752 : index
        %parallel_loop3A_841 = tpu.vector_load %arg7[%parallel_loop3A_839, %parallel_loop3A_840] {strides = array<i32>} : memref<16x768xf32, #tpu.memory_space<vmem>>, vector<1x16xf32>,
        %parallel_loop3A_842 = vector.shape_cast %parallel_loop3A_841 : vector<1x16xf32> to vector<16xf32>
        %parallel_loop3A_843 = arith.index_cast %parallel_loop3A_180 : i32 to index
        %parallel_loop3A_844 = arith.constant 752 : index
        %parallel_loop3A_845 = tpu.vector_load %arg10[%parallel_loop3A_843, %parallel_loop3A_844] {strides = array<i32>} : memref<16x768xf32, #tpu.memory_space<vmem>>, vector<1x16xf32>,
        %parallel_loop3A_846 = vector.shape_cast %parallel_loop3A_845 : vector<1x16xf32> to vector<16xf32>
        %parallel_loop3A_847 = arith.addf %parallel_loop3A_842, %parallel_loop3A_846 : vector<16xf32>
        %parallel_loop3A_848 = arith.index_cast %parallel_loop3A_180 : i32 to index
        %parallel_loop3A_849 = arith.constant 752 : index
        %parallel_loop3A_850 = tpu.vector_load %arg13[%parallel_loop3A_848, %parallel_loop3A_849] {strides = array<i32>} : memref<16x768xf32, #tpu.memory_space<vmem>>, vector<1x16xf32>,
        %parallel_loop3A_851 = vector.shape_cast %parallel_loop3A_850 : vector<1x16xf32> to vector<16xf32>
        %parallel_loop3A_852 = vector.shape_cast %parallel_loop3A_847 : vector<16xf32> to vector<1x16xf32>
        tpu.vector_store %arg13[%parallel_loop3A_848, %parallel_loop3A_849], %parallel_loop3A_852 {strides = array<i32>} : memref<16x768xf32, #tpu.memory_space<vmem>>, vector<1x16xf32>,
      } {sc.loop_unroll_factor = 2 : i64, sc.parallel_access}
      %mul3A_91 = arith.constant 16 : i32
      %mul3A_92 = arith.muli %add3A_73, %mul3A_91 : i32
      %dma_start3A_93 = arith.constant 0 : i32
      %dma_start3A_94 = tpu.memref_slice %arg5[%add3A, %mul3A_92, %dma_start3A_93] : memref<32x576x768xf32, #tpu.memory_space<hbm>> -> memref<1x16x768xf32, #tpu.memory_space<hbm>>
      %dma_start3A_95 = tpu.memref_squeeze %dma_start3A_94 : memref<1x16x768xf32, #tpu.memory_space<hbm>> -> memref<16x768xf32, #tpu.memory_space<hbm>>
      %dma_start3A_96 = arith.constant 0 : i32
      %dma_start3A_97 = tpu.memref_slice %arg5[%add3A, %mul3A_92, %dma_start3A_96] : memref<32x576x768xf32, #tpu.memory_space<hbm>> -> memref<1x16x768xf32, #tpu.memory_space<hbm>>
      %dma_start3A_98 = tpu.memref_squeeze %dma_start3A_97 : memref<1x16x768xf32, #tpu.memory_space<hbm>> -> memref<16x768xf32, #tpu.memory_space<hbm>>
      tpu.enqueue_dma source(%arg13 : memref<16x768xf32, #tpu.memory_space<vmem>>) target(%dma_start3A_98 : memref<16x768xf32, #tpu.memory_space<hbm>>) target_semaphore(%arg22 : memref<!tpu.dma_semaphore, #tpu.memory_space<semaphore_mem>>)
      %lt3A = arith.constant 11 : i32
      %lt3A_99 = arith.cmpi slt, %scan3A_68, %lt3A : i32
      %convert_element_type3A_100 = arith.extui %lt3A_99 : i1 to i32
      %cond3A_101 = arith.constant 0 : i32
      %cond3A_102 = arith.cmpi ne, %convert_element_type3A_100, %cond3A_101 : i32
      scf.if %cond3A_102 {
        %add3A_180 = arith.constant 3 : i32
        %add3A_181 = arith.addi %add3A_73, %add3A_180 : i32
        %mul3A_182 = arith.constant 16 : i32
        %mul3A_183 = arith.muli %add3A_181, %mul3A_182 : i32
        %dma_start3A_184 = arith.constant 0 : i32
        %dma_start3A_185 = tpu.memref_slice %arg2[%add3A, %mul3A_183, %dma_start3A_184] : memref<32x576x768xf32, #tpu.memory_space<hbm>> -> memref<1x16x768xf32, #tpu.memory_space<hbm>>
        %dma_start3A_186 = tpu.memref_squeeze %dma_start3A_185 : memref<1x16x768xf32, #tpu.memory_space<hbm>> -> memref<16x768xf32, #tpu.memory_space<hbm>>
        %dma_start3A_187 = arith.constant 0 : i32
        %dma_start3A_188 = tpu.memref_slice %arg2[%add3A, %mul3A_183, %dma_start3A_187] : memref<32x576x768xf32, #tpu.memory_space<hbm>> -> memref<1x16x768xf32, #tpu.memory_space<hbm>>
        %dma_start3A_189 = tpu.memref_squeeze %dma_start3A_188 : memref<1x16x768xf32, #tpu.memory_space<hbm>> -> memref<16x768xf32, #tpu.memory_space<hbm>>
        tpu.enqueue_dma source(%dma_start3A_189 : memref<16x768xf32, #tpu.memory_space<hbm>>) target(%arg7 : memref<16x768xf32, #tpu.memory_space<vmem>>) target_semaphore(%arg16 : memref<!tpu.dma_semaphore, #tpu.memory_space<semaphore_mem>>)
        %mul3A_190 = arith.constant 16 : i32
        %mul3A_191 = arith.muli %add3A_181, %mul3A_190 : i32
        %dma_start3A_192 = tpu.memref_slice %arg6[%mul3A_191] : memref<576xi32, #tpu.memory_space<vmem>> -> memref<16xi32, #tpu.memory_space<vmem>>
        %dma_start3A_193 = arith.constant 0 : i32
        %dma_start3A_194 = arith.constant 0 : i32
        %dma_start3A_195 = tpu.memref_slice %arg4[%dma_start3A_193, %dma_start3A_194] : memref<10000x768xf32, #tpu.memory_space<hbm>> -> memref<10000x768xf32, #tpu.memory_space<hbm>>
        tpu.enqueue_indirect_dma source(%dma_start3A_195 : memref<10000x768xf32, #tpu.memory_space<hbm>>) target(%arg10 : memref<16x768xf32, #tpu.memory_space<vmem>>) offsets(%dma_start3A_192 : memref<16xi32, #tpu.memory_space<vmem>>) semaphore(%arg19 : memref<!tpu.dma_semaphore, #tpu.memory_space<semaphore_mem>>)
      } else {
      }
      %mul3A_103 = arith.constant 3 : i32
      %mul3A_104 = arith.muli %scan3A_68, %mul3A_103 : i32
      %add3A_105 = arith.constant 1 : i32
      %add3A_106 = arith.addi %mul3A_104, %add3A_105 : i32
      %dma_wait3A_107 = arith.constant 0 : i32
      %dma_wait3A_108 = arith.constant 0 : i32
      %dma_wait3A_109 = tpu.memref_slice %arg2[%add3A, %dma_wait3A_107, %dma_wait3A_108] : memref<32x576x768xf32, #tpu.memory_space<hbm>> -> memref<1x16x768xf32, #tpu.memory_space<hbm>>
      %dma_wait3A_110 = tpu.memref_squeeze %dma_wait3A_109 : memref<1x16x768xf32, #tpu.memory_space<hbm>> -> memref<16x768xf32, #tpu.memory_space<hbm>>
      %dma_wait3A_111 = arith.constant 0 : i32
      %dma_wait3A_112 = arith.constant 0 : i32
      %dma_wait3A_113 = tpu.memref_slice %arg2[%add3A, %dma_wait3A_111, %dma_wait3A_112] : memref<32x576x768xf32, #tpu.memory_space<hbm>> -> memref<1x16x768xf32, #tpu.memory_space<hbm>>
      %dma_wait3A_114 = tpu.memref_squeeze %dma_wait3A_113 : memref<1x16x768xf32, #tpu.memory_space<hbm>> -> memref<16x768xf32, #tpu.memory_space<hbm>>
      tpu.wait_dma2 semaphore(%arg17 : memref<!tpu.dma_semaphore, #tpu.memory_space<semaphore_mem>>) src(%dma_wait3A_114 : memref<16x768xf32, #tpu.memory_space<hbm>>) dst(%arg8 : memref<16x768xf32, #tpu.memory_space<vmem>>)
      %dma_wait3A_115 = arith.constant 0 : i32
      %dma_wait3A_116 = tpu.memref_slice %arg6[%dma_wait3A_115] : memref<576xi32, #tpu.memory_space<vmem>> -> memref<16xi32, #tpu.memory_space<vmem>>
      %dma_wait3A_117 = arith.constant 0 : i32
      %dma_wait3A_118 = arith.constant 0 : i32
      %dma_wait3A_119 = tpu.memref_slice %arg4[%dma_wait3A_117, %dma_wait3A_118] : memref<10000x768xf32, #tpu.memory_space<hbm>> -> memref<10000x768xf32, #tpu.memory_space<hbm>>
      tpu.wait_indirect_dma semaphore(%arg20 : memref<!tpu.dma_semaphore, #tpu.memory_space<semaphore_mem>>) src(%dma_wait3A_119 : memref<10000x768xf32, #tpu.memory_space<hbm>>) dst(%arg11 : memref<16x768xf32, #tpu.memory_space<vmem>>)
      %gt3A_120 = arith.constant 0 : i32
      %gt3A_121 = arith.cmpi sgt, %scan3A_68, %gt3A_120 : i32
      %convert_element_type3A_122 = arith.extui %gt3A_121 : i1 to i32
      %cond3A_123 = arith.constant 0 : i32
      %cond3A_124 = arith.cmpi ne, %convert_element_type3A_122, %cond3A_123 : i32
      scf.if %cond3A_124 {
        %dma_wait3A_180 = arith.constant 0 : i32
        %dma_wait3A_181 = arith.constant 0 : i32
        %dma_wait3A_182 = tpu.memref_slice %arg5[%add3A, %dma_wait3A_180, %dma_wait3A_181] : memref<32x576x768xf32, #tpu.memory_space<hbm>> -> memref<1x16x768xf32, #tpu.memory_space<hbm>>
        %dma_wait3A_183 = tpu.memref_squeeze %dma_wait3A_182 : memref<1x16x768xf32, #tpu.memory_space<hbm>> -> memref<16x768xf32, #tpu.memory_space<hbm>>
        %dma_wait3A_184 = arith.constant 0 : i32
        %dma_wait3A_185 = arith.constant 0 : i32
        %dma_wait3A_186 = tpu.memref_slice %arg5[%add3A, %dma_wait3A_184, %dma_wait3A_185] : memref<32x576x768xf32, #tpu.memory_space<hbm>> -> memref<1x16x768xf32, #tpu.memory_space<hbm>>
        %dma_wait3A_187 = tpu.memref_squeeze %dma_wait3A_186 : memref<1x16x768xf32, #tpu.memory_space<hbm>> -> memref<16x768xf32, #tpu.memory_space<hbm>>
        tpu.wait_dma2 semaphore(%arg23 : memref<!tpu.dma_semaphore, #tpu.memory_space<semaphore_mem>>) src(%arg14 : memref<16x768xf32, #tpu.memory_space<vmem>>) dst(%dma_wait3A_187 : memref<16x768xf32, #tpu.memory_space<hbm>>)
      } else {
      }
      %parallel_loop3A_125 = arith.constant 0 : i32
      %parallel_loop3A_126 = arith.constant 16 : i32
      %parallel_loop3A_127 = arith.constant 1 : i32
      scf.for %parallel_loop3A_180 = %parallel_loop3A_125 to %parallel_loop3A_126 step %parallel_loop3A_127  : i32 {
        %parallel_loop3A_181 = arith.index_cast %parallel_loop3A_180 : i32 to index
        %parallel_loop3A_182 = arith.constant 0 : index
        %parallel_loop3A_183 = tpu.vector_load %arg8[%parallel_loop3A_181, %parallel_loop3A_182] {strides = array<i32>} : memref<16x768xf32, #tpu.memory_space<vmem>>, vector<1x16xf32>,
        %parallel_loop3A_184 = vector.shape_cast %parallel_loop3A_183 : vector<1x16xf32> to vector<16xf32>
        %parallel_loop3A_185 = arith.index_cast %parallel_loop3A_180 : i32 to index
        %parallel_loop3A_186 = arith.constant 0 : index
        %parallel_loop3A_187 = tpu.vector_load %arg11[%parallel_loop3A_185, %parallel_loop3A_186] {strides = array<i32>} : memref<16x768xf32, #tpu.memory_space<vmem>>, vector<1x16xf32>,
        %parallel_loop3A_188 = vector.shape_cast %parallel_loop3A_187 : vector<1x16xf32> to vector<16xf32>
        %parallel_loop3A_189 = arith.addf %parallel_loop3A_184, %parallel_loop3A_188 : vector<16xf32>
        %parallel_loop3A_190 = arith.index_cast %parallel_loop3A_180 : i32 to index
        %parallel_loop3A_191 = arith.constant 0 : index
        %parallel_loop3A_192 = tpu.vector_load %arg14[%parallel_loop3A_190, %parallel_loop3A_191] {strides = array<i32>} : memref<16x768xf32, #tpu.memory_space<vmem>>, vector<1x16xf32>,
        %parallel_loop3A_193 = vector.shape_cast %parallel_loop3A_192 : vector<1x16xf32> to vector<16xf32>
        %parallel_loop3A_194 = vector.shape_cast %parallel_loop3A_189 : vector<16xf32> to vector<1x16xf32>
        tpu.vector_store %arg14[%parallel_loop3A_190, %parallel_loop3A_191], %parallel_loop3A_194 {strides = array<i32>} : memref<16x768xf32, #tpu.memory_space<vmem>>, vector<1x16xf32>,
        %parallel_loop3A_195 = arith.index_cast %parallel_loop3A_180 : i32 to index
        %parallel_loop3A_196 = arith.constant 16 : index
        %parallel_loop3A_197 = tpu.vector_load %arg8[%parallel_loop3A_195, %parallel_loop3A_196] {strides = array<i32>} : memref<16x768xf32, #tpu.memory_space<vmem>>, vector<1x16xf32>,
        %parallel_loop3A_198 = vector.shape_cast %parallel_loop3A_197 : vector<1x16xf32> to vector<16xf32>
        %parallel_loop3A_199 = arith.index_cast %parallel_loop3A_180 : i32 to index
        %parallel_loop3A_200 = arith.constant 16 : index
        %parallel_loop3A_201 = tpu.vector_load %arg11[%parallel_loop3A_199, %parallel_loop3A_200] {strides = array<i32>} : memref<16x768xf32, #tpu.memory_space<vmem>>, vector<1x16xf32>,
        %parallel_loop3A_202 = vector.shape_cast %parallel_loop3A_201 : vector<1x16xf32> to vector<16xf32>
        %parallel_loop3A_203 = arith.addf %parallel_loop3A_198, %parallel_loop3A_202 : vector<16xf32>
        %parallel_loop3A_204 = arith.index_cast %parallel_loop3A_180 : i32 to index
        %parallel_loop3A_205 = arith.constant 16 : index
        %parallel_loop3A_206 = tpu.vector_load %arg14[%parallel_loop3A_204, %parallel_loop3A_205] {strides = array<i32>} : memref<16x768xf32, #tpu.memory_space<vmem>>, vector<1x16xf32>,
        %parallel_loop3A_207 = vector.shape_cast %parallel_loop3A_206 : vector<1x16xf32> to vector<16xf32>
        %parallel_loop3A_208 = vector.shape_cast %parallel_loop3A_203 : vector<16xf32> to vector<1x16xf32>
        tpu.vector_store %arg14[%parallel_loop3A_204, %parallel_loop3A_205], %parallel_loop3A_208 {strides = array<i32>} : memref<16x768xf32, #tpu.memory_space<vmem>>, vector<1x16xf32>,
        %parallel_loop3A_209 = arith.index_cast %parallel_loop3A_180 : i32 to index
        %parallel_loop3A_210 = arith.constant 32 : index
        %parallel_loop3A_211 = tpu.vector_load %arg8[%parallel_loop3A_209, %parallel_loop3A_210] {strides = array<i32>} : memref<16x768xf32, #tpu.memory_space<vmem>>, vector<1x16xf32>,
        %parallel_loop3A_212 = vector.shape_cast %parallel_loop3A_211 : vector<1x16xf32> to vector<16xf32>
        %parallel_loop3A_213 = arith.index_cast %parallel_loop3A_180 : i32 to index
        %parallel_loop3A_214 = arith.constant 32 : index
        %parallel_loop3A_215 = tpu.vector_load %arg11[%parallel_loop3A_213, %parallel_loop3A_214] {strides = array<i32>} : memref<16x768xf32, #tpu.memory_space<vmem>>, vector<1x16xf32>,
        %parallel_loop3A_216 = vector.shape_cast %parallel_loop3A_215 : vector<1x16xf32> to vector<16xf32>
        %parallel_loop3A_217 = arith.addf %parallel_loop3A_212, %parallel_loop3A_216 : vector<16xf32>
        %parallel_loop3A_218 = arith.index_cast %parallel_loop3A_180 : i32 to index
        %parallel_loop3A_219 = arith.constant 32 : index
        %parallel_loop3A_220 = tpu.vector_load %arg14[%parallel_loop3A_218, %parallel_loop3A_219] {strides = array<i32>} : memref<16x768xf32, #tpu.memory_space<vmem>>, vector<1x16xf32>,
        %parallel_loop3A_221 = vector.shape_cast %parallel_loop3A_220 : vector<1x16xf32> to vector<16xf32>
        %parallel_loop3A_222 = vector.shape_cast %parallel_loop3A_217 : vector<16xf32> to vector<1x16xf32>
        tpu.vector_store %arg14[%parallel_loop3A_218, %parallel_loop3A_219], %parallel_loop3A_222 {strides = array<i32>} : memref<16x768xf32, #tpu.memory_space<vmem>>, vector<1x16xf32>,
        %parallel_loop3A_223 = arith.index_cast %parallel_loop3A_180 : i32 to index
        %parallel_loop3A_224 = arith.constant 48 : index
        %parallel_loop3A_225 = tpu.vector_load %arg8[%parallel_loop3A_223, %parallel_loop3A_224] {strides = array<i32>} : memref<16x768xf32, #tpu.memory_space<vmem>>, vector<1x16xf32>,
        %parallel_loop3A_226 = vector.shape_cast %parallel_loop3A_225 : vector<1x16xf32> to vector<16xf32>
        %parallel_loop3A_227 = arith.index_cast %parallel_loop3A_180 : i32 to index
        %parallel_loop3A_228 = arith.constant 48 : index
        %parallel_loop3A_229 = tpu.vector_load %arg11[%parallel_loop3A_227, %parallel_loop3A_228] {strides = array<i32>} : memref<16x768xf32, #tpu.memory_space<vmem>>, vector<1x16xf32>,
        %parallel_loop3A_230 = vector.shape_cast %parallel_loop3A_229 : vector<1x16xf32> to vector<16xf32>
        %parallel_loop3A_231 = arith.addf %parallel_loop3A_226, %parallel_loop3A_230 : vector<16xf32>
        %parallel_loop3A_232 = arith.index_cast %parallel_loop3A_180 : i32 to index
        %parallel_loop3A_233 = arith.constant 48 : index
        %parallel_loop3A_234 = tpu.vector_load %arg14[%parallel_loop3A_232, %parallel_loop3A_233] {strides = array<i32>} : memref<16x768xf32, #tpu.memory_space<vmem>>, vector<1x16xf32>,
        %parallel_loop3A_235 = vector.shape_cast %parallel_loop3A_234 : vector<1x16xf32> to vector<16xf32>
        %parallel_loop3A_236 = vector.shape_cast %parallel_loop3A_231 : vector<16xf32> to vector<1x16xf32>
        tpu.vector_store %arg14[%parallel_loop3A_232, %parallel_loop3A_233], %parallel_loop3A_236 {strides = array<i32>} : memref<16x768xf32, #tpu.memory_space<vmem>>, vector<1x16xf32>,
        %parallel_loop3A_237 = arith.index_cast %parallel_loop3A_180 : i32 to index
        %parallel_loop3A_238 = arith.constant 64 : index
        %parallel_loop3A_239 = tpu.vector_load %arg8[%parallel_loop3A_237, %parallel_loop3A_238] {strides = array<i32>} : memref<16x768xf32, #tpu.memory_space<vmem>>, vector<1x16xf32>,
        %parallel_loop3A_240 = vector.shape_cast %parallel_loop3A_239 : vector<1x16xf32> to vector<16xf32>
        %parallel_loop3A_241 = arith.index_cast %parallel_loop3A_180 : i32 to index
        %parallel_loop3A_242 = arith.constant 64 : index
        %parallel_loop3A_243 = tpu.vector_load %arg11[%parallel_loop3A_241, %parallel_loop3A_242] {strides = array<i32>} : memref<16x768xf32, #tpu.memory_space<vmem>>, vector<1x16xf32>,
        %parallel_loop3A_244 = vector.shape_cast %parallel_loop3A_243 : vector<1x16xf32> to vector<16xf32>
        %parallel_loop3A_245 = arith.addf %parallel_loop3A_240, %parallel_loop3A_244 : vector<16xf32>
        %parallel_loop3A_246 = arith.index_cast %parallel_loop3A_180 : i32 to index
        %parallel_loop3A_247 = arith.constant 64 : index
        %parallel_loop3A_248 = tpu.vector_load %arg14[%parallel_loop3A_246, %parallel_loop3A_247] {strides = array<i32>} : memref<16x768xf32, #tpu.memory_space<vmem>>, vector<1x16xf32>,
        %parallel_loop3A_249 = vector.shape_cast %parallel_loop3A_248 : vector<1x16xf32> to vector<16xf32>
        %parallel_loop3A_250 = vector.shape_cast %parallel_loop3A_245 : vector<16xf32> to vector<1x16xf32>
        tpu.vector_store %arg14[%parallel_loop3A_246, %parallel_loop3A_247], %parallel_loop3A_250 {strides = array<i32>} : memref<16x768xf32, #tpu.memory_space<vmem>>, vector<1x16xf32>,
        %parallel_loop3A_251 = arith.index_cast %parallel_loop3A_180 : i32 to index
        %parallel_loop3A_252 = arith.constant 80 : index
        %parallel_loop3A_253 = tpu.vector_load %arg8[%parallel_loop3A_251, %parallel_loop3A_252] {strides = array<i32>} : memref<16x768xf32, #tpu.memory_space<vmem>>, vector<1x16xf32>,
        %parallel_loop3A_254 = vector.shape_cast %parallel_loop3A_253 : vector<1x16xf32> to vector<16xf32>
        %parallel_loop3A_255 = arith.index_cast %parallel_loop3A_180 : i32 to index
        %parallel_loop3A_256 = arith.constant 80 : index
        %parallel_loop3A_257 = tpu.vector_load %arg11[%parallel_loop3A_255, %parallel_loop3A_256] {strides = array<i32>} : memref<16x768xf32, #tpu.memory_space<vmem>>, vector<1x16xf32>,
        %parallel_loop3A_258 = vector.shape_cast %parallel_loop3A_257 : vector<1x16xf32> to vector<16xf32>
        %parallel_loop3A_259 = arith.addf %parallel_loop3A_254, %parallel_loop3A_258 : vector<16xf32>
        %parallel_loop3A_260 = arith.index_cast %parallel_loop3A_180 : i32 to index
        %parallel_loop3A_261 = arith.constant 80 : index
        %parallel_loop3A_262 = tpu.vector_load %arg14[%parallel_loop3A_260, %parallel_loop3A_261] {strides = array<i32>} : memref<16x768xf32, #tpu.memory_space<vmem>>, vector<1x16xf32>,
        %parallel_loop3A_263 = vector.shape_cast %parallel_loop3A_262 : vector<1x16xf32> to vector<16xf32>
        %parallel_loop3A_264 = vector.shape_cast %parallel_loop3A_259 : vector<16xf32> to vector<1x16xf32>
        tpu.vector_store %arg14[%parallel_loop3A_260, %parallel_loop3A_261], %parallel_loop3A_264 {strides = array<i32>} : memref<16x768xf32, #tpu.memory_space<vmem>>, vector<1x16xf32>,
        %parallel_loop3A_265 = arith.index_cast %parallel_loop3A_180 : i32 to index
        %parallel_loop3A_266 = arith.constant 96 : index
        %parallel_loop3A_267 = tpu.vector_load %arg8[%parallel_loop3A_265, %parallel_loop3A_266] {strides = array<i32>} : memref<16x768xf32, #tpu.memory_space<vmem>>, vector<1x16xf32>,
        %parallel_loop3A_268 = vector.shape_cast %parallel_loop3A_267 : vector<1x16xf32> to vector<16xf32>
        %parallel_loop3A_269 = arith.index_cast %parallel_loop3A_180 : i32 to index
        %parallel_loop3A_270 = arith.constant 96 : index
        %parallel_loop3A_271 = tpu.vector_load %arg11[%parallel_loop3A_269, %parallel_loop3A_270] {strides = array<i32>} : memref<16x768xf32, #tpu.memory_space<vmem>>, vector<1x16xf32>,
        %parallel_loop3A_272 = vector.shape_cast %parallel_loop3A_271 : vector<1x16xf32> to vector<16xf32>
        %parallel_loop3A_273 = arith.addf %parallel_loop3A_268, %parallel_loop3A_272 : vector<16xf32>
        %parallel_loop3A_274 = arith.index_cast %parallel_loop3A_180 : i32 to index
        %parallel_loop3A_275 = arith.constant 96 : index
        %parallel_loop3A_276 = tpu.vector_load %arg14[%parallel_loop3A_274, %parallel_loop3A_275] {strides = array<i32>} : memref<16x768xf32, #tpu.memory_space<vmem>>, vector<1x16xf32>,
        %parallel_loop3A_277 = vector.shape_cast %parallel_loop3A_276 : vector<1x16xf32> to vector<16xf32>
        %parallel_loop3A_278 = vector.shape_cast %parallel_loop3A_273 : vector<16xf32> to vector<1x16xf32>
        tpu.vector_store %arg14[%parallel_loop3A_274, %parallel_loop3A_275], %parallel_loop3A_278 {strides = array<i32>} : memref<16x768xf32, #tpu.memory_space<vmem>>, vector<1x16xf32>,
        %parallel_loop3A_279 = arith.index_cast %parallel_loop3A_180 : i32 to index
        %parallel_loop3A_280 = arith.constant 112 : index
        %parallel_loop3A_281 = tpu.vector_load %arg8[%parallel_loop3A_279, %parallel_loop3A_280] {strides = array<i32>} : memref<16x768xf32, #tpu.memory_space<vmem>>, vector<1x16xf32>,
        %parallel_loop3A_282 = vector.shape_cast %parallel_loop3A_281 : vector<1x16xf32> to vector<16xf32>
        %parallel_loop3A_283 = arith.index_cast %parallel_loop3A_180 : i32 to index
        %parallel_loop3A_284 = arith.constant 112 : index
        %parallel_loop3A_285 = tpu.vector_load %arg11[%parallel_loop3A_283, %parallel_loop3A_284] {strides = array<i32>} : memref<16x768xf32, #tpu.memory_space<vmem>>, vector<1x16xf32>,
        %parallel_loop3A_286 = vector.shape_cast %parallel_loop3A_285 : vector<1x16xf32> to vector<16xf32>
        %parallel_loop3A_287 = arith.addf %parallel_loop3A_282, %parallel_loop3A_286 : vector<16xf32>
        %parallel_loop3A_288 = arith.index_cast %parallel_loop3A_180 : i32 to index
        %parallel_loop3A_289 = arith.constant 112 : index
        %parallel_loop3A_290 = tpu.vector_load %arg14[%parallel_loop3A_288, %parallel_loop3A_289] {strides = array<i32>} : memref<16x768xf32, #tpu.memory_space<vmem>>, vector<1x16xf32>,
        %parallel_loop3A_291 = vector.shape_cast %parallel_loop3A_290 : vector<1x16xf32> to vector<16xf32>
        %parallel_loop3A_292 = vector.shape_cast %parallel_loop3A_287 : vector<16xf32> to vector<1x16xf32>
        tpu.vector_store %arg14[%parallel_loop3A_288, %parallel_loop3A_289], %parallel_loop3A_292 {strides = array<i32>} : memref<16x768xf32, #tpu.memory_space<vmem>>, vector<1x16xf32>,
        %parallel_loop3A_293 = arith.index_cast %parallel_loop3A_180 : i32 to index
        %parallel_loop3A_294 = arith.constant 128 : index
        %parallel_loop3A_295 = tpu.vector_load %arg8[%parallel_loop3A_293, %parallel_loop3A_294] {strides = array<i32>} : memref<16x768xf32, #tpu.memory_space<vmem>>, vector<1x16xf32>,
        %parallel_loop3A_296 = vector.shape_cast %parallel_loop3A_295 : vector<1x16xf32> to vector<16xf32>
        %parallel_loop3A_297 = arith.index_cast %parallel_loop3A_180 : i32 to index
        %parallel_loop3A_298 = arith.constant 128 : index
        %parallel_loop3A_299 = tpu.vector_load %arg11[%parallel_loop3A_297, %parallel_loop3A_298] {strides = array<i32>} : memref<16x768xf32, #tpu.memory_space<vmem>>, vector<1x16xf32>,
        %parallel_loop3A_300 = vector.shape_cast %parallel_loop3A_299 : vector<1x16xf32> to vector<16xf32>
        %parallel_loop3A_301 = arith.addf %parallel_loop3A_296, %parallel_loop3A_300 : vector<16xf32>
        %parallel_loop3A_302 = arith.index_cast %parallel_loop3A_180 : i32 to index
        %parallel_loop3A_303 = arith.constant 128 : index
        %parallel_loop3A_304 = tpu.vector_load %arg14[%parallel_loop3A_302, %parallel_loop3A_303] {strides = array<i32>} : memref<16x768xf32, #tpu.memory_space<vmem>>, vector<1x16xf32>,
        %parallel_loop3A_305 = vector.shape_cast %parallel_loop3A_304 : vector<1x16xf32> to vector<16xf32>
        %parallel_loop3A_306 = vector.shape_cast %parallel_loop3A_301 : vector<16xf32> to vector<1x16xf32>
        tpu.vector_store %arg14[%parallel_loop3A_302, %parallel_loop3A_303], %parallel_loop3A_306 {strides = array<i32>} : memref<16x768xf32, #tpu.memory_space<vmem>>, vector<1x16xf32>,
        %parallel_loop3A_307 = arith.index_cast %parallel_loop3A_180 : i32 to index
        %parallel_loop3A_308 = arith.constant 144 : index
        %parallel_loop3A_309 = tpu.vector_load %arg8[%parallel_loop3A_307, %parallel_loop3A_308] {strides = array<i32>} : memref<16x768xf32, #tpu.memory_space<vmem>>, vector<1x16xf32>,
        %parallel_loop3A_310 = vector.shape_cast %parallel_loop3A_309 : vector<1x16xf32> to vector<16xf32>
        %parallel_loop3A_311 = arith.index_cast %parallel_loop3A_180 : i32 to index
        %parallel_loop3A_312 = arith.constant 144 : index
        %parallel_loop3A_313 = tpu.vector_load %arg11[%parallel_loop3A_311, %parallel_loop3A_312] {strides = array<i32>} : memref<16x768xf32, #tpu.memory_space<vmem>>, vector<1x16xf32>,
        %parallel_loop3A_314 = vector.shape_cast %parallel_loop3A_313 : vector<1x16xf32> to vector<16xf32>
        %parallel_loop3A_315 = arith.addf %parallel_loop3A_310, %parallel_loop3A_314 : vector<16xf32>
        %parallel_loop3A_316 = arith.index_cast %parallel_loop3A_180 : i32 to index
        %parallel_loop3A_317 = arith.constant 144 : index
        %parallel_loop3A_318 = tpu.vector_load %arg14[%parallel_loop3A_316, %parallel_loop3A_317] {strides = array<i32>} : memref<16x768xf32, #tpu.memory_space<vmem>>, vector<1x16xf32>,
        %parallel_loop3A_319 = vector.shape_cast %parallel_loop3A_318 : vector<1x16xf32> to vector<16xf32>
        %parallel_loop3A_320 = vector.shape_cast %parallel_loop3A_315 : vector<16xf32> to vector<1x16xf32>
        tpu.vector_store %arg14[%parallel_loop3A_316, %parallel_loop3A_317], %parallel_loop3A_320 {strides = array<i32>} : memref<16x768xf32, #tpu.memory_space<vmem>>, vector<1x16xf32>,
        %parallel_loop3A_321 = arith.index_cast %parallel_loop3A_180 : i32 to index
        %parallel_loop3A_322 = arith.constant 160 : index
        %parallel_loop3A_323 = tpu.vector_load %arg8[%parallel_loop3A_321, %parallel_loop3A_322] {strides = array<i32>} : memref<16x768xf32, #tpu.memory_space<vmem>>, vector<1x16xf32>,
        %parallel_loop3A_324 = vector.shape_cast %parallel_loop3A_323 : vector<1x16xf32> to vector<16xf32>
        %parallel_loop3A_325 = arith.index_cast %parallel_loop3A_180 : i32 to index
        %parallel_loop3A_326 = arith.constant 160 : index
        %parallel_loop3A_327 = tpu.vector_load %arg11[%parallel_loop3A_325, %parallel_loop3A_326] {strides = array<i32>} : memref<16x768xf32, #tpu.memory_space<vmem>>, vector<1x16xf32>,
        %parallel_loop3A_328 = vector.shape_cast %parallel_loop3A_327 : vector<1x16xf32> to vector<16xf32>
        %parallel_loop3A_329 = arith.addf %parallel_loop3A_324, %parallel_loop3A_328 : vector<16xf32>
        %parallel_loop3A_330 = arith.index_cast %parallel_loop3A_180 : i32 to index
        %parallel_loop3A_331 = arith.constant 160 : index
        %parallel_loop3A_332 = tpu.vector_load %arg14[%parallel_loop3A_330, %parallel_loop3A_331] {strides = array<i32>} : memref<16x768xf32, #tpu.memory_space<vmem>>, vector<1x16xf32>,
        %parallel_loop3A_333 = vector.shape_cast %parallel_loop3A_332 : vector<1x16xf32> to vector<16xf32>
        %parallel_loop3A_334 = vector.shape_cast %parallel_loop3A_329 : vector<16xf32> to vector<1x16xf32>
        tpu.vector_store %arg14[%parallel_loop3A_330, %parallel_loop3A_331], %parallel_loop3A_334 {strides = array<i32>} : memref<16x768xf32, #tpu.memory_space<vmem>>, vector<1x16xf32>,
        %parallel_loop3A_335 = arith.index_cast %parallel_loop3A_180 : i32 to index
        %parallel_loop3A_336 = arith.constant 176 : index
        %parallel_loop3A_337 = tpu.vector_load %arg8[%parallel_loop3A_335, %parallel_loop3A_336] {strides = array<i32>} : memref<16x768xf32, #tpu.memory_space<vmem>>, vector<1x16xf32>,
        %parallel_loop3A_338 = vector.shape_cast %parallel_loop3A_337 : vector<1x16xf32> to vector<16xf32>
        %parallel_loop3A_339 = arith.index_cast %parallel_loop3A_180 : i32 to index
        %parallel_loop3A_340 = arith.constant 176 : index
        %parallel_loop3A_341 = tpu.vector_load %arg11[%parallel_loop3A_339, %parallel_loop3A_340] {strides = array<i32>} : memref<16x768xf32, #tpu.memory_space<vmem>>, vector<1x16xf32>,
        %parallel_loop3A_342 = vector.shape_cast %parallel_loop3A_341 : vector<1x16xf32> to vector<16xf32>
        %parallel_loop3A_343 = arith.addf %parallel_loop3A_338, %parallel_loop3A_342 : vector<16xf32>
        %parallel_loop3A_344 = arith.index_cast %parallel_loop3A_180 : i32 to index
        %parallel_loop3A_345 = arith.constant 176 : index
        %parallel_loop3A_346 = tpu.vector_load %arg14[%parallel_loop3A_344, %parallel_loop3A_345] {strides = array<i32>} : memref<16x768xf32, #tpu.memory_space<vmem>>, vector<1x16xf32>,
        %parallel_loop3A_347 = vector.shape_cast %parallel_loop3A_346 : vector<1x16xf32> to vector<16xf32>
        %parallel_loop3A_348 = vector.shape_cast %parallel_loop3A_343 : vector<16xf32> to vector<1x16xf32>
        tpu.vector_store %arg14[%parallel_loop3A_344, %parallel_loop3A_345], %parallel_loop3A_348 {strides = array<i32>} : memref<16x768xf32, #tpu.memory_space<vmem>>, vector<1x16xf32>,
        %parallel_loop3A_349 = arith.index_cast %parallel_loop3A_180 : i32 to index
        %parallel_loop3A_350 = arith.constant 192 : index
        %parallel_loop3A_351 = tpu.vector_load %arg8[%parallel_loop3A_349, %parallel_loop3A_350] {strides = array<i32>} : memref<16x768xf32, #tpu.memory_space<vmem>>, vector<1x16xf32>,
        %parallel_loop3A_352 = vector.shape_cast %parallel_loop3A_351 : vector<1x16xf32> to vector<16xf32>
        %parallel_loop3A_353 = arith.index_cast %parallel_loop3A_180 : i32 to index
        %parallel_loop3A_354 = arith.constant 192 : index
        %parallel_loop3A_355 = tpu.vector_load %arg11[%parallel_loop3A_353, %parallel_loop3A_354] {strides = array<i32>} : memref<16x768xf32, #tpu.memory_space<vmem>>, vector<1x16xf32>,
        %parallel_loop3A_356 = vector.shape_cast %parallel_loop3A_355 : vector<1x16xf32> to vector<16xf32>
        %parallel_loop3A_357 = arith.addf %parallel_loop3A_352, %parallel_loop3A_356 : vector<16xf32>
        %parallel_loop3A_358 = arith.index_cast %parallel_loop3A_180 : i32 to index
        %parallel_loop3A_359 = arith.constant 192 : index
        %parallel_loop3A_360 = tpu.vector_load %arg14[%parallel_loop3A_358, %parallel_loop3A_359] {strides = array<i32>} : memref<16x768xf32, #tpu.memory_space<vmem>>, vector<1x16xf32>,
        %parallel_loop3A_361 = vector.shape_cast %parallel_loop3A_360 : vector<1x16xf32> to vector<16xf32>
        %parallel_loop3A_362 = vector.shape_cast %parallel_loop3A_357 : vector<16xf32> to vector<1x16xf32>
        tpu.vector_store %arg14[%parallel_loop3A_358, %parallel_loop3A_359], %parallel_loop3A_362 {strides = array<i32>} : memref<16x768xf32, #tpu.memory_space<vmem>>, vector<1x16xf32>,
        %parallel_loop3A_363 = arith.index_cast %parallel_loop3A_180 : i32 to index
        %parallel_loop3A_364 = arith.constant 208 : index
        %parallel_loop3A_365 = tpu.vector_load %arg8[%parallel_loop3A_363, %parallel_loop3A_364] {strides = array<i32>} : memref<16x768xf32, #tpu.memory_space<vmem>>, vector<1x16xf32>,
        %parallel_loop3A_366 = vector.shape_cast %parallel_loop3A_365 : vector<1x16xf32> to vector<16xf32>
        %parallel_loop3A_367 = arith.index_cast %parallel_loop3A_180 : i32 to index
        %parallel_loop3A_368 = arith.constant 208 : index
        %parallel_loop3A_369 = tpu.vector_load %arg11[%parallel_loop3A_367, %parallel_loop3A_368] {strides = array<i32>} : memref<16x768xf32, #tpu.memory_space<vmem>>, vector<1x16xf32>,
        %parallel_loop3A_370 = vector.shape_cast %parallel_loop3A_369 : vector<1x16xf32> to vector<16xf32>
        %parallel_loop3A_371 = arith.addf %parallel_loop3A_366, %parallel_loop3A_370 : vector<16xf32>
        %parallel_loop3A_372 = arith.index_cast %parallel_loop3A_180 : i32 to index
        %parallel_loop3A_373 = arith.constant 208 : index
        %parallel_loop3A_374 = tpu.vector_load %arg14[%parallel_loop3A_372, %parallel_loop3A_373] {strides = array<i32>} : memref<16x768xf32, #tpu.memory_space<vmem>>, vector<1x16xf32>,
        %parallel_loop3A_375 = vector.shape_cast %parallel_loop3A_374 : vector<1x16xf32> to vector<16xf32>
        %parallel_loop3A_376 = vector.shape_cast %parallel_loop3A_371 : vector<16xf32> to vector<1x16xf32>
        tpu.vector_store %arg14[%parallel_loop3A_372, %parallel_loop3A_373], %parallel_loop3A_376 {strides = array<i32>} : memref<16x768xf32, #tpu.memory_space<vmem>>, vector<1x16xf32>,
        %parallel_loop3A_377 = arith.index_cast %parallel_loop3A_180 : i32 to index
        %parallel_loop3A_378 = arith.constant 224 : index
        %parallel_loop3A_379 = tpu.vector_load %arg8[%parallel_loop3A_377, %parallel_loop3A_378] {strides = array<i32>} : memref<16x768xf32, #tpu.memory_space<vmem>>, vector<1x16xf32>,
        %parallel_loop3A_380 = vector.shape_cast %parallel_loop3A_379 : vector<1x16xf32> to vector<16xf32>
        %parallel_loop3A_381 = arith.index_cast %parallel_loop3A_180 : i32 to index
        %parallel_loop3A_382 = arith.constant 224 : index
        %parallel_loop3A_383 = tpu.vector_load %arg11[%parallel_loop3A_381, %parallel_loop3A_382] {strides = array<i32>} : memref<16x768xf32, #tpu.memory_space<vmem>>, vector<1x16xf32>,
        %parallel_loop3A_384 = vector.shape_cast %parallel_loop3A_383 : vector<1x16xf32> to vector<16xf32>
        %parallel_loop3A_385 = arith.addf %parallel_loop3A_380, %parallel_loop3A_384 : vector<16xf32>
        %parallel_loop3A_386 = arith.index_cast %parallel_loop3A_180 : i32 to index
        %parallel_loop3A_387 = arith.constant 224 : index
        %parallel_loop3A_388 = tpu.vector_load %arg14[%parallel_loop3A_386, %parallel_loop3A_387] {strides = array<i32>} : memref<16x768xf32, #tpu.memory_space<vmem>>, vector<1x16xf32>,
        %parallel_loop3A_389 = vector.shape_cast %parallel_loop3A_388 : vector<1x16xf32> to vector<16xf32>
        %parallel_loop3A_390 = vector.shape_cast %parallel_loop3A_385 : vector<16xf32> to vector<1x16xf32>
        tpu.vector_store %arg14[%parallel_loop3A_386, %parallel_loop3A_387], %parallel_loop3A_390 {strides = array<i32>} : memref<16x768xf32, #tpu.memory_space<vmem>>, vector<1x16xf32>,
        %parallel_loop3A_391 = arith.index_cast %parallel_loop3A_180 : i32 to index
        %parallel_loop3A_392 = arith.constant 240 : index
        %parallel_loop3A_393 = tpu.vector_load %arg8[%parallel_loop3A_391, %parallel_loop3A_392] {strides = array<i32>} : memref<16x768xf32, #tpu.memory_space<vmem>>, vector<1x16xf32>,
        %parallel_loop3A_394 = vector.shape_cast %parallel_loop3A_393 : vector<1x16xf32> to vector<16xf32>
        %parallel_loop3A_395 = arith.index_cast %parallel_loop3A_180 : i32 to index
        %parallel_loop3A_396 = arith.constant 240 : index
        %parallel_loop3A_397 = tpu.vector_load %arg11[%parallel_loop3A_395, %parallel_loop3A_396] {strides = array<i32>} : memref<16x768xf32, #tpu.memory_space<vmem>>, vector<1x16xf32>,
        %parallel_loop3A_398 = vector.shape_cast %parallel_loop3A_397 : vector<1x16xf32> to vector<16xf32>
        %parallel_loop3A_399 = arith.addf %parallel_loop3A_394, %parallel_loop3A_398 : vector<16xf32>
        %parallel_loop3A_400 = arith.index_cast %parallel_loop3A_180 : i32 to index
        %parallel_loop3A_401 = arith.constant 240 : index
        %parallel_loop3A_402 = tpu.vector_load %arg14[%parallel_loop3A_400, %parallel_loop3A_401] {strides = array<i32>} : memref<16x768xf32, #tpu.memory_space<vmem>>, vector<1x16xf32>,
        %parallel_loop3A_403 = vector.shape_cast %parallel_loop3A_402 : vector<1x16xf32> to vector<16xf32>
        %parallel_loop3A_404 = vector.shape_cast %parallel_loop3A_399 : vector<16xf32> to vector<1x16xf32>
        tpu.vector_store %arg14[%parallel_loop3A_400, %parallel_loop3A_401], %parallel_loop3A_404 {strides = array<i32>} : memref<16x768xf32, #tpu.memory_space<vmem>>, vector<1x16xf32>,
        %parallel_loop3A_405 = arith.index_cast %parallel_loop3A_180 : i32 to index
        %parallel_loop3A_406 = arith.constant 256 : index
        %parallel_loop3A_407 = tpu.vector_load %arg8[%parallel_loop3A_405, %parallel_loop3A_406] {strides = array<i32>} : memref<16x768xf32, #tpu.memory_space<vmem>>, vector<1x16xf32>,
        %parallel_loop3A_408 = vector.shape_cast %parallel_loop3A_407 : vector<1x16xf32> to vector<16xf32>
        %parallel_loop3A_409 = arith.index_cast %parallel_loop3A_180 : i32 to index
        %parallel_loop3A_410 = arith.constant 256 : index
        %parallel_loop3A_411 = tpu.vector_load %arg11[%parallel_loop3A_409, %parallel_loop3A_410] {strides = array<i32>} : memref<16x768xf32, #tpu.memory_space<vmem>>, vector<1x16xf32>,
        %parallel_loop3A_412 = vector.shape_cast %parallel_loop3A_411 : vector<1x16xf32> to vector<16xf32>
        %parallel_loop3A_413 = arith.addf %parallel_loop3A_408, %parallel_loop3A_412 : vector<16xf32>
        %parallel_loop3A_414 = arith.index_cast %parallel_loop3A_180 : i32 to index
        %parallel_loop3A_415 = arith.constant 256 : index
        %parallel_loop3A_416 = tpu.vector_load %arg14[%parallel_loop3A_414, %parallel_loop3A_415] {strides = array<i32>} : memref<16x768xf32, #tpu.memory_space<vmem>>, vector<1x16xf32>,
        %parallel_loop3A_417 = vector.shape_cast %parallel_loop3A_416 : vector<1x16xf32> to vector<16xf32>
        %parallel_loop3A_418 = vector.shape_cast %parallel_loop3A_413 : vector<16xf32> to vector<1x16xf32>
        tpu.vector_store %arg14[%parallel_loop3A_414, %parallel_loop3A_415], %parallel_loop3A_418 {strides = array<i32>} : memref<16x768xf32, #tpu.memory_space<vmem>>, vector<1x16xf32>,
        %parallel_loop3A_419 = arith.index_cast %parallel_loop3A_180 : i32 to index
        %parallel_loop3A_420 = arith.constant 272 : index
        %parallel_loop3A_421 = tpu.vector_load %arg8[%parallel_loop3A_419, %parallel_loop3A_420] {strides = array<i32>} : memref<16x768xf32, #tpu.memory_space<vmem>>, vector<1x16xf32>,
        %parallel_loop3A_422 = vector.shape_cast %parallel_loop3A_421 : vector<1x16xf32> to vector<16xf32>
        %parallel_loop3A_423 = arith.index_cast %parallel_loop3A_180 : i32 to index
        %parallel_loop3A_424 = arith.constant 272 : index
        %parallel_loop3A_425 = tpu.vector_load %arg11[%parallel_loop3A_423, %parallel_loop3A_424] {strides = array<i32>} : memref<16x768xf32, #tpu.memory_space<vmem>>, vector<1x16xf32>,
        %parallel_loop3A_426 = vector.shape_cast %parallel_loop3A_425 : vector<1x16xf32> to vector<16xf32>
        %parallel_loop3A_427 = arith.addf %parallel_loop3A_422, %parallel_loop3A_426 : vector<16xf32>
        %parallel_loop3A_428 = arith.index_cast %parallel_loop3A_180 : i32 to index
        %parallel_loop3A_429 = arith.constant 272 : index
        %parallel_loop3A_430 = tpu.vector_load %arg14[%parallel_loop3A_428, %parallel_loop3A_429] {strides = array<i32>} : memref<16x768xf32, #tpu.memory_space<vmem>>, vector<1x16xf32>,
        %parallel_loop3A_431 = vector.shape_cast %parallel_loop3A_430 : vector<1x16xf32> to vector<16xf32>
        %parallel_loop3A_432 = vector.shape_cast %parallel_loop3A_427 : vector<16xf32> to vector<1x16xf32>
        tpu.vector_store %arg14[%parallel_loop3A_428, %parallel_loop3A_429], %parallel_loop3A_432 {strides = array<i32>} : memref<16x768xf32, #tpu.memory_space<vmem>>, vector<1x16xf32>,
        %parallel_loop3A_433 = arith.index_cast %parallel_loop3A_180 : i32 to index
        %parallel_loop3A_434 = arith.constant 288 : index
        %parallel_loop3A_435 = tpu.vector_load %arg8[%parallel_loop3A_433, %parallel_loop3A_434] {strides = array<i32>} : memref<16x768xf32, #tpu.memory_space<vmem>>, vector<1x16xf32>,
        %parallel_loop3A_436 = vector.shape_cast %parallel_loop3A_435 : vector<1x16xf32> to vector<16xf32>
        %parallel_loop3A_437 = arith.index_cast %parallel_loop3A_180 : i32 to index
        %parallel_loop3A_438 = arith.constant 288 : index
        %parallel_loop3A_439 = tpu.vector_load %arg11[%parallel_loop3A_437, %parallel_loop3A_438] {strides = array<i32>} : memref<16x768xf32, #tpu.memory_space<vmem>>, vector<1x16xf32>,
        %parallel_loop3A_440 = vector.shape_cast %parallel_loop3A_439 : vector<1x16xf32> to vector<16xf32>
        %parallel_loop3A_441 = arith.addf %parallel_loop3A_436, %parallel_loop3A_440 : vector<16xf32>
        %parallel_loop3A_442 = arith.index_cast %parallel_loop3A_180 : i32 to index
        %parallel_loop3A_443 = arith.constant 288 : index
        %parallel_loop3A_444 = tpu.vector_load %arg14[%parallel_loop3A_442, %parallel_loop3A_443] {strides = array<i32>} : memref<16x768xf32, #tpu.memory_space<vmem>>, vector<1x16xf32>,
        %parallel_loop3A_445 = vector.shape_cast %parallel_loop3A_444 : vector<1x16xf32> to vector<16xf32>
        %parallel_loop3A_446 = vector.shape_cast %parallel_loop3A_441 : vector<16xf32> to vector<1x16xf32>
        tpu.vector_store %arg14[%parallel_loop3A_442, %parallel_loop3A_443], %parallel_loop3A_446 {strides = array<i32>} : memref<16x768xf32, #tpu.memory_space<vmem>>, vector<1x16xf32>,
        %parallel_loop3A_447 = arith.index_cast %parallel_loop3A_180 : i32 to index
        %parallel_loop3A_448 = arith.constant 304 : index
        %parallel_loop3A_449 = tpu.vector_load %arg8[%parallel_loop3A_447, %parallel_loop3A_448] {strides = array<i32>} : memref<16x768xf32, #tpu.memory_space<vmem>>, vector<1x16xf32>,
        %parallel_loop3A_450 = vector.shape_cast %parallel_loop3A_449 : vector<1x16xf32> to vector<16xf32>
        %parallel_loop3A_451 = arith.index_cast %parallel_loop3A_180 : i32 to index
        %parallel_loop3A_452 = arith.constant 304 : index
        %parallel_loop3A_453 = tpu.vector_load %arg11[%parallel_loop3A_451, %parallel_loop3A_452] {strides = array<i32>} : memref<16x768xf32, #tpu.memory_space<vmem>>, vector<1x16xf32>,
        %parallel_loop3A_454 = vector.shape_cast %parallel_loop3A_453 : vector<1x16xf32> to vector<16xf32>
        %parallel_loop3A_455 = arith.addf %parallel_loop3A_450, %parallel_loop3A_454 : vector<16xf32>
        %parallel_loop3A_456 = arith.index_cast %parallel_loop3A_180 : i32 to index
        %parallel_loop3A_457 = arith.constant 304 : index
        %parallel_loop3A_458 = tpu.vector_load %arg14[%parallel_loop3A_456, %parallel_loop3A_457] {strides = array<i32>} : memref<16x768xf32, #tpu.memory_space<vmem>>, vector<1x16xf32>,
        %parallel_loop3A_459 = vector.shape_cast %parallel_loop3A_458 : vector<1x16xf32> to vector<16xf32>
        %parallel_loop3A_460 = vector.shape_cast %parallel_loop3A_455 : vector<16xf32> to vector<1x16xf32>
        tpu.vector_store %arg14[%parallel_loop3A_456, %parallel_loop3A_457], %parallel_loop3A_460 {strides = array<i32>} : memref<16x768xf32, #tpu.memory_space<vmem>>, vector<1x16xf32>,
        %parallel_loop3A_461 = arith.index_cast %parallel_loop3A_180 : i32 to index
        %parallel_loop3A_462 = arith.constant 320 : index
        %parallel_loop3A_463 = tpu.vector_load %arg8[%parallel_loop3A_461, %parallel_loop3A_462] {strides = array<i32>} : memref<16x768xf32, #tpu.memory_space<vmem>>, vector<1x16xf32>,
        %parallel_loop3A_464 = vector.shape_cast %parallel_loop3A_463 : vector<1x16xf32> to vector<16xf32>
        %parallel_loop3A_465 = arith.index_cast %parallel_loop3A_180 : i32 to index
        %parallel_loop3A_466 = arith.constant 320 : index
        %parallel_loop3A_467 = tpu.vector_load %arg11[%parallel_loop3A_465, %parallel_loop3A_466] {strides = array<i32>} : memref<16x768xf32, #tpu.memory_space<vmem>>, vector<1x16xf32>,
        %parallel_loop3A_468 = vector.shape_cast %parallel_loop3A_467 : vector<1x16xf32> to vector<16xf32>
        %parallel_loop3A_469 = arith.addf %parallel_loop3A_464, %parallel_loop3A_468 : vector<16xf32>
        %parallel_loop3A_470 = arith.index_cast %parallel_loop3A_180 : i32 to index
        %parallel_loop3A_471 = arith.constant 320 : index
        %parallel_loop3A_472 = tpu.vector_load %arg14[%parallel_loop3A_470, %parallel_loop3A_471] {strides = array<i32>} : memref<16x768xf32, #tpu.memory_space<vmem>>, vector<1x16xf32>,
        %parallel_loop3A_473 = vector.shape_cast %parallel_loop3A_472 : vector<1x16xf32> to vector<16xf32>
        %parallel_loop3A_474 = vector.shape_cast %parallel_loop3A_469 : vector<16xf32> to vector<1x16xf32>
        tpu.vector_store %arg14[%parallel_loop3A_470, %parallel_loop3A_471], %parallel_loop3A_474 {strides = array<i32>} : memref<16x768xf32, #tpu.memory_space<vmem>>, vector<1x16xf32>,
        %parallel_loop3A_475 = arith.index_cast %parallel_loop3A_180 : i32 to index
        %parallel_loop3A_476 = arith.constant 336 : index
        %parallel_loop3A_477 = tpu.vector_load %arg8[%parallel_loop3A_475, %parallel_loop3A_476] {strides = array<i32>} : memref<16x768xf32, #tpu.memory_space<vmem>>, vector<1x16xf32>,
        %parallel_loop3A_478 = vector.shape_cast %parallel_loop3A_477 : vector<1x16xf32> to vector<16xf32>
        %parallel_loop3A_479 = arith.index_cast %parallel_loop3A_180 : i32 to index
        %parallel_loop3A_480 = arith.constant 336 : index
        %parallel_loop3A_481 = tpu.vector_load %arg11[%parallel_loop3A_479, %parallel_loop3A_480] {strides = array<i32>} : memref<16x768xf32, #tpu.memory_space<vmem>>, vector<1x16xf32>,
        %parallel_loop3A_482 = vector.shape_cast %parallel_loop3A_481 : vector<1x16xf32> to vector<16xf32>
        %parallel_loop3A_483 = arith.addf %parallel_loop3A_478, %parallel_loop3A_482 : vector<16xf32>
        %parallel_loop3A_484 = arith.index_cast %parallel_loop3A_180 : i32 to index
        %parallel_loop3A_485 = arith.constant 336 : index
        %parallel_loop3A_486 = tpu.vector_load %arg14[%parallel_loop3A_484, %parallel_loop3A_485] {strides = array<i32>} : memref<16x768xf32, #tpu.memory_space<vmem>>, vector<1x16xf32>,
        %parallel_loop3A_487 = vector.shape_cast %parallel_loop3A_486 : vector<1x16xf32> to vector<16xf32>
        %parallel_loop3A_488 = vector.shape_cast %parallel_loop3A_483 : vector<16xf32> to vector<1x16xf32>
        tpu.vector_store %arg14[%parallel_loop3A_484, %parallel_loop3A_485], %parallel_loop3A_488 {strides = array<i32>} : memref<16x768xf32, #tpu.memory_space<vmem>>, vector<1x16xf32>,
        %parallel_loop3A_489 = arith.index_cast %parallel_loop3A_180 : i32 to index
        %parallel_loop3A_490 = arith.constant 352 : index
        %parallel_loop3A_491 = tpu.vector_load %arg8[%parallel_loop3A_489, %parallel_loop3A_490] {strides = array<i32>} : memref<16x768xf32, #tpu.memory_space<vmem>>, vector<1x16xf32>,
        %parallel_loop3A_492 = vector.shape_cast %parallel_loop3A_491 : vector<1x16xf32> to vector<16xf32>
        %parallel_loop3A_493 = arith.index_cast %parallel_loop3A_180 : i32 to index
        %parallel_loop3A_494 = arith.constant 352 : index
        %parallel_loop3A_495 = tpu.vector_load %arg11[%parallel_loop3A_493, %parallel_loop3A_494] {strides = array<i32>} : memref<16x768xf32, #tpu.memory_space<vmem>>, vector<1x16xf32>,
        %parallel_loop3A_496 = vector.shape_cast %parallel_loop3A_495 : vector<1x16xf32> to vector<16xf32>
        %parallel_loop3A_497 = arith.addf %parallel_loop3A_492, %parallel_loop3A_496 : vector<16xf32>
        %parallel_loop3A_498 = arith.index_cast %parallel_loop3A_180 : i32 to index
        %parallel_loop3A_499 = arith.constant 352 : index
        %parallel_loop3A_500 = tpu.vector_load %arg14[%parallel_loop3A_498, %parallel_loop3A_499] {strides = array<i32>} : memref<16x768xf32, #tpu.memory_space<vmem>>, vector<1x16xf32>,
        %parallel_loop3A_501 = vector.shape_cast %parallel_loop3A_500 : vector<1x16xf32> to vector<16xf32>
        %parallel_loop3A_502 = vector.shape_cast %parallel_loop3A_497 : vector<16xf32> to vector<1x16xf32>
        tpu.vector_store %arg14[%parallel_loop3A_498, %parallel_loop3A_499], %parallel_loop3A_502 {strides = array<i32>} : memref<16x768xf32, #tpu.memory_space<vmem>>, vector<1x16xf32>,
        %parallel_loop3A_503 = arith.index_cast %parallel_loop3A_180 : i32 to index
        %parallel_loop3A_504 = arith.constant 368 : index
        %parallel_loop3A_505 = tpu.vector_load %arg8[%parallel_loop3A_503, %parallel_loop3A_504] {strides = array<i32>} : memref<16x768xf32, #tpu.memory_space<vmem>>, vector<1x16xf32>,
        %parallel_loop3A_506 = vector.shape_cast %parallel_loop3A_505 : vector<1x16xf32> to vector<16xf32>
        %parallel_loop3A_507 = arith.index_cast %parallel_loop3A_180 : i32 to index
        %parallel_loop3A_508 = arith.constant 368 : index
        %parallel_loop3A_509 = tpu.vector_load %arg11[%parallel_loop3A_507, %parallel_loop3A_508] {strides = array<i32>} : memref<16x768xf32, #tpu.memory_space<vmem>>, vector<1x16xf32>,
        %parallel_loop3A_510 = vector.shape_cast %parallel_loop3A_509 : vector<1x16xf32> to vector<16xf32>
        %parallel_loop3A_511 = arith.addf %parallel_loop3A_506, %parallel_loop3A_510 : vector<16xf32>
        %parallel_loop3A_512 = arith.index_cast %parallel_loop3A_180 : i32 to index
        %parallel_loop3A_513 = arith.constant 368 : index
        %parallel_loop3A_514 = tpu.vector_load %arg14[%parallel_loop3A_512, %parallel_loop3A_513] {strides = array<i32>} : memref<16x768xf32, #tpu.memory_space<vmem>>, vector<1x16xf32>,
        %parallel_loop3A_515 = vector.shape_cast %parallel_loop3A_514 : vector<1x16xf32> to vector<16xf32>
        %parallel_loop3A_516 = vector.shape_cast %parallel_loop3A_511 : vector<16xf32> to vector<1x16xf32>
        tpu.vector_store %arg14[%parallel_loop3A_512, %parallel_loop3A_513], %parallel_loop3A_516 {strides = array<i32>} : memref<16x768xf32, #tpu.memory_space<vmem>>, vector<1x16xf32>,
        %parallel_loop3A_517 = arith.index_cast %parallel_loop3A_180 : i32 to index
        %parallel_loop3A_518 = arith.constant 384 : index
        %parallel_loop3A_519 = tpu.vector_load %arg8[%parallel_loop3A_517, %parallel_loop3A_518] {strides = array<i32>} : memref<16x768xf32, #tpu.memory_space<vmem>>, vector<1x16xf32>,
        %parallel_loop3A_520 = vector.shape_cast %parallel_loop3A_519 : vector<1x16xf32> to vector<16xf32>
        %parallel_loop3A_521 = arith.index_cast %parallel_loop3A_180 : i32 to index
        %parallel_loop3A_522 = arith.constant 384 : index
        %parallel_loop3A_523 = tpu.vector_load %arg11[%parallel_loop3A_521, %parallel_loop3A_522] {strides = array<i32>} : memref<16x768xf32, #tpu.memory_space<vmem>>, vector<1x16xf32>,
        %parallel_loop3A_524 = vector.shape_cast %parallel_loop3A_523 : vector<1x16xf32> to vector<16xf32>
        %parallel_loop3A_525 = arith.addf %parallel_loop3A_520, %parallel_loop3A_524 : vector<16xf32>
        %parallel_loop3A_526 = arith.index_cast %parallel_loop3A_180 : i32 to index
        %parallel_loop3A_527 = arith.constant 384 : index
        %parallel_loop3A_528 = tpu.vector_load %arg14[%parallel_loop3A_526, %parallel_loop3A_527] {strides = array<i32>} : memref<16x768xf32, #tpu.memory_space<vmem>>, vector<1x16xf32>,
        %parallel_loop3A_529 = vector.shape_cast %parallel_loop3A_528 : vector<1x16xf32> to vector<16xf32>
        %parallel_loop3A_530 = vector.shape_cast %parallel_loop3A_525 : vector<16xf32> to vector<1x16xf32>
        tpu.vector_store %arg14[%parallel_loop3A_526, %parallel_loop3A_527], %parallel_loop3A_530 {strides = array<i32>} : memref<16x768xf32, #tpu.memory_space<vmem>>, vector<1x16xf32>,
        %parallel_loop3A_531 = arith.index_cast %parallel_loop3A_180 : i32 to index
        %parallel_loop3A_532 = arith.constant 400 : index
        %parallel_loop3A_533 = tpu.vector_load %arg8[%parallel_loop3A_531, %parallel_loop3A_532] {strides = array<i32>} : memref<16x768xf32, #tpu.memory_space<vmem>>, vector<1x16xf32>,
        %parallel_loop3A_534 = vector.shape_cast %parallel_loop3A_533 : vector<1x16xf32> to vector<16xf32>
        %parallel_loop3A_535 = arith.index_cast %parallel_loop3A_180 : i32 to index
        %parallel_loop3A_536 = arith.constant 400 : index
        %parallel_loop3A_537 = tpu.vector_load %arg11[%parallel_loop3A_535, %parallel_loop3A_536] {strides = array<i32>} : memref<16x768xf32, #tpu.memory_space<vmem>>, vector<1x16xf32>,
        %parallel_loop3A_538 = vector.shape_cast %parallel_loop3A_537 : vector<1x16xf32> to vector<16xf32>
        %parallel_loop3A_539 = arith.addf %parallel_loop3A_534, %parallel_loop3A_538 : vector<16xf32>
        %parallel_loop3A_540 = arith.index_cast %parallel_loop3A_180 : i32 to index
        %parallel_loop3A_541 = arith.constant 400 : index
        %parallel_loop3A_542 = tpu.vector_load %arg14[%parallel_loop3A_540, %parallel_loop3A_541] {strides = array<i32>} : memref<16x768xf32, #tpu.memory_space<vmem>>, vector<1x16xf32>,
        %parallel_loop3A_543 = vector.shape_cast %parallel_loop3A_542 : vector<1x16xf32> to vector<16xf32>
        %parallel_loop3A_544 = vector.shape_cast %parallel_loop3A_539 : vector<16xf32> to vector<1x16xf32>
        tpu.vector_store %arg14[%parallel_loop3A_540, %parallel_loop3A_541], %parallel_loop3A_544 {strides = array<i32>} : memref<16x768xf32, #tpu.memory_space<vmem>>, vector<1x16xf32>,
        %parallel_loop3A_545 = arith.index_cast %parallel_loop3A_180 : i32 to index
        %parallel_loop3A_546 = arith.constant 416 : index
        %parallel_loop3A_547 = tpu.vector_load %arg8[%parallel_loop3A_545, %parallel_loop3A_546] {strides = array<i32>} : memref<16x768xf32, #tpu.memory_space<vmem>>, vector<1x16xf32>,
        %parallel_loop3A_548 = vector.shape_cast %parallel_loop3A_547 : vector<1x16xf32> to vector<16xf32>
        %parallel_loop3A_549 = arith.index_cast %parallel_loop3A_180 : i32 to index
        %parallel_loop3A_550 = arith.constant 416 : index
        %parallel_loop3A_551 = tpu.vector_load %arg11[%parallel_loop3A_549, %parallel_loop3A_550] {strides = array<i32>} : memref<16x768xf32, #tpu.memory_space<vmem>>, vector<1x16xf32>,
        %parallel_loop3A_552 = vector.shape_cast %parallel_loop3A_551 : vector<1x16xf32> to vector<16xf32>
        %parallel_loop3A_553 = arith.addf %parallel_loop3A_548, %parallel_loop3A_552 : vector<16xf32>
        %parallel_loop3A_554 = arith.index_cast %parallel_loop3A_180 : i32 to index
        %parallel_loop3A_555 = arith.constant 416 : index
        %parallel_loop3A_556 = tpu.vector_load %arg14[%parallel_loop3A_554, %parallel_loop3A_555] {strides = array<i32>} : memref<16x768xf32, #tpu.memory_space<vmem>>, vector<1x16xf32>,
        %parallel_loop3A_557 = vector.shape_cast %parallel_loop3A_556 : vector<1x16xf32> to vector<16xf32>
        %parallel_loop3A_558 = vector.shape_cast %parallel_loop3A_553 : vector<16xf32> to vector<1x16xf32>
        tpu.vector_store %arg14[%parallel_loop3A_554, %parallel_loop3A_555], %parallel_loop3A_558 {strides = array<i32>} : memref<16x768xf32, #tpu.memory_space<vmem>>, vector<1x16xf32>,
        %parallel_loop3A_559 = arith.index_cast %parallel_loop3A_180 : i32 to index
        %parallel_loop3A_560 = arith.constant 432 : index
        %parallel_loop3A_561 = tpu.vector_load %arg8[%parallel_loop3A_559, %parallel_loop3A_560] {strides = array<i32>} : memref<16x768xf32, #tpu.memory_space<vmem>>, vector<1x16xf32>,
        %parallel_loop3A_562 = vector.shape_cast %parallel_loop3A_561 : vector<1x16xf32> to vector<16xf32>
        %parallel_loop3A_563 = arith.index_cast %parallel_loop3A_180 : i32 to index
        %parallel_loop3A_564 = arith.constant 432 : index
        %parallel_loop3A_565 = tpu.vector_load %arg11[%parallel_loop3A_563, %parallel_loop3A_564] {strides = array<i32>} : memref<16x768xf32, #tpu.memory_space<vmem>>, vector<1x16xf32>,
        %parallel_loop3A_566 = vector.shape_cast %parallel_loop3A_565 : vector<1x16xf32> to vector<16xf32>
        %parallel_loop3A_567 = arith.addf %parallel_loop3A_562, %parallel_loop3A_566 : vector<16xf32>
        %parallel_loop3A_568 = arith.index_cast %parallel_loop3A_180 : i32 to index
        %parallel_loop3A_569 = arith.constant 432 : index
        %parallel_loop3A_570 = tpu.vector_load %arg14[%parallel_loop3A_568, %parallel_loop3A_569] {strides = array<i32>} : memref<16x768xf32, #tpu.memory_space<vmem>>, vector<1x16xf32>,
        %parallel_loop3A_571 = vector.shape_cast %parallel_loop3A_570 : vector<1x16xf32> to vector<16xf32>
        %parallel_loop3A_572 = vector.shape_cast %parallel_loop3A_567 : vector<16xf32> to vector<1x16xf32>
        tpu.vector_store %arg14[%parallel_loop3A_568, %parallel_loop3A_569], %parallel_loop3A_572 {strides = array<i32>} : memref<16x768xf32, #tpu.memory_space<vmem>>, vector<1x16xf32>,
        %parallel_loop3A_573 = arith.index_cast %parallel_loop3A_180 : i32 to index
        %parallel_loop3A_574 = arith.constant 448 : index
        %parallel_loop3A_575 = tpu.vector_load %arg8[%parallel_loop3A_573, %parallel_loop3A_574] {strides = array<i32>} : memref<16x768xf32, #tpu.memory_space<vmem>>, vector<1x16xf32>,
        %parallel_loop3A_576 = vector.shape_cast %parallel_loop3A_575 : vector<1x16xf32> to vector<16xf32>
        %parallel_loop3A_577 = arith.index_cast %parallel_loop3A_180 : i32 to index
        %parallel_loop3A_578 = arith.constant 448 : index
        %parallel_loop3A_579 = tpu.vector_load %arg11[%parallel_loop3A_577, %parallel_loop3A_578] {strides = array<i32>} : memref<16x768xf32, #tpu.memory_space<vmem>>, vector<1x16xf32>,
        %parallel_loop3A_580 = vector.shape_cast %parallel_loop3A_579 : vector<1x16xf32> to vector<16xf32>
        %parallel_loop3A_581 = arith.addf %parallel_loop3A_576, %parallel_loop3A_580 : vector<16xf32>
        %parallel_loop3A_582 = arith.index_cast %parallel_loop3A_180 : i32 to index
        %parallel_loop3A_583 = arith.constant 448 : index
        %parallel_loop3A_584 = tpu.vector_load %arg14[%parallel_loop3A_582, %parallel_loop3A_583] {strides = array<i32>} : memref<16x768xf32, #tpu.memory_space<vmem>>, vector<1x16xf32>,
        %parallel_loop3A_585 = vector.shape_cast %parallel_loop3A_584 : vector<1x16xf32> to vector<16xf32>
        %parallel_loop3A_586 = vector.shape_cast %parallel_loop3A_581 : vector<16xf32> to vector<1x16xf32>
        tpu.vector_store %arg14[%parallel_loop3A_582, %parallel_loop3A_583], %parallel_loop3A_586 {strides = array<i32>} : memref<16x768xf32, #tpu.memory_space<vmem>>, vector<1x16xf32>,
        %parallel_loop3A_587 = arith.index_cast %parallel_loop3A_180 : i32 to index
        %parallel_loop3A_588 = arith.constant 464 : index
        %parallel_loop3A_589 = tpu.vector_load %arg8[%parallel_loop3A_587, %parallel_loop3A_588] {strides = array<i32>} : memref<16x768xf32, #tpu.memory_space<vmem>>, vector<1x16xf32>,
        %parallel_loop3A_590 = vector.shape_cast %parallel_loop3A_589 : vector<1x16xf32> to vector<16xf32>
        %parallel_loop3A_591 = arith.index_cast %parallel_loop3A_180 : i32 to index
        %parallel_loop3A_592 = arith.constant 464 : index
        %parallel_loop3A_593 = tpu.vector_load %arg11[%parallel_loop3A_591, %parallel_loop3A_592] {strides = array<i32>} : memref<16x768xf32, #tpu.memory_space<vmem>>, vector<1x16xf32>,
        %parallel_loop3A_594 = vector.shape_cast %parallel_loop3A_593 : vector<1x16xf32> to vector<16xf32>
        %parallel_loop3A_595 = arith.addf %parallel_loop3A_590, %parallel_loop3A_594 : vector<16xf32>
        %parallel_loop3A_596 = arith.index_cast %parallel_loop3A_180 : i32 to index
        %parallel_loop3A_597 = arith.constant 464 : index
        %parallel_loop3A_598 = tpu.vector_load %arg14[%parallel_loop3A_596, %parallel_loop3A_597] {strides = array<i32>} : memref<16x768xf32, #tpu.memory_space<vmem>>, vector<1x16xf32>,
        %parallel_loop3A_599 = vector.shape_cast %parallel_loop3A_598 : vector<1x16xf32> to vector<16xf32>
        %parallel_loop3A_600 = vector.shape_cast %parallel_loop3A_595 : vector<16xf32> to vector<1x16xf32>
        tpu.vector_store %arg14[%parallel_loop3A_596, %parallel_loop3A_597], %parallel_loop3A_600 {strides = array<i32>} : memref<16x768xf32, #tpu.memory_space<vmem>>, vector<1x16xf32>,
        %parallel_loop3A_601 = arith.index_cast %parallel_loop3A_180 : i32 to index
        %parallel_loop3A_602 = arith.constant 480 : index
        %parallel_loop3A_603 = tpu.vector_load %arg8[%parallel_loop3A_601, %parallel_loop3A_602] {strides = array<i32>} : memref<16x768xf32, #tpu.memory_space<vmem>>, vector<1x16xf32>,
        %parallel_loop3A_604 = vector.shape_cast %parallel_loop3A_603 : vector<1x16xf32> to vector<16xf32>
        %parallel_loop3A_605 = arith.index_cast %parallel_loop3A_180 : i32 to index
        %parallel_loop3A_606 = arith.constant 480 : index
        %parallel_loop3A_607 = tpu.vector_load %arg11[%parallel_loop3A_605, %parallel_loop3A_606] {strides = array<i32>} : memref<16x768xf32, #tpu.memory_space<vmem>>, vector<1x16xf32>,
        %parallel_loop3A_608 = vector.shape_cast %parallel_loop3A_607 : vector<1x16xf32> to vector<16xf32>
        %parallel_loop3A_609 = arith.addf %parallel_loop3A_604, %parallel_loop3A_608 : vector<16xf32>
        %parallel_loop3A_610 = arith.index_cast %parallel_loop3A_180 : i32 to index
        %parallel_loop3A_611 = arith.constant 480 : index
        %parallel_loop3A_612 = tpu.vector_load %arg14[%parallel_loop3A_610, %parallel_loop3A_611] {strides = array<i32>} : memref<16x768xf32, #tpu.memory_space<vmem>>, vector<1x16xf32>,
        %parallel_loop3A_613 = vector.shape_cast %parallel_loop3A_612 : vector<1x16xf32> to vector<16xf32>
        %parallel_loop3A_614 = vector.shape_cast %parallel_loop3A_609 : vector<16xf32> to vector<1x16xf32>
        tpu.vector_store %arg14[%parallel_loop3A_610, %parallel_loop3A_611], %parallel_loop3A_614 {strides = array<i32>} : memref<16x768xf32, #tpu.memory_space<vmem>>, vector<1x16xf32>,
        %parallel_loop3A_615 = arith.index_cast %parallel_loop3A_180 : i32 to index
        %parallel_loop3A_616 = arith.constant 496 : index
        %parallel_loop3A_617 = tpu.vector_load %arg8[%parallel_loop3A_615, %parallel_loop3A_616] {strides = array<i32>} : memref<16x768xf32, #tpu.memory_space<vmem>>, vector<1x16xf32>,
        %parallel_loop3A_618 = vector.shape_cast %parallel_loop3A_617 : vector<1x16xf32> to vector<16xf32>
        %parallel_loop3A_619 = arith.index_cast %parallel_loop3A_180 : i32 to index
        %parallel_loop3A_620 = arith.constant 496 : index
        %parallel_loop3A_621 = tpu.vector_load %arg11[%parallel_loop3A_619, %parallel_loop3A_620] {strides = array<i32>} : memref<16x768xf32, #tpu.memory_space<vmem>>, vector<1x16xf32>,
        %parallel_loop3A_622 = vector.shape_cast %parallel_loop3A_621 : vector<1x16xf32> to vector<16xf32>
        %parallel_loop3A_623 = arith.addf %parallel_loop3A_618, %parallel_loop3A_622 : vector<16xf32>
        %parallel_loop3A_624 = arith.index_cast %parallel_loop3A_180 : i32 to index
        %parallel_loop3A_625 = arith.constant 496 : index
        %parallel_loop3A_626 = tpu.vector_load %arg14[%parallel_loop3A_624, %parallel_loop3A_625] {strides = array<i32>} : memref<16x768xf32, #tpu.memory_space<vmem>>, vector<1x16xf32>,
        %parallel_loop3A_627 = vector.shape_cast %parallel_loop3A_626 : vector<1x16xf32> to vector<16xf32>
        %parallel_loop3A_628 = vector.shape_cast %parallel_loop3A_623 : vector<16xf32> to vector<1x16xf32>
        tpu.vector_store %arg14[%parallel_loop3A_624, %parallel_loop3A_625], %parallel_loop3A_628 {strides = array<i32>} : memref<16x768xf32, #tpu.memory_space<vmem>>, vector<1x16xf32>,
        %parallel_loop3A_629 = arith.index_cast %parallel_loop3A_180 : i32 to index
        %parallel_loop3A_630 = arith.constant 512 : index
        %parallel_loop3A_631 = tpu.vector_load %arg8[%parallel_loop3A_629, %parallel_loop3A_630] {strides = array<i32>} : memref<16x768xf32, #tpu.memory_space<vmem>>, vector<1x16xf32>,
        %parallel_loop3A_632 = vector.shape_cast %parallel_loop3A_631 : vector<1x16xf32> to vector<16xf32>
        %parallel_loop3A_633 = arith.index_cast %parallel_loop3A_180 : i32 to index
        %parallel_loop3A_634 = arith.constant 512 : index
        %parallel_loop3A_635 = tpu.vector_load %arg11[%parallel_loop3A_633, %parallel_loop3A_634] {strides = array<i32>} : memref<16x768xf32, #tpu.memory_space<vmem>>, vector<1x16xf32>,
        %parallel_loop3A_636 = vector.shape_cast %parallel_loop3A_635 : vector<1x16xf32> to vector<16xf32>
        %parallel_loop3A_637 = arith.addf %parallel_loop3A_632, %parallel_loop3A_636 : vector<16xf32>
        %parallel_loop3A_638 = arith.index_cast %parallel_loop3A_180 : i32 to index
        %parallel_loop3A_639 = arith.constant 512 : index
        %parallel_loop3A_640 = tpu.vector_load %arg14[%parallel_loop3A_638, %parallel_loop3A_639] {strides = array<i32>} : memref<16x768xf32, #tpu.memory_space<vmem>>, vector<1x16xf32>,
        %parallel_loop3A_641 = vector.shape_cast %parallel_loop3A_640 : vector<1x16xf32> to vector<16xf32>
        %parallel_loop3A_642 = vector.shape_cast %parallel_loop3A_637 : vector<16xf32> to vector<1x16xf32>
        tpu.vector_store %arg14[%parallel_loop3A_638, %parallel_loop3A_639], %parallel_loop3A_642 {strides = array<i32>} : memref<16x768xf32, #tpu.memory_space<vmem>>, vector<1x16xf32>,
        %parallel_loop3A_643 = arith.index_cast %parallel_loop3A_180 : i32 to index
        %parallel_loop3A_644 = arith.constant 528 : index
        %parallel_loop3A_645 = tpu.vector_load %arg8[%parallel_loop3A_643, %parallel_loop3A_644] {strides = array<i32>} : memref<16x768xf32, #tpu.memory_space<vmem>>, vector<1x16xf32>,
        %parallel_loop3A_646 = vector.shape_cast %parallel_loop3A_645 : vector<1x16xf32> to vector<16xf32>
        %parallel_loop3A_647 = arith.index_cast %parallel_loop3A_180 : i32 to index
        %parallel_loop3A_648 = arith.constant 528 : index
        %parallel_loop3A_649 = tpu.vector_load %arg11[%parallel_loop3A_647, %parallel_loop3A_648] {strides = array<i32>} : memref<16x768xf32, #tpu.memory_space<vmem>>, vector<1x16xf32>,
        %parallel_loop3A_650 = vector.shape_cast %parallel_loop3A_649 : vector<1x16xf32> to vector<16xf32>
        %parallel_loop3A_651 = arith.addf %parallel_loop3A_646, %parallel_loop3A_650 : vector<16xf32>
        %parallel_loop3A_652 = arith.index_cast %parallel_loop3A_180 : i32 to index
        %parallel_loop3A_653 = arith.constant 528 : index
        %parallel_loop3A_654 = tpu.vector_load %arg14[%parallel_loop3A_652, %parallel_loop3A_653] {strides = array<i32>} : memref<16x768xf32, #tpu.memory_space<vmem>>, vector<1x16xf32>,
        %parallel_loop3A_655 = vector.shape_cast %parallel_loop3A_654 : vector<1x16xf32> to vector<16xf32>
        %parallel_loop3A_656 = vector.shape_cast %parallel_loop3A_651 : vector<16xf32> to vector<1x16xf32>
        tpu.vector_store %arg14[%parallel_loop3A_652, %parallel_loop3A_653], %parallel_loop3A_656 {strides = array<i32>} : memref<16x768xf32, #tpu.memory_space<vmem>>, vector<1x16xf32>,
        %parallel_loop3A_657 = arith.index_cast %parallel_loop3A_180 : i32 to index
        %parallel_loop3A_658 = arith.constant 544 : index
        %parallel_loop3A_659 = tpu.vector_load %arg8[%parallel_loop3A_657, %parallel_loop3A_658] {strides = array<i32>} : memref<16x768xf32, #tpu.memory_space<vmem>>, vector<1x16xf32>,
        %parallel_loop3A_660 = vector.shape_cast %parallel_loop3A_659 : vector<1x16xf32> to vector<16xf32>
        %parallel_loop3A_661 = arith.index_cast %parallel_loop3A_180 : i32 to index
        %parallel_loop3A_662 = arith.constant 544 : index
        %parallel_loop3A_663 = tpu.vector_load %arg11[%parallel_loop3A_661, %parallel_loop3A_662] {strides = array<i32>} : memref<16x768xf32, #tpu.memory_space<vmem>>, vector<1x16xf32>,
        %parallel_loop3A_664 = vector.shape_cast %parallel_loop3A_663 : vector<1x16xf32> to vector<16xf32>
        %parallel_loop3A_665 = arith.addf %parallel_loop3A_660, %parallel_loop3A_664 : vector<16xf32>
        %parallel_loop3A_666 = arith.index_cast %parallel_loop3A_180 : i32 to index
        %parallel_loop3A_667 = arith.constant 544 : index
        %parallel_loop3A_668 = tpu.vector_load %arg14[%parallel_loop3A_666, %parallel_loop3A_667] {strides = array<i32>} : memref<16x768xf32, #tpu.memory_space<vmem>>, vector<1x16xf32>,
        %parallel_loop3A_669 = vector.shape_cast %parallel_loop3A_668 : vector<1x16xf32> to vector<16xf32>
        %parallel_loop3A_670 = vector.shape_cast %parallel_loop3A_665 : vector<16xf32> to vector<1x16xf32>
        tpu.vector_store %arg14[%parallel_loop3A_666, %parallel_loop3A_667], %parallel_loop3A_670 {strides = array<i32>} : memref<16x768xf32, #tpu.memory_space<vmem>>, vector<1x16xf32>,
        %parallel_loop3A_671 = arith.index_cast %parallel_loop3A_180 : i32 to index
        %parallel_loop3A_672 = arith.constant 560 : index
        %parallel_loop3A_673 = tpu.vector_load %arg8[%parallel_loop3A_671, %parallel_loop3A_672] {strides = array<i32>} : memref<16x768xf32, #tpu.memory_space<vmem>>, vector<1x16xf32>,
        %parallel_loop3A_674 = vector.shape_cast %parallel_loop3A_673 : vector<1x16xf32> to vector<16xf32>
        %parallel_loop3A_675 = arith.index_cast %parallel_loop3A_180 : i32 to index
        %parallel_loop3A_676 = arith.constant 560 : index
        %parallel_loop3A_677 = tpu.vector_load %arg11[%parallel_loop3A_675, %parallel_loop3A_676] {strides = array<i32>} : memref<16x768xf32, #tpu.memory_space<vmem>>, vector<1x16xf32>,
        %parallel_loop3A_678 = vector.shape_cast %parallel_loop3A_677 : vector<1x16xf32> to vector<16xf32>
        %parallel_loop3A_679 = arith.addf %parallel_loop3A_674, %parallel_loop3A_678 : vector<16xf32>
        %parallel_loop3A_680 = arith.index_cast %parallel_loop3A_180 : i32 to index
        %parallel_loop3A_681 = arith.constant 560 : index
        %parallel_loop3A_682 = tpu.vector_load %arg14[%parallel_loop3A_680, %parallel_loop3A_681] {strides = array<i32>} : memref<16x768xf32, #tpu.memory_space<vmem>>, vector<1x16xf32>,
        %parallel_loop3A_683 = vector.shape_cast %parallel_loop3A_682 : vector<1x16xf32> to vector<16xf32>
        %parallel_loop3A_684 = vector.shape_cast %parallel_loop3A_679 : vector<16xf32> to vector<1x16xf32>
        tpu.vector_store %arg14[%parallel_loop3A_680, %parallel_loop3A_681], %parallel_loop3A_684 {strides = array<i32>} : memref<16x768xf32, #tpu.memory_space<vmem>>, vector<1x16xf32>,
        %parallel_loop3A_685 = arith.index_cast %parallel_loop3A_180 : i32 to index
        %parallel_loop3A_686 = arith.constant 576 : index
        %parallel_loop3A_687 = tpu.vector_load %arg8[%parallel_loop3A_685, %parallel_loop3A_686] {strides = array<i32>} : memref<16x768xf32, #tpu.memory_space<vmem>>, vector<1x16xf32>,
        %parallel_loop3A_688 = vector.shape_cast %parallel_loop3A_687 : vector<1x16xf32> to vector<16xf32>
        %parallel_loop3A_689 = arith.index_cast %parallel_loop3A_180 : i32 to index
        %parallel_loop3A_690 = arith.constant 576 : index
        %parallel_loop3A_691 = tpu.vector_load %arg11[%parallel_loop3A_689, %parallel_loop3A_690] {strides = array<i32>} : memref<16x768xf32, #tpu.memory_space<vmem>>, vector<1x16xf32>,
        %parallel_loop3A_692 = vector.shape_cast %parallel_loop3A_691 : vector<1x16xf32> to vector<16xf32>
        %parallel_loop3A_693 = arith.addf %parallel_loop3A_688, %parallel_loop3A_692 : vector<16xf32>
        %parallel_loop3A_694 = arith.index_cast %parallel_loop3A_180 : i32 to index
        %parallel_loop3A_695 = arith.constant 576 : index
        %parallel_loop3A_696 = tpu.vector_load %arg14[%parallel_loop3A_694, %parallel_loop3A_695] {strides = array<i32>} : memref<16x768xf32, #tpu.memory_space<vmem>>, vector<1x16xf32>,
        %parallel_loop3A_697 = vector.shape_cast %parallel_loop3A_696 : vector<1x16xf32> to vector<16xf32>
        %parallel_loop3A_698 = vector.shape_cast %parallel_loop3A_693 : vector<16xf32> to vector<1x16xf32>
        tpu.vector_store %arg14[%parallel_loop3A_694, %parallel_loop3A_695], %parallel_loop3A_698 {strides = array<i32>} : memref<16x768xf32, #tpu.memory_space<vmem>>, vector<1x16xf32>,
        %parallel_loop3A_699 = arith.index_cast %parallel_loop3A_180 : i32 to index
        %parallel_loop3A_700 = arith.constant 592 : index
        %parallel_loop3A_701 = tpu.vector_load %arg8[%parallel_loop3A_699, %parallel_loop3A_700] {strides = array<i32>} : memref<16x768xf32, #tpu.memory_space<vmem>>, vector<1x16xf32>,
        %parallel_loop3A_702 = vector.shape_cast %parallel_loop3A_701 : vector<1x16xf32> to vector<16xf32>
        %parallel_loop3A_703 = arith.index_cast %parallel_loop3A_180 : i32 to index
        %parallel_loop3A_704 = arith.constant 592 : index
        %parallel_loop3A_705 = tpu.vector_load %arg11[%parallel_loop3A_703, %parallel_loop3A_704] {strides = array<i32>} : memref<16x768xf32, #tpu.memory_space<vmem>>, vector<1x16xf32>,
        %parallel_loop3A_706 = vector.shape_cast %parallel_loop3A_705 : vector<1x16xf32> to vector<16xf32>
        %parallel_loop3A_707 = arith.addf %parallel_loop3A_702, %parallel_loop3A_706 : vector<16xf32>
        %parallel_loop3A_708 = arith.index_cast %parallel_loop3A_180 : i32 to index
        %parallel_loop3A_709 = arith.constant 592 : index
        %parallel_loop3A_710 = tpu.vector_load %arg14[%parallel_loop3A_708, %parallel_loop3A_709] {strides = array<i32>} : memref<16x768xf32, #tpu.memory_space<vmem>>, vector<1x16xf32>,
        %parallel_loop3A_711 = vector.shape_cast %parallel_loop3A_710 : vector<1x16xf32> to vector<16xf32>
        %parallel_loop3A_712 = vector.shape_cast %parallel_loop3A_707 : vector<16xf32> to vector<1x16xf32>
        tpu.vector_store %arg14[%parallel_loop3A_708, %parallel_loop3A_709], %parallel_loop3A_712 {strides = array<i32>} : memref<16x768xf32, #tpu.memory_space<vmem>>, vector<1x16xf32>,
        %parallel_loop3A_713 = arith.index_cast %parallel_loop3A_180 : i32 to index
        %parallel_loop3A_714 = arith.constant 608 : index
        %parallel_loop3A_715 = tpu.vector_load %arg8[%parallel_loop3A_713, %parallel_loop3A_714] {strides = array<i32>} : memref<16x768xf32, #tpu.memory_space<vmem>>, vector<1x16xf32>,
        %parallel_loop3A_716 = vector.shape_cast %parallel_loop3A_715 : vector<1x16xf32> to vector<16xf32>
        %parallel_loop3A_717 = arith.index_cast %parallel_loop3A_180 : i32 to index
        %parallel_loop3A_718 = arith.constant 608 : index
        %parallel_loop3A_719 = tpu.vector_load %arg11[%parallel_loop3A_717, %parallel_loop3A_718] {strides = array<i32>} : memref<16x768xf32, #tpu.memory_space<vmem>>, vector<1x16xf32>,
        %parallel_loop3A_720 = vector.shape_cast %parallel_loop3A_719 : vector<1x16xf32> to vector<16xf32>
        %parallel_loop3A_721 = arith.addf %parallel_loop3A_716, %parallel_loop3A_720 : vector<16xf32>
        %parallel_loop3A_722 = arith.index_cast %parallel_loop3A_180 : i32 to index
        %parallel_loop3A_723 = arith.constant 608 : index
        %parallel_loop3A_724 = tpu.vector_load %arg14[%parallel_loop3A_722, %parallel_loop3A_723] {strides = array<i32>} : memref<16x768xf32, #tpu.memory_space<vmem>>, vector<1x16xf32>,
        %parallel_loop3A_725 = vector.shape_cast %parallel_loop3A_724 : vector<1x16xf32> to vector<16xf32>
        %parallel_loop3A_726 = vector.shape_cast %parallel_loop3A_721 : vector<16xf32> to vector<1x16xf32>
        tpu.vector_store %arg14[%parallel_loop3A_722, %parallel_loop3A_723], %parallel_loop3A_726 {strides = array<i32>} : memref<16x768xf32, #tpu.memory_space<vmem>>, vector<1x16xf32>,
        %parallel_loop3A_727 = arith.index_cast %parallel_loop3A_180 : i32 to index
        %parallel_loop3A_728 = arith.constant 624 : index
        %parallel_loop3A_729 = tpu.vector_load %arg8[%parallel_loop3A_727, %parallel_loop3A_728] {strides = array<i32>} : memref<16x768xf32, #tpu.memory_space<vmem>>, vector<1x16xf32>,
        %parallel_loop3A_730 = vector.shape_cast %parallel_loop3A_729 : vector<1x16xf32> to vector<16xf32>
        %parallel_loop3A_731 = arith.index_cast %parallel_loop3A_180 : i32 to index
        %parallel_loop3A_732 = arith.constant 624 : index
        %parallel_loop3A_733 = tpu.vector_load %arg11[%parallel_loop3A_731, %parallel_loop3A_732] {strides = array<i32>} : memref<16x768xf32, #tpu.memory_space<vmem>>, vector<1x16xf32>,
        %parallel_loop3A_734 = vector.shape_cast %parallel_loop3A_733 : vector<1x16xf32> to vector<16xf32>
        %parallel_loop3A_735 = arith.addf %parallel_loop3A_730, %parallel_loop3A_734 : vector<16xf32>
        %parallel_loop3A_736 = arith.index_cast %parallel_loop3A_180 : i32 to index
        %parallel_loop3A_737 = arith.constant 624 : index
        %parallel_loop3A_738 = tpu.vector_load %arg14[%parallel_loop3A_736, %parallel_loop3A_737] {strides = array<i32>} : memref<16x768xf32, #tpu.memory_space<vmem>>, vector<1x16xf32>,
        %parallel_loop3A_739 = vector.shape_cast %parallel_loop3A_738 : vector<1x16xf32> to vector<16xf32>
        %parallel_loop3A_740 = vector.shape_cast %parallel_loop3A_735 : vector<16xf32> to vector<1x16xf32>
        tpu.vector_store %arg14[%parallel_loop3A_736, %parallel_loop3A_737], %parallel_loop3A_740 {strides = array<i32>} : memref<16x768xf32, #tpu.memory_space<vmem>>, vector<1x16xf32>,
        %parallel_loop3A_741 = arith.index_cast %parallel_loop3A_180 : i32 to index
        %parallel_loop3A_742 = arith.constant 640 : index
        %parallel_loop3A_743 = tpu.vector_load %arg8[%parallel_loop3A_741, %parallel_loop3A_742] {strides = array<i32>} : memref<16x768xf32, #tpu.memory_space<vmem>>, vector<1x16xf32>,
        %parallel_loop3A_744 = vector.shape_cast %parallel_loop3A_743 : vector<1x16xf32> to vector<16xf32>
        %parallel_loop3A_745 = arith.index_cast %parallel_loop3A_180 : i32 to index
        %parallel_loop3A_746 = arith.constant 640 : index
        %parallel_loop3A_747 = tpu.vector_load %arg11[%parallel_loop3A_745, %parallel_loop3A_746] {strides = array<i32>} : memref<16x768xf32, #tpu.memory_space<vmem>>, vector<1x16xf32>,
        %parallel_loop3A_748 = vector.shape_cast %parallel_loop3A_747 : vector<1x16xf32> to vector<16xf32>
        %parallel_loop3A_749 = arith.addf %parallel_loop3A_744, %parallel_loop3A_748 : vector<16xf32>
        %parallel_loop3A_750 = arith.index_cast %parallel_loop3A_180 : i32 to index
        %parallel_loop3A_751 = arith.constant 640 : index
        %parallel_loop3A_752 = tpu.vector_load %arg14[%parallel_loop3A_750, %parallel_loop3A_751] {strides = array<i32>} : memref<16x768xf32, #tpu.memory_space<vmem>>, vector<1x16xf32>,
        %parallel_loop3A_753 = vector.shape_cast %parallel_loop3A_752 : vector<1x16xf32> to vector<16xf32>
        %parallel_loop3A_754 = vector.shape_cast %parallel_loop3A_749 : vector<16xf32> to vector<1x16xf32>
        tpu.vector_store %arg14[%parallel_loop3A_750, %parallel_loop3A_751], %parallel_loop3A_754 {strides = array<i32>} : memref<16x768xf32, #tpu.memory_space<vmem>>, vector<1x16xf32>,
        %parallel_loop3A_755 = arith.index_cast %parallel_loop3A_180 : i32 to index
        %parallel_loop3A_756 = arith.constant 656 : index
        %parallel_loop3A_757 = tpu.vector_load %arg8[%parallel_loop3A_755, %parallel_loop3A_756] {strides = array<i32>} : memref<16x768xf32, #tpu.memory_space<vmem>>, vector<1x16xf32>,
        %parallel_loop3A_758 = vector.shape_cast %parallel_loop3A_757 : vector<1x16xf32> to vector<16xf32>
        %parallel_loop3A_759 = arith.index_cast %parallel_loop3A_180 : i32 to index
        %parallel_loop3A_760 = arith.constant 656 : index
        %parallel_loop3A_761 = tpu.vector_load %arg11[%parallel_loop3A_759, %parallel_loop3A_760] {strides = array<i32>} : memref<16x768xf32, #tpu.memory_space<vmem>>, vector<1x16xf32>,
        %parallel_loop3A_762 = vector.shape_cast %parallel_loop3A_761 : vector<1x16xf32> to vector<16xf32>
        %parallel_loop3A_763 = arith.addf %parallel_loop3A_758, %parallel_loop3A_762 : vector<16xf32>
        %parallel_loop3A_764 = arith.index_cast %parallel_loop3A_180 : i32 to index
        %parallel_loop3A_765 = arith.constant 656 : index
        %parallel_loop3A_766 = tpu.vector_load %arg14[%parallel_loop3A_764, %parallel_loop3A_765] {strides = array<i32>} : memref<16x768xf32, #tpu.memory_space<vmem>>, vector<1x16xf32>,
        %parallel_loop3A_767 = vector.shape_cast %parallel_loop3A_766 : vector<1x16xf32> to vector<16xf32>
        %parallel_loop3A_768 = vector.shape_cast %parallel_loop3A_763 : vector<16xf32> to vector<1x16xf32>
        tpu.vector_store %arg14[%parallel_loop3A_764, %parallel_loop3A_765], %parallel_loop3A_768 {strides = array<i32>} : memref<16x768xf32, #tpu.memory_space<vmem>>, vector<1x16xf32>,
        %parallel_loop3A_769 = arith.index_cast %parallel_loop3A_180 : i32 to index
        %parallel_loop3A_770 = arith.constant 672 : index
        %parallel_loop3A_771 = tpu.vector_load %arg8[%parallel_loop3A_769, %parallel_loop3A_770] {strides = array<i32>} : memref<16x768xf32, #tpu.memory_space<vmem>>, vector<1x16xf32>,
        %parallel_loop3A_772 = vector.shape_cast %parallel_loop3A_771 : vector<1x16xf32> to vector<16xf32>
        %parallel_loop3A_773 = arith.index_cast %parallel_loop3A_180 : i32 to index
        %parallel_loop3A_774 = arith.constant 672 : index
        %parallel_loop3A_775 = tpu.vector_load %arg11[%parallel_loop3A_773, %parallel_loop3A_774] {strides = array<i32>} : memref<16x768xf32, #tpu.memory_space<vmem>>, vector<1x16xf32>,
        %parallel_loop3A_776 = vector.shape_cast %parallel_loop3A_775 : vector<1x16xf32> to vector<16xf32>
        %parallel_loop3A_777 = arith.addf %parallel_loop3A_772, %parallel_loop3A_776 : vector<16xf32>
        %parallel_loop3A_778 = arith.index_cast %parallel_loop3A_180 : i32 to index
        %parallel_loop3A_779 = arith.constant 672 : index
        %parallel_loop3A_780 = tpu.vector_load %arg14[%parallel_loop3A_778, %parallel_loop3A_779] {strides = array<i32>} : memref<16x768xf32, #tpu.memory_space<vmem>>, vector<1x16xf32>,
        %parallel_loop3A_781 = vector.shape_cast %parallel_loop3A_780 : vector<1x16xf32> to vector<16xf32>
        %parallel_loop3A_782 = vector.shape_cast %parallel_loop3A_777 : vector<16xf32> to vector<1x16xf32>
        tpu.vector_store %arg14[%parallel_loop3A_778, %parallel_loop3A_779], %parallel_loop3A_782 {strides = array<i32>} : memref<16x768xf32, #tpu.memory_space<vmem>>, vector<1x16xf32>,
        %parallel_loop3A_783 = arith.index_cast %parallel_loop3A_180 : i32 to index
        %parallel_loop3A_784 = arith.constant 688 : index
        %parallel_loop3A_785 = tpu.vector_load %arg8[%parallel_loop3A_783, %parallel_loop3A_784] {strides = array<i32>} : memref<16x768xf32, #tpu.memory_space<vmem>>, vector<1x16xf32>,
        %parallel_loop3A_786 = vector.shape_cast %parallel_loop3A_785 : vector<1x16xf32> to vector<16xf32>
        %parallel_loop3A_787 = arith.index_cast %parallel_loop3A_180 : i32 to index
        %parallel_loop3A_788 = arith.constant 688 : index
        %parallel_loop3A_789 = tpu.vector_load %arg11[%parallel_loop3A_787, %parallel_loop3A_788] {strides = array<i32>} : memref<16x768xf32, #tpu.memory_space<vmem>>, vector<1x16xf32>,
        %parallel_loop3A_790 = vector.shape_cast %parallel_loop3A_789 : vector<1x16xf32> to vector<16xf32>
        %parallel_loop3A_791 = arith.addf %parallel_loop3A_786, %parallel_loop3A_790 : vector<16xf32>
        %parallel_loop3A_792 = arith.index_cast %parallel_loop3A_180 : i32 to index
        %parallel_loop3A_793 = arith.constant 688 : index
        %parallel_loop3A_794 = tpu.vector_load %arg14[%parallel_loop3A_792, %parallel_loop3A_793] {strides = array<i32>} : memref<16x768xf32, #tpu.memory_space<vmem>>, vector<1x16xf32>,
        %parallel_loop3A_795 = vector.shape_cast %parallel_loop3A_794 : vector<1x16xf32> to vector<16xf32>
        %parallel_loop3A_796 = vector.shape_cast %parallel_loop3A_791 : vector<16xf32> to vector<1x16xf32>
        tpu.vector_store %arg14[%parallel_loop3A_792, %parallel_loop3A_793], %parallel_loop3A_796 {strides = array<i32>} : memref<16x768xf32, #tpu.memory_space<vmem>>, vector<1x16xf32>,
        %parallel_loop3A_797 = arith.index_cast %parallel_loop3A_180 : i32 to index
        %parallel_loop3A_798 = arith.constant 704 : index
        %parallel_loop3A_799 = tpu.vector_load %arg8[%parallel_loop3A_797, %parallel_loop3A_798] {strides = array<i32>} : memref<16x768xf32, #tpu.memory_space<vmem>>, vector<1x16xf32>,
        %parallel_loop3A_800 = vector.shape_cast %parallel_loop3A_799 : vector<1x16xf32> to vector<16xf32>
        %parallel_loop3A_801 = arith.index_cast %parallel_loop3A_180 : i32 to index
        %parallel_loop3A_802 = arith.constant 704 : index
        %parallel_loop3A_803 = tpu.vector_load %arg11[%parallel_loop3A_801, %parallel_loop3A_802] {strides = array<i32>} : memref<16x768xf32, #tpu.memory_space<vmem>>, vector<1x16xf32>,
        %parallel_loop3A_804 = vector.shape_cast %parallel_loop3A_803 : vector<1x16xf32> to vector<16xf32>
        %parallel_loop3A_805 = arith.addf %parallel_loop3A_800, %parallel_loop3A_804 : vector<16xf32>
        %parallel_loop3A_806 = arith.index_cast %parallel_loop3A_180 : i32 to index
        %parallel_loop3A_807 = arith.constant 704 : index
        %parallel_loop3A_808 = tpu.vector_load %arg14[%parallel_loop3A_806, %parallel_loop3A_807] {strides = array<i32>} : memref<16x768xf32, #tpu.memory_space<vmem>>, vector<1x16xf32>,
        %parallel_loop3A_809 = vector.shape_cast %parallel_loop3A_808 : vector<1x16xf32> to vector<16xf32>
        %parallel_loop3A_810 = vector.shape_cast %parallel_loop3A_805 : vector<16xf32> to vector<1x16xf32>
        tpu.vector_store %arg14[%parallel_loop3A_806, %parallel_loop3A_807], %parallel_loop3A_810 {strides = array<i32>} : memref<16x768xf32, #tpu.memory_space<vmem>>, vector<1x16xf32>,
        %parallel_loop3A_811 = arith.index_cast %parallel_loop3A_180 : i32 to index
        %parallel_loop3A_812 = arith.constant 720 : index
        %parallel_loop3A_813 = tpu.vector_load %arg8[%parallel_loop3A_811, %parallel_loop3A_812] {strides = array<i32>} : memref<16x768xf32, #tpu.memory_space<vmem>>, vector<1x16xf32>,
        %parallel_loop3A_814 = vector.shape_cast %parallel_loop3A_813 : vector<1x16xf32> to vector<16xf32>
        %parallel_loop3A_815 = arith.index_cast %parallel_loop3A_180 : i32 to index
        %parallel_loop3A_816 = arith.constant 720 : index
        %parallel_loop3A_817 = tpu.vector_load %arg11[%parallel_loop3A_815, %parallel_loop3A_816] {strides = array<i32>} : memref<16x768xf32, #tpu.memory_space<vmem>>, vector<1x16xf32>,
        %parallel_loop3A_818 = vector.shape_cast %parallel_loop3A_817 : vector<1x16xf32> to vector<16xf32>
        %parallel_loop3A_819 = arith.addf %parallel_loop3A_814, %parallel_loop3A_818 : vector<16xf32>
        %parallel_loop3A_820 = arith.index_cast %parallel_loop3A_180 : i32 to index
        %parallel_loop3A_821 = arith.constant 720 : index
        %parallel_loop3A_822 = tpu.vector_load %arg14[%parallel_loop3A_820, %parallel_loop3A_821] {strides = array<i32>} : memref<16x768xf32, #tpu.memory_space<vmem>>, vector<1x16xf32>,
        %parallel_loop3A_823 = vector.shape_cast %parallel_loop3A_822 : vector<1x16xf32> to vector<16xf32>
        %parallel_loop3A_824 = vector.shape_cast %parallel_loop3A_819 : vector<16xf32> to vector<1x16xf32>
        tpu.vector_store %arg14[%parallel_loop3A_820, %parallel_loop3A_821], %parallel_loop3A_824 {strides = array<i32>} : memref<16x768xf32, #tpu.memory_space<vmem>>, vector<1x16xf32>,
        %parallel_loop3A_825 = arith.index_cast %parallel_loop3A_180 : i32 to index
        %parallel_loop3A_826 = arith.constant 736 : index
        %parallel_loop3A_827 = tpu.vector_load %arg8[%parallel_loop3A_825, %parallel_loop3A_826] {strides = array<i32>} : memref<16x768xf32, #tpu.memory_space<vmem>>, vector<1x16xf32>,
        %parallel_loop3A_828 = vector.shape_cast %parallel_loop3A_827 : vector<1x16xf32> to vector<16xf32>
        %parallel_loop3A_829 = arith.index_cast %parallel_loop3A_180 : i32 to index
        %parallel_loop3A_830 = arith.constant 736 : index
        %parallel_loop3A_831 = tpu.vector_load %arg11[%parallel_loop3A_829, %parallel_loop3A_830] {strides = array<i32>} : memref<16x768xf32, #tpu.memory_space<vmem>>, vector<1x16xf32>,
        %parallel_loop3A_832 = vector.shape_cast %parallel_loop3A_831 : vector<1x16xf32> to vector<16xf32>
        %parallel_loop3A_833 = arith.addf %parallel_loop3A_828, %parallel_loop3A_832 : vector<16xf32>
        %parallel_loop3A_834 = arith.index_cast %parallel_loop3A_180 : i32 to index
        %parallel_loop3A_835 = arith.constant 736 : index
        %parallel_loop3A_836 = tpu.vector_load %arg14[%parallel_loop3A_834, %parallel_loop3A_835] {strides = array<i32>} : memref<16x768xf32, #tpu.memory_space<vmem>>, vector<1x16xf32>,
        %parallel_loop3A_837 = vector.shape_cast %parallel_loop3A_836 : vector<1x16xf32> to vector<16xf32>
        %parallel_loop3A_838 = vector.shape_cast %parallel_loop3A_833 : vector<16xf32> to vector<1x16xf32>
        tpu.vector_store %arg14[%parallel_loop3A_834, %parallel_loop3A_835], %parallel_loop3A_838 {strides = array<i32>} : memref<16x768xf32, #tpu.memory_space<vmem>>, vector<1x16xf32>,
        %parallel_loop3A_839 = arith.index_cast %parallel_loop3A_180 : i32 to index
        %parallel_loop3A_840 = arith.constant 752 : index
        %parallel_loop3A_841 = tpu.vector_load %arg8[%parallel_loop3A_839, %parallel_loop3A_840] {strides = array<i32>} : memref<16x768xf32, #tpu.memory_space<vmem>>, vector<1x16xf32>,
        %parallel_loop3A_842 = vector.shape_cast %parallel_loop3A_841 : vector<1x16xf32> to vector<16xf32>
        %parallel_loop3A_843 = arith.index_cast %parallel_loop3A_180 : i32 to index
        %parallel_loop3A_844 = arith.constant 752 : index
        %parallel_loop3A_845 = tpu.vector_load %arg11[%parallel_loop3A_843, %parallel_loop3A_844] {strides = array<i32>} : memref<16x768xf32, #tpu.memory_space<vmem>>, vector<1x16xf32>,
        %parallel_loop3A_846 = vector.shape_cast %parallel_loop3A_845 : vector<1x16xf32> to vector<16xf32>
        %parallel_loop3A_847 = arith.addf %parallel_loop3A_842, %parallel_loop3A_846 : vector<16xf32>
        %parallel_loop3A_848 = arith.index_cast %parallel_loop3A_180 : i32 to index
        %parallel_loop3A_849 = arith.constant 752 : index
        %parallel_loop3A_850 = tpu.vector_load %arg14[%parallel_loop3A_848, %parallel_loop3A_849] {strides = array<i32>} : memref<16x768xf32, #tpu.memory_space<vmem>>, vector<1x16xf32>,
        %parallel_loop3A_851 = vector.shape_cast %parallel_loop3A_850 : vector<1x16xf32> to vector<16xf32>
        %parallel_loop3A_852 = vector.shape_cast %parallel_loop3A_847 : vector<16xf32> to vector<1x16xf32>
        tpu.vector_store %arg14[%parallel_loop3A_848, %parallel_loop3A_849], %parallel_loop3A_852 {strides = array<i32>} : memref<16x768xf32, #tpu.memory_space<vmem>>, vector<1x16xf32>,
      } {sc.loop_unroll_factor = 2 : i64, sc.parallel_access}
      %mul3A_128 = arith.constant 16 : i32
      %mul3A_129 = arith.muli %add3A_106, %mul3A_128 : i32
      %dma_start3A_130 = arith.constant 0 : i32
      %dma_start3A_131 = tpu.memref_slice %arg5[%add3A, %mul3A_129, %dma_start3A_130] : memref<32x576x768xf32, #tpu.memory_space<hbm>> -> memref<1x16x768xf32, #tpu.memory_space<hbm>>
      %dma_start3A_132 = tpu.memref_squeeze %dma_start3A_131 : memref<1x16x768xf32, #tpu.memory_space<hbm>> -> memref<16x768xf32, #tpu.memory_space<hbm>>
      %dma_start3A_133 = arith.constant 0 : i32
      %dma_start3A_134 = tpu.memref_slice %arg5[%add3A, %mul3A_129, %dma_start3A_133] : memref<32x576x768xf32, #tpu.memory_space<hbm>> -> memref<1x16x768xf32, #tpu.memory_space<hbm>>
      %dma_start3A_135 = tpu.memref_squeeze %dma_start3A_134 : memref<1x16x768xf32, #tpu.memory_space<hbm>> -> memref<16x768xf32, #tpu.memory_space<hbm>>
      tpu.enqueue_dma source(%arg14 : memref<16x768xf32, #tpu.memory_space<vmem>>) target(%dma_start3A_135 : memref<16x768xf32, #tpu.memory_space<hbm>>) target_semaphore(%arg23 : memref<!tpu.dma_semaphore, #tpu.memory_space<semaphore_mem>>)
      %lt3A_136 = arith.constant 11 : i32
      %lt3A_137 = arith.cmpi slt, %scan3A_68, %lt3A_136 : i32
      %convert_element_type3A_138 = arith.extui %lt3A_137 : i1 to i32
      %cond3A_139 = arith.constant 0 : i32
      %cond3A_140 = arith.cmpi ne, %convert_element_type3A_138, %cond3A_139 : i32
      scf.if %cond3A_140 {
        %add3A_180 = arith.constant 3 : i32
        %add3A_181 = arith.addi %add3A_106, %add3A_180 : i32
        %mul3A_182 = arith.constant 16 : i32
        %mul3A_183 = arith.muli %add3A_181, %mul3A_182 : i32
        %dma_start3A_184 = arith.constant 0 : i32
        %dma_start3A_185 = tpu.memref_slice %arg2[%add3A, %mul3A_183, %dma_start3A_184] : memref<32x576x768xf32, #tpu.memory_space<hbm>> -> memref<1x16x768xf32, #tpu.memory_space<hbm>>
        %dma_start3A_186 = tpu.memref_squeeze %dma_start3A_185 : memref<1x16x768xf32, #tpu.memory_space<hbm>> -> memref<16x768xf32, #tpu.memory_space<hbm>>
        %dma_start3A_187 = arith.constant 0 : i32
        %dma_start3A_188 = tpu.memref_slice %arg2[%add3A, %mul3A_183, %dma_start3A_187] : memref<32x576x768xf32, #tpu.memory_space<hbm>> -> memref<1x16x768xf32, #tpu.memory_space<hbm>>
        %dma_start3A_189 = tpu.memref_squeeze %dma_start3A_188 : memref<1x16x768xf32, #tpu.memory_space<hbm>> -> memref<16x768xf32, #tpu.memory_space<hbm>>
        tpu.enqueue_dma source(%dma_start3A_189 : memref<16x768xf32, #tpu.memory_space<hbm>>) target(%arg8 : memref<16x768xf32, #tpu.memory_space<vmem>>) target_semaphore(%arg17 : memref<!tpu.dma_semaphore, #tpu.memory_space<semaphore_mem>>)
        %mul3A_190 = arith.constant 16 : i32
        %mul3A_191 = arith.muli %add3A_181, %mul3A_190 : i32
        %dma_start3A_192 = tpu.memref_slice %arg6[%mul3A_191] : memref<576xi32, #tpu.memory_space<vmem>> -> memref<16xi32, #tpu.memory_space<vmem>>
        %dma_start3A_193 = arith.constant 0 : i32
        %dma_start3A_194 = arith.constant 0 : i32
        %dma_start3A_195 = tpu.memref_slice %arg4[%dma_start3A_193, %dma_start3A_194] : memref<10000x768xf32, #tpu.memory_space<hbm>> -> memref<10000x768xf32, #tpu.memory_space<hbm>>
        tpu.enqueue_indirect_dma source(%dma_start3A_195 : memref<10000x768xf32, #tpu.memory_space<hbm>>) target(%arg11 : memref<16x768xf32, #tpu.memory_space<vmem>>) offsets(%dma_start3A_192 : memref<16xi32, #tpu.memory_space<vmem>>) semaphore(%arg20 : memref<!tpu.dma_semaphore, #tpu.memory_space<semaphore_mem>>)
      } else {
      }
      %mul3A_141 = arith.constant 3 : i32
      %mul3A_142 = arith.muli %scan3A_68, %mul3A_141 : i32
      %add3A_143 = arith.constant 2 : i32
      %add3A_144 = arith.addi %mul3A_142, %add3A_143 : i32
      %dma_wait3A_145 = arith.constant 0 : i32
      %dma_wait3A_146 = arith.constant 0 : i32
      %dma_wait3A_147 = tpu.memref_slice %arg2[%add3A, %dma_wait3A_145, %dma_wait3A_146] : memref<32x576x768xf32, #tpu.memory_space<hbm>> -> memref<1x16x768xf32, #tpu.memory_space<hbm>>
      %dma_wait3A_148 = tpu.memref_squeeze %dma_wait3A_147 : memref<1x16x768xf32, #tpu.memory_space<hbm>> -> memref<16x768xf32, #tpu.memory_space<hbm>>
      %dma_wait3A_149 = arith.constant 0 : i32
      %dma_wait3A_150 = arith.constant 0 : i32
      %dma_wait3A_151 = tpu.memref_slice %arg2[%add3A, %dma_wait3A_149, %dma_wait3A_150] : memref<32x576x768xf32, #tpu.memory_space<hbm>> -> memref<1x16x768xf32, #tpu.memory_space<hbm>>
      %dma_wait3A_152 = tpu.memref_squeeze %dma_wait3A_151 : memref<1x16x768xf32, #tpu.memory_space<hbm>> -> memref<16x768xf32, #tpu.memory_space<hbm>>
      tpu.wait_dma2 semaphore(%arg18 : memref<!tpu.dma_semaphore, #tpu.memory_space<semaphore_mem>>) src(%dma_wait3A_152 : memref<16x768xf32, #tpu.memory_space<hbm>>) dst(%arg9 : memref<16x768xf32, #tpu.memory_space<vmem>>)
      %dma_wait3A_153 = arith.constant 0 : i32
      %dma_wait3A_154 = tpu.memref_slice %arg6[%dma_wait3A_153] : memref<576xi32, #tpu.memory_space<vmem>> -> memref<16xi32, #tpu.memory_space<vmem>>
      %dma_wait3A_155 = arith.constant 0 : i32
      %dma_wait3A_156 = arith.constant 0 : i32
      %dma_wait3A_157 = tpu.memref_slice %arg4[%dma_wait3A_155, %dma_wait3A_156] : memref<10000x768xf32, #tpu.memory_space<hbm>> -> memref<10000x768xf32, #tpu.memory_space<hbm>>
      tpu.wait_indirect_dma semaphore(%arg21 : memref<!tpu.dma_semaphore, #tpu.memory_space<semaphore_mem>>) src(%dma_wait3A_157 : memref<10000x768xf32, #tpu.memory_space<hbm>>) dst(%arg12 : memref<16x768xf32, #tpu.memory_space<vmem>>)
      %gt3A_158 = arith.constant 0 : i32
      %gt3A_159 = arith.cmpi sgt, %scan3A_68, %gt3A_158 : i32
      %convert_element_type3A_160 = arith.extui %gt3A_159 : i1 to i32
      %cond3A_161 = arith.constant 0 : i32
      %cond3A_162 = arith.cmpi ne, %convert_element_type3A_160, %cond3A_161 : i32
      scf.if %cond3A_162 {
        %dma_wait3A_180 = arith.constant 0 : i32
        %dma_wait3A_181 = arith.constant 0 : i32
        %dma_wait3A_182 = tpu.memref_slice %arg5[%add3A, %dma_wait3A_180, %dma_wait3A_181] : memref<32x576x768xf32, #tpu.memory_space<hbm>> -> memref<1x16x768xf32, #tpu.memory_space<hbm>>
        %dma_wait3A_183 = tpu.memref_squeeze %dma_wait3A_182 : memref<1x16x768xf32, #tpu.memory_space<hbm>> -> memref<16x768xf32, #tpu.memory_space<hbm>>
        %dma_wait3A_184 = arith.constant 0 : i32
        %dma_wait3A_185 = arith.constant 0 : i32
        %dma_wait3A_186 = tpu.memref_slice %arg5[%add3A, %dma_wait3A_184, %dma_wait3A_185] : memref<32x576x768xf32, #tpu.memory_space<hbm>> -> memref<1x16x768xf32, #tpu.memory_space<hbm>>
        %dma_wait3A_187 = tpu.memref_squeeze %dma_wait3A_186 : memref<1x16x768xf32, #tpu.memory_space<hbm>> -> memref<16x768xf32, #tpu.memory_space<hbm>>
        tpu.wait_dma2 semaphore(%arg24 : memref<!tpu.dma_semaphore, #tpu.memory_space<semaphore_mem>>) src(%arg15 : memref<16x768xf32, #tpu.memory_space<vmem>>) dst(%dma_wait3A_187 : memref<16x768xf32, #tpu.memory_space<hbm>>)
      } else {
      }
      %parallel_loop3A_163 = arith.constant 0 : i32
      %parallel_loop3A_164 = arith.constant 16 : i32
      %parallel_loop3A_165 = arith.constant 1 : i32
      scf.for %parallel_loop3A_180 = %parallel_loop3A_163 to %parallel_loop3A_164 step %parallel_loop3A_165  : i32 {
        %parallel_loop3A_181 = arith.index_cast %parallel_loop3A_180 : i32 to index
        %parallel_loop3A_182 = arith.constant 0 : index
        %parallel_loop3A_183 = tpu.vector_load %arg9[%parallel_loop3A_181, %parallel_loop3A_182] {strides = array<i32>} : memref<16x768xf32, #tpu.memory_space<vmem>>, vector<1x16xf32>,
        %parallel_loop3A_184 = vector.shape_cast %parallel_loop3A_183 : vector<1x16xf32> to vector<16xf32>
        %parallel_loop3A_185 = arith.index_cast %parallel_loop3A_180 : i32 to index
        %parallel_loop3A_186 = arith.constant 0 : index
        %parallel_loop3A_187 = tpu.vector_load %arg12[%parallel_loop3A_185, %parallel_loop3A_186] {strides = array<i32>} : memref<16x768xf32, #tpu.memory_space<vmem>>, vector<1x16xf32>,
        %parallel_loop3A_188 = vector.shape_cast %parallel_loop3A_187 : vector<1x16xf32> to vector<16xf32>
        %parallel_loop3A_189 = arith.addf %parallel_loop3A_184, %parallel_loop3A_188 : vector<16xf32>
        %parallel_loop3A_190 = arith.index_cast %parallel_loop3A_180 : i32 to index
        %parallel_loop3A_191 = arith.constant 0 : index
        %parallel_loop3A_192 = tpu.vector_load %arg15[%parallel_loop3A_190, %parallel_loop3A_191] {strides = array<i32>} : memref<16x768xf32, #tpu.memory_space<vmem>>, vector<1x16xf32>,
        %parallel_loop3A_193 = vector.shape_cast %parallel_loop3A_192 : vector<1x16xf32> to vector<16xf32>
        %parallel_loop3A_194 = vector.shape_cast %parallel_loop3A_189 : vector<16xf32> to vector<1x16xf32>
        tpu.vector_store %arg15[%parallel_loop3A_190, %parallel_loop3A_191], %parallel_loop3A_194 {strides = array<i32>} : memref<16x768xf32, #tpu.memory_space<vmem>>, vector<1x16xf32>,
        %parallel_loop3A_195 = arith.index_cast %parallel_loop3A_180 : i32 to index
        %parallel_loop3A_196 = arith.constant 16 : index
        %parallel_loop3A_197 = tpu.vector_load %arg9[%parallel_loop3A_195, %parallel_loop3A_196] {strides = array<i32>} : memref<16x768xf32, #tpu.memory_space<vmem>>, vector<1x16xf32>,
        %parallel_loop3A_198 = vector.shape_cast %parallel_loop3A_197 : vector<1x16xf32> to vector<16xf32>
        %parallel_loop3A_199 = arith.index_cast %parallel_loop3A_180 : i32 to index
        %parallel_loop3A_200 = arith.constant 16 : index
        %parallel_loop3A_201 = tpu.vector_load %arg12[%parallel_loop3A_199, %parallel_loop3A_200] {strides = array<i32>} : memref<16x768xf32, #tpu.memory_space<vmem>>, vector<1x16xf32>,
        %parallel_loop3A_202 = vector.shape_cast %parallel_loop3A_201 : vector<1x16xf32> to vector<16xf32>
        %parallel_loop3A_203 = arith.addf %parallel_loop3A_198, %parallel_loop3A_202 : vector<16xf32>
        %parallel_loop3A_204 = arith.index_cast %parallel_loop3A_180 : i32 to index
        %parallel_loop3A_205 = arith.constant 16 : index
        %parallel_loop3A_206 = tpu.vector_load %arg15[%parallel_loop3A_204, %parallel_loop3A_205] {strides = array<i32>} : memref<16x768xf32, #tpu.memory_space<vmem>>, vector<1x16xf32>,
        %parallel_loop3A_207 = vector.shape_cast %parallel_loop3A_206 : vector<1x16xf32> to vector<16xf32>
        %parallel_loop3A_208 = vector.shape_cast %parallel_loop3A_203 : vector<16xf32> to vector<1x16xf32>
        tpu.vector_store %arg15[%parallel_loop3A_204, %parallel_loop3A_205], %parallel_loop3A_208 {strides = array<i32>} : memref<16x768xf32, #tpu.memory_space<vmem>>, vector<1x16xf32>,
        %parallel_loop3A_209 = arith.index_cast %parallel_loop3A_180 : i32 to index
        %parallel_loop3A_210 = arith.constant 32 : index
        %parallel_loop3A_211 = tpu.vector_load %arg9[%parallel_loop3A_209, %parallel_loop3A_210] {strides = array<i32>} : memref<16x768xf32, #tpu.memory_space<vmem>>, vector<1x16xf32>,
        %parallel_loop3A_212 = vector.shape_cast %parallel_loop3A_211 : vector<1x16xf32> to vector<16xf32>
        %parallel_loop3A_213 = arith.index_cast %parallel_loop3A_180 : i32 to index
        %parallel_loop3A_214 = arith.constant 32 : index
        %parallel_loop3A_215 = tpu.vector_load %arg12[%parallel_loop3A_213, %parallel_loop3A_214] {strides = array<i32>} : memref<16x768xf32, #tpu.memory_space<vmem>>, vector<1x16xf32>,
        %parallel_loop3A_216 = vector.shape_cast %parallel_loop3A_215 : vector<1x16xf32> to vector<16xf32>
        %parallel_loop3A_217 = arith.addf %parallel_loop3A_212, %parallel_loop3A_216 : vector<16xf32>
        %parallel_loop3A_218 = arith.index_cast %parallel_loop3A_180 : i32 to index
        %parallel_loop3A_219 = arith.constant 32 : index
        %parallel_loop3A_220 = tpu.vector_load %arg15[%parallel_loop3A_218, %parallel_loop3A_219] {strides = array<i32>} : memref<16x768xf32, #tpu.memory_space<vmem>>, vector<1x16xf32>,
        %parallel_loop3A_221 = vector.shape_cast %parallel_loop3A_220 : vector<1x16xf32> to vector<16xf32>
        %parallel_loop3A_222 = vector.shape_cast %parallel_loop3A_217 : vector<16xf32> to vector<1x16xf32>
        tpu.vector_store %arg15[%parallel_loop3A_218, %parallel_loop3A_219], %parallel_loop3A_222 {strides = array<i32>} : memref<16x768xf32, #tpu.memory_space<vmem>>, vector<1x16xf32>,
        %parallel_loop3A_223 = arith.index_cast %parallel_loop3A_180 : i32 to index
        %parallel_loop3A_224 = arith.constant 48 : index
        %parallel_loop3A_225 = tpu.vector_load %arg9[%parallel_loop3A_223, %parallel_loop3A_224] {strides = array<i32>} : memref<16x768xf32, #tpu.memory_space<vmem>>, vector<1x16xf32>,
        %parallel_loop3A_226 = vector.shape_cast %parallel_loop3A_225 : vector<1x16xf32> to vector<16xf32>
        %parallel_loop3A_227 = arith.index_cast %parallel_loop3A_180 : i32 to index
        %parallel_loop3A_228 = arith.constant 48 : index
        %parallel_loop3A_229 = tpu.vector_load %arg12[%parallel_loop3A_227, %parallel_loop3A_228] {strides = array<i32>} : memref<16x768xf32, #tpu.memory_space<vmem>>, vector<1x16xf32>,
        %parallel_loop3A_230 = vector.shape_cast %parallel_loop3A_229 : vector<1x16xf32> to vector<16xf32>
        %parallel_loop3A_231 = arith.addf %parallel_loop3A_226, %parallel_loop3A_230 : vector<16xf32>
        %parallel_loop3A_232 = arith.index_cast %parallel_loop3A_180 : i32 to index
        %parallel_loop3A_233 = arith.constant 48 : index
        %parallel_loop3A_234 = tpu.vector_load %arg15[%parallel_loop3A_232, %parallel_loop3A_233] {strides = array<i32>} : memref<16x768xf32, #tpu.memory_space<vmem>>, vector<1x16xf32>,
        %parallel_loop3A_235 = vector.shape_cast %parallel_loop3A_234 : vector<1x16xf32> to vector<16xf32>
        %parallel_loop3A_236 = vector.shape_cast %parallel_loop3A_231 : vector<16xf32> to vector<1x16xf32>
        tpu.vector_store %arg15[%parallel_loop3A_232, %parallel_loop3A_233], %parallel_loop3A_236 {strides = array<i32>} : memref<16x768xf32, #tpu.memory_space<vmem>>, vector<1x16xf32>,
        %parallel_loop3A_237 = arith.index_cast %parallel_loop3A_180 : i32 to index
        %parallel_loop3A_238 = arith.constant 64 : index
        %parallel_loop3A_239 = tpu.vector_load %arg9[%parallel_loop3A_237, %parallel_loop3A_238] {strides = array<i32>} : memref<16x768xf32, #tpu.memory_space<vmem>>, vector<1x16xf32>,
        %parallel_loop3A_240 = vector.shape_cast %parallel_loop3A_239 : vector<1x16xf32> to vector<16xf32>
        %parallel_loop3A_241 = arith.index_cast %parallel_loop3A_180 : i32 to index
        %parallel_loop3A_242 = arith.constant 64 : index
        %parallel_loop3A_243 = tpu.vector_load %arg12[%parallel_loop3A_241, %parallel_loop3A_242] {strides = array<i32>} : memref<16x768xf32, #tpu.memory_space<vmem>>, vector<1x16xf32>,
        %parallel_loop3A_244 = vector.shape_cast %parallel_loop3A_243 : vector<1x16xf32> to vector<16xf32>
        %parallel_loop3A_245 = arith.addf %parallel_loop3A_240, %parallel_loop3A_244 : vector<16xf32>
        %parallel_loop3A_246 = arith.index_cast %parallel_loop3A_180 : i32 to index
        %parallel_loop3A_247 = arith.constant 64 : index
        %parallel_loop3A_248 = tpu.vector_load %arg15[%parallel_loop3A_246, %parallel_loop3A_247] {strides = array<i32>} : memref<16x768xf32, #tpu.memory_space<vmem>>, vector<1x16xf32>,
        %parallel_loop3A_249 = vector.shape_cast %parallel_loop3A_248 : vector<1x16xf32> to vector<16xf32>
        %parallel_loop3A_250 = vector.shape_cast %parallel_loop3A_245 : vector<16xf32> to vector<1x16xf32>
        tpu.vector_store %arg15[%parallel_loop3A_246, %parallel_loop3A_247], %parallel_loop3A_250 {strides = array<i32>} : memref<16x768xf32, #tpu.memory_space<vmem>>, vector<1x16xf32>,
        %parallel_loop3A_251 = arith.index_cast %parallel_loop3A_180 : i32 to index
        %parallel_loop3A_252 = arith.constant 80 : index
        %parallel_loop3A_253 = tpu.vector_load %arg9[%parallel_loop3A_251, %parallel_loop3A_252] {strides = array<i32>} : memref<16x768xf32, #tpu.memory_space<vmem>>, vector<1x16xf32>,
        %parallel_loop3A_254 = vector.shape_cast %parallel_loop3A_253 : vector<1x16xf32> to vector<16xf32>
        %parallel_loop3A_255 = arith.index_cast %parallel_loop3A_180 : i32 to index
        %parallel_loop3A_256 = arith.constant 80 : index
        %parallel_loop3A_257 = tpu.vector_load %arg12[%parallel_loop3A_255, %parallel_loop3A_256] {strides = array<i32>} : memref<16x768xf32, #tpu.memory_space<vmem>>, vector<1x16xf32>,
        %parallel_loop3A_258 = vector.shape_cast %parallel_loop3A_257 : vector<1x16xf32> to vector<16xf32>
        %parallel_loop3A_259 = arith.addf %parallel_loop3A_254, %parallel_loop3A_258 : vector<16xf32>
        %parallel_loop3A_260 = arith.index_cast %parallel_loop3A_180 : i32 to index
        %parallel_loop3A_261 = arith.constant 80 : index
        %parallel_loop3A_262 = tpu.vector_load %arg15[%parallel_loop3A_260, %parallel_loop3A_261] {strides = array<i32>} : memref<16x768xf32, #tpu.memory_space<vmem>>, vector<1x16xf32>,
        %parallel_loop3A_263 = vector.shape_cast %parallel_loop3A_262 : vector<1x16xf32> to vector<16xf32>
        %parallel_loop3A_264 = vector.shape_cast %parallel_loop3A_259 : vector<16xf32> to vector<1x16xf32>
        tpu.vector_store %arg15[%parallel_loop3A_260, %parallel_loop3A_261], %parallel_loop3A_264 {strides = array<i32>} : memref<16x768xf32, #tpu.memory_space<vmem>>, vector<1x16xf32>,
        %parallel_loop3A_265 = arith.index_cast %parallel_loop3A_180 : i32 to index
        %parallel_loop3A_266 = arith.constant 96 : index
        %parallel_loop3A_267 = tpu.vector_load %arg9[%parallel_loop3A_265, %parallel_loop3A_266] {strides = array<i32>} : memref<16x768xf32, #tpu.memory_space<vmem>>, vector<1x16xf32>,
        %parallel_loop3A_268 = vector.shape_cast %parallel_loop3A_267 : vector<1x16xf32> to vector<16xf32>
        %parallel_loop3A_269 = arith.index_cast %parallel_loop3A_180 : i32 to index
        %parallel_loop3A_270 = arith.constant 96 : index
        %parallel_loop3A_271 = tpu.vector_load %arg12[%parallel_loop3A_269, %parallel_loop3A_270] {strides = array<i32>} : memref<16x768xf32, #tpu.memory_space<vmem>>, vector<1x16xf32>,
        %parallel_loop3A_272 = vector.shape_cast %parallel_loop3A_271 : vector<1x16xf32> to vector<16xf32>
        %parallel_loop3A_273 = arith.addf %parallel_loop3A_268, %parallel_loop3A_272 : vector<16xf32>
        %parallel_loop3A_274 = arith.index_cast %parallel_loop3A_180 : i32 to index
        %parallel_loop3A_275 = arith.constant 96 : index
        %parallel_loop3A_276 = tpu.vector_load %arg15[%parallel_loop3A_274, %parallel_loop3A_275] {strides = array<i32>} : memref<16x768xf32, #tpu.memory_space<vmem>>, vector<1x16xf32>,
        %parallel_loop3A_277 = vector.shape_cast %parallel_loop3A_276 : vector<1x16xf32> to vector<16xf32>
        %parallel_loop3A_278 = vector.shape_cast %parallel_loop3A_273 : vector<16xf32> to vector<1x16xf32>
        tpu.vector_store %arg15[%parallel_loop3A_274, %parallel_loop3A_275], %parallel_loop3A_278 {strides = array<i32>} : memref<16x768xf32, #tpu.memory_space<vmem>>, vector<1x16xf32>,
        %parallel_loop3A_279 = arith.index_cast %parallel_loop3A_180 : i32 to index
        %parallel_loop3A_280 = arith.constant 112 : index
        %parallel_loop3A_281 = tpu.vector_load %arg9[%parallel_loop3A_279, %parallel_loop3A_280] {strides = array<i32>} : memref<16x768xf32, #tpu.memory_space<vmem>>, vector<1x16xf32>,
        %parallel_loop3A_282 = vector.shape_cast %parallel_loop3A_281 : vector<1x16xf32> to vector<16xf32>
        %parallel_loop3A_283 = arith.index_cast %parallel_loop3A_180 : i32 to index
        %parallel_loop3A_284 = arith.constant 112 : index
        %parallel_loop3A_285 = tpu.vector_load %arg12[%parallel_loop3A_283, %parallel_loop3A_284] {strides = array<i32>} : memref<16x768xf32, #tpu.memory_space<vmem>>, vector<1x16xf32>,
        %parallel_loop3A_286 = vector.shape_cast %parallel_loop3A_285 : vector<1x16xf32> to vector<16xf32>
        %parallel_loop3A_287 = arith.addf %parallel_loop3A_282, %parallel_loop3A_286 : vector<16xf32>
        %parallel_loop3A_288 = arith.index_cast %parallel_loop3A_180 : i32 to index
        %parallel_loop3A_289 = arith.constant 112 : index
        %parallel_loop3A_290 = tpu.vector_load %arg15[%parallel_loop3A_288, %parallel_loop3A_289] {strides = array<i32>} : memref<16x768xf32, #tpu.memory_space<vmem>>, vector<1x16xf32>,
        %parallel_loop3A_291 = vector.shape_cast %parallel_loop3A_290 : vector<1x16xf32> to vector<16xf32>
        %parallel_loop3A_292 = vector.shape_cast %parallel_loop3A_287 : vector<16xf32> to vector<1x16xf32>
        tpu.vector_store %arg15[%parallel_loop3A_288, %parallel_loop3A_289], %parallel_loop3A_292 {strides = array<i32>} : memref<16x768xf32, #tpu.memory_space<vmem>>, vector<1x16xf32>,
        %parallel_loop3A_293 = arith.index_cast %parallel_loop3A_180 : i32 to index
        %parallel_loop3A_294 = arith.constant 128 : index
        %parallel_loop3A_295 = tpu.vector_load %arg9[%parallel_loop3A_293, %parallel_loop3A_294] {strides = array<i32>} : memref<16x768xf32, #tpu.memory_space<vmem>>, vector<1x16xf32>,
        %parallel_loop3A_296 = vector.shape_cast %parallel_loop3A_295 : vector<1x16xf32> to vector<16xf32>
        %parallel_loop3A_297 = arith.index_cast %parallel_loop3A_180 : i32 to index
        %parallel_loop3A_298 = arith.constant 128 : index
        %parallel_loop3A_299 = tpu.vector_load %arg12[%parallel_loop3A_297, %parallel_loop3A_298] {strides = array<i32>} : memref<16x768xf32, #tpu.memory_space<vmem>>, vector<1x16xf32>,
        %parallel_loop3A_300 = vector.shape_cast %parallel_loop3A_299 : vector<1x16xf32> to vector<16xf32>
        %parallel_loop3A_301 = arith.addf %parallel_loop3A_296, %parallel_loop3A_300 : vector<16xf32>
        %parallel_loop3A_302 = arith.index_cast %parallel_loop3A_180 : i32 to index
        %parallel_loop3A_303 = arith.constant 128 : index
        %parallel_loop3A_304 = tpu.vector_load %arg15[%parallel_loop3A_302, %parallel_loop3A_303] {strides = array<i32>} : memref<16x768xf32, #tpu.memory_space<vmem>>, vector<1x16xf32>,
        %parallel_loop3A_305 = vector.shape_cast %parallel_loop3A_304 : vector<1x16xf32> to vector<16xf32>
        %parallel_loop3A_306 = vector.shape_cast %parallel_loop3A_301 : vector<16xf32> to vector<1x16xf32>
        tpu.vector_store %arg15[%parallel_loop3A_302, %parallel_loop3A_303], %parallel_loop3A_306 {strides = array<i32>} : memref<16x768xf32, #tpu.memory_space<vmem>>, vector<1x16xf32>,
        %parallel_loop3A_307 = arith.index_cast %parallel_loop3A_180 : i32 to index
        %parallel_loop3A_308 = arith.constant 144 : index
        %parallel_loop3A_309 = tpu.vector_load %arg9[%parallel_loop3A_307, %parallel_loop3A_308] {strides = array<i32>} : memref<16x768xf32, #tpu.memory_space<vmem>>, vector<1x16xf32>,
        %parallel_loop3A_310 = vector.shape_cast %parallel_loop3A_309 : vector<1x16xf32> to vector<16xf32>
        %parallel_loop3A_311 = arith.index_cast %parallel_loop3A_180 : i32 to index
        %parallel_loop3A_312 = arith.constant 144 : index
        %parallel_loop3A_313 = tpu.vector_load %arg12[%parallel_loop3A_311, %parallel_loop3A_312] {strides = array<i32>} : memref<16x768xf32, #tpu.memory_space<vmem>>, vector<1x16xf32>,
        %parallel_loop3A_314 = vector.shape_cast %parallel_loop3A_313 : vector<1x16xf32> to vector<16xf32>
        %parallel_loop3A_315 = arith.addf %parallel_loop3A_310, %parallel_loop3A_314 : vector<16xf32>
        %parallel_loop3A_316 = arith.index_cast %parallel_loop3A_180 : i32 to index
        %parallel_loop3A_317 = arith.constant 144 : index
        %parallel_loop3A_318 = tpu.vector_load %arg15[%parallel_loop3A_316, %parallel_loop3A_317] {strides = array<i32>} : memref<16x768xf32, #tpu.memory_space<vmem>>, vector<1x16xf32>,
        %parallel_loop3A_319 = vector.shape_cast %parallel_loop3A_318 : vector<1x16xf32> to vector<16xf32>
        %parallel_loop3A_320 = vector.shape_cast %parallel_loop3A_315 : vector<16xf32> to vector<1x16xf32>
        tpu.vector_store %arg15[%parallel_loop3A_316, %parallel_loop3A_317], %parallel_loop3A_320 {strides = array<i32>} : memref<16x768xf32, #tpu.memory_space<vmem>>, vector<1x16xf32>,
        %parallel_loop3A_321 = arith.index_cast %parallel_loop3A_180 : i32 to index
        %parallel_loop3A_322 = arith.constant 160 : index
        %parallel_loop3A_323 = tpu.vector_load %arg9[%parallel_loop3A_321, %parallel_loop3A_322] {strides = array<i32>} : memref<16x768xf32, #tpu.memory_space<vmem>>, vector<1x16xf32>,
        %parallel_loop3A_324 = vector.shape_cast %parallel_loop3A_323 : vector<1x16xf32> to vector<16xf32>
        %parallel_loop3A_325 = arith.index_cast %parallel_loop3A_180 : i32 to index
        %parallel_loop3A_326 = arith.constant 160 : index
        %parallel_loop3A_327 = tpu.vector_load %arg12[%parallel_loop3A_325, %parallel_loop3A_326] {strides = array<i32>} : memref<16x768xf32, #tpu.memory_space<vmem>>, vector<1x16xf32>,
        %parallel_loop3A_328 = vector.shape_cast %parallel_loop3A_327 : vector<1x16xf32> to vector<16xf32>
        %parallel_loop3A_329 = arith.addf %parallel_loop3A_324, %parallel_loop3A_328 : vector<16xf32>
        %parallel_loop3A_330 = arith.index_cast %parallel_loop3A_180 : i32 to index
        %parallel_loop3A_331 = arith.constant 160 : index
        %parallel_loop3A_332 = tpu.vector_load %arg15[%parallel_loop3A_330, %parallel_loop3A_331] {strides = array<i32>} : memref<16x768xf32, #tpu.memory_space<vmem>>, vector<1x16xf32>,
        %parallel_loop3A_333 = vector.shape_cast %parallel_loop3A_332 : vector<1x16xf32> to vector<16xf32>
        %parallel_loop3A_334 = vector.shape_cast %parallel_loop3A_329 : vector<16xf32> to vector<1x16xf32>
        tpu.vector_store %arg15[%parallel_loop3A_330, %parallel_loop3A_331], %parallel_loop3A_334 {strides = array<i32>} : memref<16x768xf32, #tpu.memory_space<vmem>>, vector<1x16xf32>,
        %parallel_loop3A_335 = arith.index_cast %parallel_loop3A_180 : i32 to index
        %parallel_loop3A_336 = arith.constant 176 : index
        %parallel_loop3A_337 = tpu.vector_load %arg9[%parallel_loop3A_335, %parallel_loop3A_336] {strides = array<i32>} : memref<16x768xf32, #tpu.memory_space<vmem>>, vector<1x16xf32>,
        %parallel_loop3A_338 = vector.shape_cast %parallel_loop3A_337 : vector<1x16xf32> to vector<16xf32>
        %parallel_loop3A_339 = arith.index_cast %parallel_loop3A_180 : i32 to index
        %parallel_loop3A_340 = arith.constant 176 : index
        %parallel_loop3A_341 = tpu.vector_load %arg12[%parallel_loop3A_339, %parallel_loop3A_340] {strides = array<i32>} : memref<16x768xf32, #tpu.memory_space<vmem>>, vector<1x16xf32>,
        %parallel_loop3A_342 = vector.shape_cast %parallel_loop3A_341 : vector<1x16xf32> to vector<16xf32>
        %parallel_loop3A_343 = arith.addf %parallel_loop3A_338, %parallel_loop3A_342 : vector<16xf32>
        %parallel_loop3A_344 = arith.index_cast %parallel_loop3A_180 : i32 to index
        %parallel_loop3A_345 = arith.constant 176 : index
        %parallel_loop3A_346 = tpu.vector_load %arg15[%parallel_loop3A_344, %parallel_loop3A_345] {strides = array<i32>} : memref<16x768xf32, #tpu.memory_space<vmem>>, vector<1x16xf32>,
        %parallel_loop3A_347 = vector.shape_cast %parallel_loop3A_346 : vector<1x16xf32> to vector<16xf32>
        %parallel_loop3A_348 = vector.shape_cast %parallel_loop3A_343 : vector<16xf32> to vector<1x16xf32>
        tpu.vector_store %arg15[%parallel_loop3A_344, %parallel_loop3A_345], %parallel_loop3A_348 {strides = array<i32>} : memref<16x768xf32, #tpu.memory_space<vmem>>, vector<1x16xf32>,
        %parallel_loop3A_349 = arith.index_cast %parallel_loop3A_180 : i32 to index
        %parallel_loop3A_350 = arith.constant 192 : index
        %parallel_loop3A_351 = tpu.vector_load %arg9[%parallel_loop3A_349, %parallel_loop3A_350] {strides = array<i32>} : memref<16x768xf32, #tpu.memory_space<vmem>>, vector<1x16xf32>,
        %parallel_loop3A_352 = vector.shape_cast %parallel_loop3A_351 : vector<1x16xf32> to vector<16xf32>
        %parallel_loop3A_353 = arith.index_cast %parallel_loop3A_180 : i32 to index
        %parallel_loop3A_354 = arith.constant 192 : index
        %parallel_loop3A_355 = tpu.vector_load %arg12[%parallel_loop3A_353, %parallel_loop3A_354] {strides = array<i32>} : memref<16x768xf32, #tpu.memory_space<vmem>>, vector<1x16xf32>,
        %parallel_loop3A_356 = vector.shape_cast %parallel_loop3A_355 : vector<1x16xf32> to vector<16xf32>
        %parallel_loop3A_357 = arith.addf %parallel_loop3A_352, %parallel_loop3A_356 : vector<16xf32>
        %parallel_loop3A_358 = arith.index_cast %parallel_loop3A_180 : i32 to index
        %parallel_loop3A_359 = arith.constant 192 : index
        %parallel_loop3A_360 = tpu.vector_load %arg15[%parallel_loop3A_358, %parallel_loop3A_359] {strides = array<i32>} : memref<16x768xf32, #tpu.memory_space<vmem>>, vector<1x16xf32>,
        %parallel_loop3A_361 = vector.shape_cast %parallel_loop3A_360 : vector<1x16xf32> to vector<16xf32>
        %parallel_loop3A_362 = vector.shape_cast %parallel_loop3A_357 : vector<16xf32> to vector<1x16xf32>
        tpu.vector_store %arg15[%parallel_loop3A_358, %parallel_loop3A_359], %parallel_loop3A_362 {strides = array<i32>} : memref<16x768xf32, #tpu.memory_space<vmem>>, vector<1x16xf32>,
        %parallel_loop3A_363 = arith.index_cast %parallel_loop3A_180 : i32 to index
        %parallel_loop3A_364 = arith.constant 208 : index
        %parallel_loop3A_365 = tpu.vector_load %arg9[%parallel_loop3A_363, %parallel_loop3A_364] {strides = array<i32>} : memref<16x768xf32, #tpu.memory_space<vmem>>, vector<1x16xf32>,
        %parallel_loop3A_366 = vector.shape_cast %parallel_loop3A_365 : vector<1x16xf32> to vector<16xf32>
        %parallel_loop3A_367 = arith.index_cast %parallel_loop3A_180 : i32 to index
        %parallel_loop3A_368 = arith.constant 208 : index
        %parallel_loop3A_369 = tpu.vector_load %arg12[%parallel_loop3A_367, %parallel_loop3A_368] {strides = array<i32>} : memref<16x768xf32, #tpu.memory_space<vmem>>, vector<1x16xf32>,
        %parallel_loop3A_370 = vector.shape_cast %parallel_loop3A_369 : vector<1x16xf32> to vector<16xf32>
        %parallel_loop3A_371 = arith.addf %parallel_loop3A_366, %parallel_loop3A_370 : vector<16xf32>
        %parallel_loop3A_372 = arith.index_cast %parallel_loop3A_180 : i32 to index
        %parallel_loop3A_373 = arith.constant 208 : index
        %parallel_loop3A_374 = tpu.vector_load %arg15[%parallel_loop3A_372, %parallel_loop3A_373] {strides = array<i32>} : memref<16x768xf32, #tpu.memory_space<vmem>>, vector<1x16xf32>,
        %parallel_loop3A_375 = vector.shape_cast %parallel_loop3A_374 : vector<1x16xf32> to vector<16xf32>
        %parallel_loop3A_376 = vector.shape_cast %parallel_loop3A_371 : vector<16xf32> to vector<1x16xf32>
        tpu.vector_store %arg15[%parallel_loop3A_372, %parallel_loop3A_373], %parallel_loop3A_376 {strides = array<i32>} : memref<16x768xf32, #tpu.memory_space<vmem>>, vector<1x16xf32>,
        %parallel_loop3A_377 = arith.index_cast %parallel_loop3A_180 : i32 to index
        %parallel_loop3A_378 = arith.constant 224 : index
        %parallel_loop3A_379 = tpu.vector_load %arg9[%parallel_loop3A_377, %parallel_loop3A_378] {strides = array<i32>} : memref<16x768xf32, #tpu.memory_space<vmem>>, vector<1x16xf32>,
        %parallel_loop3A_380 = vector.shape_cast %parallel_loop3A_379 : vector<1x16xf32> to vector<16xf32>
        %parallel_loop3A_381 = arith.index_cast %parallel_loop3A_180 : i32 to index
        %parallel_loop3A_382 = arith.constant 224 : index
        %parallel_loop3A_383 = tpu.vector_load %arg12[%parallel_loop3A_381, %parallel_loop3A_382] {strides = array<i32>} : memref<16x768xf32, #tpu.memory_space<vmem>>, vector<1x16xf32>,
        %parallel_loop3A_384 = vector.shape_cast %parallel_loop3A_383 : vector<1x16xf32> to vector<16xf32>
        %parallel_loop3A_385 = arith.addf %parallel_loop3A_380, %parallel_loop3A_384 : vector<16xf32>
        %parallel_loop3A_386 = arith.index_cast %parallel_loop3A_180 : i32 to index
        %parallel_loop3A_387 = arith.constant 224 : index
        %parallel_loop3A_388 = tpu.vector_load %arg15[%parallel_loop3A_386, %parallel_loop3A_387] {strides = array<i32>} : memref<16x768xf32, #tpu.memory_space<vmem>>, vector<1x16xf32>,
        %parallel_loop3A_389 = vector.shape_cast %parallel_loop3A_388 : vector<1x16xf32> to vector<16xf32>
        %parallel_loop3A_390 = vector.shape_cast %parallel_loop3A_385 : vector<16xf32> to vector<1x16xf32>
        tpu.vector_store %arg15[%parallel_loop3A_386, %parallel_loop3A_387], %parallel_loop3A_390 {strides = array<i32>} : memref<16x768xf32, #tpu.memory_space<vmem>>, vector<1x16xf32>,
        %parallel_loop3A_391 = arith.index_cast %parallel_loop3A_180 : i32 to index
        %parallel_loop3A_392 = arith.constant 240 : index
        %parallel_loop3A_393 = tpu.vector_load %arg9[%parallel_loop3A_391, %parallel_loop3A_392] {strides = array<i32>} : memref<16x768xf32, #tpu.memory_space<vmem>>, vector<1x16xf32>,
        %parallel_loop3A_394 = vector.shape_cast %parallel_loop3A_393 : vector<1x16xf32> to vector<16xf32>
        %parallel_loop3A_395 = arith.index_cast %parallel_loop3A_180 : i32 to index
        %parallel_loop3A_396 = arith.constant 240 : index
        %parallel_loop3A_397 = tpu.vector_load %arg12[%parallel_loop3A_395, %parallel_loop3A_396] {strides = array<i32>} : memref<16x768xf32, #tpu.memory_space<vmem>>, vector<1x16xf32>,
        %parallel_loop3A_398 = vector.shape_cast %parallel_loop3A_397 : vector<1x16xf32> to vector<16xf32>
        %parallel_loop3A_399 = arith.addf %parallel_loop3A_394, %parallel_loop3A_398 : vector<16xf32>
        %parallel_loop3A_400 = arith.index_cast %parallel_loop3A_180 : i32 to index
        %parallel_loop3A_401 = arith.constant 240 : index
        %parallel_loop3A_402 = tpu.vector_load %arg15[%parallel_loop3A_400, %parallel_loop3A_401] {strides = array<i32>} : memref<16x768xf32, #tpu.memory_space<vmem>>, vector<1x16xf32>,
        %parallel_loop3A_403 = vector.shape_cast %parallel_loop3A_402 : vector<1x16xf32> to vector<16xf32>
        %parallel_loop3A_404 = vector.shape_cast %parallel_loop3A_399 : vector<16xf32> to vector<1x16xf32>
        tpu.vector_store %arg15[%parallel_loop3A_400, %parallel_loop3A_401], %parallel_loop3A_404 {strides = array<i32>} : memref<16x768xf32, #tpu.memory_space<vmem>>, vector<1x16xf32>,
        %parallel_loop3A_405 = arith.index_cast %parallel_loop3A_180 : i32 to index
        %parallel_loop3A_406 = arith.constant 256 : index
        %parallel_loop3A_407 = tpu.vector_load %arg9[%parallel_loop3A_405, %parallel_loop3A_406] {strides = array<i32>} : memref<16x768xf32, #tpu.memory_space<vmem>>, vector<1x16xf32>,
        %parallel_loop3A_408 = vector.shape_cast %parallel_loop3A_407 : vector<1x16xf32> to vector<16xf32>
        %parallel_loop3A_409 = arith.index_cast %parallel_loop3A_180 : i32 to index
        %parallel_loop3A_410 = arith.constant 256 : index
        %parallel_loop3A_411 = tpu.vector_load %arg12[%parallel_loop3A_409, %parallel_loop3A_410] {strides = array<i32>} : memref<16x768xf32, #tpu.memory_space<vmem>>, vector<1x16xf32>,
        %parallel_loop3A_412 = vector.shape_cast %parallel_loop3A_411 : vector<1x16xf32> to vector<16xf32>
        %parallel_loop3A_413 = arith.addf %parallel_loop3A_408, %parallel_loop3A_412 : vector<16xf32>
        %parallel_loop3A_414 = arith.index_cast %parallel_loop3A_180 : i32 to index
        %parallel_loop3A_415 = arith.constant 256 : index
        %parallel_loop3A_416 = tpu.vector_load %arg15[%parallel_loop3A_414, %parallel_loop3A_415] {strides = array<i32>} : memref<16x768xf32, #tpu.memory_space<vmem>>, vector<1x16xf32>,
        %parallel_loop3A_417 = vector.shape_cast %parallel_loop3A_416 : vector<1x16xf32> to vector<16xf32>
        %parallel_loop3A_418 = vector.shape_cast %parallel_loop3A_413 : vector<16xf32> to vector<1x16xf32>
        tpu.vector_store %arg15[%parallel_loop3A_414, %parallel_loop3A_415], %parallel_loop3A_418 {strides = array<i32>} : memref<16x768xf32, #tpu.memory_space<vmem>>, vector<1x16xf32>,
        %parallel_loop3A_419 = arith.index_cast %parallel_loop3A_180 : i32 to index
        %parallel_loop3A_420 = arith.constant 272 : index
        %parallel_loop3A_421 = tpu.vector_load %arg9[%parallel_loop3A_419, %parallel_loop3A_420] {strides = array<i32>} : memref<16x768xf32, #tpu.memory_space<vmem>>, vector<1x16xf32>,
        %parallel_loop3A_422 = vector.shape_cast %parallel_loop3A_421 : vector<1x16xf32> to vector<16xf32>
        %parallel_loop3A_423 = arith.index_cast %parallel_loop3A_180 : i32 to index
        %parallel_loop3A_424 = arith.constant 272 : index
        %parallel_loop3A_425 = tpu.vector_load %arg12[%parallel_loop3A_423, %parallel_loop3A_424] {strides = array<i32>} : memref<16x768xf32, #tpu.memory_space<vmem>>, vector<1x16xf32>,
        %parallel_loop3A_426 = vector.shape_cast %parallel_loop3A_425 : vector<1x16xf32> to vector<16xf32>
        %parallel_loop3A_427 = arith.addf %parallel_loop3A_422, %parallel_loop3A_426 : vector<16xf32>
        %parallel_loop3A_428 = arith.index_cast %parallel_loop3A_180 : i32 to index
        %parallel_loop3A_429 = arith.constant 272 : index
        %parallel_loop3A_430 = tpu.vector_load %arg15[%parallel_loop3A_428, %parallel_loop3A_429] {strides = array<i32>} : memref<16x768xf32, #tpu.memory_space<vmem>>, vector<1x16xf32>,
        %parallel_loop3A_431 = vector.shape_cast %parallel_loop3A_430 : vector<1x16xf32> to vector<16xf32>
        %parallel_loop3A_432 = vector.shape_cast %parallel_loop3A_427 : vector<16xf32> to vector<1x16xf32>
        tpu.vector_store %arg15[%parallel_loop3A_428, %parallel_loop3A_429], %parallel_loop3A_432 {strides = array<i32>} : memref<16x768xf32, #tpu.memory_space<vmem>>, vector<1x16xf32>,
        %parallel_loop3A_433 = arith.index_cast %parallel_loop3A_180 : i32 to index
        %parallel_loop3A_434 = arith.constant 288 : index
        %parallel_loop3A_435 = tpu.vector_load %arg9[%parallel_loop3A_433, %parallel_loop3A_434] {strides = array<i32>} : memref<16x768xf32, #tpu.memory_space<vmem>>, vector<1x16xf32>,
        %parallel_loop3A_436 = vector.shape_cast %parallel_loop3A_435 : vector<1x16xf32> to vector<16xf32>
        %parallel_loop3A_437 = arith.index_cast %parallel_loop3A_180 : i32 to index
        %parallel_loop3A_438 = arith.constant 288 : index
        %parallel_loop3A_439 = tpu.vector_load %arg12[%parallel_loop3A_437, %parallel_loop3A_438] {strides = array<i32>} : memref<16x768xf32, #tpu.memory_space<vmem>>, vector<1x16xf32>,
        %parallel_loop3A_440 = vector.shape_cast %parallel_loop3A_439 : vector<1x16xf32> to vector<16xf32>
        %parallel_loop3A_441 = arith.addf %parallel_loop3A_436, %parallel_loop3A_440 : vector<16xf32>
        %parallel_loop3A_442 = arith.index_cast %parallel_loop3A_180 : i32 to index
        %parallel_loop3A_443 = arith.constant 288 : index
        %parallel_loop3A_444 = tpu.vector_load %arg15[%parallel_loop3A_442, %parallel_loop3A_443] {strides = array<i32>} : memref<16x768xf32, #tpu.memory_space<vmem>>, vector<1x16xf32>,
        %parallel_loop3A_445 = vector.shape_cast %parallel_loop3A_444 : vector<1x16xf32> to vector<16xf32>
        %parallel_loop3A_446 = vector.shape_cast %parallel_loop3A_441 : vector<16xf32> to vector<1x16xf32>
        tpu.vector_store %arg15[%parallel_loop3A_442, %parallel_loop3A_443], %parallel_loop3A_446 {strides = array<i32>} : memref<16x768xf32, #tpu.memory_space<vmem>>, vector<1x16xf32>,
        %parallel_loop3A_447 = arith.index_cast %parallel_loop3A_180 : i32 to index
        %parallel_loop3A_448 = arith.constant 304 : index
        %parallel_loop3A_449 = tpu.vector_load %arg9[%parallel_loop3A_447, %parallel_loop3A_448] {strides = array<i32>} : memref<16x768xf32, #tpu.memory_space<vmem>>, vector<1x16xf32>,
        %parallel_loop3A_450 = vector.shape_cast %parallel_loop3A_449 : vector<1x16xf32> to vector<16xf32>
        %parallel_loop3A_451 = arith.index_cast %parallel_loop3A_180 : i32 to index
        %parallel_loop3A_452 = arith.constant 304 : index
        %parallel_loop3A_453 = tpu.vector_load %arg12[%parallel_loop3A_451, %parallel_loop3A_452] {strides = array<i32>} : memref<16x768xf32, #tpu.memory_space<vmem>>, vector<1x16xf32>,
        %parallel_loop3A_454 = vector.shape_cast %parallel_loop3A_453 : vector<1x16xf32> to vector<16xf32>
        %parallel_loop3A_455 = arith.addf %parallel_loop3A_450, %parallel_loop3A_454 : vector<16xf32>
        %parallel_loop3A_456 = arith.index_cast %parallel_loop3A_180 : i32 to index
        %parallel_loop3A_457 = arith.constant 304 : index
        %parallel_loop3A_458 = tpu.vector_load %arg15[%parallel_loop3A_456, %parallel_loop3A_457] {strides = array<i32>} : memref<16x768xf32, #tpu.memory_space<vmem>>, vector<1x16xf32>,
        %parallel_loop3A_459 = vector.shape_cast %parallel_loop3A_458 : vector<1x16xf32> to vector<16xf32>
        %parallel_loop3A_460 = vector.shape_cast %parallel_loop3A_455 : vector<16xf32> to vector<1x16xf32>
        tpu.vector_store %arg15[%parallel_loop3A_456, %parallel_loop3A_457], %parallel_loop3A_460 {strides = array<i32>} : memref<16x768xf32, #tpu.memory_space<vmem>>, vector<1x16xf32>,
        %parallel_loop3A_461 = arith.index_cast %parallel_loop3A_180 : i32 to index
        %parallel_loop3A_462 = arith.constant 320 : index
        %parallel_loop3A_463 = tpu.vector_load %arg9[%parallel_loop3A_461, %parallel_loop3A_462] {strides = array<i32>} : memref<16x768xf32, #tpu.memory_space<vmem>>, vector<1x16xf32>,
        %parallel_loop3A_464 = vector.shape_cast %parallel_loop3A_463 : vector<1x16xf32> to vector<16xf32>
        %parallel_loop3A_465 = arith.index_cast %parallel_loop3A_180 : i32 to index
        %parallel_loop3A_466 = arith.constant 320 : index
        %parallel_loop3A_467 = tpu.vector_load %arg12[%parallel_loop3A_465, %parallel_loop3A_466] {strides = array<i32>} : memref<16x768xf32, #tpu.memory_space<vmem>>, vector<1x16xf32>,
        %parallel_loop3A_468 = vector.shape_cast %parallel_loop3A_467 : vector<1x16xf32> to vector<16xf32>
        %parallel_loop3A_469 = arith.addf %parallel_loop3A_464, %parallel_loop3A_468 : vector<16xf32>
        %parallel_loop3A_470 = arith.index_cast %parallel_loop3A_180 : i32 to index
        %parallel_loop3A_471 = arith.constant 320 : index
        %parallel_loop3A_472 = tpu.vector_load %arg15[%parallel_loop3A_470, %parallel_loop3A_471] {strides = array<i32>} : memref<16x768xf32, #tpu.memory_space<vmem>>, vector<1x16xf32>,
        %parallel_loop3A_473 = vector.shape_cast %parallel_loop3A_472 : vector<1x16xf32> to vector<16xf32>
        %parallel_loop3A_474 = vector.shape_cast %parallel_loop3A_469 : vector<16xf32> to vector<1x16xf32>
        tpu.vector_store %arg15[%parallel_loop3A_470, %parallel_loop3A_471], %parallel_loop3A_474 {strides = array<i32>} : memref<16x768xf32, #tpu.memory_space<vmem>>, vector<1x16xf32>,
        %parallel_loop3A_475 = arith.index_cast %parallel_loop3A_180 : i32 to index
        %parallel_loop3A_476 = arith.constant 336 : index
        %parallel_loop3A_477 = tpu.vector_load %arg9[%parallel_loop3A_475, %parallel_loop3A_476] {strides = array<i32>} : memref<16x768xf32, #tpu.memory_space<vmem>>, vector<1x16xf32>,
        %parallel_loop3A_478 = vector.shape_cast %parallel_loop3A_477 : vector<1x16xf32> to vector<16xf32>
        %parallel_loop3A_479 = arith.index_cast %parallel_loop3A_180 : i32 to index
        %parallel_loop3A_480 = arith.constant 336 : index
        %parallel_loop3A_481 = tpu.vector_load %arg12[%parallel_loop3A_479, %parallel_loop3A_480] {strides = array<i32>} : memref<16x768xf32, #tpu.memory_space<vmem>>, vector<1x16xf32>,
        %parallel_loop3A_482 = vector.shape_cast %parallel_loop3A_481 : vector<1x16xf32> to vector<16xf32>
        %parallel_loop3A_483 = arith.addf %parallel_loop3A_478, %parallel_loop3A_482 : vector<16xf32>
        %parallel_loop3A_484 = arith.index_cast %parallel_loop3A_180 : i32 to index
        %parallel_loop3A_485 = arith.constant 336 : index
        %parallel_loop3A_486 = tpu.vector_load %arg15[%parallel_loop3A_484, %parallel_loop3A_485] {strides = array<i32>} : memref<16x768xf32, #tpu.memory_space<vmem>>, vector<1x16xf32>,
        %parallel_loop3A_487 = vector.shape_cast %parallel_loop3A_486 : vector<1x16xf32> to vector<16xf32>
        %parallel_loop3A_488 = vector.shape_cast %parallel_loop3A_483 : vector<16xf32> to vector<1x16xf32>
        tpu.vector_store %arg15[%parallel_loop3A_484, %parallel_loop3A_485], %parallel_loop3A_488 {strides = array<i32>} : memref<16x768xf32, #tpu.memory_space<vmem>>, vector<1x16xf32>,
        %parallel_loop3A_489 = arith.index_cast %parallel_loop3A_180 : i32 to index
        %parallel_loop3A_490 = arith.constant 352 : index
        %parallel_loop3A_491 = tpu.vector_load %arg9[%parallel_loop3A_489, %parallel_loop3A_490] {strides = array<i32>} : memref<16x768xf32, #tpu.memory_space<vmem>>, vector<1x16xf32>,
        %parallel_loop3A_492 = vector.shape_cast %parallel_loop3A_491 : vector<1x16xf32> to vector<16xf32>
        %parallel_loop3A_493 = arith.index_cast %parallel_loop3A_180 : i32 to index
        %parallel_loop3A_494 = arith.constant 352 : index
        %parallel_loop3A_495 = tpu.vector_load %arg12[%parallel_loop3A_493, %parallel_loop3A_494] {strides = array<i32>} : memref<16x768xf32, #tpu.memory_space<vmem>>, vector<1x16xf32>,
        %parallel_loop3A_496 = vector.shape_cast %parallel_loop3A_495 : vector<1x16xf32> to vector<16xf32>
        %parallel_loop3A_497 = arith.addf %parallel_loop3A_492, %parallel_loop3A_496 : vector<16xf32>
        %parallel_loop3A_498 = arith.index_cast %parallel_loop3A_180 : i32 to index
        %parallel_loop3A_499 = arith.constant 352 : index
        %parallel_loop3A_500 = tpu.vector_load %arg15[%parallel_loop3A_498, %parallel_loop3A_499] {strides = array<i32>} : memref<16x768xf32, #tpu.memory_space<vmem>>, vector<1x16xf32>,
        %parallel_loop3A_501 = vector.shape_cast %parallel_loop3A_500 : vector<1x16xf32> to vector<16xf32>
        %parallel_loop3A_502 = vector.shape_cast %parallel_loop3A_497 : vector<16xf32> to vector<1x16xf32>
        tpu.vector_store %arg15[%parallel_loop3A_498, %parallel_loop3A_499], %parallel_loop3A_502 {strides = array<i32>} : memref<16x768xf32, #tpu.memory_space<vmem>>, vector<1x16xf32>,
        %parallel_loop3A_503 = arith.index_cast %parallel_loop3A_180 : i32 to index
        %parallel_loop3A_504 = arith.constant 368 : index
        %parallel_loop3A_505 = tpu.vector_load %arg9[%parallel_loop3A_503, %parallel_loop3A_504] {strides = array<i32>} : memref<16x768xf32, #tpu.memory_space<vmem>>, vector<1x16xf32>,
        %parallel_loop3A_506 = vector.shape_cast %parallel_loop3A_505 : vector<1x16xf32> to vector<16xf32>
        %parallel_loop3A_507 = arith.index_cast %parallel_loop3A_180 : i32 to index
        %parallel_loop3A_508 = arith.constant 368 : index
        %parallel_loop3A_509 = tpu.vector_load %arg12[%parallel_loop3A_507, %parallel_loop3A_508] {strides = array<i32>} : memref<16x768xf32, #tpu.memory_space<vmem>>, vector<1x16xf32>,
        %parallel_loop3A_510 = vector.shape_cast %parallel_loop3A_509 : vector<1x16xf32> to vector<16xf32>
        %parallel_loop3A_511 = arith.addf %parallel_loop3A_506, %parallel_loop3A_510 : vector<16xf32>
        %parallel_loop3A_512 = arith.index_cast %parallel_loop3A_180 : i32 to index
        %parallel_loop3A_513 = arith.constant 368 : index
        %parallel_loop3A_514 = tpu.vector_load %arg15[%parallel_loop3A_512, %parallel_loop3A_513] {strides = array<i32>} : memref<16x768xf32, #tpu.memory_space<vmem>>, vector<1x16xf32>,
        %parallel_loop3A_515 = vector.shape_cast %parallel_loop3A_514 : vector<1x16xf32> to vector<16xf32>
        %parallel_loop3A_516 = vector.shape_cast %parallel_loop3A_511 : vector<16xf32> to vector<1x16xf32>
        tpu.vector_store %arg15[%parallel_loop3A_512, %parallel_loop3A_513], %parallel_loop3A_516 {strides = array<i32>} : memref<16x768xf32, #tpu.memory_space<vmem>>, vector<1x16xf32>,
        %parallel_loop3A_517 = arith.index_cast %parallel_loop3A_180 : i32 to index
        %parallel_loop3A_518 = arith.constant 384 : index
        %parallel_loop3A_519 = tpu.vector_load %arg9[%parallel_loop3A_517, %parallel_loop3A_518] {strides = array<i32>} : memref<16x768xf32, #tpu.memory_space<vmem>>, vector<1x16xf32>,
        %parallel_loop3A_520 = vector.shape_cast %parallel_loop3A_519 : vector<1x16xf32> to vector<16xf32>
        %parallel_loop3A_521 = arith.index_cast %parallel_loop3A_180 : i32 to index
        %parallel_loop3A_522 = arith.constant 384 : index
        %parallel_loop3A_523 = tpu.vector_load %arg12[%parallel_loop3A_521, %parallel_loop3A_522] {strides = array<i32>} : memref<16x768xf32, #tpu.memory_space<vmem>>, vector<1x16xf32>,
        %parallel_loop3A_524 = vector.shape_cast %parallel_loop3A_523 : vector<1x16xf32> to vector<16xf32>
        %parallel_loop3A_525 = arith.addf %parallel_loop3A_520, %parallel_loop3A_524 : vector<16xf32>
        %parallel_loop3A_526 = arith.index_cast %parallel_loop3A_180 : i32 to index
        %parallel_loop3A_527 = arith.constant 384 : index
        %parallel_loop3A_528 = tpu.vector_load %arg15[%parallel_loop3A_526, %parallel_loop3A_527] {strides = array<i32>} : memref<16x768xf32, #tpu.memory_space<vmem>>, vector<1x16xf32>,
        %parallel_loop3A_529 = vector.shape_cast %parallel_loop3A_528 : vector<1x16xf32> to vector<16xf32>
        %parallel_loop3A_530 = vector.shape_cast %parallel_loop3A_525 : vector<16xf32> to vector<1x16xf32>
        tpu.vector_store %arg15[%parallel_loop3A_526, %parallel_loop3A_527], %parallel_loop3A_530 {strides = array<i32>} : memref<16x768xf32, #tpu.memory_space<vmem>>, vector<1x16xf32>,
        %parallel_loop3A_531 = arith.index_cast %parallel_loop3A_180 : i32 to index
        %parallel_loop3A_532 = arith.constant 400 : index
        %parallel_loop3A_533 = tpu.vector_load %arg9[%parallel_loop3A_531, %parallel_loop3A_532] {strides = array<i32>} : memref<16x768xf32, #tpu.memory_space<vmem>>, vector<1x16xf32>,
        %parallel_loop3A_534 = vector.shape_cast %parallel_loop3A_533 : vector<1x16xf32> to vector<16xf32>
        %parallel_loop3A_535 = arith.index_cast %parallel_loop3A_180 : i32 to index
        %parallel_loop3A_536 = arith.constant 400 : index
        %parallel_loop3A_537 = tpu.vector_load %arg12[%parallel_loop3A_535, %parallel_loop3A_536] {strides = array<i32>} : memref<16x768xf32, #tpu.memory_space<vmem>>, vector<1x16xf32>,
        %parallel_loop3A_538 = vector.shape_cast %parallel_loop3A_537 : vector<1x16xf32> to vector<16xf32>
        %parallel_loop3A_539 = arith.addf %parallel_loop3A_534, %parallel_loop3A_538 : vector<16xf32>
        %parallel_loop3A_540 = arith.index_cast %parallel_loop3A_180 : i32 to index
        %parallel_loop3A_541 = arith.constant 400 : index
        %parallel_loop3A_542 = tpu.vector_load %arg15[%parallel_loop3A_540, %parallel_loop3A_541] {strides = array<i32>} : memref<16x768xf32, #tpu.memory_space<vmem>>, vector<1x16xf32>,
        %parallel_loop3A_543 = vector.shape_cast %parallel_loop3A_542 : vector<1x16xf32> to vector<16xf32>
        %parallel_loop3A_544 = vector.shape_cast %parallel_loop3A_539 : vector<16xf32> to vector<1x16xf32>
        tpu.vector_store %arg15[%parallel_loop3A_540, %parallel_loop3A_541], %parallel_loop3A_544 {strides = array<i32>} : memref<16x768xf32, #tpu.memory_space<vmem>>, vector<1x16xf32>,
        %parallel_loop3A_545 = arith.index_cast %parallel_loop3A_180 : i32 to index
        %parallel_loop3A_546 = arith.constant 416 : index
        %parallel_loop3A_547 = tpu.vector_load %arg9[%parallel_loop3A_545, %parallel_loop3A_546] {strides = array<i32>} : memref<16x768xf32, #tpu.memory_space<vmem>>, vector<1x16xf32>,
        %parallel_loop3A_548 = vector.shape_cast %parallel_loop3A_547 : vector<1x16xf32> to vector<16xf32>
        %parallel_loop3A_549 = arith.index_cast %parallel_loop3A_180 : i32 to index
        %parallel_loop3A_550 = arith.constant 416 : index
        %parallel_loop3A_551 = tpu.vector_load %arg12[%parallel_loop3A_549, %parallel_loop3A_550] {strides = array<i32>} : memref<16x768xf32, #tpu.memory_space<vmem>>, vector<1x16xf32>,
        %parallel_loop3A_552 = vector.shape_cast %parallel_loop3A_551 : vector<1x16xf32> to vector<16xf32>
        %parallel_loop3A_553 = arith.addf %parallel_loop3A_548, %parallel_loop3A_552 : vector<16xf32>
        %parallel_loop3A_554 = arith.index_cast %parallel_loop3A_180 : i32 to index
        %parallel_loop3A_555 = arith.constant 416 : index
        %parallel_loop3A_556 = tpu.vector_load %arg15[%parallel_loop3A_554, %parallel_loop3A_555] {strides = array<i32>} : memref<16x768xf32, #tpu.memory_space<vmem>>, vector<1x16xf32>,
        %parallel_loop3A_557 = vector.shape_cast %parallel_loop3A_556 : vector<1x16xf32> to vector<16xf32>
        %parallel_loop3A_558 = vector.shape_cast %parallel_loop3A_553 : vector<16xf32> to vector<1x16xf32>
        tpu.vector_store %arg15[%parallel_loop3A_554, %parallel_loop3A_555], %parallel_loop3A_558 {strides = array<i32>} : memref<16x768xf32, #tpu.memory_space<vmem>>, vector<1x16xf32>,
        %parallel_loop3A_559 = arith.index_cast %parallel_loop3A_180 : i32 to index
        %parallel_loop3A_560 = arith.constant 432 : index
        %parallel_loop3A_561 = tpu.vector_load %arg9[%parallel_loop3A_559, %parallel_loop3A_560] {strides = array<i32>} : memref<16x768xf32, #tpu.memory_space<vmem>>, vector<1x16xf32>,
        %parallel_loop3A_562 = vector.shape_cast %parallel_loop3A_561 : vector<1x16xf32> to vector<16xf32>
        %parallel_loop3A_563 = arith.index_cast %parallel_loop3A_180 : i32 to index
        %parallel_loop3A_564 = arith.constant 432 : index
        %parallel_loop3A_565 = tpu.vector_load %arg12[%parallel_loop3A_563, %parallel_loop3A_564] {strides = array<i32>} : memref<16x768xf32, #tpu.memory_space<vmem>>, vector<1x16xf32>,
        %parallel_loop3A_566 = vector.shape_cast %parallel_loop3A_565 : vector<1x16xf32> to vector<16xf32>
        %parallel_loop3A_567 = arith.addf %parallel_loop3A_562, %parallel_loop3A_566 : vector<16xf32>
        %parallel_loop3A_568 = arith.index_cast %parallel_loop3A_180 : i32 to index
        %parallel_loop3A_569 = arith.constant 432 : index
        %parallel_loop3A_570 = tpu.vector_load %arg15[%parallel_loop3A_568, %parallel_loop3A_569] {strides = array<i32>} : memref<16x768xf32, #tpu.memory_space<vmem>>, vector<1x16xf32>,
        %parallel_loop3A_571 = vector.shape_cast %parallel_loop3A_570 : vector<1x16xf32> to vector<16xf32>
        %parallel_loop3A_572 = vector.shape_cast %parallel_loop3A_567 : vector<16xf32> to vector<1x16xf32>
        tpu.vector_store %arg15[%parallel_loop3A_568, %parallel_loop3A_569], %parallel_loop3A_572 {strides = array<i32>} : memref<16x768xf32, #tpu.memory_space<vmem>>, vector<1x16xf32>,
        %parallel_loop3A_573 = arith.index_cast %parallel_loop3A_180 : i32 to index
        %parallel_loop3A_574 = arith.constant 448 : index
        %parallel_loop3A_575 = tpu.vector_load %arg9[%parallel_loop3A_573, %parallel_loop3A_574] {strides = array<i32>} : memref<16x768xf32, #tpu.memory_space<vmem>>, vector<1x16xf32>,
        %parallel_loop3A_576 = vector.shape_cast %parallel_loop3A_575 : vector<1x16xf32> to vector<16xf32>
        %parallel_loop3A_577 = arith.index_cast %parallel_loop3A_180 : i32 to index
        %parallel_loop3A_578 = arith.constant 448 : index
        %parallel_loop3A_579 = tpu.vector_load %arg12[%parallel_loop3A_577, %parallel_loop3A_578] {strides = array<i32>} : memref<16x768xf32, #tpu.memory_space<vmem>>, vector<1x16xf32>,
        %parallel_loop3A_580 = vector.shape_cast %parallel_loop3A_579 : vector<1x16xf32> to vector<16xf32>
        %parallel_loop3A_581 = arith.addf %parallel_loop3A_576, %parallel_loop3A_580 : vector<16xf32>
        %parallel_loop3A_582 = arith.index_cast %parallel_loop3A_180 : i32 to index
        %parallel_loop3A_583 = arith.constant 448 : index
        %parallel_loop3A_584 = tpu.vector_load %arg15[%parallel_loop3A_582, %parallel_loop3A_583] {strides = array<i32>} : memref<16x768xf32, #tpu.memory_space<vmem>>, vector<1x16xf32>,
        %parallel_loop3A_585 = vector.shape_cast %parallel_loop3A_584 : vector<1x16xf32> to vector<16xf32>
        %parallel_loop3A_586 = vector.shape_cast %parallel_loop3A_581 : vector<16xf32> to vector<1x16xf32>
        tpu.vector_store %arg15[%parallel_loop3A_582, %parallel_loop3A_583], %parallel_loop3A_586 {strides = array<i32>} : memref<16x768xf32, #tpu.memory_space<vmem>>, vector<1x16xf32>,
        %parallel_loop3A_587 = arith.index_cast %parallel_loop3A_180 : i32 to index
        %parallel_loop3A_588 = arith.constant 464 : index
        %parallel_loop3A_589 = tpu.vector_load %arg9[%parallel_loop3A_587, %parallel_loop3A_588] {strides = array<i32>} : memref<16x768xf32, #tpu.memory_space<vmem>>, vector<1x16xf32>,
        %parallel_loop3A_590 = vector.shape_cast %parallel_loop3A_589 : vector<1x16xf32> to vector<16xf32>
        %parallel_loop3A_591 = arith.index_cast %parallel_loop3A_180 : i32 to index
        %parallel_loop3A_592 = arith.constant 464 : index
        %parallel_loop3A_593 = tpu.vector_load %arg12[%parallel_loop3A_591, %parallel_loop3A_592] {strides = array<i32>} : memref<16x768xf32, #tpu.memory_space<vmem>>, vector<1x16xf32>,
        %parallel_loop3A_594 = vector.shape_cast %parallel_loop3A_593 : vector<1x16xf32> to vector<16xf32>
        %parallel_loop3A_595 = arith.addf %parallel_loop3A_590, %parallel_loop3A_594 : vector<16xf32>
        %parallel_loop3A_596 = arith.index_cast %parallel_loop3A_180 : i32 to index
        %parallel_loop3A_597 = arith.constant 464 : index
        %parallel_loop3A_598 = tpu.vector_load %arg15[%parallel_loop3A_596, %parallel_loop3A_597] {strides = array<i32>} : memref<16x768xf32, #tpu.memory_space<vmem>>, vector<1x16xf32>,
        %parallel_loop3A_599 = vector.shape_cast %parallel_loop3A_598 : vector<1x16xf32> to vector<16xf32>
        %parallel_loop3A_600 = vector.shape_cast %parallel_loop3A_595 : vector<16xf32> to vector<1x16xf32>
        tpu.vector_store %arg15[%parallel_loop3A_596, %parallel_loop3A_597], %parallel_loop3A_600 {strides = array<i32>} : memref<16x768xf32, #tpu.memory_space<vmem>>, vector<1x16xf32>,
        %parallel_loop3A_601 = arith.index_cast %parallel_loop3A_180 : i32 to index
        %parallel_loop3A_602 = arith.constant 480 : index
        %parallel_loop3A_603 = tpu.vector_load %arg9[%parallel_loop3A_601, %parallel_loop3A_602] {strides = array<i32>} : memref<16x768xf32, #tpu.memory_space<vmem>>, vector<1x16xf32>,
        %parallel_loop3A_604 = vector.shape_cast %parallel_loop3A_603 : vector<1x16xf32> to vector<16xf32>
        %parallel_loop3A_605 = arith.index_cast %parallel_loop3A_180 : i32 to index
        %parallel_loop3A_606 = arith.constant 480 : index
        %parallel_loop3A_607 = tpu.vector_load %arg12[%parallel_loop3A_605, %parallel_loop3A_606] {strides = array<i32>} : memref<16x768xf32, #tpu.memory_space<vmem>>, vector<1x16xf32>,
        %parallel_loop3A_608 = vector.shape_cast %parallel_loop3A_607 : vector<1x16xf32> to vector<16xf32>
        %parallel_loop3A_609 = arith.addf %parallel_loop3A_604, %parallel_loop3A_608 : vector<16xf32>
        %parallel_loop3A_610 = arith.index_cast %parallel_loop3A_180 : i32 to index
        %parallel_loop3A_611 = arith.constant 480 : index
        %parallel_loop3A_612 = tpu.vector_load %arg15[%parallel_loop3A_610, %parallel_loop3A_611] {strides = array<i32>} : memref<16x768xf32, #tpu.memory_space<vmem>>, vector<1x16xf32>,
        %parallel_loop3A_613 = vector.shape_cast %parallel_loop3A_612 : vector<1x16xf32> to vector<16xf32>
        %parallel_loop3A_614 = vector.shape_cast %parallel_loop3A_609 : vector<16xf32> to vector<1x16xf32>
        tpu.vector_store %arg15[%parallel_loop3A_610, %parallel_loop3A_611], %parallel_loop3A_614 {strides = array<i32>} : memref<16x768xf32, #tpu.memory_space<vmem>>, vector<1x16xf32>,
        %parallel_loop3A_615 = arith.index_cast %parallel_loop3A_180 : i32 to index
        %parallel_loop3A_616 = arith.constant 496 : index
        %parallel_loop3A_617 = tpu.vector_load %arg9[%parallel_loop3A_615, %parallel_loop3A_616] {strides = array<i32>} : memref<16x768xf32, #tpu.memory_space<vmem>>, vector<1x16xf32>,
        %parallel_loop3A_618 = vector.shape_cast %parallel_loop3A_617 : vector<1x16xf32> to vector<16xf32>
        %parallel_loop3A_619 = arith.index_cast %parallel_loop3A_180 : i32 to index
        %parallel_loop3A_620 = arith.constant 496 : index
        %parallel_loop3A_621 = tpu.vector_load %arg12[%parallel_loop3A_619, %parallel_loop3A_620] {strides = array<i32>} : memref<16x768xf32, #tpu.memory_space<vmem>>, vector<1x16xf32>,
        %parallel_loop3A_622 = vector.shape_cast %parallel_loop3A_621 : vector<1x16xf32> to vector<16xf32>
        %parallel_loop3A_623 = arith.addf %parallel_loop3A_618, %parallel_loop3A_622 : vector<16xf32>
        %parallel_loop3A_624 = arith.index_cast %parallel_loop3A_180 : i32 to index
        %parallel_loop3A_625 = arith.constant 496 : index
        %parallel_loop3A_626 = tpu.vector_load %arg15[%parallel_loop3A_624, %parallel_loop3A_625] {strides = array<i32>} : memref<16x768xf32, #tpu.memory_space<vmem>>, vector<1x16xf32>,
        %parallel_loop3A_627 = vector.shape_cast %parallel_loop3A_626 : vector<1x16xf32> to vector<16xf32>
        %parallel_loop3A_628 = vector.shape_cast %parallel_loop3A_623 : vector<16xf32> to vector<1x16xf32>
        tpu.vector_store %arg15[%parallel_loop3A_624, %parallel_loop3A_625], %parallel_loop3A_628 {strides = array<i32>} : memref<16x768xf32, #tpu.memory_space<vmem>>, vector<1x16xf32>,
        %parallel_loop3A_629 = arith.index_cast %parallel_loop3A_180 : i32 to index
        %parallel_loop3A_630 = arith.constant 512 : index
        %parallel_loop3A_631 = tpu.vector_load %arg9[%parallel_loop3A_629, %parallel_loop3A_630] {strides = array<i32>} : memref<16x768xf32, #tpu.memory_space<vmem>>, vector<1x16xf32>,
        %parallel_loop3A_632 = vector.shape_cast %parallel_loop3A_631 : vector<1x16xf32> to vector<16xf32>
        %parallel_loop3A_633 = arith.index_cast %parallel_loop3A_180 : i32 to index
        %parallel_loop3A_634 = arith.constant 512 : index
        %parallel_loop3A_635 = tpu.vector_load %arg12[%parallel_loop3A_633, %parallel_loop3A_634] {strides = array<i32>} : memref<16x768xf32, #tpu.memory_space<vmem>>, vector<1x16xf32>,
        %parallel_loop3A_636 = vector.shape_cast %parallel_loop3A_635 : vector<1x16xf32> to vector<16xf32>
        %parallel_loop3A_637 = arith.addf %parallel_loop3A_632, %parallel_loop3A_636 : vector<16xf32>
        %parallel_loop3A_638 = arith.index_cast %parallel_loop3A_180 : i32 to index
        %parallel_loop3A_639 = arith.constant 512 : index
        %parallel_loop3A_640 = tpu.vector_load %arg15[%parallel_loop3A_638, %parallel_loop3A_639] {strides = array<i32>} : memref<16x768xf32, #tpu.memory_space<vmem>>, vector<1x16xf32>,
        %parallel_loop3A_641 = vector.shape_cast %parallel_loop3A_640 : vector<1x16xf32> to vector<16xf32>
        %parallel_loop3A_642 = vector.shape_cast %parallel_loop3A_637 : vector<16xf32> to vector<1x16xf32>
        tpu.vector_store %arg15[%parallel_loop3A_638, %parallel_loop3A_639], %parallel_loop3A_642 {strides = array<i32>} : memref<16x768xf32, #tpu.memory_space<vmem>>, vector<1x16xf32>,
        %parallel_loop3A_643 = arith.index_cast %parallel_loop3A_180 : i32 to index
        %parallel_loop3A_644 = arith.constant 528 : index
        %parallel_loop3A_645 = tpu.vector_load %arg9[%parallel_loop3A_643, %parallel_loop3A_644] {strides = array<i32>} : memref<16x768xf32, #tpu.memory_space<vmem>>, vector<1x16xf32>,
        %parallel_loop3A_646 = vector.shape_cast %parallel_loop3A_645 : vector<1x16xf32> to vector<16xf32>
        %parallel_loop3A_647 = arith.index_cast %parallel_loop3A_180 : i32 to index
        %parallel_loop3A_648 = arith.constant 528 : index
        %parallel_loop3A_649 = tpu.vector_load %arg12[%parallel_loop3A_647, %parallel_loop3A_648] {strides = array<i32>} : memref<16x768xf32, #tpu.memory_space<vmem>>, vector<1x16xf32>,
        %parallel_loop3A_650 = vector.shape_cast %parallel_loop3A_649 : vector<1x16xf32> to vector<16xf32>
        %parallel_loop3A_651 = arith.addf %parallel_loop3A_646, %parallel_loop3A_650 : vector<16xf32>
        %parallel_loop3A_652 = arith.index_cast %parallel_loop3A_180 : i32 to index
        %parallel_loop3A_653 = arith.constant 528 : index
        %parallel_loop3A_654 = tpu.vector_load %arg15[%parallel_loop3A_652, %parallel_loop3A_653] {strides = array<i32>} : memref<16x768xf32, #tpu.memory_space<vmem>>, vector<1x16xf32>,
        %parallel_loop3A_655 = vector.shape_cast %parallel_loop3A_654 : vector<1x16xf32> to vector<16xf32>
        %parallel_loop3A_656 = vector.shape_cast %parallel_loop3A_651 : vector<16xf32> to vector<1x16xf32>
        tpu.vector_store %arg15[%parallel_loop3A_652, %parallel_loop3A_653], %parallel_loop3A_656 {strides = array<i32>} : memref<16x768xf32, #tpu.memory_space<vmem>>, vector<1x16xf32>,
        %parallel_loop3A_657 = arith.index_cast %parallel_loop3A_180 : i32 to index
        %parallel_loop3A_658 = arith.constant 544 : index
        %parallel_loop3A_659 = tpu.vector_load %arg9[%parallel_loop3A_657, %parallel_loop3A_658] {strides = array<i32>} : memref<16x768xf32, #tpu.memory_space<vmem>>, vector<1x16xf32>,
        %parallel_loop3A_660 = vector.shape_cast %parallel_loop3A_659 : vector<1x16xf32> to vector<16xf32>
        %parallel_loop3A_661 = arith.index_cast %parallel_loop3A_180 : i32 to index
        %parallel_loop3A_662 = arith.constant 544 : index
        %parallel_loop3A_663 = tpu.vector_load %arg12[%parallel_loop3A_661, %parallel_loop3A_662] {strides = array<i32>} : memref<16x768xf32, #tpu.memory_space<vmem>>, vector<1x16xf32>,
        %parallel_loop3A_664 = vector.shape_cast %parallel_loop3A_663 : vector<1x16xf32> to vector<16xf32>
        %parallel_loop3A_665 = arith.addf %parallel_loop3A_660, %parallel_loop3A_664 : vector<16xf32>
        %parallel_loop3A_666 = arith.index_cast %parallel_loop3A_180 : i32 to index
        %parallel_loop3A_667 = arith.constant 544 : index
        %parallel_loop3A_668 = tpu.vector_load %arg15[%parallel_loop3A_666, %parallel_loop3A_667] {strides = array<i32>} : memref<16x768xf32, #tpu.memory_space<vmem>>, vector<1x16xf32>,
        %parallel_loop3A_669 = vector.shape_cast %parallel_loop3A_668 : vector<1x16xf32> to vector<16xf32>
        %parallel_loop3A_670 = vector.shape_cast %parallel_loop3A_665 : vector<16xf32> to vector<1x16xf32>
        tpu.vector_store %arg15[%parallel_loop3A_666, %parallel_loop3A_667], %parallel_loop3A_670 {strides = array<i32>} : memref<16x768xf32, #tpu.memory_space<vmem>>, vector<1x16xf32>,
        %parallel_loop3A_671 = arith.index_cast %parallel_loop3A_180 : i32 to index
        %parallel_loop3A_672 = arith.constant 560 : index
        %parallel_loop3A_673 = tpu.vector_load %arg9[%parallel_loop3A_671, %parallel_loop3A_672] {strides = array<i32>} : memref<16x768xf32, #tpu.memory_space<vmem>>, vector<1x16xf32>,
        %parallel_loop3A_674 = vector.shape_cast %parallel_loop3A_673 : vector<1x16xf32> to vector<16xf32>
        %parallel_loop3A_675 = arith.index_cast %parallel_loop3A_180 : i32 to index
        %parallel_loop3A_676 = arith.constant 560 : index
        %parallel_loop3A_677 = tpu.vector_load %arg12[%parallel_loop3A_675, %parallel_loop3A_676] {strides = array<i32>} : memref<16x768xf32, #tpu.memory_space<vmem>>, vector<1x16xf32>,
        %parallel_loop3A_678 = vector.shape_cast %parallel_loop3A_677 : vector<1x16xf32> to vector<16xf32>
        %parallel_loop3A_679 = arith.addf %parallel_loop3A_674, %parallel_loop3A_678 : vector<16xf32>
        %parallel_loop3A_680 = arith.index_cast %parallel_loop3A_180 : i32 to index
        %parallel_loop3A_681 = arith.constant 560 : index
        %parallel_loop3A_682 = tpu.vector_load %arg15[%parallel_loop3A_680, %parallel_loop3A_681] {strides = array<i32>} : memref<16x768xf32, #tpu.memory_space<vmem>>, vector<1x16xf32>,
        %parallel_loop3A_683 = vector.shape_cast %parallel_loop3A_682 : vector<1x16xf32> to vector<16xf32>
        %parallel_loop3A_684 = vector.shape_cast %parallel_loop3A_679 : vector<16xf32> to vector<1x16xf32>
        tpu.vector_store %arg15[%parallel_loop3A_680, %parallel_loop3A_681], %parallel_loop3A_684 {strides = array<i32>} : memref<16x768xf32, #tpu.memory_space<vmem>>, vector<1x16xf32>,
        %parallel_loop3A_685 = arith.index_cast %parallel_loop3A_180 : i32 to index
        %parallel_loop3A_686 = arith.constant 576 : index
        %parallel_loop3A_687 = tpu.vector_load %arg9[%parallel_loop3A_685, %parallel_loop3A_686] {strides = array<i32>} : memref<16x768xf32, #tpu.memory_space<vmem>>, vector<1x16xf32>,
        %parallel_loop3A_688 = vector.shape_cast %parallel_loop3A_687 : vector<1x16xf32> to vector<16xf32>
        %parallel_loop3A_689 = arith.index_cast %parallel_loop3A_180 : i32 to index
        %parallel_loop3A_690 = arith.constant 576 : index
        %parallel_loop3A_691 = tpu.vector_load %arg12[%parallel_loop3A_689, %parallel_loop3A_690] {strides = array<i32>} : memref<16x768xf32, #tpu.memory_space<vmem>>, vector<1x16xf32>,
        %parallel_loop3A_692 = vector.shape_cast %parallel_loop3A_691 : vector<1x16xf32> to vector<16xf32>
        %parallel_loop3A_693 = arith.addf %parallel_loop3A_688, %parallel_loop3A_692 : vector<16xf32>
        %parallel_loop3A_694 = arith.index_cast %parallel_loop3A_180 : i32 to index
        %parallel_loop3A_695 = arith.constant 576 : index
        %parallel_loop3A_696 = tpu.vector_load %arg15[%parallel_loop3A_694, %parallel_loop3A_695] {strides = array<i32>} : memref<16x768xf32, #tpu.memory_space<vmem>>, vector<1x16xf32>,
        %parallel_loop3A_697 = vector.shape_cast %parallel_loop3A_696 : vector<1x16xf32> to vector<16xf32>
        %parallel_loop3A_698 = vector.shape_cast %parallel_loop3A_693 : vector<16xf32> to vector<1x16xf32>
        tpu.vector_store %arg15[%parallel_loop3A_694, %parallel_loop3A_695], %parallel_loop3A_698 {strides = array<i32>} : memref<16x768xf32, #tpu.memory_space<vmem>>, vector<1x16xf32>,
        %parallel_loop3A_699 = arith.index_cast %parallel_loop3A_180 : i32 to index
        %parallel_loop3A_700 = arith.constant 592 : index
        %parallel_loop3A_701 = tpu.vector_load %arg9[%parallel_loop3A_699, %parallel_loop3A_700] {strides = array<i32>} : memref<16x768xf32, #tpu.memory_space<vmem>>, vector<1x16xf32>,
        %parallel_loop3A_702 = vector.shape_cast %parallel_loop3A_701 : vector<1x16xf32> to vector<16xf32>
        %parallel_loop3A_703 = arith.index_cast %parallel_loop3A_180 : i32 to index
        %parallel_loop3A_704 = arith.constant 592 : index
        %parallel_loop3A_705 = tpu.vector_load %arg12[%parallel_loop3A_703, %parallel_loop3A_704] {strides = array<i32>} : memref<16x768xf32, #tpu.memory_space<vmem>>, vector<1x16xf32>,
        %parallel_loop3A_706 = vector.shape_cast %parallel_loop3A_705 : vector<1x16xf32> to vector<16xf32>
        %parallel_loop3A_707 = arith.addf %parallel_loop3A_702, %parallel_loop3A_706 : vector<16xf32>
        %parallel_loop3A_708 = arith.index_cast %parallel_loop3A_180 : i32 to index
        %parallel_loop3A_709 = arith.constant 592 : index
        %parallel_loop3A_710 = tpu.vector_load %arg15[%parallel_loop3A_708, %parallel_loop3A_709] {strides = array<i32>} : memref<16x768xf32, #tpu.memory_space<vmem>>, vector<1x16xf32>,
        %parallel_loop3A_711 = vector.shape_cast %parallel_loop3A_710 : vector<1x16xf32> to vector<16xf32>
        %parallel_loop3A_712 = vector.shape_cast %parallel_loop3A_707 : vector<16xf32> to vector<1x16xf32>
        tpu.vector_store %arg15[%parallel_loop3A_708, %parallel_loop3A_709], %parallel_loop3A_712 {strides = array<i32>} : memref<16x768xf32, #tpu.memory_space<vmem>>, vector<1x16xf32>,
        %parallel_loop3A_713 = arith.index_cast %parallel_loop3A_180 : i32 to index
        %parallel_loop3A_714 = arith.constant 608 : index
        %parallel_loop3A_715 = tpu.vector_load %arg9[%parallel_loop3A_713, %parallel_loop3A_714] {strides = array<i32>} : memref<16x768xf32, #tpu.memory_space<vmem>>, vector<1x16xf32>,
        %parallel_loop3A_716 = vector.shape_cast %parallel_loop3A_715 : vector<1x16xf32> to vector<16xf32>
        %parallel_loop3A_717 = arith.index_cast %parallel_loop3A_180 : i32 to index
        %parallel_loop3A_718 = arith.constant 608 : index
        %parallel_loop3A_719 = tpu.vector_load %arg12[%parallel_loop3A_717, %parallel_loop3A_718] {strides = array<i32>} : memref<16x768xf32, #tpu.memory_space<vmem>>, vector<1x16xf32>,
        %parallel_loop3A_720 = vector.shape_cast %parallel_loop3A_719 : vector<1x16xf32> to vector<16xf32>
        %parallel_loop3A_721 = arith.addf %parallel_loop3A_716, %parallel_loop3A_720 : vector<16xf32>
        %parallel_loop3A_722 = arith.index_cast %parallel_loop3A_180 : i32 to index
        %parallel_loop3A_723 = arith.constant 608 : index
        %parallel_loop3A_724 = tpu.vector_load %arg15[%parallel_loop3A_722, %parallel_loop3A_723] {strides = array<i32>} : memref<16x768xf32, #tpu.memory_space<vmem>>, vector<1x16xf32>,
        %parallel_loop3A_725 = vector.shape_cast %parallel_loop3A_724 : vector<1x16xf32> to vector<16xf32>
        %parallel_loop3A_726 = vector.shape_cast %parallel_loop3A_721 : vector<16xf32> to vector<1x16xf32>
        tpu.vector_store %arg15[%parallel_loop3A_722, %parallel_loop3A_723], %parallel_loop3A_726 {strides = array<i32>} : memref<16x768xf32, #tpu.memory_space<vmem>>, vector<1x16xf32>,
        %parallel_loop3A_727 = arith.index_cast %parallel_loop3A_180 : i32 to index
        %parallel_loop3A_728 = arith.constant 624 : index
        %parallel_loop3A_729 = tpu.vector_load %arg9[%parallel_loop3A_727, %parallel_loop3A_728] {strides = array<i32>} : memref<16x768xf32, #tpu.memory_space<vmem>>, vector<1x16xf32>,
        %parallel_loop3A_730 = vector.shape_cast %parallel_loop3A_729 : vector<1x16xf32> to vector<16xf32>
        %parallel_loop3A_731 = arith.index_cast %parallel_loop3A_180 : i32 to index
        %parallel_loop3A_732 = arith.constant 624 : index
        %parallel_loop3A_733 = tpu.vector_load %arg12[%parallel_loop3A_731, %parallel_loop3A_732] {strides = array<i32>} : memref<16x768xf32, #tpu.memory_space<vmem>>, vector<1x16xf32>,
        %parallel_loop3A_734 = vector.shape_cast %parallel_loop3A_733 : vector<1x16xf32> to vector<16xf32>
        %parallel_loop3A_735 = arith.addf %parallel_loop3A_730, %parallel_loop3A_734 : vector<16xf32>
        %parallel_loop3A_736 = arith.index_cast %parallel_loop3A_180 : i32 to index
        %parallel_loop3A_737 = arith.constant 624 : index
        %parallel_loop3A_738 = tpu.vector_load %arg15[%parallel_loop3A_736, %parallel_loop3A_737] {strides = array<i32>} : memref<16x768xf32, #tpu.memory_space<vmem>>, vector<1x16xf32>,
        %parallel_loop3A_739 = vector.shape_cast %parallel_loop3A_738 : vector<1x16xf32> to vector<16xf32>
        %parallel_loop3A_740 = vector.shape_cast %parallel_loop3A_735 : vector<16xf32> to vector<1x16xf32>
        tpu.vector_store %arg15[%parallel_loop3A_736, %parallel_loop3A_737], %parallel_loop3A_740 {strides = array<i32>} : memref<16x768xf32, #tpu.memory_space<vmem>>, vector<1x16xf32>,
        %parallel_loop3A_741 = arith.index_cast %parallel_loop3A_180 : i32 to index
        %parallel_loop3A_742 = arith.constant 640 : index
        %parallel_loop3A_743 = tpu.vector_load %arg9[%parallel_loop3A_741, %parallel_loop3A_742] {strides = array<i32>} : memref<16x768xf32, #tpu.memory_space<vmem>>, vector<1x16xf32>,
        %parallel_loop3A_744 = vector.shape_cast %parallel_loop3A_743 : vector<1x16xf32> to vector<16xf32>
        %parallel_loop3A_745 = arith.index_cast %parallel_loop3A_180 : i32 to index
        %parallel_loop3A_746 = arith.constant 640 : index
        %parallel_loop3A_747 = tpu.vector_load %arg12[%parallel_loop3A_745, %parallel_loop3A_746] {strides = array<i32>} : memref<16x768xf32, #tpu.memory_space<vmem>>, vector<1x16xf32>,
        %parallel_loop3A_748 = vector.shape_cast %parallel_loop3A_747 : vector<1x16xf32> to vector<16xf32>
        %parallel_loop3A_749 = arith.addf %parallel_loop3A_744, %parallel_loop3A_748 : vector<16xf32>
        %parallel_loop3A_750 = arith.index_cast %parallel_loop3A_180 : i32 to index
        %parallel_loop3A_751 = arith.constant 640 : index
        %parallel_loop3A_752 = tpu.vector_load %arg15[%parallel_loop3A_750, %parallel_loop3A_751] {strides = array<i32>} : memref<16x768xf32, #tpu.memory_space<vmem>>, vector<1x16xf32>,
        %parallel_loop3A_753 = vector.shape_cast %parallel_loop3A_752 : vector<1x16xf32> to vector<16xf32>
        %parallel_loop3A_754 = vector.shape_cast %parallel_loop3A_749 : vector<16xf32> to vector<1x16xf32>
        tpu.vector_store %arg15[%parallel_loop3A_750, %parallel_loop3A_751], %parallel_loop3A_754 {strides = array<i32>} : memref<16x768xf32, #tpu.memory_space<vmem>>, vector<1x16xf32>,
        %parallel_loop3A_755 = arith.index_cast %parallel_loop3A_180 : i32 to index
        %parallel_loop3A_756 = arith.constant 656 : index
        %parallel_loop3A_757 = tpu.vector_load %arg9[%parallel_loop3A_755, %parallel_loop3A_756] {strides = array<i32>} : memref<16x768xf32, #tpu.memory_space<vmem>>, vector<1x16xf32>,
        %parallel_loop3A_758 = vector.shape_cast %parallel_loop3A_757 : vector<1x16xf32> to vector<16xf32>
        %parallel_loop3A_759 = arith.index_cast %parallel_loop3A_180 : i32 to index
        %parallel_loop3A_760 = arith.constant 656 : index
        %parallel_loop3A_761 = tpu.vector_load %arg12[%parallel_loop3A_759, %parallel_loop3A_760] {strides = array<i32>} : memref<16x768xf32, #tpu.memory_space<vmem>>, vector<1x16xf32>,
        %parallel_loop3A_762 = vector.shape_cast %parallel_loop3A_761 : vector<1x16xf32> to vector<16xf32>
        %parallel_loop3A_763 = arith.addf %parallel_loop3A_758, %parallel_loop3A_762 : vector<16xf32>
        %parallel_loop3A_764 = arith.index_cast %parallel_loop3A_180 : i32 to index
        %parallel_loop3A_765 = arith.constant 656 : index
        %parallel_loop3A_766 = tpu.vector_load %arg15[%parallel_loop3A_764, %parallel_loop3A_765] {strides = array<i32>} : memref<16x768xf32, #tpu.memory_space<vmem>>, vector<1x16xf32>,
        %parallel_loop3A_767 = vector.shape_cast %parallel_loop3A_766 : vector<1x16xf32> to vector<16xf32>
        %parallel_loop3A_768 = vector.shape_cast %parallel_loop3A_763 : vector<16xf32> to vector<1x16xf32>
        tpu.vector_store %arg15[%parallel_loop3A_764, %parallel_loop3A_765], %parallel_loop3A_768 {strides = array<i32>} : memref<16x768xf32, #tpu.memory_space<vmem>>, vector<1x16xf32>,
        %parallel_loop3A_769 = arith.index_cast %parallel_loop3A_180 : i32 to index
        %parallel_loop3A_770 = arith.constant 672 : index
        %parallel_loop3A_771 = tpu.vector_load %arg9[%parallel_loop3A_769, %parallel_loop3A_770] {strides = array<i32>} : memref<16x768xf32, #tpu.memory_space<vmem>>, vector<1x16xf32>,
        %parallel_loop3A_772 = vector.shape_cast %parallel_loop3A_771 : vector<1x16xf32> to vector<16xf32>
        %parallel_loop3A_773 = arith.index_cast %parallel_loop3A_180 : i32 to index
        %parallel_loop3A_774 = arith.constant 672 : index
        %parallel_loop3A_775 = tpu.vector_load %arg12[%parallel_loop3A_773, %parallel_loop3A_774] {strides = array<i32>} : memref<16x768xf32, #tpu.memory_space<vmem>>, vector<1x16xf32>,
        %parallel_loop3A_776 = vector.shape_cast %parallel_loop3A_775 : vector<1x16xf32> to vector<16xf32>
        %parallel_loop3A_777 = arith.addf %parallel_loop3A_772, %parallel_loop3A_776 : vector<16xf32>
        %parallel_loop3A_778 = arith.index_cast %parallel_loop3A_180 : i32 to index
        %parallel_loop3A_779 = arith.constant 672 : index
        %parallel_loop3A_780 = tpu.vector_load %arg15[%parallel_loop3A_778, %parallel_loop3A_779] {strides = array<i32>} : memref<16x768xf32, #tpu.memory_space<vmem>>, vector<1x16xf32>,
        %parallel_loop3A_781 = vector.shape_cast %parallel_loop3A_780 : vector<1x16xf32> to vector<16xf32>
        %parallel_loop3A_782 = vector.shape_cast %parallel_loop3A_777 : vector<16xf32> to vector<1x16xf32>
        tpu.vector_store %arg15[%parallel_loop3A_778, %parallel_loop3A_779], %parallel_loop3A_782 {strides = array<i32>} : memref<16x768xf32, #tpu.memory_space<vmem>>, vector<1x16xf32>,
        %parallel_loop3A_783 = arith.index_cast %parallel_loop3A_180 : i32 to index
        %parallel_loop3A_784 = arith.constant 688 : index
        %parallel_loop3A_785 = tpu.vector_load %arg9[%parallel_loop3A_783, %parallel_loop3A_784] {strides = array<i32>} : memref<16x768xf32, #tpu.memory_space<vmem>>, vector<1x16xf32>,
        %parallel_loop3A_786 = vector.shape_cast %parallel_loop3A_785 : vector<1x16xf32> to vector<16xf32>
        %parallel_loop3A_787 = arith.index_cast %parallel_loop3A_180 : i32 to index
        %parallel_loop3A_788 = arith.constant 688 : index
        %parallel_loop3A_789 = tpu.vector_load %arg12[%parallel_loop3A_787, %parallel_loop3A_788] {strides = array<i32>} : memref<16x768xf32, #tpu.memory_space<vmem>>, vector<1x16xf32>,
        %parallel_loop3A_790 = vector.shape_cast %parallel_loop3A_789 : vector<1x16xf32> to vector<16xf32>
        %parallel_loop3A_791 = arith.addf %parallel_loop3A_786, %parallel_loop3A_790 : vector<16xf32>
        %parallel_loop3A_792 = arith.index_cast %parallel_loop3A_180 : i32 to index
        %parallel_loop3A_793 = arith.constant 688 : index
        %parallel_loop3A_794 = tpu.vector_load %arg15[%parallel_loop3A_792, %parallel_loop3A_793] {strides = array<i32>} : memref<16x768xf32, #tpu.memory_space<vmem>>, vector<1x16xf32>,
        %parallel_loop3A_795 = vector.shape_cast %parallel_loop3A_794 : vector<1x16xf32> to vector<16xf32>
        %parallel_loop3A_796 = vector.shape_cast %parallel_loop3A_791 : vector<16xf32> to vector<1x16xf32>
        tpu.vector_store %arg15[%parallel_loop3A_792, %parallel_loop3A_793], %parallel_loop3A_796 {strides = array<i32>} : memref<16x768xf32, #tpu.memory_space<vmem>>, vector<1x16xf32>,
        %parallel_loop3A_797 = arith.index_cast %parallel_loop3A_180 : i32 to index
        %parallel_loop3A_798 = arith.constant 704 : index
        %parallel_loop3A_799 = tpu.vector_load %arg9[%parallel_loop3A_797, %parallel_loop3A_798] {strides = array<i32>} : memref<16x768xf32, #tpu.memory_space<vmem>>, vector<1x16xf32>,
        %parallel_loop3A_800 = vector.shape_cast %parallel_loop3A_799 : vector<1x16xf32> to vector<16xf32>
        %parallel_loop3A_801 = arith.index_cast %parallel_loop3A_180 : i32 to index
        %parallel_loop3A_802 = arith.constant 704 : index
        %parallel_loop3A_803 = tpu.vector_load %arg12[%parallel_loop3A_801, %parallel_loop3A_802] {strides = array<i32>} : memref<16x768xf32, #tpu.memory_space<vmem>>, vector<1x16xf32>,
        %parallel_loop3A_804 = vector.shape_cast %parallel_loop3A_803 : vector<1x16xf32> to vector<16xf32>
        %parallel_loop3A_805 = arith.addf %parallel_loop3A_800, %parallel_loop3A_804 : vector<16xf32>
        %parallel_loop3A_806 = arith.index_cast %parallel_loop3A_180 : i32 to index
        %parallel_loop3A_807 = arith.constant 704 : index
        %parallel_loop3A_808 = tpu.vector_load %arg15[%parallel_loop3A_806, %parallel_loop3A_807] {strides = array<i32>} : memref<16x768xf32, #tpu.memory_space<vmem>>, vector<1x16xf32>,
        %parallel_loop3A_809 = vector.shape_cast %parallel_loop3A_808 : vector<1x16xf32> to vector<16xf32>
        %parallel_loop3A_810 = vector.shape_cast %parallel_loop3A_805 : vector<16xf32> to vector<1x16xf32>
        tpu.vector_store %arg15[%parallel_loop3A_806, %parallel_loop3A_807], %parallel_loop3A_810 {strides = array<i32>} : memref<16x768xf32, #tpu.memory_space<vmem>>, vector<1x16xf32>,
        %parallel_loop3A_811 = arith.index_cast %parallel_loop3A_180 : i32 to index
        %parallel_loop3A_812 = arith.constant 720 : index
        %parallel_loop3A_813 = tpu.vector_load %arg9[%parallel_loop3A_811, %parallel_loop3A_812] {strides = array<i32>} : memref<16x768xf32, #tpu.memory_space<vmem>>, vector<1x16xf32>,
        %parallel_loop3A_814 = vector.shape_cast %parallel_loop3A_813 : vector<1x16xf32> to vector<16xf32>
        %parallel_loop3A_815 = arith.index_cast %parallel_loop3A_180 : i32 to index
        %parallel_loop3A_816 = arith.constant 720 : index
        %parallel_loop3A_817 = tpu.vector_load %arg12[%parallel_loop3A_815, %parallel_loop3A_816] {strides = array<i32>} : memref<16x768xf32, #tpu.memory_space<vmem>>, vector<1x16xf32>,
        %parallel_loop3A_818 = vector.shape_cast %parallel_loop3A_817 : vector<1x16xf32> to vector<16xf32>
        %parallel_loop3A_819 = arith.addf %parallel_loop3A_814, %parallel_loop3A_818 : vector<16xf32>
        %parallel_loop3A_820 = arith.index_cast %parallel_loop3A_180 : i32 to index
        %parallel_loop3A_821 = arith.constant 720 : index
        %parallel_loop3A_822 = tpu.vector_load %arg15[%parallel_loop3A_820, %parallel_loop3A_821] {strides = array<i32>} : memref<16x768xf32, #tpu.memory_space<vmem>>, vector<1x16xf32>,
        %parallel_loop3A_823 = vector.shape_cast %parallel_loop3A_822 : vector<1x16xf32> to vector<16xf32>
        %parallel_loop3A_824 = vector.shape_cast %parallel_loop3A_819 : vector<16xf32> to vector<1x16xf32>
        tpu.vector_store %arg15[%parallel_loop3A_820, %parallel_loop3A_821], %parallel_loop3A_824 {strides = array<i32>} : memref<16x768xf32, #tpu.memory_space<vmem>>, vector<1x16xf32>,
        %parallel_loop3A_825 = arith.index_cast %parallel_loop3A_180 : i32 to index
        %parallel_loop3A_826 = arith.constant 736 : index
        %parallel_loop3A_827 = tpu.vector_load %arg9[%parallel_loop3A_825, %parallel_loop3A_826] {strides = array<i32>} : memref<16x768xf32, #tpu.memory_space<vmem>>, vector<1x16xf32>,
        %parallel_loop3A_828 = vector.shape_cast %parallel_loop3A_827 : vector<1x16xf32> to vector<16xf32>
        %parallel_loop3A_829 = arith.index_cast %parallel_loop3A_180 : i32 to index
        %parallel_loop3A_830 = arith.constant 736 : index
        %parallel_loop3A_831 = tpu.vector_load %arg12[%parallel_loop3A_829, %parallel_loop3A_830] {strides = array<i32>} : memref<16x768xf32, #tpu.memory_space<vmem>>, vector<1x16xf32>,
        %parallel_loop3A_832 = vector.shape_cast %parallel_loop3A_831 : vector<1x16xf32> to vector<16xf32>
        %parallel_loop3A_833 = arith.addf %parallel_loop3A_828, %parallel_loop3A_832 : vector<16xf32>
        %parallel_loop3A_834 = arith.index_cast %parallel_loop3A_180 : i32 to index
        %parallel_loop3A_835 = arith.constant 736 : index
        %parallel_loop3A_836 = tpu.vector_load %arg15[%parallel_loop3A_834, %parallel_loop3A_835] {strides = array<i32>} : memref<16x768xf32, #tpu.memory_space<vmem>>, vector<1x16xf32>,
        %parallel_loop3A_837 = vector.shape_cast %parallel_loop3A_836 : vector<1x16xf32> to vector<16xf32>
        %parallel_loop3A_838 = vector.shape_cast %parallel_loop3A_833 : vector<16xf32> to vector<1x16xf32>
        tpu.vector_store %arg15[%parallel_loop3A_834, %parallel_loop3A_835], %parallel_loop3A_838 {strides = array<i32>} : memref<16x768xf32, #tpu.memory_space<vmem>>, vector<1x16xf32>,
        %parallel_loop3A_839 = arith.index_cast %parallel_loop3A_180 : i32 to index
        %parallel_loop3A_840 = arith.constant 752 : index
        %parallel_loop3A_841 = tpu.vector_load %arg9[%parallel_loop3A_839, %parallel_loop3A_840] {strides = array<i32>} : memref<16x768xf32, #tpu.memory_space<vmem>>, vector<1x16xf32>,
        %parallel_loop3A_842 = vector.shape_cast %parallel_loop3A_841 : vector<1x16xf32> to vector<16xf32>
        %parallel_loop3A_843 = arith.index_cast %parallel_loop3A_180 : i32 to index
        %parallel_loop3A_844 = arith.constant 752 : index
        %parallel_loop3A_845 = tpu.vector_load %arg12[%parallel_loop3A_843, %parallel_loop3A_844] {strides = array<i32>} : memref<16x768xf32, #tpu.memory_space<vmem>>, vector<1x16xf32>,
        %parallel_loop3A_846 = vector.shape_cast %parallel_loop3A_845 : vector<1x16xf32> to vector<16xf32>
        %parallel_loop3A_847 = arith.addf %parallel_loop3A_842, %parallel_loop3A_846 : vector<16xf32>
        %parallel_loop3A_848 = arith.index_cast %parallel_loop3A_180 : i32 to index
        %parallel_loop3A_849 = arith.constant 752 : index
        %parallel_loop3A_850 = tpu.vector_load %arg15[%parallel_loop3A_848, %parallel_loop3A_849] {strides = array<i32>} : memref<16x768xf32, #tpu.memory_space<vmem>>, vector<1x16xf32>,
        %parallel_loop3A_851 = vector.shape_cast %parallel_loop3A_850 : vector<1x16xf32> to vector<16xf32>
        %parallel_loop3A_852 = vector.shape_cast %parallel_loop3A_847 : vector<16xf32> to vector<1x16xf32>
        tpu.vector_store %arg15[%parallel_loop3A_848, %parallel_loop3A_849], %parallel_loop3A_852 {strides = array<i32>} : memref<16x768xf32, #tpu.memory_space<vmem>>, vector<1x16xf32>,
      } {sc.loop_unroll_factor = 2 : i64, sc.parallel_access}
      %mul3A_166 = arith.constant 16 : i32
      %mul3A_167 = arith.muli %add3A_144, %mul3A_166 : i32
      %dma_start3A_168 = arith.constant 0 : i32
      %dma_start3A_169 = tpu.memref_slice %arg5[%add3A, %mul3A_167, %dma_start3A_168] : memref<32x576x768xf32, #tpu.memory_space<hbm>> -> memref<1x16x768xf32, #tpu.memory_space<hbm>>
      %dma_start3A_170 = tpu.memref_squeeze %dma_start3A_169 : memref<1x16x768xf32, #tpu.memory_space<hbm>> -> memref<16x768xf32, #tpu.memory_space<hbm>>
      %dma_start3A_171 = arith.constant 0 : i32
      %dma_start3A_172 = tpu.memref_slice %arg5[%add3A, %mul3A_167, %dma_start3A_171] : memref<32x576x768xf32, #tpu.memory_space<hbm>> -> memref<1x16x768xf32, #tpu.memory_space<hbm>>
      %dma_start3A_173 = tpu.memref_squeeze %dma_start3A_172 : memref<1x16x768xf32, #tpu.memory_space<hbm>> -> memref<16x768xf32, #tpu.memory_space<hbm>>
      tpu.enqueue_dma source(%arg15 : memref<16x768xf32, #tpu.memory_space<vmem>>) target(%dma_start3A_173 : memref<16x768xf32, #tpu.memory_space<hbm>>) target_semaphore(%arg24 : memref<!tpu.dma_semaphore, #tpu.memory_space<semaphore_mem>>)
      %lt3A_174 = arith.constant 11 : i32
      %lt3A_175 = arith.cmpi slt, %scan3A_68, %lt3A_174 : i32
      %convert_element_type3A_176 = arith.extui %lt3A_175 : i1 to i32
      %cond3A_177 = arith.constant 0 : i32
      %cond3A_178 = arith.cmpi ne, %convert_element_type3A_176, %cond3A_177 : i32
      scf.if %cond3A_178 {
        %add3A_180 = arith.constant 3 : i32
        %add3A_181 = arith.addi %add3A_144, %add3A_180 : i32
        %mul3A_182 = arith.constant 16 : i32
        %mul3A_183 = arith.muli %add3A_181, %mul3A_182 : i32
        %dma_start3A_184 = arith.constant 0 : i32
        %dma_start3A_185 = tpu.memref_slice %arg2[%add3A, %mul3A_183, %dma_start3A_184] : memref<32x576x768xf32, #tpu.memory_space<hbm>> -> memref<1x16x768xf32, #tpu.memory_space<hbm>>
        %dma_start3A_186 = tpu.memref_squeeze %dma_start3A_185 : memref<1x16x768xf32, #tpu.memory_space<hbm>> -> memref<16x768xf32, #tpu.memory_space<hbm>>
        %dma_start3A_187 = arith.constant 0 : i32
        %dma_start3A_188 = tpu.memref_slice %arg2[%add3A, %mul3A_183, %dma_start3A_187] : memref<32x576x768xf32, #tpu.memory_space<hbm>> -> memref<1x16x768xf32, #tpu.memory_space<hbm>>
        %dma_start3A_189 = tpu.memref_squeeze %dma_start3A_188 : memref<1x16x768xf32, #tpu.memory_space<hbm>> -> memref<16x768xf32, #tpu.memory_space<hbm>>
        tpu.enqueue_dma source(%dma_start3A_189 : memref<16x768xf32, #tpu.memory_space<hbm>>) target(%arg9 : memref<16x768xf32, #tpu.memory_space<vmem>>) target_semaphore(%arg18 : memref<!tpu.dma_semaphore, #tpu.memory_space<semaphore_mem>>)
        %mul3A_190 = arith.constant 16 : i32
        %mul3A_191 = arith.muli %add3A_181, %mul3A_190 : i32
        %dma_start3A_192 = tpu.memref_slice %arg6[%mul3A_191] : memref<576xi32, #tpu.memory_space<vmem>> -> memref<16xi32, #tpu.memory_space<vmem>>
        %dma_start3A_193 = arith.constant 0 : i32
        %dma_start3A_194 = arith.constant 0 : i32
        %dma_start3A_195 = tpu.memref_slice %arg4[%dma_start3A_193, %dma_start3A_194] : memref<10000x768xf32, #tpu.memory_space<hbm>> -> memref<10000x768xf32, #tpu.memory_space<hbm>>
        tpu.enqueue_indirect_dma source(%dma_start3A_195 : memref<10000x768xf32, #tpu.memory_space<hbm>>) target(%arg12 : memref<16x768xf32, #tpu.memory_space<vmem>>) offsets(%dma_start3A_192 : memref<16xi32, #tpu.memory_space<vmem>>) semaphore(%arg21 : memref<!tpu.dma_semaphore, #tpu.memory_space<semaphore_mem>>)
      } else {
      }
      %scan3A_179 = arith.constant 0 : i32
      scf.yield %scan3A_179 : i32
    }
    %scan3A_44 = arith.constant 12 : i32
    %dma_wait3A = arith.constant 0 : i32
    %dma_wait3A_45 = arith.constant 0 : i32
    %dma_wait3A_46 = tpu.memref_slice %arg5[%add3A, %dma_wait3A, %dma_wait3A_45] : memref<32x576x768xf32, #tpu.memory_space<hbm>> -> memref<1x16x768xf32, #tpu.memory_space<hbm>>
    %dma_wait3A_47 = tpu.memref_squeeze %dma_wait3A_46 : memref<1x16x768xf32, #tpu.memory_space<hbm>> -> memref<16x768xf32, #tpu.memory_space<hbm>>
    %dma_wait3A_48 = arith.constant 0 : i32
    %dma_wait3A_49 = arith.constant 0 : i32
    %dma_wait3A_50 = tpu.memref_slice %arg5[%add3A, %dma_wait3A_48, %dma_wait3A_49] : memref<32x576x768xf32, #tpu.memory_space<hbm>> -> memref<1x16x768xf32, #tpu.memory_space<hbm>>
    %dma_wait3A_51 = tpu.memref_squeeze %dma_wait3A_50 : memref<1x16x768xf32, #tpu.memory_space<hbm>> -> memref<16x768xf32, #tpu.memory_space<hbm>>
    tpu.wait_dma2 semaphore(%arg22 : memref<!tpu.dma_semaphore, #tpu.memory_space<semaphore_mem>>) src(%arg13 : memref<16x768xf32, #tpu.memory_space<vmem>>) dst(%dma_wait3A_51 : memref<16x768xf32, #tpu.memory_space<hbm>>)
    %dma_wait3A_52 = arith.constant 0 : i32
    %dma_wait3A_53 = arith.constant 0 : i32
    %dma_wait3A_54 = tpu.memref_slice %arg5[%add3A, %dma_wait3A_52, %dma_wait3A_53] : memref<32x576x768xf32, #tpu.memory_space<hbm>> -> memref<1x16x768xf32, #tpu.memory_space<hbm>>
    %dma_wait3A_55 = tpu.memref_squeeze %dma_wait3A_54 : memref<1x16x768xf32, #tpu.memory_space<hbm>> -> memref<16x768xf32, #tpu.memory_space<hbm>>
    %dma_wait3A_56 = arith.constant 0 : i32
    %dma_wait3A_57 = arith.constant 0 : i32
    %dma_wait3A_58 = tpu.memref_slice %arg5[%add3A, %dma_wait3A_56, %dma_wait3A_57] : memref<32x576x768xf32, #tpu.memory_space<hbm>> -> memref<1x16x768xf32, #tpu.memory_space<hbm>>
    %dma_wait3A_59 = tpu.memref_squeeze %dma_wait3A_58 : memref<1x16x768xf32, #tpu.memory_space<hbm>> -> memref<16x768xf32, #tpu.memory_space<hbm>>
    tpu.wait_dma2 semaphore(%arg23 : memref<!tpu.dma_semaphore, #tpu.memory_space<semaphore_mem>>) src(%arg14 : memref<16x768xf32, #tpu.memory_space<vmem>>) dst(%dma_wait3A_59 : memref<16x768xf32, #tpu.memory_space<hbm>>)
    %dma_wait3A_60 = arith.constant 0 : i32
    %dma_wait3A_61 = arith.constant 0 : i32
    %dma_wait3A_62 = tpu.memref_slice %arg5[%add3A, %dma_wait3A_60, %dma_wait3A_61] : memref<32x576x768xf32, #tpu.memory_space<hbm>> -> memref<1x16x768xf32, #tpu.memory_space<hbm>>
    %dma_wait3A_63 = tpu.memref_squeeze %dma_wait3A_62 : memref<1x16x768xf32, #tpu.memory_space<hbm>> -> memref<16x768xf32, #tpu.memory_space<hbm>>
    %dma_wait3A_64 = arith.constant 0 : i32
    %dma_wait3A_65 = arith.constant 0 : i32
    %dma_wait3A_66 = tpu.memref_slice %arg5[%add3A, %dma_wait3A_64, %dma_wait3A_65] : memref<32x576x768xf32, #tpu.memory_space<hbm>> -> memref<1x16x768xf32, #tpu.memory_space<hbm>>
    %dma_wait3A_67 = tpu.memref_squeeze %dma_wait3A_66 : memref<1x16x768xf32, #tpu.memory_space<hbm>> -> memref<16x768xf32, #tpu.memory_space<hbm>>
    tpu.wait_dma2 semaphore(%arg24 : memref<!tpu.dma_semaphore, #tpu.memory_space<semaphore_mem>>) src(%arg15 : memref<16x768xf32, #tpu.memory_space<vmem>>) dst(%dma_wait3A_67 : memref<16x768xf32, #tpu.memory_space<hbm>>)
    return
  }
}

</mosaic_0001>

<sc_bundles>
// kernel: _sc_add_gather.3.cloned.1.call-start
scs
__scs_entry_jumppad:
0x0: {  	(pc) =	sbr.rel $0x88, $3  }
0x1: {  	(tag) =	ssettag $0x0;
	lr =	simm.s32 $0x1  }
0x2: {  	[smem:$0x3F9E] =	sst lr;
	_ =	strace $0xD0000000  }
0x3: {  	_ = 	snop  }
0x4: {  	_ = 	snop  }
0x5: {  	_ = 	snop  }
0x6: {  	_ = 	snop  }
0x7: {  	_ = 	snop  }
__scs_overlays_trampoline_lowered:
0x8: {  	[smem:$0x3FAD] =	sst s0  }
0x9: {  	[smem:$0x3FAE] =	sst s1  }
0xa: {  	[smem:$0x3FAF] =	sst s2  }
0xb: {  	[smem:$0x3FB0] =	sst s3  }
0xc: {  	[smem:$0x3FB1] =	sst s4  }
0xd: {  	[smem:$0x3FB2] =	sst s5  }
0xe: {  	[smem:$0x3FB3] =	sst s6  }
0xf: {  	[smem:$0x3FB4] =	sst s7  }
0x10: {  	[smem:$0x3FB5] =	sst s8  }
0x11: {  	[smem:$0x3FB6] =	sst s9;
	s0 =	simm.s32 @!p0 $0x0  }
0x12: {  	s1 =	sld [smem:$0x3F9C];
	s0 =	simm.s32 @p0 $0x1  }
0x13: {  	[smem:$0x3FB7] =	sst s0;
	s0 =	simm.s32 @!p1 $0x0  }
0x14: {  	s2 =	sld [smem:$0x3F9B];
	s0 =	simm.s32 @p1 $0x1  }
0x15: {  	[smem:$0x3FB8] =	sst s0;
	s0 =	simm.s32 @!p2 $0x0  }
0x16: {  	s3 =	sld [smem:$0x3FDB];
	s0 =	simm.s32 @p2 $0x1  }
0x17: {  	s4 =	simm.s32 $0x1BF5;
	[smem:$0x3FBA] =	sst s0  }
0x18: {  	s0 =	sld [smem:$0x3F9D];
	_ =	swait.ge [sflag:s4], $0x0  }
0x19: {  	s7 =	sld [smem:$0x3F9E]  }
0x1a: {  	s8 =	sadd.s32 $0xFFFFE003, lr  }
0x1b: {  	s9 =	sadd.s32 $0xFFFFFEF7, lr;
	s5 =	simm.s32 $0xFFFFFFFF;
	p2 =	slt.u32 s8, $0xFFFFF086  }
0x1c: {  	p1 =	slt.u32 s9, $0xF7A;
	s5 =	simm.s32 @!p2 $0x0  }
0x1d: {  	s5 =	simm.s32 @p1 $0x1;
	p0 =	seq.s32 s7, s2  }
0x1e: {  	s7 =	smul.u32 @!p0 $0xF7A, s2;
	p2 =	seq.s32 @!p0 s5, $0x0  }
0x1f: {  	s9 =	smul.u32 $0xF7A, s1;
	s8 =	simm.s32 @!p0 $0x1BF5;
	p2 =	por !p2, p0  }
0x20: {  	[sflag:s8] =	ssyncset.s32 @!p0 $0xFFFFF086;
	s6 =	sadd.s32 @!p0 s3, s7;
	s7 =	simm.s32 @!p0 $0x108  }
0x21: {  	s3 =	sadd.s32 s3, s9;
	s6 =	sadd.s32 @!p0 $0x88, s6;
	s7 =	simm.s32 @p2 $0x1082  }
0x22: {  	[simem:s7], [sflag:s8] =	dma.local @!p0 [hbm:s6], $0xF7A  }
0x23: {  	s9 =	sor.u32 $0xD0000000, s2;
	s6 =	simm.s32 $0x108;
	_ =	swait.ge @!p0 [sflag:s8], $0x0  }
0x24: {  	s3 =	sadd.s32 $0x88, s3;
	s6 =	simm.s32 @!p1 $0x1082;
	[sflag:s4] =	ssyncset.s32 $0xFFFFF086  }
0x25: {  	[simem:s6], [sflag:s4] =	dma.local [hbm:s3], $0xF7A  }
0x26: {  	[smem:$0x3F9E] =	sst s1;
	(tag) =	ssettag s2;
	_ =	strace s9  }
0x27: {  	s1 =	sld [smem:$0x3FAE]  }
0x28: {  	s2 =	sld [smem:$0x3FAF]  }
0x29: {  	s4 =	sld [smem:$0x3FB1]  }
0x2a: {  	p0 =	seq.s32 s5, $0x0;
	s5 =	sld [smem:$0x3FB2]  }
0x2b: {  	s6 =	sld [smem:$0x3FB3]  }
0x2c: {  	s7 =	sld [smem:$0x3FB4]  }
0x2d: {  	s3 =	simm.s32 $0x108;
	s8 =	sld [smem:$0x3FB5]  }
0x2e: {  	s3 =	simm.s32 @!p0 $0x1082;
	s9 =	sld [smem:$0x3FB6]  }
0x2f: {  	lr =	sadd.s32 s0, s3;
	s0 =	sld [smem:$0x3FAD]  }
0x30: {  	s3 =	sld [smem:$0x3FB0]  }
0x31: {  	[smem:$0x3FB9] =	sst s10  }
0x32: {  	s10 =	sld [smem:$0x3FB7];
	_ =	sdelay $0x3  }
0x33: {  	p0 =	seq.s32 s10, $0x1;
	s10 =	sld [smem:$0x3FB9];
	_ =	sdelay $0x3  }
0x34: {  	[smem:$0x3FB9] =	sst s10  }
0x35: {  	s10 =	sld [smem:$0x3FB8];
	_ =	sdelay $0x3  }
0x36: {  	p1 =	seq.s32 s10, $0x1;
	s10 =	sld [smem:$0x3FB9];
	_ =	sdelay $0x3  }
0x37: {  	[smem:$0x3FB9] =	sst s10  }
0x38: {  	s10 =	sld [smem:$0x3FBA]  }
0x39: {  	_ = 	snop;
	(pc) =	sbr.ind lr, $3  }
0x3a: {  	_ = 	snop  }
0x3b: {  	_ = 	snop  }
0x3c: {  	p2 =	seq.s32 s10, $0x1;
	s10 =	sld [smem:$0x3FB9]  }
0x3d: {  	_ =	shalt  }
0x3e: {  	_ =	shalt  }
0x3f: {  	_ =	shalt  }
0x40: {  	_ =	shalt  }
0x41: {  	_ =	shalt  }
0x42: {  	_ =	shalt  }
0x43: {  	_ =	shalt  }
0x44: {  	_ =	shalt  }
0x45: {  	_ =	shalt  }
0x46: {  	_ =	shalt  }
0x47: {  	_ =	shalt  }
0x48: {  	_ =	shalt  }
0x49: {  	_ =	shalt  }
0x4a: {  	_ =	shalt  }
0x4b: {  	_ =	shalt  }
0x4c: {  	_ =	shalt  }
0x4d: {  	_ =	shalt  }
0x4e: {  	_ =	shalt  }
0x4f: {  	_ =	shalt  }
0x50: {  	_ =	shalt  }
0x51: {  	_ =	shalt  }
0x52: {  	_ =	shalt  }
0x53: {  	_ =	shalt  }
0x54: {  	_ =	shalt  }
0x55: {  	_ =	shalt  }
0x56: {  	_ =	shalt  }
0x57: {  	_ =	shalt  }
0x58: {  	_ =	shalt  }
0x59: {  	_ =	shalt  }
0x5a: {  	_ =	shalt  }
0x5b: {  	_ =	shalt  }
0x5c: {  	_ =	shalt  }
0x5d: {  	_ =	shalt  }
0x5e: {  	_ =	shalt  }
0x5f: {  	_ =	shalt  }
0x60: {  	_ =	shalt  }
0x61: {  	_ =	shalt  }
0x62: {  	_ =	shalt  }
0x63: {  	_ =	shalt  }
0x64: {  	_ =	shalt  }
0x65: {  	_ =	shalt  }
0x66: {  	_ =	shalt  }
0x67: {  	_ =	shalt  }
0x68: {  	_ =	shalt  }
0x69: {  	_ =	shalt  }
0x6a: {  	_ =	shalt  }
0x6b: {  	_ =	shalt  }
0x6c: {  	_ =	shalt  }
0x6d: {  	_ =	shalt  }
0x6e: {  	_ =	shalt  }
0x6f: {  	_ =	shalt  }
0x70: {  	_ =	shalt  }
0x71: {  	_ =	shalt  }
0x72: {  	_ =	shalt  }
0x73: {  	_ =	shalt  }
0x74: {  	_ =	shalt  }
0x75: {  	_ =	shalt  }
0x76: {  	_ =	shalt  }
0x77: {  	_ =	shalt  }
0x78: {  	_ =	shalt  }
0x79: {  	_ =	shalt  }
0x7a: {  	_ =	shalt  }
0x7b: {  	_ =	shalt  }
0x7c: {  	_ =	shalt  }
0x7d: {  	_ =	shalt  }
0x7e: {  	_ =	shalt  }
0x7f: {  	_ =	shalt  }
0x80: {  	_ =	shalt  }
0x81: {  	_ =	shalt  }
0x82: {  	_ =	shalt  }
0x83: {  	_ =	shalt  }
0x84: {  	_ =	shalt  }
0x85: {  	_ =	shalt  }
0x86: {  	_ =	shalt  }
0x87: {  	_ =	shalt  }
.Lfunc_end0:
.L_simem_size_0:
called_computation_lowered:
.L_overlay_start_0:
0x88: {  	s2 =	sld [smem:$0x3FD9]  }
0x89: {  	s3 =	sld [smem:$0x3FFE];
	_ =	sdelay $0x1  }
0x8a: {  	s1 =	srdreg.scid  }
0x8b: {  	s0 =	sand.u32 $0x1, s1  }
0x8c: {  	s18 =	sshll.u32 s0, $0xA;
	s2 =	sadd.s32 s3, s2  }
0x8d: {  	s2 =	sadd.s32 s2, s18  }
0x8e: {  	[smem:$0x3FC5] =	sst s2  }
0x8f: {  	_ = 	snop  }
0x90: {  	s2 =	sld [smem:$0x3FC9]  }
0x91: {  	s19 =	sld [smem:$0x3FC8]  }
0x92: {  	s4 =	sld [smem:$0x3FC7]  }
0x93: {  	s5 =	sld [smem:$0x3FD0];
	(tm) =	ssettm $0x1  }
0x94: {  	s6 =	sld [smem:$0x3FFB];
	_ =	sdelay $0x3  }
0x95: {  	_ =	strace s6  }
0x96: {  	s6 =	sld [smem:$0x3FFC];
	_ =	sdelay $0x3  }
0x97: {  	_ =	strace s6  }
0x98: {  	s6 =	sld [smem:$0x3FFD];
	_ =	sdelay $0x3  }
0x99: {  	_ =	strace s6  }
0x9a: {  	_ =	strace $0x8FFFFFFF  }
0x9b: {  	s20 =	sld [smem:$0x3FDB];
	_ =	sdelay $0x1  }
0x9c: {  	s7 =	simm.s32 $_scs_section_size  }
0x9d: {  	s8 =	simm.s32 $_size__tile_overlayer_lowered;
	s9 =	simm.s32 $_tile_overlayer_lowered  }
0x9e: {  	s23 =	simm.s32 $0x1BFF;
	s22 =	sshll.u32 s9, $0x1;
	s6 =	sadd.s32 s7, s20  }
0x9f: {  	s10 =	simm.s32 $0x0;
	s21 =	sshll.u32 s8, $0x1;
	s8 =	sadd.s32 s22, s6  }
0xa0: {  	[timem:s10], [sflag:s23] =	dma.local [hbm:s8], s21  }
0xa1: {  	_ =	swait.ge [sflag:s23], s21  }
0xa2: {  	s7 =	ssub.s32 $0x0, s21;
	[sflag:s23] =	ssyncset.done $0x0  }
0xa3: {  	[sflag:s23] =	ssyncadd.s32 s7;
	_ =	sdelay $0x1  }
0xa4: {  	s24 =	simm.s32 $0x1B8B  }
0xa5: {  	_ =	swait.ge [sflag:s24], $0x1  }
0xa6: {  	[sflag:s24] =	ssyncset.done $0x0  }
0xa7: {  	s25 =	simm.s32 $0x1B8E;
	[sflag:s24] =	ssyncadd.s32 $0xFFFFFFFF  }
0xa8: {  	s26 =	simm.s32 $execute0_lowered;
	[smem:$0x3FD2] =	sst s25  }
0xa9: {  	s7 =	sshll.u32 s26, $0x1;
	_ =	strace $0x80000046;
	[dreg:$0x1] =	wrdreg $0xFFFFFFFF  }
0xaa: {  	s28 =	simm.s32 $_size_execute0_lowered;
	s6 =	sadd.s32 s6, s7;
	[dreg:$0x0] =	wrdreg $0x0  }
0xab: {  	s7 =	sshll.u32 s28, $0x1;
	[dreg:$0x2] =	wrdreg s6  }
0xac: {  	[dreg:$0x3] =	wrdreg s7  }
0xad: {  	[dreg:$0x4] =	wrdreg $0xC0  }
0xae: {  	_ =	task [dreg:s10], $0x5FFFF  }
0xaf: {  	[dreg:$0x1] =	wrdreg $0xFFFFFFFF  }
0xb0: {  	[dreg:$0x0] =	wrdreg $0x60  }
0xb1: {  	[dreg:$0x2] =	wrdreg s2  }
0xb2: {  	[dreg:$0x3] =	wrdreg s19  }
0xb3: {  	[dreg:$0x4] =	wrdreg s4  }
0xb4: {  	[dreg:$0x5] =	wrdreg s5  }
0xb5: {  	[dreg:$0x6] =	wrdreg $0x9  }
0xb6: {  	_ =	task.clear_ibuf [dreg:s10], $0x7FFFF;
	_ =	strace $0x90000046  }
0xb7: {  	s29 =	simm.s32 $0x9;
	_ =	strace $0x80000048  }
0xb8: {  	_ =	swait.ge [sflag:s29], $0x1  }
0xb9: {  	[sflag:s29] =	ssyncadd.s32 $0xFFFFFFFF  }
0xba: {  	_ =	strace $0x90000048  }
0xbb: {  	_ =	sfence  }
0xbc: {  	s30 =	sld [smem:$0x0];
	_ =	sdelay $0x2  }
0xbd: {  	s31 =	sshll.u32 s1, $0xD;
	s1 =	sshrl.u32 s1, $0x2  }
0xbe: {  	s3 =	sand.u32 $0x4000, s31;
	s1 =	sadd.s32 s1, s30  }
0xbf: {  	s0 =	sor.u32 s3, s0;
	s1 =	sshll.u32 s1, $0x11  }
0xc0: {  	s0 =	sor.u32 s1, s0  }
0xc1: {  	s0 =	sadd.s32 $0x8F2B, s0  }
0xc2: {  	[sflag:s0] =	ssyncadd.remote.s32 $0x1  }
0xc3: {  	_ =	sfence.sel $0xFFFF  }
0xc4: {  	[dreg:$0x0] =	wrdreg $0xFFFFFFFF;
	(pc) =	sbr.abs _section_cstart, $3  }
0xc5: {  	[dreg:$0x1] =	wrdreg $0xFFFFFFFF  }
0xc6: {  	_ =	task.clear_ibuf [dreg:s10], $0x2FFFF;
	_ =	strace $0x9FFFFFFF  }
0xc7: {  	(tm) =	ssettm $0x7FFFFFFF  }
tec
execute0_lowered:
.L_overlay_start_1:
0x0: {  	(tag) =	ssettag $0x1  }
0x1: {  	s1 =	rddreg [dreg:$0x0]  }
0x2: {  	s0 =	rddreg [dreg:$0x1]  }
0x3: {  	s3 =	rddreg [dreg:$0x2];
	s2 =	srdreg.scid  }
0x4: {  	s7 =	stileid.u32;
	s4 =	rddreg [dreg:$0x3];
	s20 =	simm.s32 $0x1  }
0x5: {  	s21 =	simm.s32 $0x4;
	s22 =	simm.s32 $0x12280;
	s23 =	simm.s32 $0x2  }
0x6: {  	s24 =	simm.s32 $0x5;
	s28 =	simm.s32 $0x6;
	s29 =	simm.s32 $0x18280  }
0x7: {  	s2 =	sand.u32 $0x1, s2;
	s5 =	sshll.u32 s7, $0x1;
	s7 =	sshrl.u32 s7, $0x2  }
0x8: {  	s6 =	sor.u32 s2, s5;
	s5 =	simm.s32 $0x0;
	s7 =	smul.u32 $0x1400, s7  }
0x9: {  	s2 =	ssub.s32 $0x2, s2;
	s8 =	sshll.u32 s6, $0x7;
	[smem:$0x7FF] =	sst s5  }
0xa: {  	s6 =	smul.u32 $0x6C000, s6;
	s25 =	sshrl.u32 s2, $0x1;
	s8 =	sand.u32 $0x380, s8  }
0xb: {  	_ =	strace $0x80000047;
	s2 =	ssub.s32 s2, s25;
	s7 =	sor.u32 s7, s8  }
0xc: {  	s9 =	sshrl.u32 s6, $0x3;
	s31 =	smax.u32 s2, $0x1;
	s7 =	sshrl.u32 s7, $0x3  }
.Ltmp0:
0xd: {  	s26 =	sadd.s32 s1, s9;
	[dreg:$0x9] =	wrdreg s31;
	(pc) =	sbr.rel .LBB2_1-.Ltmp0, $4  }
0xe: {  	s10 =	sadd.s32 $0x200, s3;
	s0 =	sadd.s32 s0, s7;
	[dreg:$0x6] =	wrdreg s26  }
0xf: {  	v2 =	vlaneseq.u32;
	s25 =	simm.s32 $0x15280;
	s30 =	sadd.s32 $0x600, s26;
	[dreg:$0x5] =	wrdreg s0  }
0x10: {  	vm0 =	vmmov $0xffff;
	v1 =	vshrl.u32 v2, $0x3;
	s9 =	sadd.s32 $0x100, s3;
	[dreg:$0x7] =	wrdreg s30;
	s0 =	sadd.s32 $0xC00, s26  }
0x11: {  	v0 =	vand.u32 $0x7, v2;
	v2 =	vor.u32 $0x8, v2;
	v1 =	vmul.u32 $0x8, v1;
	s7 =	simm.s32 $0x0;
	s26 =	simm.s32 $0x3;
	[dreg:$0x8] =	wrdreg s0  }
.LBB2_10:
0x12: {  	s0 =	simm.s32 $0x7  }
0x13: {  	_ =	swait.ge [sflag:s0], $0x3000  }
0x14: {  	[sflag:s0] =	ssyncset.done $0x0  }
0x15: {  	s30 =	simm.s32 $0x8;
	[sflag:s0] =	ssyncadd.s32 $0xFFFFD000  }
0x16: {  	_ =	swait.ge [sflag:s30], $0x3000  }
0x17: {  	[sflag:s30] =	ssyncset.done $0x0  }
0x18: {  	s2 =	simm.s32 $0x9;
	[sflag:s30] =	ssyncadd.s32 $0xFFFFD000  }
0x19: {  	_ =	swait.ge [sflag:s2], $0x3000  }
0x1a: {  	s7 =	rddreg [dreg:$0xa]  }
0x1b: {  	s31 =	rddreg [dreg:$0x9];
	s7 =	sadd.s32 $0x1, s7  }
0x1c: {  	p0 =	sne.s32 s7, s31  }
.Ltmp1:
0x1d: {  	_ = 	snop;
	(pc) =	sbr.rel @!p0 .LBB2_11-.Ltmp1, $3  }
0x1e: {  	_ =	sdelay $0x1  }
0x1f: {  	[sflag:s2] =	ssyncset.done $0x0  }
0x20: {  	[sflag:s2] =	ssyncadd.s32 $0xFFFFD000  }
.LBB2_1:
0x21: {  	[dreg:$0xa] =	wrdreg s7  }
0x22: {  	s0 =	rddreg [dreg:$0x5]  }
0x23: {  	s2 =	simm.s32 $0x80;
	s8 =	simm.s32 $0x400;
	s11 =	simm.s32 $0xA  }
0x24: {  	[tilespmem:s5], [sflag:$0xA] =	stream.strided.gather [hbm4b:s0+s2], $0x280, s8, s2, $0x38;
	[tilespmem:$0x1B280] =	vst v63  }
0x25: {  	_ =	swait.ge [sflag:s11], $0x280  }
0x26: {  	[sflag:s11] =	ssyncset.done $0x0  }
0x27: {  	s13 =	simm.s32 $0x280;
	s12 =	rddreg [dreg:$0x6];
	[sflag:s11] =	ssyncadd.s32 $0xFFFFFD80  }
0x28: {  	[tilespmem:s13], [sflag:$0x1] =	stream.linear.gather [hbm4b:s12+s5], $0x3000, $0x38;
	[tilespmem:$0x1B280] =	vst v63  }
0x29: {  	v3 =	vld [tilespmem:$0x0];
	_ =	sdelay $0x4  }
0x2a: {  	v4 =	vshrl.u32 v3, $0x3  }
0x2b: {  	v4 =	vmul.u32 $0x30, v4  }
0x2c: {  	v3 =	vand.u32 $0x7, v3  }
0x2d: {  	v3 =	vor.u32 v3, v4  }
0x2e: {  	v4 =	vperm.xlane v3, v0;
	_ =	sdelay $0x1  }
0x2f: {  	v4 =	vadd.s32 v1, v4;
	_ =	sdelay $0x3  }
0x30: {  	s14 =	simm.s32 $0x9280;
	v3 =	vperm.xlane v3, v2  }
0x31: {  	[tilespmem:s14], [sflag:$0x4] =	stream.indirect_vreg.gather [hbm4b:s3+s5], $0x80, v4, vm0, $0xb8;
	[tilespmem:$0x1B280] =	vst v63  }
0x32: {  	s15 =	simm.s32 $0x9A80;
	v3 =	vadd.s32 v1, v3  }
0x33: {  	[tilespmem:s15], [sflag:$0x4] =	stream.indirect_vreg.gather [hbm4b:s9+s5], $0x80, v4, vm0, $0xb8;
	[tilespmem:$0x1B280] =	vst v63  }
0x34: {  	s16 =	simm.s32 $0xA280  }
0x35: {  	[tilespmem:s16], [sflag:$0x4] =	stream.indirect_vreg.gather [hbm4b:s10+s5], $0x80, v4, vm0, $0xb8;
	[tilespmem:$0x1B280] =	vst v63  }
0x36: {  	s17 =	simm.s32 $0xAA80  }
0x37: {  	[tilespmem:s17], [sflag:$0x4] =	stream.indirect_vreg.gather [hbm4b:s3+s5], $0x80, v3, vm0, $0xb8;
	[tilespmem:$0x1B280] =	vst v63  }
0x38: {  	s18 =	simm.s32 $0xB280  }
0x39: {  	[tilespmem:s18], [sflag:$0x4] =	stream.indirect_vreg.gather [hbm4b:s9+s5], $0x80, v3, vm0, $0xb8;
	[tilespmem:$0x1B280] =	vst v63  }
0x3a: {  	s19 =	simm.s32 $0xBA80  }
0x3b: {  	[tilespmem:s19], [sflag:$0x4] =	stream.indirect_vreg.gather [hbm4b:s10+s5], $0x80, v3, vm0, $0xb8;
	[tilespmem:$0x1B280] =	vst v63  }
0x3c: {  	s31 =	simm.s32 $0x3280;
	s30 =	rddreg [dreg:$0x7]  }
0x3d: {  	[tilespmem:s31], [sflag:$0x2] =	stream.linear.gather [hbm4b:s30+s5], $0x3000, $0x38;
	[tilespmem:$0x1B280] =	vst v63  }
0x3e: {  	v3 =	vld [tilespmem:$0x10];
	_ =	sdelay $0x4  }
0x3f: {  	v62 =	vshrl.u32 v3, $0x3  }
0x40: {  	v4 =	vmul.u32 $0x30, v62  }
0x41: {  	v3 =	vand.u32 $0x7, v3  }
0x42: {  	v3 =	vor.u32 v3, v4  }
0x43: {  	v4 =	vperm.xlane v3, v0;
	_ =	sdelay $0x1  }
0x44: {  	v4 =	vadd.s32 v1, v4;
	_ =	sdelay $0x3  }
0x45: {  	s2 =	simm.s32 $0xC280;
	v3 =	vperm.xlane v3, v2  }
0x46: {  	[tilespmem:s2], [sflag:$0x5] =	stream.indirect_vreg.gather [hbm4b:s3+s5], $0x80, v4, vm0, $0xb8;
	[tilespmem:$0x1B280] =	vst v63  }
0x47: {  	s7 =	simm.s32 $0xCA80;
	v3 =	vadd.s32 v1, v3  }
0x48: {  	[tilespmem:s7], [sflag:$0x5] =	stream.indirect_vreg.gather [hbm4b:s9+s5], $0x80, v4, vm0, $0xb8;
	[tilespmem:$0x1B280] =	vst v63  }
0x49: {  	s8 =	simm.s32 $0xD280  }
0x4a: {  	[tilespmem:s8], [sflag:$0x5] =	stream.indirect_vreg.gather [hbm4b:s10+s5], $0x80, v4, vm0, $0xb8;
	[tilespmem:$0x1B280] =	vst v63  }
0x4b: {  	s11 =	simm.s32 $0xDA80  }
0x4c: {  	[tilespmem:s11], [sflag:$0x5] =	stream.indirect_vreg.gather [hbm4b:s3+s5], $0x80, v3, vm0, $0xb8;
	[tilespmem:$0x1B280] =	vst v63  }
0x4d: {  	s12 =	simm.s32 $0xE280  }
0x4e: {  	[tilespmem:s12], [sflag:$0x5] =	stream.indirect_vreg.gather [hbm4b:s9+s5], $0x80, v3, vm0, $0xb8;
	[tilespmem:$0x1B280] =	vst v63  }
0x4f: {  	s13 =	simm.s32 $0xEA80  }
0x50: {  	[tilespmem:s13], [sflag:$0x5] =	stream.indirect_vreg.gather [hbm4b:s10+s5], $0x80, v3, vm0, $0xb8;
	[tilespmem:$0x1B280] =	vst v63  }
0x51: {  	s14 =	rddreg [dreg:$0x8];
	s15 =	simm.s32 $0x6280  }
0x52: {  	[tilespmem:s15], [sflag:$0x3] =	stream.linear.gather [hbm4b:s14+s5], $0x3000, $0x38;
	[tilespmem:$0x1B280] =	vst v63  }
0x53: {  	v3 =	vld [tilespmem:$0x20];
	_ =	sdelay $0x4  }
0x54: {  	v63 =	vshrl.u32 v3, $0x3  }
0x55: {  	v4 =	vmul.u32 $0x30, v63  }
0x56: {  	v3 =	vand.u32 $0x7, v3  }
0x57: {  	v3 =	vor.u32 v3, v4  }
0x58: {  	v4 =	vperm.xlane v3, v0;
	_ =	sdelay $0x1  }
0x59: {  	v4 =	vadd.s32 v1, v4;
	_ =	sdelay $0x3  }
0x5a: {  	s16 =	simm.s32 $0xF280;
	v3 =	vperm.xlane v3, v2  }
0x5b: {  	[tilespmem:s16], [sflag:$0x6] =	stream.indirect_vreg.gather [hbm4b:s3+s5], $0x80, v4, vm0, $0xb8;
	[tilespmem:$0x1B280] =	vst v63  }
0x5c: {  	s17 =	simm.s32 $0xFA80;
	v3 =	vadd.s32 v1, v3  }
0x5d: {  	[tilespmem:s17], [sflag:$0x6] =	stream.indirect_vreg.gather [hbm4b:s9+s5], $0x80, v4, vm0, $0xb8;
	[tilespmem:$0x1B280] =	vst v63  }
0x5e: {  	s18 =	simm.s32 $0x10280  }
0x5f: {  	[tilespmem:s18], [sflag:$0x6] =	stream.indirect_vreg.gather [hbm4b:s10+s5], $0x80, v4, vm0, $0xb8;
	[tilespmem:$0x1B280] =	vst v63  }
0x60: {  	s19 =	simm.s32 $0x10A80  }
0x61: {  	[tilespmem:s19], [sflag:$0x6] =	stream.indirect_vreg.gather [hbm4b:s3+s5], $0x80, v3, vm0, $0xb8;
	[tilespmem:$0x1B280] =	vst v63  }
0x62: {  	s30 =	simm.s32 $0x11280  }
0x63: {  	[tilespmem:s30], [sflag:$0x6] =	stream.indirect_vreg.gather [hbm4b:s9+s5], $0x80, v3, vm0, $0xb8;
	[tilespmem:$0x1B280] =	vst v63  }
0x64: {  	s31 =	simm.s32 $0x11A80;
	s12 =	simm.s32 $0x0  }
0x65: {  	[tilespmem:s31], [sflag:$0x6] =	stream.indirect_vreg.gather [hbm4b:s10+s5], $0x80, v3, vm0, $0xb8;
	[tilespmem:$0x1B280] =	vst v63  }
.LBB2_2:
0x66: {  	_ =	swait.ge [sflag:s20], $0x3000  }
0x67: {  	[sflag:s20] =	ssyncset.done $0x0  }
0x68: {  	[sflag:s20] =	ssyncadd.s32 $0xFFFFD000  }
0x69: {  	_ =	swait.ge [sflag:s21], $0x3000  }
0x6a: {  	p1 =	seq.s32 s12, $0x0;
	s8 =	simm.s32 $0x0;
	[sflag:s21] =	ssyncset.done $0x0  }
0x6b: {  	s0 =	simm.s32 $0x0;
	s11 =	simm.s32 @!p1 $0x7;
	[sflag:s21] =	ssyncadd.s32 $0xFFFFD000  }
0x6c: {  	s0 =	smul.u32 $0x1800, s0;
	s2 =	sand.u32 $0x300, s8;
	_ =	swait.ge @!p1 [sflag:s11], $0x3000  }
0x6d: {  	s7 =	sor.u32 $0x80, s2;
	[sflag:s11] =	ssyncset.done @!p1 $0x0  }
0x6e: {  	s13 =	sor.u32 s0, s7;
	[sflag:s11] =	ssyncadd.s32 @!p1 $0xFFFFD000  }
0x6f: {  	v3 =	vld [tilespmem:s13+$0x280]  }
0x70: {  	v4 =	vld [tilespmem:s13+$0x9280]  }
0x71: {  	v5 =	vld [tilespmem:s13+$0x290]  }
0x72: {  	v6 =	vld [tilespmem:s13+$0x9290]  }
0x73: {  	v7 =	vld [tilespmem:s13+$0x2A0]  }
0x74: {  	v8 =	vld [tilespmem:s13+$0x92A0]  }
0x75: {  	v9 =	vld [tilespmem:s13+$0x2B0]  }
0x76: {  	v10 =	vld [tilespmem:s13+$0x92B0]  }
0x77: {  	v11 =	vld [tilespmem:s13+$0x2C0]  }
0x78: {  	v12 =	vld [tilespmem:s13+$0x92C0]  }
0x79: {  	v13 =	vld [tilespmem:s13+$0x2D0]  }
0x7a: {  	v14 =	vld [tilespmem:s13+$0x92D0]  }
0x7b: {  	v15 =	vld [tilespmem:s13+$0x2E0]  }
0x7c: {  	v16 =	vld [tilespmem:s13+$0x92E0]  }
0x7d: {  	v17 =	vld [tilespmem:s13+$0x2F0]  }
0x7e: {  	v18 =	vld [tilespmem:s13+$0x92F0]  }
0x7f: {  	v19 =	vld [tilespmem:s13+$0x680]  }
0x80: {  	v20 =	vld [tilespmem:s13+$0x9680]  }
0x81: {  	v21 =	vld [tilespmem:s13+$0x690]  }
0x82: {  	v22 =	vld [tilespmem:s13+$0x9690]  }
0x83: {  	v23 =	vld [tilespmem:s13+$0x6A0]  }
0x84: {  	v24 =	vld [tilespmem:s13+$0x96E0]  }
0x85: {  	s31 =	sor.u32 s2, s0;
	v25 =	vld [tilespmem:s13+$0x6F0]  }
0x86: {  	v38 =	vld [tilespmem:s31+$0x2C0]  }
0x87: {  	v39 =	vld [tilespmem:s31+$0x92C0]  }
0x88: {  	v40 =	vld [tilespmem:s31+$0x2D0]  }
0x89: {  	v41 =	vld [tilespmem:s31+$0x2E0]  }
0x8a: {  	v51 =	vld [tilespmem:s31+$0x2F0]  }
0x8b: {  	v53 =	vld [tilespmem:s31+$0x92F0]  }
0x8c: {  	v54 =	vld [tilespmem:s31+$0x680]  }
0x8d: {  	v56 =	vld [tilespmem:s31+$0x9680]  }
0x8e: {  	v57 =	vld [tilespmem:s31+$0x690];
	v3 =	vadd.f32 v4, v3  }
0x8f: {  	v59 =	vld [tilespmem:s31+$0x9690];
	v5 =	vadd.f32 v6, v5  }
0x90: {  	v4 =	vld [tilespmem:s13+$0x96A0];
	[tilespmem:s13+$0x12280] =	vst v3;
	v3 =	vadd.f32 v8, v7  }
0x91: {  	v6 =	vld [tilespmem:s13+$0x6B0];
	[tilespmem:s13+$0x12290] =	vst v5;
	v5 =	vadd.f32 v10, v9  }
0x92: {  	v7 =	vld [tilespmem:s13+$0x96B0];
	[tilespmem:s13+$0x122A0] =	vst v3;
	v3 =	vadd.f32 v12, v11  }
0x93: {  	v8 =	vld [tilespmem:s13+$0x6C0];
	[tilespmem:s13+$0x122B0] =	vst v5;
	v5 =	vadd.f32 v14, v13  }
0x94: {  	v9 =	vld [tilespmem:s13+$0x96C0];
	[tilespmem:s13+$0x122C0] =	vst v3;
	v3 =	vadd.f32 v16, v15  }
0x95: {  	v10 =	vld [tilespmem:s13+$0x6D0];
	[tilespmem:s13+$0x122D0] =	vst v5;
	v5 =	vadd.f32 v18, v17  }
0x96: {  	v11 =	vld [tilespmem:s13+$0x96D0];
	[tilespmem:s13+$0x122E0] =	vst v3;
	v3 =	vadd.f32 v20, v19  }
0x97: {  	v18 =	vld [tilespmem:s13+$0x6E0];
	[tilespmem:s13+$0x122F0] =	vst v5;
	v5 =	vadd.f32 v22, v21  }
0x98: {  	[tilespmem:s13+$0x12680] =	vst v3;
	v3 =	vadd.f32 v4, v23;
	v4 =	vld [tilespmem:s13+$0x96F0]  }
0x99: {  	v14 =	vld [tilespmem:s31+$0x92B0];
	[tilespmem:s13+$0x12690] =	vst v5;
	v5 =	vadd.f32 v7, v6  }
0x9a: {  	v15 =	vld [tilespmem:s31+$0x280];
	[tilespmem:s13+$0x126A0] =	vst v3;
	v3 =	vadd.f32 v9, v8  }
0x9b: {  	v6 =	vld [tilespmem:s31+$0x9280];
	[tilespmem:s13+$0x126B0] =	vst v5;
	v5 =	vadd.f32 v11, v10  }
0x9c: {  	v7 =	vld [tilespmem:s31+$0x290];
	[tilespmem:s13+$0x126C0] =	vst v3;
	v3 =	vadd.f32 v24, v18  }
0x9d: {  	v8 =	vld [tilespmem:s31+$0x9290];
	[tilespmem:s13+$0x126D0] =	vst v5;
	v4 =	vadd.f32 v4, v25  }
0x9e: {  	s15 =	sadd.s32 $0x800, s0;
	v9 =	vld [tilespmem:s31+$0x2A0];
	[tilespmem:s13+$0x126E0] =	vst v3  }
0x9f: {  	s14 =	sor.u32 s7, s15;
	v5 =	vld [tilespmem:s31+$0x92A0];
	[tilespmem:s13+$0x126F0] =	vst v4  }
0xa0: {  	v4 =	vld [tilespmem:s14+$0x280]  }
0xa1: {  	v10 =	vld [tilespmem:s14+$0x9280]  }
0xa2: {  	v11 =	vld [tilespmem:s14+$0x290]  }
0xa3: {  	v26 =	vld [tilespmem:s14+$0x9290]  }
0xa4: {  	v27 =	vld [tilespmem:s14+$0x2A0]  }
0xa5: {  	v28 =	vld [tilespmem:s14+$0x92A0]  }
0xa6: {  	v29 =	vld [tilespmem:s14+$0x2B0]  }
0xa7: {  	v30 =	vld [tilespmem:s14+$0x92B0]  }
0xa8: {  	v31 =	vld [tilespmem:s14+$0x2C0]  }
0xa9: {  	v32 =	vld [tilespmem:s14+$0x92C0]  }
0xaa: {  	v6 =	vadd.f32 v6, v15;
	v33 =	vld [tilespmem:s14+$0x2D0]  }
0xab: {  	v7 =	vadd.f32 v8, v7;
	v34 =	vld [tilespmem:s14+$0x92D0]  }
0xac: {  	[tilespmem:s31+$0x12280] =	vst v6;
	v35 =	vld [tilespmem:s14+$0x2E0];
	v5 =	vadd.f32 v5, v9  }
0xad: {  	v36 =	vld [tilespmem:s14+$0x2F0];
	[tilespmem:s31+$0x12290] =	vst v7;
	v4 =	vadd.f32 v10, v4  }
0xae: {  	[tilespmem:s31+$0x122A0] =	vst v5;
	v10 =	vld [tilespmem:s14+$0x92E0];
	v11 =	vadd.f32 v26, v11  }
0xaf: {  	v37 =	vld [tilespmem:s14+$0x92F0];
	[tilespmem:s14+$0x12280] =	vst v4;
	v4 =	vadd.f32 v28, v27  }
0xb0: {  	v3 =	vld [tilespmem:s31+$0x2B0];
	[tilespmem:s14+$0x12290] =	vst v11;
	v11 =	vadd.f32 v30, v29  }
0xb1: {  	v8 =	vld [tilespmem:s31+$0x6B0];
	[tilespmem:s14+$0x122A0] =	vst v4;
	v4 =	vadd.f32 v32, v31  }
0xb2: {  	v6 =	vld [tilespmem:s31+$0x96B0];
	[tilespmem:s14+$0x122B0] =	vst v11;
	v11 =	vadd.f32 v34, v33  }
0xb3: {  	v7 =	vld [tilespmem:s31+$0x6C0];
	[tilespmem:s14+$0x122C0] =	vst v4;
	v4 =	vadd.f32 v10, v35  }
0xb4: {  	v9 =	vld [tilespmem:s31+$0x96C0];
	[tilespmem:s14+$0x122D0] =	vst v11;
	v11 =	vadd.f32 v37, v36  }
0xb5: {  	s17 =	sadd.s32 $0xC00, s0;
	v5 =	vadd.f32 v39, v38;
	v38 =	vld [tilespmem:s31+$0x6E0];
	[tilespmem:s14+$0x122E0] =	vst v4  }
0xb6: {  	s16 =	sor.u32 s7, s17;
	v10 =	vld [tilespmem:s31+$0x92D0];
	[tilespmem:s14+$0x122F0] =	vst v11  }
0xb7: {  	v11 =	vld [tilespmem:s16+$0x280]  }
0xb8: {  	v42 =	vld [tilespmem:s16+$0x9280]  }
0xb9: {  	v43 =	vld [tilespmem:s16+$0x290]  }
0xba: {  	v44 =	vld [tilespmem:s16+$0x9290]  }
0xbb: {  	v45 =	vld [tilespmem:s16+$0x2A0]  }
0xbc: {  	v46 =	vld [tilespmem:s16+$0x92A0]  }
0xbd: {  	v47 =	vld [tilespmem:s16+$0x2B0]  }
0xbe: {  	v24 =	vld [tilespmem:s16+$0x92B0]  }
0xbf: {  	v25 =	vld [tilespmem:s16+$0x2C0]  }
0xc0: {  	v26 =	vld [tilespmem:s16+$0x92C0]  }
0xc1: {  	v27 =	vld [tilespmem:s16+$0x2D0]  }
0xc2: {  	v3 =	vadd.f32 v14, v3;
	v28 =	vld [tilespmem:s16+$0x92D0]  }
0xc3: {  	v29 =	vld [tilespmem:s16+$0x2E0]  }
0xc4: {  	[tilespmem:s31+$0x122B0] =	vst v3;
	v49 =	vld [tilespmem:s16+$0x2F0];
	v11 =	vadd.f32 v42, v11  }
0xc5: {  	[tilespmem:s31+$0x122C0] =	vst v5;
	v50 =	vld [tilespmem:s16+$0x92F0];
	v19 =	vadd.f32 v44, v43  }
0xc6: {  	v48 =	vld [tilespmem:s16+$0x92E0];
	v52 =	vadd.f32 v24, v47;
	[tilespmem:s16+$0x12280] =	vst v11  }
0xc7: {  	v39 =	vld [tilespmem:s31+$0x96E0];
	v11 =	vadd.f32 v46, v45;
	[tilespmem:s16+$0x12290] =	vst v19  }
0xc8: {  	v5 =	vld [tilespmem:s31+$0x96D0];
	v55 =	vadd.f32 v28, v27;
	[tilespmem:s16+$0x122B0] =	vst v52  }
0xc9: {  	v37 =	vld [tilespmem:s31+$0x96A0];
	[tilespmem:s16+$0x122A0] =	vst v11;
	v11 =	vadd.f32 v26, v25  }
0xca: {  	v4 =	vld [tilespmem:s31+$0x92E0];
	v58 =	vadd.f32 v50, v49;
	[tilespmem:s16+$0x122D0] =	vst v55  }
0xcb: {  	v3 =	vadd.f32 v10, v40;
	v10 =	vld [tilespmem:s31+$0x6D0];
	[tilespmem:s16+$0x122C0] =	vst v11;
	v11 =	vadd.f32 v48, v29  }
0xcc: {  	s18 =	sadd.s32 $0x1000, s0;
	v40 =	vld [tilespmem:s31+$0x6F0];
	[tilespmem:s16+$0x122F0] =	vst v58  }
0xcd: {  	s19 =	sor.u32 s7, s18;
	[tilespmem:s16+$0x122E0] =	vst v11;
	v11 =	vld [tilespmem:s31+$0x6A0]  }
0xce: {  	v19 =	vld [tilespmem:s19+$0x280]  }
0xcf: {  	v60 =	vld [tilespmem:s19+$0x9280]  }
0xd0: {  	v61 =	vld [tilespmem:s19+$0x290]  }
0xd1: {  	v62 =	vld [tilespmem:s19+$0x9290]  }
0xd2: {  	v63 =	vld [tilespmem:s19+$0x2A0]  }
0xd3: {  	v4 =	vadd.f32 v4, v41;
	v36 =	vld [tilespmem:s19+$0x92A0]  }
0xd4: {  	[tilespmem:s31+$0x122D0] =	vst v3;
	v3 =	vadd.f32 v53, v51;
	v30 =	vld [tilespmem:s19+$0x2B0]  }
0xd5: {  	[tilespmem:s31+$0x122E0] =	vst v4;
	v4 =	vadd.f32 v56, v54;
	v31 =	vld [tilespmem:s19+$0x92B0]  }
0xd6: {  	[tilespmem:s31+$0x122F0] =	vst v3;
	v3 =	vadd.f32 v59, v57;
	v32 =	vld [tilespmem:s19+$0x2C0]  }
0xd7: {  	[tilespmem:s31+$0x12680] =	vst v4;
	v4 =	vadd.f32 v37, v11;
	v11 =	vld [tilespmem:s31+$0x96F0]  }
0xd8: {  	v6 =	vadd.f32 v6, v8;
	[tilespmem:s31+$0x12690] =	vst v3;
	v3 =	vld [tilespmem:s19+$0x92C0]  }
0xd9: {  	v8 =	vld [tilespmem:s19+$0x2D0];
	[tilespmem:s31+$0x126A0] =	vst v4;
	v4 =	vadd.f32 v9, v7  }
0xda: {  	[tilespmem:s31+$0x126B0] =	vst v6;
	v5 =	vadd.f32 v5, v10;
	v6 =	vld [tilespmem:s19+$0x2E0]  }
0xdb: {  	v10 =	vld [tilespmem:s19+$0x2F0];
	[tilespmem:s31+$0x126C0] =	vst v4;
	v4 =	vadd.f32 v39, v38  }
0xdc: {  	[tilespmem:s31+$0x126D0] =	vst v5;
	v7 =	vld [tilespmem:s19+$0x92D0];
	v5 =	vadd.f32 v11, v40  }
0xdd: {  	v9 =	vld [tilespmem:s19+$0x92E0];
	[tilespmem:s31+$0x126E0] =	vst v4  }
0xde: {  	s15 =	sor.u32 s2, s15;
	v4 =	vld [tilespmem:s19+$0x92F0];
	[tilespmem:s31+$0x126F0] =	vst v5  }
0xdf: {  	v5 =	vld [tilespmem:s15+$0x280]  }
0xe0: {  	v11 =	vld [tilespmem:s15+$0x9280]  }
0xe1: {  	v41 =	vld [tilespmem:s15+$0x290]  }
0xe2: {  	v42 =	vld [tilespmem:s15+$0x9290]  }
0xe3: {  	v43 =	vld [tilespmem:s15+$0x2A0]  }
0xe4: {  	v44 =	vadd.f32 v60, v19;
	v45 =	vld [tilespmem:s15+$0x92A0]  }
0xe5: {  	v46 =	vadd.f32 v62, v61;
	v47 =	vld [tilespmem:s15+$0x2B0]  }
0xe6: {  	v48 =	vadd.f32 v36, v63;
	[tilespmem:s19+$0x12280] =	vst v44;
	v49 =	vld [tilespmem:s15+$0x92B0]  }
0xe7: {  	v50 =	vadd.f32 v31, v30;
	[tilespmem:s19+$0x12290] =	vst v46;
	v51 =	vld [tilespmem:s15+$0x2C0]  }
0xe8: {  	v3 =	vadd.f32 v3, v32;
	[tilespmem:s19+$0x122A0] =	vst v48;
	v52 =	vld [tilespmem:s15+$0x92C0]  }
0xe9: {  	[tilespmem:s19+$0x122B0] =	vst v50;
	v7 =	vadd.f32 v7, v8;
	v8 =	vld [tilespmem:s15+$0x2D0]  }
0xea: {  	[tilespmem:s19+$0x122C0] =	vst v3;
	v3 =	vadd.f32 v9, v6;
	v6 =	vld [tilespmem:s15+$0x92D0]  }
0xeb: {  	v9 =	vld [tilespmem:s15+$0x2F0];
	[tilespmem:s19+$0x122D0] =	vst v7;
	v4 =	vadd.f32 v4, v10  }
0xec: {  	v7 =	vld [tilespmem:s15+$0x2E0];
	[tilespmem:s19+$0x122E0] =	vst v3;
	v3 =	vadd.f32 v11, v5  }
0xed: {  	v5 =	vld [tilespmem:s15+$0x92E0];
	[tilespmem:s19+$0x122F0] =	vst v4;
	v4 =	vadd.f32 v42, v41  }
0xee: {  	v10 =	vld [tilespmem:s15+$0x92F0];
	[tilespmem:s15+$0x12280] =	vst v3;
	v3 =	vadd.f32 v45, v43  }
0xef: {  	[tilespmem:s15+$0x12290] =	vst v4;
	v4 =	vadd.f32 v49, v47  }
0xf0: {  	[tilespmem:s15+$0x122A0] =	vst v3;
	v3 =	vadd.f32 v52, v51  }
0xf1: {  	[tilespmem:s15+$0x122B0] =	vst v4;
	v4 =	vadd.f32 v6, v8  }
0xf2: {  	s0 =	sadd.s32 $0x1400, s0;
	[tilespmem:s15+$0x122C0] =	vst v3;
	v3 =	vadd.f32 v5, v7  }
0xf3: {  	s30 =	sor.u32 s7, s0;
	[tilespmem:s15+$0x122D0] =	vst v4;
	v4 =	vadd.f32 v10, v9  }
0xf4: {  	v5 =	vld [tilespmem:s30+$0x2F0];
	[tilespmem:s15+$0x122E0] =	vst v3  }
0xf5: {  	s31 =	sor.u32 s2, s17;
	v3 =	vld [tilespmem:s30+$0x92F0];
	[tilespmem:s15+$0x122F0] =	vst v4  }
0xf6: {  	v4 =	vld [tilespmem:s31+$0x280]  }
0xf7: {  	v6 =	vld [tilespmem:s31+$0x9280]  }
0xf8: {  	v7 =	vld [tilespmem:s31+$0x290]  }
0xf9: {  	v8 =	vld [tilespmem:s31+$0x9290]  }
0xfa: {  	v9 =	vld [tilespmem:s31+$0x2A0]  }
0xfb: {  	v10 =	vld [tilespmem:s31+$0x92A0]  }
0xfc: {  	v11 =	vld [tilespmem:s31+$0x2B0]  }
0xfd: {  	v53 =	vld [tilespmem:s31+$0x92B0]  }
0xfe: {  	v54 =	vld [tilespmem:s31+$0x2C0]  }
0xff: {  	v55 =	vld [tilespmem:s31+$0x92C0]  }
0x100: {  	v56 =	vld [tilespmem:s31+$0x2D0]  }
0x101: {  	v57 =	vld [tilespmem:s31+$0x92D0]  }
0x102: {  	v3 =	vadd.f32 v3, v5;
	v5 =	vld [tilespmem:s31+$0x2E0]  }
0x103: {  	v4 =	vadd.f32 v6, v4;
	v6 =	vld [tilespmem:s31+$0x92E0]  }
0x104: {  	[tilespmem:s30+$0x122F0] =	vst v3;
	v3 =	vadd.f32 v8, v7;
	v7 =	vld [tilespmem:s31+$0x2F0]  }
0x105: {  	v8 =	vld [tilespmem:s31+$0x92F0];
	[tilespmem:s31+$0x12280] =	vst v4;
	v4 =	vadd.f32 v10, v9  }
0x106: {  	[tilespmem:s31+$0x12290] =	vst v3;
	v3 =	vadd.f32 v53, v11  }
0x107: {  	[tilespmem:s31+$0x122A0] =	vst v4;
	v4 =	vadd.f32 v55, v54  }
0x108: {  	v60 =	vld [tilespmem:s30+$0x2A0];
	[tilespmem:s31+$0x122B0] =	vst v3;
	v3 =	vadd.f32 v57, v56  }
0x109: {  	v5 =	vadd.f32 v6, v5;
	v6 =	vld [tilespmem:s30+$0x9280];
	[tilespmem:s31+$0x122C0] =	vst v4  }
0x10a: {  	v4 =	vld [tilespmem:s30+$0x280];
	[tilespmem:s31+$0x122D0] =	vst v3;
	v3 =	vadd.f32 v8, v7  }
0x10b: {  	v7 =	vld [tilespmem:s30+$0x290];
	[tilespmem:s31+$0x122E0] =	vst v5  }
0x10c: {  	s7 =	sor.u32 s2, s18;
	v5 =	vld [tilespmem:s30+$0x9290];
	[tilespmem:s31+$0x122F0] =	vst v3  }
0x10d: {  	v3 =	vld [tilespmem:s7+$0x280]  }
0x10e: {  	v8 =	vld [tilespmem:s7+$0x9280]  }
0x10f: {  	v9 =	vld [tilespmem:s7+$0x290]  }
0x110: {  	v10 =	vld [tilespmem:s7+$0x9290]  }
0x111: {  	v11 =	vld [tilespmem:s7+$0x2A0]  }
0x112: {  	v58 =	vld [tilespmem:s7+$0x92A0]  }
0x113: {  	v59 =	vld [tilespmem:s7+$0x92B0]  }
0x114: {  	v61 =	vld [tilespmem:s7+$0x92C0]  }
0x115: {  	v62 =	vld [tilespmem:s7+$0x2D0]  }
0x116: {  	v63 =	vld [tilespmem:s7+$0x92D0];
	v3 =	vadd.f32 v8, v3  }
0x117: {  	v8 =	vld [tilespmem:s7+$0x2B0]  }
0x118: {  	v4 =	vadd.f32 v6, v4;
	[tilespmem:s7+$0x12280] =	vst v3;
	v3 =	vadd.f32 v10, v9;
	v9 =	vld [tilespmem:s30+$0x92A0]  }
0x119: {  	v11 =	vadd.f32 v58, v11;
	v10 =	vld [tilespmem:s7+$0x2C0]  }
0x11a: {  	[tilespmem:s30+$0x12280] =	vst v4;
	v4 =	vadd.f32 v5, v7;
	v5 =	vld [tilespmem:s7+$0x92E0]  }
0x11b: {  	[tilespmem:s7+$0x122A0] =	vst v11;
	v11 =	vld [tilespmem:s7+$0x2E0]  }
0x11c: {  	[tilespmem:s7+$0x12290] =	vst v3;
	v3 =	vld [tilespmem:s30+$0x2B0];
	v6 =	vadd.f32 v59, v8  }
0x11d: {  	[tilespmem:s30+$0x12290] =	vst v4;
	v8 =	vld [tilespmem:s7+$0x2F0];
	v7 =	vadd.f32 v9, v60  }
0x11e: {  	[tilespmem:s7+$0x122B0] =	vst v6;
	v9 =	vld [tilespmem:s7+$0x92F0];
	v6 =	vadd.f32 v61, v10  }
0x11f: {  	v10 =	vadd.f32 v63, v62;
	[tilespmem:s30+$0x122A0] =	vst v7;
	v7 =	vld [tilespmem:s30+$0x92B0]  }
0x120: {  	v4 =	vld [tilespmem:s30+$0x2C0];
	[tilespmem:s7+$0x122C0] =	vst v6  }
0x121: {  	v6 =	vld [tilespmem:s30+$0x92C0];
	[tilespmem:s7+$0x122D0] =	vst v10;
	v10 =	vadd.f32 v5, v11  }
0x122: {  	s13 =	sor.u32 s2, s0;
	s16 =	simm.s32 $0x0;
	v5 =	vld [tilespmem:s30+$0x2D0]  }
.LBB2_3:
0x123: {  	s16 =	sadd.s32 $0x2, s16;
	[tilespmem:s7+$0x122E0] =	vst v10;
	v8 =	vadd.f32 v9, v8;
	v9 =	vld [tilespmem:s30+$0x92D0]  }
0x124: {  	s8 =	sadd.s32 $0x100, s8;
	s0 =	sshrl.u32 s16, $0x3;
	p0 =	slt.u32 s16, $0xE;
	v3 =	vadd.f32 v7, v3;
	v7 =	vld [tilespmem:s30+$0x2E0]  }
0x125: {  	s2 =	sand.u32 $0x300, s8;
	s14 =	smul.u32 $0x1800, s0;
	[tilespmem:s7+$0x122F0] =	vst v8;
	v8 =	vld [tilespmem:s30+$0x92E0]  }
0x126: {  	s0 =	sor.u32 $0x80, s2;
	v10 =	vld [tilespmem:s13+$0x280];
	[tilespmem:s30+$0x122B0] =	vst v3;
	v3 =	vadd.f32 v6, v4  }
0x127: {  	s11 =	sor.u32 s2, s14;
	s7 =	sor.u32 s14, s0;
	v4 =	vld [tilespmem:s13+$0x9280]  }
0x128: {  	v6 =	vld [tilespmem:s7+$0x280];
	[tilespmem:s30+$0x122C0] =	vst v3;
	v3 =	vadd.f32 v9, v5  }
0x129: {  	v5 =	vld [tilespmem:s7+$0x9280]  }
0x12a: {  	v9 =	vld [tilespmem:s7+$0x290];
	[tilespmem:s30+$0x122D0] =	vst v3;
	v3 =	vadd.f32 v8, v7  }
0x12b: {  	v7 =	vld [tilespmem:s7+$0x9290]  }
0x12c: {  	v8 =	vld [tilespmem:s7+$0x2A0];
	v4 =	vadd.f32 v4, v10;
	[tilespmem:s30+$0x122E0] =	vst v3  }
0x12d: {  	v3 =	vld [tilespmem:s7+$0x92A0]  }
0x12e: {  	v10 =	vld [tilespmem:s7+$0x2B0];
	[tilespmem:s13+$0x12280] =	vst v4  }
0x12f: {  	v4 =	vld [tilespmem:s7+$0x92B0]  }
0x130: {  	v11 =	vld [tilespmem:s7+$0x2C0]  }
0x131: {  	v12 =	vld [tilespmem:s7+$0x92C0]  }
0x132: {  	v13 =	vld [tilespmem:s7+$0x2D0]  }
0x133: {  	v14 =	vld [tilespmem:s7+$0x92D0]  }
0x134: {  	v15 =	vld [tilespmem:s7+$0x2E0]  }
0x135: {  	v16 =	vld [tilespmem:s7+$0x92E0]  }
0x136: {  	v17 =	vld [tilespmem:s7+$0x2F0]  }
0x137: {  	v18 =	vld [tilespmem:s7+$0x92F0]  }
0x138: {  	v19 =	vld [tilespmem:s7+$0x680]  }
0x139: {  	v20 =	vld [tilespmem:s7+$0x9680]  }
0x13a: {  	v21 =	vld [tilespmem:s7+$0x690]  }
0x13b: {  	v22 =	vld [tilespmem:s7+$0x9690]  }
0x13c: {  	v23 =	vld [tilespmem:s7+$0x6A0]  }
0x13d: {  	v5 =	vadd.f32 v5, v6;
	v6 =	vld [tilespmem:s7+$0x96A0]  }
0x13e: {  	v7 =	vadd.f32 v7, v9;
	v9 =	vld [tilespmem:s7+$0x6B0]  }
0x13f: {  	v3 =	vadd.f32 v3, v8;
	[tilespmem:s7+$0x12280] =	vst v5;
	v5 =	vld [tilespmem:s7+$0x96B0]  }
0x140: {  	v4 =	vadd.f32 v4, v10;
	[tilespmem:s7+$0x12290] =	vst v7;
	v7 =	vld [tilespmem:s7+$0x6C0]  }
0x141: {  	[tilespmem:s7+$0x122A0] =	vst v3;
	v3 =	vadd.f32 v12, v11;
	v8 =	vld [tilespmem:s7+$0x96C0]  }
0x142: {  	[tilespmem:s7+$0x122B0] =	vst v4;
	v4 =	vadd.f32 v14, v13;
	v10 =	vld [tilespmem:s7+$0x6D0]  }
0x143: {  	[tilespmem:s7+$0x122C0] =	vst v3;
	v3 =	vadd.f32 v16, v15;
	v11 =	vld [tilespmem:s7+$0x96D0]  }
0x144: {  	[tilespmem:s7+$0x122D0] =	vst v4;
	v4 =	vadd.f32 v18, v17;
	v12 =	vld [tilespmem:s7+$0x6E0]  }
0x145: {  	[tilespmem:s7+$0x122E0] =	vst v3;
	v3 =	vadd.f32 v20, v19;
	v13 =	vld [tilespmem:s7+$0x96E0]  }
0x146: {  	[tilespmem:s7+$0x122F0] =	vst v4;
	v4 =	vadd.f32 v22, v21;
	v14 =	vld [tilespmem:s7+$0x6F0]  }
0x147: {  	[tilespmem:s7+$0x12680] =	vst v3;
	v3 =	vadd.f32 v6, v23;
	v6 =	vld [tilespmem:s7+$0x96F0]  }
0x148: {  	v15 =	vld [tilespmem:s11+$0x280];
	[tilespmem:s7+$0x12690] =	vst v4;
	v4 =	vadd.f32 v5, v9  }
0x149: {  	v5 =	vld [tilespmem:s11+$0x9280];
	[tilespmem:s7+$0x126A0] =	vst v3;
	v3 =	vadd.f32 v8, v7  }
0x14a: {  	v7 =	vld [tilespmem:s11+$0x290];
	[tilespmem:s7+$0x126B0] =	vst v4;
	v4 =	vadd.f32 v11, v10  }
0x14b: {  	v8 =	vld [tilespmem:s11+$0x9290];
	[tilespmem:s7+$0x126C0] =	vst v3;
	v3 =	vadd.f32 v13, v12  }
0x14c: {  	v9 =	vld [tilespmem:s11+$0x2A0];
	[tilespmem:s7+$0x126D0] =	vst v4;
	v4 =	vadd.f32 v6, v14  }
0x14d: {  	s17 =	sadd.s32 $0x800, s14;
	v6 =	vld [tilespmem:s11+$0x92A0];
	[tilespmem:s7+$0x126E0] =	vst v3  }
0x14e: {  	s15 =	sor.u32 s2, s17;
	v3 =	vadd.f32 v5, v15;
	v5 =	vld [tilespmem:s11+$0x2B0];
	[tilespmem:s7+$0x126F0] =	vst v4;
	s7 =	sor.u32 s0, s17  }
0x14f: {  	v4 =	vld [tilespmem:s7+$0x280]  }
0x150: {  	[tilespmem:s11+$0x12280] =	vst v3;
	v3 =	vadd.f32 v8, v7;
	v7 =	vld [tilespmem:s7+$0x9280]  }
0x151: {  	v8 =	vld [tilespmem:s7+$0x290]  }
0x152: {  	[tilespmem:s11+$0x12290] =	vst v3;
	v3 =	vadd.f32 v6, v9;
	v6 =	vld [tilespmem:s7+$0x9290]  }
0x153: {  	v9 =	vld [tilespmem:s7+$0x2A0]  }
0x154: {  	[tilespmem:s11+$0x122A0] =	vst v3;
	v3 =	vld [tilespmem:s7+$0x92A0]  }
0x155: {  	v10 =	vld [tilespmem:s7+$0x2B0]  }
0x156: {  	v11 =	vld [tilespmem:s7+$0x92B0]  }
0x157: {  	v12 =	vld [tilespmem:s7+$0x2C0]  }
0x158: {  	v13 =	vld [tilespmem:s7+$0x92C0]  }
0x159: {  	v14 =	vld [tilespmem:s7+$0x2D0]  }
0x15a: {  	v15 =	vld [tilespmem:s7+$0x92D0]  }
0x15b: {  	v16 =	vld [tilespmem:s7+$0x2E0]  }
0x15c: {  	v4 =	vadd.f32 v7, v4;
	v7 =	vld [tilespmem:s7+$0x92E0]  }
0x15d: {  	v6 =	vadd.f32 v6, v8;
	v8 =	vld [tilespmem:s7+$0x2F0]  }
0x15e: {  	v3 =	vadd.f32 v3, v9;
	[tilespmem:s7+$0x12280] =	vst v4;
	v4 =	vld [tilespmem:s7+$0x92F0]  }
0x15f: {  	v9 =	vld [tilespmem:s11+$0x92B0];
	[tilespmem:s7+$0x12290] =	vst v6;
	v6 =	vadd.f32 v11, v10  }
0x160: {  	v10 =	vld [tilespmem:s11+$0x2C0];
	[tilespmem:s7+$0x122A0] =	vst v3;
	v3 =	vadd.f32 v13, v12  }
0x161: {  	v11 =	vld [tilespmem:s11+$0x92C0];
	[tilespmem:s7+$0x122B0] =	vst v6;
	v6 =	vadd.f32 v15, v14  }
0x162: {  	v12 =	vld [tilespmem:s11+$0x2D0];
	[tilespmem:s7+$0x122C0] =	vst v3;
	v3 =	vadd.f32 v7, v16  }
0x163: {  	v7 =	vld [tilespmem:s11+$0x92D0];
	[tilespmem:s7+$0x122D0] =	vst v6;
	v4 =	vadd.f32 v4, v8  }
0x164: {  	s18 =	sadd.s32 $0xC00, s14;
	v5 =	vadd.f32 v9, v5;
	v6 =	vld [tilespmem:s11+$0x2E0];
	[tilespmem:s7+$0x122E0] =	vst v3  }
0x165: {  	s17 =	sor.u32 s2, s18;
	s18 =	sor.u32 s0, s18;
	v3 =	vld [tilespmem:s11+$0x92E0];
	[tilespmem:s7+$0x122F0] =	vst v4  }
0x166: {  	[tilespmem:s11+$0x122B0] =	vst v5;
	v4 =	vadd.f32 v11, v10;
	v5 =	vld [tilespmem:s18+$0x280]  }
0x167: {  	v8 =	vld [tilespmem:s18+$0x9280]  }
0x168: {  	[tilespmem:s11+$0x122C0] =	vst v4;
	v4 =	vadd.f32 v7, v12;
	v7 =	vld [tilespmem:s18+$0x290]  }
0x169: {  	v9 =	vld [tilespmem:s18+$0x9290]  }
0x16a: {  	[tilespmem:s11+$0x122D0] =	vst v4;
	v3 =	vadd.f32 v3, v6;
	v4 =	vld [tilespmem:s18+$0x2A0]  }
0x16b: {  	v6 =	vld [tilespmem:s18+$0x92A0]  }
0x16c: {  	[tilespmem:s11+$0x122E0] =	vst v3;
	v3 =	vld [tilespmem:s18+$0x2B0]  }
0x16d: {  	v10 =	vld [tilespmem:s18+$0x92B0]  }
0x16e: {  	v11 =	vld [tilespmem:s18+$0x2C0]  }
0x16f: {  	v12 =	vld [tilespmem:s18+$0x92C0]  }
0x170: {  	v13 =	vld [tilespmem:s18+$0x2D0]  }
0x171: {  	v14 =	vld [tilespmem:s18+$0x92D0]  }
0x172: {  	v15 =	vld [tilespmem:s18+$0x2E0]  }
0x173: {  	v5 =	vadd.f32 v8, v5;
	v8 =	vld [tilespmem:s18+$0x92E0]  }
0x174: {  	v7 =	vadd.f32 v9, v7;
	v9 =	vld [tilespmem:s18+$0x2F0]  }
0x175: {  	v4 =	vadd.f32 v6, v4;
	[tilespmem:s18+$0x12280] =	vst v5;
	v5 =	vld [tilespmem:s18+$0x92F0]  }
0x176: {  	v3 =	vadd.f32 v10, v3;
	v6 =	vld [tilespmem:s11+$0x2F0];
	[tilespmem:s18+$0x12290] =	vst v7  }
0x177: {  	v7 =	vld [tilespmem:s11+$0x92F0];
	[tilespmem:s18+$0x122A0] =	vst v4;
	v4 =	vadd.f32 v12, v11  }
0x178: {  	v10 =	vld [tilespmem:s11+$0x680];
	[tilespmem:s18+$0x122B0] =	vst v3;
	v3 =	vadd.f32 v14, v13  }
0x179: {  	v11 =	vld [tilespmem:s11+$0x9680];
	[tilespmem:s18+$0x122C0] =	vst v4;
	v4 =	vadd.f32 v8, v15  }
0x17a: {  	v8 =	vld [tilespmem:s11+$0x690];
	[tilespmem:s18+$0x122D0] =	vst v3;
	v3 =	vadd.f32 v5, v9  }
0x17b: {  	s30 =	sadd.s32 $0x1000, s14;
	v5 =	vld [tilespmem:s11+$0x9690];
	[tilespmem:s18+$0x122E0] =	vst v4  }
0x17c: {  	s7 =	sor.u32 s2, s30;
	v4 =	vadd.f32 v7, v6;
	v6 =	vld [tilespmem:s11+$0x6A0];
	[tilespmem:s18+$0x122F0] =	vst v3;
	s18 =	sor.u32 s0, s30  }
0x17d: {  	v3 =	vld [tilespmem:s18+$0x280]  }
0x17e: {  	[tilespmem:s11+$0x122F0] =	vst v4;
	v4 =	vadd.f32 v11, v10;
	v7 =	vld [tilespmem:s18+$0x9280]  }
0x17f: {  	v9 =	vld [tilespmem:s18+$0x290]  }
0x180: {  	[tilespmem:s11+$0x12680] =	vst v4;
	v4 =	vadd.f32 v5, v8;
	v5 =	vld [tilespmem:s18+$0x9290]  }
0x181: {  	v8 =	vld [tilespmem:s18+$0x2A0]  }
0x182: {  	[tilespmem:s11+$0x12690] =	vst v4;
	v4 =	vld [tilespmem:s18+$0x92A0]  }
0x183: {  	v10 =	vld [tilespmem:s18+$0x2B0]  }
0x184: {  	v11 =	vld [tilespmem:s18+$0x92B0]  }
0x185: {  	v12 =	vld [tilespmem:s18+$0x2C0]  }
0x186: {  	v13 =	vld [tilespmem:s18+$0x92C0]  }
0x187: {  	v14 =	vld [tilespmem:s18+$0x2D0]  }
0x188: {  	v15 =	vld [tilespmem:s18+$0x92D0]  }
0x189: {  	v16 =	vld [tilespmem:s18+$0x2E0]  }
0x18a: {  	v3 =	vadd.f32 v7, v3;
	v7 =	vld [tilespmem:s18+$0x92E0]  }
0x18b: {  	v5 =	vadd.f32 v5, v9;
	v9 =	vld [tilespmem:s18+$0x2F0]  }
0x18c: {  	[tilespmem:s18+$0x12280] =	vst v3;
	v3 =	vadd.f32 v4, v8;
	v4 =	vld [tilespmem:s18+$0x92F0]  }
0x18d: {  	v8 =	vld [tilespmem:s11+$0x96A0];
	[tilespmem:s18+$0x12290] =	vst v5;
	v5 =	vadd.f32 v11, v10  }
0x18e: {  	v10 =	vld [tilespmem:s11+$0x6B0];
	[tilespmem:s18+$0x122A0] =	vst v3;
	v3 =	vadd.f32 v13, v12  }
0x18f: {  	v11 =	vld [tilespmem:s11+$0x96B0];
	[tilespmem:s18+$0x122B0] =	vst v5;
	v5 =	vadd.f32 v15, v14  }
0x190: {  	v12 =	vld [tilespmem:s11+$0x6C0];
	[tilespmem:s18+$0x122C0] =	vst v3;
	v3 =	vadd.f32 v7, v16  }
0x191: {  	v7 =	vld [tilespmem:s11+$0x96C0];
	[tilespmem:s18+$0x122D0] =	vst v5;
	v4 =	vadd.f32 v4, v9  }
0x192: {  	s14 =	sadd.s32 $0x1400, s14;
	v5 =	vadd.f32 v8, v6;
	v6 =	vld [tilespmem:s11+$0x6D0];
	[tilespmem:s18+$0x122E0] =	vst v3  }
0x193: {  	s2 =	sor.u32 s2, s14;
	s30 =	sor.u32 s0, s14;
	v3 =	vld [tilespmem:s11+$0x96D0];
	[tilespmem:s18+$0x122F0] =	vst v4  }
0x194: {  	[tilespmem:s11+$0x126A0] =	vst v5;
	v4 =	vadd.f32 v11, v10;
	v5 =	vld [tilespmem:s30+$0x2F0]  }
0x195: {  	v8 =	vld [tilespmem:s30+$0x92F0]  }
0x196: {  	[tilespmem:s11+$0x126B0] =	vst v4;
	v4 =	vadd.f32 v7, v12;
	v7 =	vld [tilespmem:s11+$0x6E0]  }
0x197: {  	v9 =	vld [tilespmem:s11+$0x96E0]  }
0x198: {  	[tilespmem:s11+$0x126C0] =	vst v4;
	v3 =	vadd.f32 v3, v6;
	v4 =	vld [tilespmem:s11+$0x6F0]  }
0x199: {  	v6 =	vld [tilespmem:s11+$0x96F0]  }
0x19a: {  	[tilespmem:s11+$0x126D0] =	vst v3;
	v3 =	vadd.f32 v8, v5;
	v5 =	vld [tilespmem:s13+$0x290]  }
0x19b: {  	v8 =	vld [tilespmem:s13+$0x9290]  }
0x19c: {  	v7 =	vadd.f32 v9, v7;
	[tilespmem:s30+$0x122F0] =	vst v3;
	v3 =	vld [tilespmem:s13+$0x2A0]  }
0x19d: {  	v9 =	vld [tilespmem:s13+$0x92A0]  }
0x19e: {  	[tilespmem:s11+$0x126E0] =	vst v7;
	v4 =	vadd.f32 v6, v4;
	v6 =	vld [tilespmem:s13+$0x2B0]  }
0x19f: {  	v7 =	vld [tilespmem:s13+$0x92B0]  }
0x1a0: {  	[tilespmem:s11+$0x126F0] =	vst v4;
	v4 =	vadd.f32 v8, v5;
	v5 =	vld [tilespmem:s13+$0x2C0]  }
0x1a1: {  	v8 =	vld [tilespmem:s15+$0x280]  }
0x1a2: {  	v10 =	vld [tilespmem:s15+$0x9280];
	[tilespmem:s13+$0x12290] =	vst v4;
	v3 =	vadd.f32 v9, v3  }
0x1a3: {  	v4 =	vld [tilespmem:s15+$0x290]  }
0x1a4: {  	v9 =	vld [tilespmem:s15+$0x9290];
	[tilespmem:s13+$0x122A0] =	vst v3;
	v3 =	vadd.f32 v7, v6  }
0x1a5: {  	v6 =	vld [tilespmem:s15+$0x2A0]  }
0x1a6: {  	v7 =	vld [tilespmem:s15+$0x92A0];
	[tilespmem:s13+$0x122B0] =	vst v3  }
0x1a7: {  	v3 =	vadd.f32 v10, v8;
	v8 =	vld [tilespmem:s15+$0x2B0]  }
0x1a8: {  	v10 =	vld [tilespmem:s15+$0x92B0]  }
0x1a9: {  	[tilespmem:s15+$0x12280] =	vst v3;
	v3 =	vadd.f32 v9, v4;
	v4 =	vld [tilespmem:s15+$0x2C0]  }
0x1aa: {  	v9 =	vld [tilespmem:s15+$0x92C0]  }
0x1ab: {  	[tilespmem:s15+$0x12290] =	vst v3;
	v3 =	vadd.f32 v7, v6;
	v6 =	vld [tilespmem:s15+$0x2D0]  }
0x1ac: {  	v7 =	vld [tilespmem:s15+$0x92D0]  }
0x1ad: {  	[tilespmem:s15+$0x122A0] =	vst v3;
	v3 =	vadd.f32 v10, v8;
	v8 =	vld [tilespmem:s15+$0x2E0]  }
0x1ae: {  	v10 =	vld [tilespmem:s15+$0x92E0]  }
0x1af: {  	[tilespmem:s15+$0x122B0] =	vst v3;
	v3 =	vadd.f32 v9, v4;
	v4 =	vld [tilespmem:s15+$0x2F0]  }
0x1b0: {  	v9 =	vld [tilespmem:s15+$0x92F0]  }
0x1b1: {  	[tilespmem:s15+$0x122C0] =	vst v3;
	v3 =	vadd.f32 v7, v6;
	v6 =	vld [tilespmem:s13+$0x92C0]  }
0x1b2: {  	v7 =	vld [tilespmem:s13+$0x2D0]  }
0x1b3: {  	[tilespmem:s15+$0x122D0] =	vst v3;
	v3 =	vadd.f32 v10, v8;
	v8 =	vld [tilespmem:s13+$0x92D0]  }
0x1b4: {  	v10 =	vld [tilespmem:s13+$0x2E0]  }
0x1b5: {  	[tilespmem:s15+$0x122E0] =	vst v3;
	v3 =	vadd.f32 v9, v4;
	v4 =	vld [tilespmem:s13+$0x92E0]  }
0x1b6: {  	v5 =	vadd.f32 v6, v5;
	v6 =	vld [tilespmem:s13+$0x2F0]  }
0x1b7: {  	[tilespmem:s15+$0x122F0] =	vst v3;
	v3 =	vld [tilespmem:s13+$0x92F0]  }
0x1b8: {  	v9 =	vld [tilespmem:s17+$0x280];
	[tilespmem:s13+$0x122C0] =	vst v5;
	v5 =	vadd.f32 v8, v7  }
0x1b9: {  	v7 =	vld [tilespmem:s17+$0x9280]  }
0x1ba: {  	v8 =	vld [tilespmem:s17+$0x290];
	[tilespmem:s13+$0x122D0] =	vst v5;
	v4 =	vadd.f32 v4, v10  }
0x1bb: {  	v5 =	vld [tilespmem:s17+$0x9290]  }
0x1bc: {  	v10 =	vld [tilespmem:s17+$0x2A0];
	[tilespmem:s13+$0x122E0] =	vst v4;
	v3 =	vadd.f32 v3, v6  }
0x1bd: {  	v4 =	vld [tilespmem:s17+$0x92A0]  }
0x1be: {  	v6 =	vadd.f32 v7, v9;
	v7 =	vld [tilespmem:s17+$0x2B0];
	[tilespmem:s13+$0x122F0] =	vst v3;
	s13 =	smov.u32 s2  }
0x1bf: {  	v3 =	vld [tilespmem:s17+$0x92B0]  }
0x1c0: {  	[tilespmem:s17+$0x12280] =	vst v6;
	v5 =	vadd.f32 v5, v8;
	v6 =	vld [tilespmem:s17+$0x2C0]  }
0x1c1: {  	v8 =	vld [tilespmem:s17+$0x92C0]  }
0x1c2: {  	[tilespmem:s17+$0x12290] =	vst v5;
	v4 =	vadd.f32 v4, v10;
	v5 =	vld [tilespmem:s17+$0x2D0]  }
0x1c3: {  	v9 =	vld [tilespmem:s17+$0x92D0]  }
0x1c4: {  	[tilespmem:s17+$0x122A0] =	vst v4;
	v3 =	vadd.f32 v3, v7;
	v4 =	vld [tilespmem:s17+$0x2E0]  }
0x1c5: {  	v7 =	vld [tilespmem:s17+$0x92E0]  }
0x1c6: {  	[tilespmem:s17+$0x122B0] =	vst v3;
	v3 =	vadd.f32 v8, v6;
	v6 =	vld [tilespmem:s17+$0x2F0]  }
0x1c7: {  	v8 =	vld [tilespmem:s17+$0x92F0]  }
0x1c8: {  	[tilespmem:s17+$0x122C0] =	vst v3;
	v3 =	vadd.f32 v9, v5;
	v5 =	vld [tilespmem:s30+$0x280]  }
0x1c9: {  	v9 =	vld [tilespmem:s30+$0x9280]  }
0x1ca: {  	[tilespmem:s17+$0x122D0] =	vst v3;
	v3 =	vadd.f32 v7, v4;
	v4 =	vld [tilespmem:s30+$0x290]  }
0x1cb: {  	v7 =	vld [tilespmem:s30+$0x9290]  }
0x1cc: {  	[tilespmem:s17+$0x122E0] =	vst v3;
	v3 =	vadd.f32 v8, v6;
	v6 =	vld [tilespmem:s30+$0x2A0]  }
0x1cd: {  	v8 =	vld [tilespmem:s30+$0x92A0]  }
0x1ce: {  	[tilespmem:s17+$0x122F0] =	vst v3;
	v5 =	vadd.f32 v9, v5;
	v3 =	vld [tilespmem:s30+$0x2B0]  }
0x1cf: {  	v9 =	vld [tilespmem:s7+$0x280]  }
0x1d0: {  	v10 =	vld [tilespmem:s7+$0x9280];
	[tilespmem:s30+$0x12280] =	vst v5;
	v4 =	vadd.f32 v7, v4  }
0x1d1: {  	v5 =	vld [tilespmem:s7+$0x290]  }
0x1d2: {  	v7 =	vld [tilespmem:s7+$0x9290];
	[tilespmem:s30+$0x12290] =	vst v4;
	v4 =	vadd.f32 v8, v6  }
0x1d3: {  	v6 =	vld [tilespmem:s7+$0x2A0]  }
0x1d4: {  	v8 =	vld [tilespmem:s7+$0x92A0];
	[tilespmem:s30+$0x122A0] =	vst v4  }
0x1d5: {  	v4 =	vadd.f32 v10, v9;
	v9 =	vld [tilespmem:s7+$0x2B0]  }
0x1d6: {  	v10 =	vld [tilespmem:s7+$0x92B0]  }
0x1d7: {  	[tilespmem:s7+$0x12280] =	vst v4;
	v4 =	vadd.f32 v7, v5;
	v5 =	vld [tilespmem:s7+$0x2C0]  }
0x1d8: {  	v7 =	vld [tilespmem:s7+$0x92C0]  }
0x1d9: {  	[tilespmem:s7+$0x12290] =	vst v4;
	v4 =	vadd.f32 v8, v6;
	v6 =	vld [tilespmem:s7+$0x2D0]  }
0x1da: {  	v11 =	vld [tilespmem:s7+$0x92D0]  }
0x1db: {  	[tilespmem:s7+$0x122A0] =	vst v4;
	v4 =	vadd.f32 v10, v9;
	v10 =	vld [tilespmem:s7+$0x2E0]  }
0x1dc: {  	v12 =	vld [tilespmem:s7+$0x92E0]  }
0x1dd: {  	[tilespmem:s7+$0x122B0] =	vst v4;
	v4 =	vadd.f32 v7, v5;
	v8 =	vld [tilespmem:s7+$0x2F0]  }
.Ltmp2:
0x1de: {  	v9 =	vld [tilespmem:s7+$0x92F0];
	(pc) =	sbr.rel @p0 .LBB2_3-.Ltmp2, $4  }
0x1df: {  	[tilespmem:s7+$0x122C0] =	vst v4;
	v5 =	vadd.f32 v11, v6;
	v7 =	vld [tilespmem:s30+$0x92B0]  }
0x1e0: {  	v4 =	vld [tilespmem:s30+$0x2C0]  }
0x1e1: {  	[tilespmem:s7+$0x122D0] =	vst v5;
	v10 =	vadd.f32 v12, v10;
	v6 =	vld [tilespmem:s30+$0x92C0]  }
0x1e2: {  	v5 =	vld [tilespmem:s30+$0x2D0]  }
0x1e3: {  	v8 =	vadd.f32 v9, v8  }
0x1e4: {  	[tilespmem:s7+$0x122E0] =	vst v10  }
0x1e5: {  	[tilespmem:s7+$0x122F0] =	vst v8  }
0x1e6: {  	v8 =	vld [tilespmem:s13+$0x280]  }
0x1e7: {  	v9 =	vld [tilespmem:s13+$0x9280];
	_ =	sdelay $0x1  }
0x1e8: {  	v58 =	vld [tilespmem:s30+$0x2E0]  }
0x1e9: {  	v10 =	vld [tilespmem:s13+$0x2A0]  }
0x1ea: {  	v11 =	vld [tilespmem:s13+$0x92A0]  }
0x1eb: {  	v12 =	vld [tilespmem:s13+$0x2B0];
	v8 =	vadd.f32 v9, v8  }
0x1ec: {  	v9 =	vld [tilespmem:s13+$0x9290]  }
0x1ed: {  	[tilespmem:s13+$0x12280] =	vst v8;
	v8 =	vld [tilespmem:s13+$0x290]  }
0x1ee: {  	v13 =	vld [tilespmem:s13+$0x92B0]  }
0x1ef: {  	v59 =	vld [tilespmem:s13+$0x2D0]  }
0x1f0: {  	v14 =	vld [tilespmem:s13+$0x92D0]  }
0x1f1: {  	v15 =	vld [tilespmem:s13+$0x2E0];
	v10 =	vadd.f32 v11, v10  }
0x1f2: {  	v11 =	vld [tilespmem:s30+$0x92D0];
	v8 =	vadd.f32 v9, v8  }
0x1f3: {  	[tilespmem:s13+$0x122A0] =	vst v10;
	v10 =	vld [tilespmem:s30+$0x92E0]  }
0x1f4: {  	v4 =	vadd.f32 v6, v4;
	v6 =	vld [tilespmem:s13+$0x2F0];
	[tilespmem:s13+$0x12290] =	vst v8;
	v8 =	vadd.f32 v13, v12  }
0x1f5: {  	v3 =	vadd.f32 v7, v3;
	v9 =	vld [tilespmem:s13+$0x2C0]  }
0x1f6: {  	[tilespmem:s13+$0x122B0] =	vst v8;
	v8 =	vld [tilespmem:s13+$0x92C0]  }
0x1f7: {  	[tilespmem:s30+$0x122B0] =	vst v3;
	v3 =	vadd.f32 v11, v5;
	v5 =	vld [tilespmem:s13+$0x92F0]  }
0x1f8: {  	v7 =	vld [tilespmem:s13+$0x92E0];
	[tilespmem:s30+$0x122C0] =	vst v4;
	v4 =	vadd.f32 v10, v58;
	_ =	sdelay $0x1  }
0x1f9: {  	s0 =	smul.u32 $0x9000, s12;
	p0 =	seq.s32 s12, $0xB;
	[tilespmem:s30+$0x122E0] =	vst v4;
	v4 =	vadd.f32 v14, v59  }
0x1fa: {  	s2 =	smul.u32 @!p0 $0x30, s12;
	[tilespmem:s30+$0x122D0] =	vst v3;
	v3 =	vadd.f32 v8, v9  }
0x1fb: {  	[tilespmem:s13+$0x122D0] =	vst v4;
	v4 =	vadd.f32 v5, v6  }
0x1fc: {  	s0 =	sadd.s32 s6, s0;
	s7 =	sadd.s32 @!p0 $0x30, s2;
	[tilespmem:s13+$0x122C0] =	vst v3;
	v3 =	vadd.f32 v7, v15  }
0x1fd: {  	s0 =	sshrl.u32 s0, $0x3;
	s7 =	sshrl.u32 @!p0 s7, $0x3;
	[tilespmem:s13+$0x122F0] =	vst v4  }
0x1fe: {  	s0 =	sadd.s32 s4, s0;
	s7 =	smul.u32 @!p0 $0x1800, s7;
	[tilespmem:s13+$0x122E0] =	vst v3  }
0x1ff: {  	[hbm4b:s0+s5] =	stream.linear.scatter [tilespmem:s22], [sflag:$0x7], $0x3000, $0x38;
	[tilespmem:$0x1B280] =	vst v63  }
0x200: {  	s0 =	sadd.s32 @!p0 s6, s7  }
0x201: {  	s0 =	sshrl.u32 @!p0 s0, $0x3  }
0x202: {  	s8 =	simm.s32 @!p0 $0x280;
	s7 =	simm.s32 @!p0 $0x0;
	s0 =	sadd.s32 @!p0 s1, s0  }
0x203: {  	[tilespmem:s8], [sflag:$0x1] =	stream.linear.gather @!p0 [hbm4b:s0+s7], $0x3000, $0x38;
	[tilespmem:$0x1B280] =	vst v63  }
0x204: {  	v3 =	vld @!p0 [tilespmem:s2+$0x30];
	_ =	sdelay $0x4  }
0x205: {  	v4 =	vshrl.u32 @!p0 v3, $0x3  }
0x206: {  	v4 =	vmul.u32 @!p0 $0x30, v4  }
0x207: {  	v5 =	vlaneseq.u32 @!p0;
	v3 =	vand.u32 @!p0 $0x7, v3  }
0x208: {  	v6 =	vshrl.u32 @!p0 v5, $0x3;
	v3 =	vor.u32 @!p0 v3, v4;
	v4 =	vand.u32 @!p0 $0x7, v5  }
0x209: {  	v6 =	vmul.u32 @!p0 $0x8, v6;
	v4 =	vperm.xlane @!p0 v3, v4;
	_ =	sdelay $0x1  }
0x20a: {  	v4 =	vadd.s32 @!p0 v6, v4;
	_ =	sdelay $0x2  }
0x20b: {  	v5 =	vor.u32 @!p0 $0x8, v5  }
0x20c: {  	vm1 =	vmmov @!p0 $0xffff;
	s0 =	simm.s32 @!p0 $0x9280;
	v3 =	vperm.xlane @!p0 v3, v5  }
0x20d: {  	[tilespmem:s0], [sflag:$0x4] =	stream.indirect_vreg.gather @!p0 [hbm4b:s3+s7], $0x80, v4, vm1, $0xb8;
	[tilespmem:$0x1B280] =	vst v63  }
0x20e: {  	v3 =	vadd.s32 @!p0 v6, v3;
	s0 =	simm.s32 @!p0 $0x9A80  }
0x20f: {  	[tilespmem:s0], [sflag:$0x4] =	stream.indirect_vreg.gather @!p0 [hbm4b:s9+s7], $0x80, v4, vm1, $0xb8;
	[tilespmem:$0x1B280] =	vst v63  }
0x210: {  	s0 =	simm.s32 @!p0 $0xA280  }
0x211: {  	[tilespmem:s0], [sflag:$0x4] =	stream.indirect_vreg.gather @!p0 [hbm4b:s10+s7], $0x80, v4, vm1, $0xb8;
	[tilespmem:$0x1B280] =	vst v63  }
0x212: {  	s0 =	simm.s32 @!p0 $0xAA80  }
0x213: {  	[tilespmem:s0], [sflag:$0x4] =	stream.indirect_vreg.gather @!p0 [hbm4b:s3+s7], $0x80, v3, vm1, $0xb8;
	[tilespmem:$0x1B280] =	vst v63  }
0x214: {  	s0 =	simm.s32 @!p0 $0xB280  }
0x215: {  	[tilespmem:s0], [sflag:$0x4] =	stream.indirect_vreg.gather @!p0 [hbm4b:s9+s7], $0x80, v3, vm1, $0xb8;
	[tilespmem:$0x1B280] =	vst v63  }
0x216: {  	s0 =	simm.s32 @!p0 $0xBA80  }
0x217: {  	[tilespmem:s0], [sflag:$0x4] =	stream.indirect_vreg.gather @!p0 [hbm4b:s10+s7], $0x80, v3, vm1, $0xb8;
	[tilespmem:$0x1B280] =	vst v63  }
0x218: {  	_ =	swait.ge [sflag:s23], $0x3000  }
0x219: {  	[sflag:s23] =	ssyncset.done $0x0  }
0x21a: {  	[sflag:s23] =	ssyncadd.s32 $0xFFFFD000  }
0x21b: {  	_ =	swait.ge [sflag:s24], $0x3000  }
0x21c: {  	s11 =	simm.s32 @!p1 $0x8;
	[sflag:s24] =	ssyncset.done $0x0  }
0x21d: {  	s18 =	simm.s32 $0x0;
	s8 =	simm.s32 $0x0;
	[sflag:s24] =	ssyncadd.s32 $0xFFFFD000  }
0x21e: {  	s2 =	sand.u32 $0x300, s8;
	s0 =	smul.u32 $0x1800, s18;
	_ =	swait.ge @!p1 [sflag:s11], $0x3000  }
0x21f: {  	s7 =	sor.u32 $0x80, s2;
	[sflag:s11] =	ssyncset.done @!p1 $0x0  }
0x220: {  	s19 =	sor.u32 s0, s7;
	[sflag:s11] =	ssyncadd.s32 @!p1 $0xFFFFD000  }
0x221: {  	v3 =	vld [tilespmem:s19+$0x3280]  }
0x222: {  	v4 =	vld [tilespmem:s19+$0xC280]  }
0x223: {  	v5 =	vld [tilespmem:s19+$0x3290]  }
0x224: {  	v6 =	vld [tilespmem:s19+$0xC290]  }
0x225: {  	v7 =	vld [tilespmem:s19+$0x32A0]  }
0x226: {  	v8 =	vld [tilespmem:s19+$0xC2A0]  }
0x227: {  	v9 =	vld [tilespmem:s19+$0x32B0]  }
0x228: {  	v10 =	vld [tilespmem:s19+$0xC2B0]  }
0x229: {  	v11 =	vld [tilespmem:s19+$0x32C0]  }
0x22a: {  	v60 =	vld [tilespmem:s19+$0xC2C0]  }
0x22b: {  	v61 =	vld [tilespmem:s19+$0x32D0]  }
0x22c: {  	v62 =	vld [tilespmem:s19+$0xC2D0]  }
0x22d: {  	v63 =	vld [tilespmem:s19+$0x32E0]  }
0x22e: {  	v16 =	vld [tilespmem:s19+$0xC2E0]  }
0x22f: {  	v17 =	vld [tilespmem:s19+$0x32F0]  }
0x230: {  	v18 =	vld [tilespmem:s19+$0xC2F0]  }
0x231: {  	v19 =	vld [tilespmem:s19+$0x3680]  }
0x232: {  	v20 =	vld [tilespmem:s19+$0xC680]  }
0x233: {  	v21 =	vld [tilespmem:s19+$0x3690]  }
0x234: {  	v22 =	vld [tilespmem:s19+$0xC690]  }
0x235: {  	v23 =	vld [tilespmem:s19+$0x36A0]  }
0x236: {  	v24 =	vld [tilespmem:s19+$0xC6E0]  }
0x237: {  	s31 =	sor.u32 s2, s0;
	v25 =	vld [tilespmem:s19+$0x36F0]  }
0x238: {  	v15 =	vld [tilespmem:s31+$0x3280]  }
0x239: {  	v14 =	vld [tilespmem:s31+$0xC2B0]  }
0x23a: {  	v38 =	vld [tilespmem:s31+$0x32C0]  }
0x23b: {  	v39 =	vld [tilespmem:s31+$0xC2C0]  }
0x23c: {  	v40 =	vld [tilespmem:s31+$0x32D0]  }
0x23d: {  	v41 =	vld [tilespmem:s31+$0x32E0]  }
0x23e: {  	v51 =	vld [tilespmem:s31+$0x32F0]  }
0x23f: {  	v53 =	vld [tilespmem:s31+$0xC2F0]  }
0x240: {  	v54 =	vld [tilespmem:s31+$0x3680];
	v3 =	vadd.f32 v4, v3  }
0x241: {  	v56 =	vld [tilespmem:s31+$0xC680];
	v5 =	vadd.f32 v6, v5  }
0x242: {  	v4 =	vld [tilespmem:s19+$0xC6A0];
	[tilespmem:s19+$0x15280] =	vst v3;
	v3 =	vadd.f32 v8, v7  }
0x243: {  	v6 =	vld [tilespmem:s19+$0x36B0];
	[tilespmem:s19+$0x15290] =	vst v5;
	v5 =	vadd.f32 v10, v9  }
0x244: {  	v7 =	vld [tilespmem:s19+$0xC6B0];
	[tilespmem:s19+$0x152A0] =	vst v3;
	v3 =	vadd.f32 v60, v11  }
0x245: {  	v8 =	vld [tilespmem:s19+$0x36C0];
	[tilespmem:s19+$0x152B0] =	vst v5;
	v5 =	vadd.f32 v62, v61  }
0x246: {  	v9 =	vld [tilespmem:s19+$0xC6C0];
	[tilespmem:s19+$0x152C0] =	vst v3;
	v3 =	vadd.f32 v16, v63  }
0x247: {  	v10 =	vld [tilespmem:s19+$0x36D0];
	[tilespmem:s19+$0x152D0] =	vst v5;
	v5 =	vadd.f32 v18, v17  }
0x248: {  	v11 =	vld [tilespmem:s19+$0xC6D0];
	[tilespmem:s19+$0x152E0] =	vst v3;
	v3 =	vadd.f32 v20, v19  }
0x249: {  	v18 =	vld [tilespmem:s19+$0x36E0];
	[tilespmem:s19+$0x152F0] =	vst v5;
	v5 =	vadd.f32 v22, v21  }
0x24a: {  	[tilespmem:s19+$0x15680] =	vst v3;
	v3 =	vadd.f32 v4, v23;
	v4 =	vld [tilespmem:s19+$0xC6F0]  }
0x24b: {  	v57 =	vld [tilespmem:s31+$0x3690];
	[tilespmem:s19+$0x15690] =	vst v5;
	v5 =	vadd.f32 v7, v6  }
0x24c: {  	v59 =	vld [tilespmem:s31+$0xC690];
	[tilespmem:s19+$0x156A0] =	vst v3;
	v3 =	vadd.f32 v9, v8  }
0x24d: {  	v6 =	vld [tilespmem:s31+$0xC280];
	[tilespmem:s19+$0x156B0] =	vst v5;
	v5 =	vadd.f32 v11, v10  }
0x24e: {  	v7 =	vld [tilespmem:s31+$0x3290];
	[tilespmem:s19+$0x156C0] =	vst v3;
	v3 =	vadd.f32 v24, v18  }
0x24f: {  	v8 =	vld [tilespmem:s31+$0xC290];
	[tilespmem:s19+$0x156D0] =	vst v5;
	v4 =	vadd.f32 v4, v25  }
0x250: {  	s15 =	sadd.s32 $0x800, s0;
	v9 =	vld [tilespmem:s31+$0x32A0];
	[tilespmem:s19+$0x156E0] =	vst v3  }
0x251: {  	s14 =	sor.u32 s7, s15;
	v5 =	vld [tilespmem:s31+$0xC2A0];
	[tilespmem:s19+$0x156F0] =	vst v4  }
0x252: {  	v4 =	vld [tilespmem:s14+$0x3280]  }
0x253: {  	v10 =	vld [tilespmem:s14+$0xC280]  }
0x254: {  	v11 =	vld [tilespmem:s14+$0x3290]  }
0x255: {  	v26 =	vld [tilespmem:s14+$0xC290]  }
0x256: {  	v27 =	vld [tilespmem:s14+$0x32A0]  }
0x257: {  	v28 =	vld [tilespmem:s14+$0xC2A0]  }
0x258: {  	v29 =	vld [tilespmem:s14+$0x32B0]  }
0x259: {  	v30 =	vld [tilespmem:s14+$0xC2B0]  }
0x25a: {  	v31 =	vld [tilespmem:s14+$0x32C0]  }
0x25b: {  	v32 =	vld [tilespmem:s14+$0xC2C0]  }
0x25c: {  	v6 =	vadd.f32 v6, v15;
	v33 =	vld [tilespmem:s14+$0x32D0]  }
0x25d: {  	v7 =	vadd.f32 v8, v7;
	v34 =	vld [tilespmem:s14+$0xC2D0]  }
0x25e: {  	[tilespmem:s31+$0x15280] =	vst v6;
	v35 =	vld [tilespmem:s14+$0x32E0];
	v5 =	vadd.f32 v5, v9  }
0x25f: {  	v36 =	vld [tilespmem:s14+$0x32F0];
	[tilespmem:s31+$0x15290] =	vst v7;
	v4 =	vadd.f32 v10, v4  }
0x260: {  	[tilespmem:s31+$0x152A0] =	vst v5;
	v10 =	vld [tilespmem:s14+$0xC2E0];
	v11 =	vadd.f32 v26, v11  }
0x261: {  	v37 =	vld [tilespmem:s14+$0xC2F0];
	[tilespmem:s14+$0x15280] =	vst v4;
	v4 =	vadd.f32 v28, v27  }
0x262: {  	v3 =	vld [tilespmem:s31+$0x32B0];
	[tilespmem:s14+$0x15290] =	vst v11;
	v11 =	vadd.f32 v30, v29  }
0x263: {  	v8 =	vld [tilespmem:s31+$0x36B0];
	[tilespmem:s14+$0x152A0] =	vst v4;
	v4 =	vadd.f32 v32, v31  }
0x264: {  	v6 =	vld [tilespmem:s31+$0xC6B0];
	[tilespmem:s14+$0x152B0] =	vst v11;
	v11 =	vadd.f32 v34, v33  }
0x265: {  	v7 =	vld [tilespmem:s31+$0x36C0];
	[tilespmem:s14+$0x152C0] =	vst v4;
	v4 =	vadd.f32 v10, v35  }
0x266: {  	v9 =	vld [tilespmem:s31+$0xC6C0];
	[tilespmem:s14+$0x152D0] =	vst v11;
	v11 =	vadd.f32 v37, v36  }
0x267: {  	s17 =	sadd.s32 $0xC00, s0;
	v5 =	vadd.f32 v39, v38;
	v38 =	vld [tilespmem:s31+$0x36E0];
	[tilespmem:s14+$0x152E0] =	vst v4  }
0x268: {  	s16 =	sor.u32 s7, s17;
	v10 =	vld [tilespmem:s31+$0xC2D0];
	[tilespmem:s14+$0x152F0] =	vst v11  }
0x269: {  	v11 =	vld [tilespmem:s16+$0x3280]  }
0x26a: {  	v42 =	vld [tilespmem:s16+$0xC280]  }
0x26b: {  	v43 =	vld [tilespmem:s16+$0x3290]  }
0x26c: {  	v44 =	vld [tilespmem:s16+$0xC290]  }
0x26d: {  	v45 =	vld [tilespmem:s16+$0x32A0]  }
0x26e: {  	v46 =	vld [tilespmem:s16+$0xC2A0]  }
0x26f: {  	v47 =	vld [tilespmem:s16+$0x32B0]  }
0x270: {  	v24 =	vld [tilespmem:s16+$0xC2B0]  }
0x271: {  	v25 =	vld [tilespmem:s16+$0x32C0]  }
0x272: {  	v26 =	vld [tilespmem:s16+$0xC2C0]  }
0x273: {  	v27 =	vld [tilespmem:s16+$0x32D0]  }
0x274: {  	v3 =	vadd.f32 v14, v3;
	v28 =	vld [tilespmem:s16+$0xC2D0]  }
0x275: {  	v29 =	vld [tilespmem:s16+$0x32E0]  }
0x276: {  	[tilespmem:s31+$0x152B0] =	vst v3;
	v49 =	vld [tilespmem:s16+$0x32F0];
	v11 =	vadd.f32 v42, v11  }
0x277: {  	[tilespmem:s31+$0x152C0] =	vst v5;
	v50 =	vld [tilespmem:s16+$0xC2F0];
	v19 =	vadd.f32 v44, v43  }
0x278: {  	v48 =	vld [tilespmem:s16+$0xC2E0];
	v52 =	vadd.f32 v24, v47;
	[tilespmem:s16+$0x15280] =	vst v11  }
0x279: {  	v39 =	vld [tilespmem:s31+$0xC6E0];
	v11 =	vadd.f32 v46, v45;
	[tilespmem:s16+$0x15290] =	vst v19  }
0x27a: {  	v5 =	vld [tilespmem:s31+$0xC6D0];
	v55 =	vadd.f32 v28, v27;
	[tilespmem:s16+$0x152B0] =	vst v52  }
0x27b: {  	v37 =	vld [tilespmem:s31+$0xC6A0];
	[tilespmem:s16+$0x152A0] =	vst v11;
	v11 =	vadd.f32 v26, v25  }
0x27c: {  	v4 =	vld [tilespmem:s31+$0xC2E0];
	v58 =	vadd.f32 v50, v49;
	[tilespmem:s16+$0x152D0] =	vst v55  }
0x27d: {  	v3 =	vadd.f32 v10, v40;
	v10 =	vld [tilespmem:s31+$0x36D0];
	[tilespmem:s16+$0x152C0] =	vst v11;
	v11 =	vadd.f32 v48, v29  }
0x27e: {  	s18 =	sadd.s32 $0x1000, s0;
	v40 =	vld [tilespmem:s31+$0x36F0];
	[tilespmem:s16+$0x152F0] =	vst v58  }
0x27f: {  	s19 =	sor.u32 s7, s18;
	[tilespmem:s16+$0x152E0] =	vst v11;
	v11 =	vld [tilespmem:s31+$0x36A0]  }
0x280: {  	v19 =	vld [tilespmem:s19+$0x3280]  }
0x281: {  	v60 =	vld [tilespmem:s19+$0xC280]  }
0x282: {  	v61 =	vld [tilespmem:s19+$0x3290]  }
0x283: {  	v62 =	vld [tilespmem:s19+$0xC290]  }
0x284: {  	v63 =	vld [tilespmem:s19+$0x32A0]  }
0x285: {  	v4 =	vadd.f32 v4, v41;
	v36 =	vld [tilespmem:s19+$0xC2A0]  }
0x286: {  	[tilespmem:s31+$0x152D0] =	vst v3;
	v3 =	vadd.f32 v53, v51;
	v30 =	vld [tilespmem:s19+$0x32B0]  }
0x287: {  	[tilespmem:s31+$0x152E0] =	vst v4;
	v4 =	vadd.f32 v56, v54;
	v31 =	vld [tilespmem:s19+$0xC2B0]  }
0x288: {  	[tilespmem:s31+$0x152F0] =	vst v3;
	v3 =	vadd.f32 v59, v57;
	v32 =	vld [tilespmem:s19+$0x32C0]  }
0x289: {  	[tilespmem:s31+$0x15680] =	vst v4;
	v4 =	vadd.f32 v37, v11;
	v11 =	vld [tilespmem:s31+$0xC6F0]  }
0x28a: {  	v6 =	vadd.f32 v6, v8;
	[tilespmem:s31+$0x15690] =	vst v3;
	v3 =	vld [tilespmem:s19+$0xC2C0]  }
0x28b: {  	v8 =	vld [tilespmem:s19+$0x32D0];
	[tilespmem:s31+$0x156A0] =	vst v4;
	v4 =	vadd.f32 v9, v7  }
0x28c: {  	[tilespmem:s31+$0x156B0] =	vst v6;
	v5 =	vadd.f32 v5, v10;
	v6 =	vld [tilespmem:s19+$0x32E0]  }
0x28d: {  	v10 =	vld [tilespmem:s19+$0x32F0];
	[tilespmem:s31+$0x156C0] =	vst v4;
	v4 =	vadd.f32 v39, v38  }
0x28e: {  	[tilespmem:s31+$0x156D0] =	vst v5;
	v7 =	vld [tilespmem:s19+$0xC2D0];
	v5 =	vadd.f32 v11, v40  }
0x28f: {  	v9 =	vld [tilespmem:s19+$0xC2E0];
	[tilespmem:s31+$0x156E0] =	vst v4  }
0x290: {  	s15 =	sor.u32 s2, s15;
	v4 =	vld [tilespmem:s19+$0xC2F0];
	[tilespmem:s31+$0x156F0] =	vst v5  }
0x291: {  	v5 =	vld [tilespmem:s15+$0x3280]  }
0x292: {  	v11 =	vld [tilespmem:s15+$0xC280]  }
0x293: {  	v41 =	vld [tilespmem:s15+$0x3290]  }
0x294: {  	v42 =	vld [tilespmem:s15+$0xC290]  }
0x295: {  	v43 =	vld [tilespmem:s15+$0x32A0]  }
0x296: {  	v44 =	vadd.f32 v60, v19;
	v45 =	vld [tilespmem:s15+$0xC2A0]  }
0x297: {  	v46 =	vadd.f32 v62, v61;
	v47 =	vld [tilespmem:s15+$0x32B0]  }
0x298: {  	v48 =	vadd.f32 v36, v63;
	[tilespmem:s19+$0x15280] =	vst v44;
	v49 =	vld [tilespmem:s15+$0xC2B0]  }
0x299: {  	v50 =	vadd.f32 v31, v30;
	[tilespmem:s19+$0x15290] =	vst v46;
	v51 =	vld [tilespmem:s15+$0x32C0]  }
0x29a: {  	v3 =	vadd.f32 v3, v32;
	[tilespmem:s19+$0x152A0] =	vst v48;
	v52 =	vld [tilespmem:s15+$0xC2C0]  }
0x29b: {  	[tilespmem:s19+$0x152B0] =	vst v50;
	v7 =	vadd.f32 v7, v8;
	v8 =	vld [tilespmem:s15+$0x32D0]  }
0x29c: {  	[tilespmem:s19+$0x152C0] =	vst v3;
	v3 =	vadd.f32 v9, v6;
	v6 =	vld [tilespmem:s15+$0xC2D0]  }
0x29d: {  	v9 =	vld [tilespmem:s15+$0x32F0];
	[tilespmem:s19+$0x152D0] =	vst v7;
	v4 =	vadd.f32 v4, v10  }
0x29e: {  	v7 =	vld [tilespmem:s15+$0x32E0];
	[tilespmem:s19+$0x152E0] =	vst v3;
	v3 =	vadd.f32 v11, v5  }
0x29f: {  	v5 =	vld [tilespmem:s15+$0xC2E0];
	[tilespmem:s19+$0x152F0] =	vst v4;
	v4 =	vadd.f32 v42, v41  }
0x2a0: {  	v10 =	vld [tilespmem:s15+$0xC2F0];
	[tilespmem:s15+$0x15280] =	vst v3;
	v3 =	vadd.f32 v45, v43  }
0x2a1: {  	[tilespmem:s15+$0x15290] =	vst v4;
	v4 =	vadd.f32 v49, v47  }
0x2a2: {  	[tilespmem:s15+$0x152A0] =	vst v3;
	v3 =	vadd.f32 v52, v51  }
0x2a3: {  	[tilespmem:s15+$0x152B0] =	vst v4;
	v4 =	vadd.f32 v6, v8  }
0x2a4: {  	s0 =	sadd.s32 $0x1400, s0;
	[tilespmem:s15+$0x152C0] =	vst v3;
	v3 =	vadd.f32 v5, v7  }
0x2a5: {  	s30 =	sor.u32 s7, s0;
	[tilespmem:s15+$0x152D0] =	vst v4;
	v4 =	vadd.f32 v10, v9  }
0x2a6: {  	v5 =	vld [tilespmem:s30+$0x32F0];
	[tilespmem:s15+$0x152E0] =	vst v3  }
0x2a7: {  	s31 =	sor.u32 s2, s17;
	v3 =	vld [tilespmem:s30+$0xC2F0];
	[tilespmem:s15+$0x152F0] =	vst v4  }
0x2a8: {  	v4 =	vld [tilespmem:s31+$0x3280]  }
0x2a9: {  	v6 =	vld [tilespmem:s31+$0xC280]  }
0x2aa: {  	v7 =	vld [tilespmem:s31+$0x3290]  }
0x2ab: {  	v8 =	vld [tilespmem:s31+$0xC290]  }
0x2ac: {  	v9 =	vld [tilespmem:s31+$0x32A0]  }
0x2ad: {  	v10 =	vld [tilespmem:s31+$0xC2A0]  }
0x2ae: {  	v11 =	vld [tilespmem:s31+$0x32B0]  }
0x2af: {  	v53 =	vld [tilespmem:s31+$0xC2B0]  }
0x2b0: {  	v54 =	vld [tilespmem:s31+$0x32C0]  }
0x2b1: {  	v55 =	vld [tilespmem:s31+$0xC2C0]  }
0x2b2: {  	v56 =	vld [tilespmem:s31+$0x32D0]  }
0x2b3: {  	v57 =	vld [tilespmem:s31+$0xC2D0]  }
0x2b4: {  	v3 =	vadd.f32 v3, v5;
	v5 =	vld [tilespmem:s31+$0x32E0]  }
0x2b5: {  	v4 =	vadd.f32 v6, v4;
	v6 =	vld [tilespmem:s31+$0xC2E0]  }
0x2b6: {  	[tilespmem:s30+$0x152F0] =	vst v3;
	v3 =	vadd.f32 v8, v7;
	v7 =	vld [tilespmem:s31+$0x32F0]  }
0x2b7: {  	v8 =	vld [tilespmem:s31+$0xC2F0];
	[tilespmem:s31+$0x15280] =	vst v4;
	v4 =	vadd.f32 v10, v9  }
0x2b8: {  	[tilespmem:s31+$0x15290] =	vst v3;
	v3 =	vadd.f32 v53, v11  }
0x2b9: {  	[tilespmem:s31+$0x152A0] =	vst v4;
	v4 =	vadd.f32 v55, v54  }
0x2ba: {  	v60 =	vld [tilespmem:s30+$0x32A0];
	[tilespmem:s31+$0x152B0] =	vst v3;
	v3 =	vadd.f32 v57, v56  }
0x2bb: {  	v5 =	vadd.f32 v6, v5;
	v6 =	vld [tilespmem:s30+$0xC280];
	[tilespmem:s31+$0x152C0] =	vst v4  }
0x2bc: {  	v4 =	vld [tilespmem:s30+$0x3280];
	[tilespmem:s31+$0x152D0] =	vst v3;
	v3 =	vadd.f32 v8, v7  }
0x2bd: {  	v7 =	vld [tilespmem:s30+$0x3290];
	[tilespmem:s31+$0x152E0] =	vst v5  }
0x2be: {  	s7 =	sor.u32 s2, s18;
	v5 =	vld [tilespmem:s30+$0xC290];
	[tilespmem:s31+$0x152F0] =	vst v3  }
0x2bf: {  	v3 =	vld [tilespmem:s7+$0x3280]  }
0x2c0: {  	v8 =	vld [tilespmem:s7+$0xC280]  }
0x2c1: {  	v9 =	vld [tilespmem:s7+$0x3290]  }
0x2c2: {  	v10 =	vld [tilespmem:s7+$0xC290]  }
0x2c3: {  	v11 =	vld [tilespmem:s7+$0x32A0]  }
0x2c4: {  	v58 =	vld [tilespmem:s7+$0xC2A0]  }
0x2c5: {  	v59 =	vld [tilespmem:s7+$0xC2B0]  }
0x2c6: {  	v61 =	vld [tilespmem:s7+$0xC2C0]  }
0x2c7: {  	v62 =	vld [tilespmem:s7+$0x32D0]  }
0x2c8: {  	v63 =	vld [tilespmem:s7+$0xC2D0];
	v3 =	vadd.f32 v8, v3  }
0x2c9: {  	v8 =	vld [tilespmem:s7+$0x32B0]  }
0x2ca: {  	v4 =	vadd.f32 v6, v4;
	[tilespmem:s7+$0x15280] =	vst v3;
	v3 =	vadd.f32 v10, v9;
	v9 =	vld [tilespmem:s30+$0xC2A0]  }
0x2cb: {  	v11 =	vadd.f32 v58, v11;
	v10 =	vld [tilespmem:s7+$0x32C0]  }
0x2cc: {  	[tilespmem:s30+$0x15280] =	vst v4;
	v4 =	vadd.f32 v5, v7;
	v5 =	vld [tilespmem:s7+$0xC2E0]  }
0x2cd: {  	[tilespmem:s7+$0x152A0] =	vst v11;
	v11 =	vld [tilespmem:s7+$0x32E0]  }
0x2ce: {  	[tilespmem:s7+$0x15290] =	vst v3;
	v3 =	vld [tilespmem:s30+$0x32B0];
	v6 =	vadd.f32 v59, v8  }
0x2cf: {  	[tilespmem:s30+$0x15290] =	vst v4;
	v8 =	vld [tilespmem:s7+$0x32F0];
	v7 =	vadd.f32 v9, v60  }
0x2d0: {  	[tilespmem:s7+$0x152B0] =	vst v6;
	v9 =	vld [tilespmem:s7+$0xC2F0];
	v6 =	vadd.f32 v61, v10  }
0x2d1: {  	v10 =	vadd.f32 v63, v62;
	[tilespmem:s30+$0x152A0] =	vst v7;
	v7 =	vld [tilespmem:s30+$0xC2B0]  }
0x2d2: {  	v4 =	vld [tilespmem:s30+$0x32C0];
	[tilespmem:s7+$0x152C0] =	vst v6  }
0x2d3: {  	v6 =	vld [tilespmem:s30+$0xC2C0];
	[tilespmem:s7+$0x152D0] =	vst v10;
	v10 =	vadd.f32 v5, v11  }
0x2d4: {  	s13 =	simm.s32 $0x0;
	s16 =	sor.u32 s2, s0;
	v5 =	vld [tilespmem:s30+$0x32D0]  }
.LBB2_5:
0x2d5: {  	s13 =	sadd.s32 $0x2, s13;
	[tilespmem:s7+$0x152E0] =	vst v10;
	v8 =	vadd.f32 v9, v8;
	v9 =	vld [tilespmem:s30+$0xC2D0]  }
0x2d6: {  	s8 =	sadd.s32 $0x100, s8;
	s0 =	sshrl.u32 s13, $0x3;
	p2 =	slt.u32 s13, $0xE;
	v3 =	vadd.f32 v7, v3;
	v7 =	vld [tilespmem:s30+$0x32E0]  }
0x2d7: {  	s2 =	sand.u32 $0x300, s8;
	s14 =	smul.u32 $0x1800, s0;
	[tilespmem:s7+$0x152F0] =	vst v8;
	v8 =	vld [tilespmem:s30+$0xC2E0]  }
0x2d8: {  	s0 =	sor.u32 $0x80, s2;
	v10 =	vld [tilespmem:s16+$0x3280];
	[tilespmem:s30+$0x152B0] =	vst v3;
	v3 =	vadd.f32 v6, v4  }
0x2d9: {  	s11 =	sor.u32 s2, s14;
	s7 =	sor.u32 s14, s0;
	v4 =	vld [tilespmem:s16+$0xC280]  }
0x2da: {  	v6 =	vld [tilespmem:s7+$0x3280];
	[tilespmem:s30+$0x152C0] =	vst v3;
	v3 =	vadd.f32 v9, v5  }
0x2db: {  	v5 =	vld [tilespmem:s7+$0xC280]  }
0x2dc: {  	v9 =	vld [tilespmem:s7+$0x3290];
	[tilespmem:s30+$0x152D0] =	vst v3;
	v3 =	vadd.f32 v8, v7  }
0x2dd: {  	v7 =	vld [tilespmem:s7+$0xC290]  }
0x2de: {  	v8 =	vld [tilespmem:s7+$0x32A0];
	v4 =	vadd.f32 v4, v10;
	[tilespmem:s30+$0x152E0] =	vst v3  }
0x2df: {  	v3 =	vld [tilespmem:s7+$0xC2A0]  }
0x2e0: {  	v10 =	vld [tilespmem:s7+$0x32B0];
	[tilespmem:s16+$0x15280] =	vst v4  }
0x2e1: {  	v4 =	vld [tilespmem:s7+$0xC2B0]  }
0x2e2: {  	v11 =	vld [tilespmem:s7+$0x32C0]  }
0x2e3: {  	v12 =	vld [tilespmem:s7+$0xC2C0]  }
0x2e4: {  	v13 =	vld [tilespmem:s7+$0x32D0]  }
0x2e5: {  	v14 =	vld [tilespmem:s7+$0xC2D0]  }
0x2e6: {  	v15 =	vld [tilespmem:s7+$0x32E0]  }
0x2e7: {  	v16 =	vld [tilespmem:s7+$0xC2E0]  }
0x2e8: {  	v17 =	vld [tilespmem:s7+$0x32F0]  }
0x2e9: {  	v18 =	vld [tilespmem:s7+$0xC2F0]  }
0x2ea: {  	v19 =	vld [tilespmem:s7+$0x3680]  }
0x2eb: {  	v20 =	vld [tilespmem:s7+$0xC680]  }
0x2ec: {  	v21 =	vld [tilespmem:s7+$0x3690]  }
0x2ed: {  	v22 =	vld [tilespmem:s7+$0xC690]  }
0x2ee: {  	v23 =	vld [tilespmem:s7+$0x36A0]  }
0x2ef: {  	v5 =	vadd.f32 v5, v6;
	v6 =	vld [tilespmem:s7+$0xC6A0]  }
0x2f0: {  	v7 =	vadd.f32 v7, v9;
	v9 =	vld [tilespmem:s7+$0x36B0]  }
0x2f1: {  	v3 =	vadd.f32 v3, v8;
	[tilespmem:s7+$0x15280] =	vst v5;
	v5 =	vld [tilespmem:s7+$0xC6B0]  }
0x2f2: {  	v4 =	vadd.f32 v4, v10;
	[tilespmem:s7+$0x15290] =	vst v7;
	v7 =	vld [tilespmem:s7+$0x36C0]  }
0x2f3: {  	[tilespmem:s7+$0x152A0] =	vst v3;
	v3 =	vadd.f32 v12, v11;
	v8 =	vld [tilespmem:s7+$0xC6C0]  }
0x2f4: {  	[tilespmem:s7+$0x152B0] =	vst v4;
	v4 =	vadd.f32 v14, v13;
	v10 =	vld [tilespmem:s7+$0x36D0]  }
0x2f5: {  	[tilespmem:s7+$0x152C0] =	vst v3;
	v3 =	vadd.f32 v16, v15;
	v11 =	vld [tilespmem:s7+$0xC6D0]  }
0x2f6: {  	[tilespmem:s7+$0x152D0] =	vst v4;
	v4 =	vadd.f32 v18, v17;
	v12 =	vld [tilespmem:s7+$0x36E0]  }
0x2f7: {  	[tilespmem:s7+$0x152E0] =	vst v3;
	v3 =	vadd.f32 v20, v19;
	v13 =	vld [tilespmem:s7+$0xC6E0]  }
0x2f8: {  	[tilespmem:s7+$0x152F0] =	vst v4;
	v4 =	vadd.f32 v22, v21;
	v14 =	vld [tilespmem:s7+$0x36F0]  }
0x2f9: {  	[tilespmem:s7+$0x15680] =	vst v3;
	v3 =	vadd.f32 v6, v23;
	v6 =	vld [tilespmem:s7+$0xC6F0]  }
0x2fa: {  	v15 =	vld [tilespmem:s11+$0x3280];
	[tilespmem:s7+$0x15690] =	vst v4;
	v4 =	vadd.f32 v5, v9  }
0x2fb: {  	v5 =	vld [tilespmem:s11+$0xC280];
	[tilespmem:s7+$0x156A0] =	vst v3;
	v3 =	vadd.f32 v8, v7  }
0x2fc: {  	v7 =	vld [tilespmem:s11+$0x3290];
	[tilespmem:s7+$0x156B0] =	vst v4;
	v4 =	vadd.f32 v11, v10  }
0x2fd: {  	v8 =	vld [tilespmem:s11+$0xC290];
	[tilespmem:s7+$0x156C0] =	vst v3;
	v3 =	vadd.f32 v13, v12  }
0x2fe: {  	v9 =	vld [tilespmem:s11+$0x32A0];
	[tilespmem:s7+$0x156D0] =	vst v4;
	v4 =	vadd.f32 v6, v14  }
0x2ff: {  	s17 =	sadd.s32 $0x800, s14;
	v6 =	vld [tilespmem:s11+$0xC2A0];
	[tilespmem:s7+$0x156E0] =	vst v3  }
0x300: {  	s15 =	sor.u32 s2, s17;
	v3 =	vadd.f32 v5, v15;
	v5 =	vld [tilespmem:s11+$0x32B0];
	[tilespmem:s7+$0x156F0] =	vst v4;
	s7 =	sor.u32 s0, s17  }
0x301: {  	v4 =	vld [tilespmem:s7+$0x3280]  }
0x302: {  	[tilespmem:s11+$0x15280] =	vst v3;
	v3 =	vadd.f32 v8, v7;
	v7 =	vld [tilespmem:s7+$0xC280]  }
0x303: {  	v8 =	vld [tilespmem:s7+$0x3290]  }
0x304: {  	[tilespmem:s11+$0x15290] =	vst v3;
	v3 =	vadd.f32 v6, v9;
	v6 =	vld [tilespmem:s7+$0xC290]  }
0x305: {  	v9 =	vld [tilespmem:s7+$0x32A0]  }
0x306: {  	[tilespmem:s11+$0x152A0] =	vst v3;
	v3 =	vld [tilespmem:s7+$0xC2A0]  }
0x307: {  	v10 =	vld [tilespmem:s7+$0x32B0]  }
0x308: {  	v11 =	vld [tilespmem:s7+$0xC2B0]  }
0x309: {  	v12 =	vld [tilespmem:s7+$0x32C0]  }
0x30a: {  	v13 =	vld [tilespmem:s7+$0xC2C0]  }
0x30b: {  	v14 =	vld [tilespmem:s7+$0x32D0]  }
0x30c: {  	v15 =	vld [tilespmem:s7+$0xC2D0]  }
0x30d: {  	v16 =	vld [tilespmem:s7+$0x32E0]  }
0x30e: {  	v4 =	vadd.f32 v7, v4;
	v7 =	vld [tilespmem:s7+$0xC2E0]  }
0x30f: {  	v6 =	vadd.f32 v6, v8;
	v8 =	vld [tilespmem:s7+$0x32F0]  }
0x310: {  	v3 =	vadd.f32 v3, v9;
	[tilespmem:s7+$0x15280] =	vst v4;
	v4 =	vld [tilespmem:s7+$0xC2F0]  }
0x311: {  	v9 =	vld [tilespmem:s11+$0xC2B0];
	[tilespmem:s7+$0x15290] =	vst v6;
	v6 =	vadd.f32 v11, v10  }
0x312: {  	v10 =	vld [tilespmem:s11+$0x32C0];
	[tilespmem:s7+$0x152A0] =	vst v3;
	v3 =	vadd.f32 v13, v12  }
0x313: {  	v11 =	vld [tilespmem:s11+$0xC2C0];
	[tilespmem:s7+$0x152B0] =	vst v6;
	v6 =	vadd.f32 v15, v14  }
0x314: {  	v12 =	vld [tilespmem:s11+$0x32D0];
	[tilespmem:s7+$0x152C0] =	vst v3;
	v3 =	vadd.f32 v7, v16  }
0x315: {  	v7 =	vld [tilespmem:s11+$0xC2D0];
	[tilespmem:s7+$0x152D0] =	vst v6;
	v4 =	vadd.f32 v4, v8  }
0x316: {  	s18 =	sadd.s32 $0xC00, s14;
	v5 =	vadd.f32 v9, v5;
	v6 =	vld [tilespmem:s11+$0x32E0];
	[tilespmem:s7+$0x152E0] =	vst v3  }
0x317: {  	s17 =	sor.u32 s2, s18;
	s18 =	sor.u32 s0, s18;
	v3 =	vld [tilespmem:s11+$0xC2E0];
	[tilespmem:s7+$0x152F0] =	vst v4  }
0x318: {  	[tilespmem:s11+$0x152B0] =	vst v5;
	v4 =	vadd.f32 v11, v10;
	v5 =	vld [tilespmem:s18+$0x3280]  }
0x319: {  	v8 =	vld [tilespmem:s18+$0xC280]  }
0x31a: {  	[tilespmem:s11+$0x152C0] =	vst v4;
	v4 =	vadd.f32 v7, v12;
	v7 =	vld [tilespmem:s18+$0x3290]  }
0x31b: {  	v9 =	vld [tilespmem:s18+$0xC290]  }
0x31c: {  	[tilespmem:s11+$0x152D0] =	vst v4;
	v3 =	vadd.f32 v3, v6;
	v4 =	vld [tilespmem:s18+$0x32A0]  }
0x31d: {  	v6 =	vld [tilespmem:s18+$0xC2A0]  }
0x31e: {  	[tilespmem:s11+$0x152E0] =	vst v3;
	v3 =	vld [tilespmem:s18+$0x32B0]  }
0x31f: {  	v10 =	vld [tilespmem:s18+$0xC2B0]  }
0x320: {  	v11 =	vld [tilespmem:s18+$0x32C0]  }
0x321: {  	v12 =	vld [tilespmem:s18+$0xC2C0]  }
0x322: {  	v13 =	vld [tilespmem:s18+$0x32D0]  }
0x323: {  	v14 =	vld [tilespmem:s18+$0xC2D0]  }
0x324: {  	v15 =	vld [tilespmem:s18+$0x32E0]  }
0x325: {  	v5 =	vadd.f32 v8, v5;
	v8 =	vld [tilespmem:s18+$0xC2E0]  }
0x326: {  	v7 =	vadd.f32 v9, v7;
	v9 =	vld [tilespmem:s18+$0x32F0]  }
0x327: {  	v4 =	vadd.f32 v6, v4;
	[tilespmem:s18+$0x15280] =	vst v5;
	v5 =	vld [tilespmem:s18+$0xC2F0]  }
0x328: {  	v3 =	vadd.f32 v10, v3;
	v6 =	vld [tilespmem:s11+$0x32F0];
	[tilespmem:s18+$0x15290] =	vst v7  }
0x329: {  	v7 =	vld [tilespmem:s11+$0xC2F0];
	[tilespmem:s18+$0x152A0] =	vst v4;
	v4 =	vadd.f32 v12, v11  }
0x32a: {  	v10 =	vld [tilespmem:s11+$0x3680];
	[tilespmem:s18+$0x152B0] =	vst v3;
	v3 =	vadd.f32 v14, v13  }
0x32b: {  	v11 =	vld [tilespmem:s11+$0xC680];
	[tilespmem:s18+$0x152C0] =	vst v4;
	v4 =	vadd.f32 v8, v15  }
0x32c: {  	v8 =	vld [tilespmem:s11+$0x3690];
	[tilespmem:s18+$0x152D0] =	vst v3;
	v3 =	vadd.f32 v5, v9  }
0x32d: {  	s30 =	sadd.s32 $0x1000, s14;
	v5 =	vld [tilespmem:s11+$0xC690];
	[tilespmem:s18+$0x152E0] =	vst v4  }
0x32e: {  	s7 =	sor.u32 s2, s30;
	v4 =	vadd.f32 v7, v6;
	v6 =	vld [tilespmem:s11+$0x36A0];
	[tilespmem:s18+$0x152F0] =	vst v3;
	s18 =	sor.u32 s0, s30  }
0x32f: {  	v3 =	vld [tilespmem:s18+$0x3280]  }
0x330: {  	[tilespmem:s11+$0x152F0] =	vst v4;
	v4 =	vadd.f32 v11, v10;
	v7 =	vld [tilespmem:s18+$0xC280]  }
0x331: {  	v9 =	vld [tilespmem:s18+$0x3290]  }
0x332: {  	[tilespmem:s11+$0x15680] =	vst v4;
	v4 =	vadd.f32 v5, v8;
	v5 =	vld [tilespmem:s18+$0xC290]  }
0x333: {  	v8 =	vld [tilespmem:s18+$0x32A0]  }
0x334: {  	[tilespmem:s11+$0x15690] =	vst v4;
	v4 =	vld [tilespmem:s18+$0xC2A0]  }
0x335: {  	v10 =	vld [tilespmem:s18+$0x32B0]  }
0x336: {  	v11 =	vld [tilespmem:s18+$0xC2B0]  }
0x337: {  	v12 =	vld [tilespmem:s18+$0x32C0]  }
0x338: {  	v13 =	vld [tilespmem:s18+$0xC2C0]  }
0x339: {  	v14 =	vld [tilespmem:s18+$0x32D0]  }
0x33a: {  	v15 =	vld [tilespmem:s18+$0xC2D0]  }
0x33b: {  	v16 =	vld [tilespmem:s18+$0x32E0]  }
0x33c: {  	v3 =	vadd.f32 v7, v3;
	v7 =	vld [tilespmem:s18+$0xC2E0]  }
0x33d: {  	v5 =	vadd.f32 v5, v9;
	v9 =	vld [tilespmem:s18+$0x32F0]  }
0x33e: {  	[tilespmem:s18+$0x15280] =	vst v3;
	v3 =	vadd.f32 v4, v8;
	v4 =	vld [tilespmem:s18+$0xC2F0]  }
0x33f: {  	v8 =	vld [tilespmem:s11+$0xC6A0];
	[tilespmem:s18+$0x15290] =	vst v5;
	v5 =	vadd.f32 v11, v10  }
0x340: {  	v10 =	vld [tilespmem:s11+$0x36B0];
	[tilespmem:s18+$0x152A0] =	vst v3;
	v3 =	vadd.f32 v13, v12  }
0x341: {  	v11 =	vld [tilespmem:s11+$0xC6B0];
	[tilespmem:s18+$0x152B0] =	vst v5;
	v5 =	vadd.f32 v15, v14  }
0x342: {  	v12 =	vld [tilespmem:s11+$0x36C0];
	[tilespmem:s18+$0x152C0] =	vst v3;
	v3 =	vadd.f32 v7, v16  }
0x343: {  	v7 =	vld [tilespmem:s11+$0xC6C0];
	[tilespmem:s18+$0x152D0] =	vst v5;
	v4 =	vadd.f32 v4, v9  }
0x344: {  	s14 =	sadd.s32 $0x1400, s14;
	v5 =	vadd.f32 v8, v6;
	v6 =	vld [tilespmem:s11+$0x36D0];
	[tilespmem:s18+$0x152E0] =	vst v3  }
0x345: {  	s2 =	sor.u32 s2, s14;
	s30 =	sor.u32 s0, s14;
	v3 =	vld [tilespmem:s11+$0xC6D0];
	[tilespmem:s18+$0x152F0] =	vst v4  }
0x346: {  	[tilespmem:s11+$0x156A0] =	vst v5;
	v4 =	vadd.f32 v11, v10;
	v5 =	vld [tilespmem:s30+$0x32F0]  }
0x347: {  	v8 =	vld [tilespmem:s30+$0xC2F0]  }
0x348: {  	[tilespmem:s11+$0x156B0] =	vst v4;
	v4 =	vadd.f32 v7, v12;
	v7 =	vld [tilespmem:s11+$0x36E0]  }
0x349: {  	v9 =	vld [tilespmem:s11+$0xC6E0]  }
0x34a: {  	[tilespmem:s11+$0x156C0] =	vst v4;
	v3 =	vadd.f32 v3, v6;
	v4 =	vld [tilespmem:s11+$0x36F0]  }
0x34b: {  	v6 =	vld [tilespmem:s11+$0xC6F0]  }
0x34c: {  	[tilespmem:s11+$0x156D0] =	vst v3;
	v3 =	vadd.f32 v8, v5;
	v5 =	vld [tilespmem:s16+$0x3290]  }
0x34d: {  	v8 =	vld [tilespmem:s16+$0xC290]  }
0x34e: {  	v7 =	vadd.f32 v9, v7;
	[tilespmem:s30+$0x152F0] =	vst v3;
	v3 =	vld [tilespmem:s16+$0x32A0]  }
0x34f: {  	v9 =	vld [tilespmem:s16+$0xC2A0]  }
0x350: {  	[tilespmem:s11+$0x156E0] =	vst v7;
	v4 =	vadd.f32 v6, v4;
	v6 =	vld [tilespmem:s16+$0x32B0]  }
0x351: {  	v7 =	vld [tilespmem:s16+$0xC2B0]  }
0x352: {  	[tilespmem:s11+$0x156F0] =	vst v4;
	v4 =	vadd.f32 v8, v5;
	v5 =	vld [tilespmem:s16+$0x32C0]  }
0x353: {  	v8 =	vld [tilespmem:s15+$0x3280]  }
0x354: {  	v10 =	vld [tilespmem:s15+$0xC280];
	[tilespmem:s16+$0x15290] =	vst v4;
	v3 =	vadd.f32 v9, v3  }
0x355: {  	v4 =	vld [tilespmem:s15+$0x3290]  }
0x356: {  	v9 =	vld [tilespmem:s15+$0xC290];
	[tilespmem:s16+$0x152A0] =	vst v3;
	v3 =	vadd.f32 v7, v6  }
0x357: {  	v6 =	vld [tilespmem:s15+$0x32A0]  }
0x358: {  	v7 =	vld [tilespmem:s15+$0xC2A0];
	[tilespmem:s16+$0x152B0] =	vst v3  }
0x359: {  	v3 =	vadd.f32 v10, v8;
	v8 =	vld [tilespmem:s15+$0x32B0]  }
0x35a: {  	v10 =	vld [tilespmem:s15+$0xC2B0]  }
0x35b: {  	[tilespmem:s15+$0x15280] =	vst v3;
	v3 =	vadd.f32 v9, v4;
	v4 =	vld [tilespmem:s15+$0x32C0]  }
0x35c: {  	v9 =	vld [tilespmem:s15+$0xC2C0]  }
0x35d: {  	[tilespmem:s15+$0x15290] =	vst v3;
	v3 =	vadd.f32 v7, v6;
	v6 =	vld [tilespmem:s15+$0x32D0]  }
0x35e: {  	v7 =	vld [tilespmem:s15+$0xC2D0]  }
0x35f: {  	[tilespmem:s15+$0x152A0] =	vst v3;
	v3 =	vadd.f32 v10, v8;
	v8 =	vld [tilespmem:s15+$0x32E0]  }
0x360: {  	v10 =	vld [tilespmem:s15+$0xC2E0]  }
0x361: {  	[tilespmem:s15+$0x152B0] =	vst v3;
	v3 =	vadd.f32 v9, v4;
	v4 =	vld [tilespmem:s15+$0x32F0]  }
0x362: {  	v9 =	vld [tilespmem:s15+$0xC2F0]  }
0x363: {  	[tilespmem:s15+$0x152C0] =	vst v3;
	v3 =	vadd.f32 v7, v6;
	v6 =	vld [tilespmem:s16+$0xC2C0]  }
0x364: {  	v7 =	vld [tilespmem:s16+$0x32D0]  }
0x365: {  	[tilespmem:s15+$0x152D0] =	vst v3;
	v3 =	vadd.f32 v10, v8;
	v8 =	vld [tilespmem:s16+$0xC2D0]  }
0x366: {  	v10 =	vld [tilespmem:s16+$0x32E0]  }
0x367: {  	[tilespmem:s15+$0x152E0] =	vst v3;
	v3 =	vadd.f32 v9, v4;
	v4 =	vld [tilespmem:s16+$0xC2E0]  }
0x368: {  	v5 =	vadd.f32 v6, v5;
	v6 =	vld [tilespmem:s16+$0x32F0]  }
0x369: {  	[tilespmem:s15+$0x152F0] =	vst v3;
	v3 =	vld [tilespmem:s16+$0xC2F0]  }
0x36a: {  	v9 =	vld [tilespmem:s17+$0x3280];
	[tilespmem:s16+$0x152C0] =	vst v5;
	v5 =	vadd.f32 v8, v7  }
0x36b: {  	v7 =	vld [tilespmem:s17+$0xC280]  }
0x36c: {  	v8 =	vld [tilespmem:s17+$0x3290];
	[tilespmem:s16+$0x152D0] =	vst v5;
	v4 =	vadd.f32 v4, v10  }
0x36d: {  	v5 =	vld [tilespmem:s17+$0xC290]  }
0x36e: {  	v10 =	vld [tilespmem:s17+$0x32A0];
	[tilespmem:s16+$0x152E0] =	vst v4;
	v3 =	vadd.f32 v3, v6  }
0x36f: {  	v4 =	vld [tilespmem:s17+$0xC2A0]  }
0x370: {  	v6 =	vadd.f32 v7, v9;
	v7 =	vld [tilespmem:s17+$0x32B0];
	[tilespmem:s16+$0x152F0] =	vst v3;
	s16 =	smov.u32 s2  }
0x371: {  	v3 =	vld [tilespmem:s17+$0xC2B0]  }
0x372: {  	[tilespmem:s17+$0x15280] =	vst v6;
	v5 =	vadd.f32 v5, v8;
	v6 =	vld [tilespmem:s17+$0x32C0]  }
0x373: {  	v8 =	vld [tilespmem:s17+$0xC2C0]  }
0x374: {  	[tilespmem:s17+$0x15290] =	vst v5;
	v4 =	vadd.f32 v4, v10;
	v5 =	vld [tilespmem:s17+$0x32D0]  }
0x375: {  	v9 =	vld [tilespmem:s17+$0xC2D0]  }
0x376: {  	[tilespmem:s17+$0x152A0] =	vst v4;
	v3 =	vadd.f32 v3, v7;
	v4 =	vld [tilespmem:s17+$0x32E0]  }
0x377: {  	v7 =	vld [tilespmem:s17+$0xC2E0]  }
0x378: {  	[tilespmem:s17+$0x152B0] =	vst v3;
	v3 =	vadd.f32 v8, v6;
	v6 =	vld [tilespmem:s17+$0x32F0]  }
0x379: {  	v8 =	vld [tilespmem:s17+$0xC2F0]  }
0x37a: {  	[tilespmem:s17+$0x152C0] =	vst v3;
	v3 =	vadd.f32 v9, v5;
	v5 =	vld [tilespmem:s30+$0x3280]  }
0x37b: {  	v9 =	vld [tilespmem:s30+$0xC280]  }
0x37c: {  	[tilespmem:s17+$0x152D0] =	vst v3;
	v3 =	vadd.f32 v7, v4;
	v4 =	vld [tilespmem:s30+$0x3290]  }
0x37d: {  	v7 =	vld [tilespmem:s30+$0xC290]  }
0x37e: {  	[tilespmem:s17+$0x152E0] =	vst v3;
	v3 =	vadd.f32 v8, v6;
	v6 =	vld [tilespmem:s30+$0x32A0]  }
0x37f: {  	v8 =	vld [tilespmem:s30+$0xC2A0]  }
0x380: {  	[tilespmem:s17+$0x152F0] =	vst v3;
	v5 =	vadd.f32 v9, v5;
	v3 =	vld [tilespmem:s30+$0x32B0]  }
0x381: {  	v9 =	vld [tilespmem:s7+$0x3280]  }
0x382: {  	v10 =	vld [tilespmem:s7+$0xC280];
	[tilespmem:s30+$0x15280] =	vst v5;
	v4 =	vadd.f32 v7, v4  }
0x383: {  	v5 =	vld [tilespmem:s7+$0x3290]  }
0x384: {  	v7 =	vld [tilespmem:s7+$0xC290];
	[tilespmem:s30+$0x15290] =	vst v4;
	v4 =	vadd.f32 v8, v6  }
0x385: {  	v6 =	vld [tilespmem:s7+$0x32A0]  }
0x386: {  	v8 =	vld [tilespmem:s7+$0xC2A0];
	[tilespmem:s30+$0x152A0] =	vst v4  }
0x387: {  	v4 =	vadd.f32 v10, v9;
	v9 =	vld [tilespmem:s7+$0x32B0]  }
0x388: {  	v10 =	vld [tilespmem:s7+$0xC2B0]  }
0x389: {  	[tilespmem:s7+$0x15280] =	vst v4;
	v4 =	vadd.f32 v7, v5;
	v5 =	vld [tilespmem:s7+$0x32C0]  }
0x38a: {  	v7 =	vld [tilespmem:s7+$0xC2C0]  }
0x38b: {  	[tilespmem:s7+$0x15290] =	vst v4;
	v4 =	vadd.f32 v8, v6;
	v6 =	vld [tilespmem:s7+$0x32D0]  }
0x38c: {  	v11 =	vld [tilespmem:s7+$0xC2D0]  }
0x38d: {  	[tilespmem:s7+$0x152A0] =	vst v4;
	v4 =	vadd.f32 v10, v9;
	v10 =	vld [tilespmem:s7+$0x32E0]  }
0x38e: {  	v12 =	vld [tilespmem:s7+$0xC2E0]  }
0x38f: {  	[tilespmem:s7+$0x152B0] =	vst v4;
	v4 =	vadd.f32 v7, v5;
	v8 =	vld [tilespmem:s7+$0x32F0]  }
.Ltmp3:
0x390: {  	v9 =	vld [tilespmem:s7+$0xC2F0];
	(pc) =	sbr.rel @p2 .LBB2_5-.Ltmp3, $4  }
0x391: {  	[tilespmem:s7+$0x152C0] =	vst v4;
	v5 =	vadd.f32 v11, v6;
	v7 =	vld [tilespmem:s30+$0xC2B0]  }
0x392: {  	v4 =	vld [tilespmem:s30+$0x32C0]  }
0x393: {  	[tilespmem:s7+$0x152D0] =	vst v5;
	v10 =	vadd.f32 v12, v10;
	v6 =	vld [tilespmem:s30+$0xC2C0]  }
0x394: {  	v5 =	vld [tilespmem:s30+$0x32D0]  }
0x395: {  	v8 =	vadd.f32 v9, v8  }
0x396: {  	[tilespmem:s7+$0x152E0] =	vst v10  }
0x397: {  	[tilespmem:s7+$0x152F0] =	vst v8  }
0x398: {  	v8 =	vld [tilespmem:s16+$0x3280]  }
0x399: {  	v9 =	vld [tilespmem:s16+$0xC280];
	_ =	sdelay $0x1  }
0x39a: {  	v58 =	vld [tilespmem:s30+$0x32E0]  }
0x39b: {  	v10 =	vld [tilespmem:s16+$0x32A0]  }
0x39c: {  	v11 =	vld [tilespmem:s16+$0xC2A0]  }
0x39d: {  	v12 =	vld [tilespmem:s16+$0x32B0];
	v8 =	vadd.f32 v9, v8  }
0x39e: {  	v9 =	vld [tilespmem:s16+$0xC290]  }
0x39f: {  	[tilespmem:s16+$0x15280] =	vst v8;
	v8 =	vld [tilespmem:s16+$0x3290]  }
0x3a0: {  	v13 =	vld [tilespmem:s16+$0xC2B0]  }
0x3a1: {  	v59 =	vld [tilespmem:s16+$0x32D0]  }
0x3a2: {  	v14 =	vld [tilespmem:s16+$0xC2D0]  }
0x3a3: {  	v15 =	vld [tilespmem:s16+$0x32E0];
	v10 =	vadd.f32 v11, v10  }
0x3a4: {  	v11 =	vld [tilespmem:s30+$0xC2D0];
	v8 =	vadd.f32 v9, v8  }
0x3a5: {  	[tilespmem:s16+$0x152A0] =	vst v10;
	v10 =	vld [tilespmem:s30+$0xC2E0]  }
0x3a6: {  	v4 =	vadd.f32 v6, v4;
	v6 =	vld [tilespmem:s16+$0x32F0];
	[tilespmem:s16+$0x15290] =	vst v8;
	v8 =	vadd.f32 v13, v12  }
0x3a7: {  	v3 =	vadd.f32 v7, v3;
	v9 =	vld [tilespmem:s16+$0x32C0]  }
0x3a8: {  	[tilespmem:s16+$0x152B0] =	vst v8;
	v8 =	vld [tilespmem:s16+$0xC2C0]  }
0x3a9: {  	s13 =	smul.u32 $0x30, s12;
	[tilespmem:s30+$0x152B0] =	vst v3;
	v3 =	vadd.f32 v11, v5;
	v5 =	vld [tilespmem:s16+$0xC2F0]  }
0x3aa: {  	v7 =	vld [tilespmem:s16+$0xC2E0];
	[tilespmem:s30+$0x152C0] =	vst v4;
	v4 =	vadd.f32 v10, v58  }
0x3ab: {  	s0 =	sshrl.u32 s13, $0x3  }
0x3ac: {  	s0 =	smul.u32 $0x1800, s0;
	[tilespmem:s30+$0x152E0] =	vst v4;
	v4 =	vadd.f32 v14, v59  }
0x3ad: {  	[tilespmem:s30+$0x152D0] =	vst v3;
	v3 =	vadd.f32 v8, v9  }
0x3ae: {  	s8 =	sadd.s32 s6, s0;
	[tilespmem:s16+$0x152D0] =	vst v4;
	v4 =	vadd.f32 v5, v6  }
0x3af: {  	s2 =	sadd.s32 @!p0 $0x40, s13;
	s0 =	sadd.s32 $0x3000, s8;
	[tilespmem:s16+$0x152C0] =	vst v3;
	v3 =	vadd.f32 v7, v15  }
0x3b0: {  	s2 =	sshrl.u32 @!p0 s2, $0x3;
	s0 =	sshrl.u32 s0, $0x3;
	[tilespmem:s16+$0x152F0] =	vst v4  }
0x3b1: {  	s2 =	smul.u32 @!p0 $0x1800, s2;
	s0 =	sadd.s32 s4, s0;
	[tilespmem:s16+$0x152E0] =	vst v3  }
0x3b2: {  	[hbm4b:s0+s5] =	stream.linear.scatter [tilespmem:s25], [sflag:$0x8], $0x3000, $0x38;
	[tilespmem:$0x1B280] =	vst v63  }
0x3b3: {  	s0 =	sadd.s32 @!p0 s6, s2  }
0x3b4: {  	s0 =	sshrl.u32 @!p0 s0, $0x3  }
0x3b5: {  	s7 =	simm.s32 @!p0 $0x3280;
	s2 =	simm.s32 @!p0 $0x0;
	s0 =	sadd.s32 @!p0 s1, s0  }
0x3b6: {  	[tilespmem:s7], [sflag:$0x2] =	stream.linear.gather @!p0 [hbm4b:s0+s2], $0x3000, $0x38;
	[tilespmem:$0x1B280] =	vst v63  }
0x3b7: {  	v3 =	vld @!p0 [tilespmem:s13+$0x40];
	_ =	sdelay $0x4  }
0x3b8: {  	v4 =	vshrl.u32 @!p0 v3, $0x3  }
0x3b9: {  	v4 =	vmul.u32 @!p0 $0x30, v4  }
0x3ba: {  	v5 =	vlaneseq.u32 @!p0;
	v3 =	vand.u32 @!p0 $0x7, v3  }
0x3bb: {  	v6 =	vshrl.u32 @!p0 v5, $0x3;
	v3 =	vor.u32 @!p0 v3, v4;
	v4 =	vand.u32 @!p0 $0x7, v5  }
0x3bc: {  	v6 =	vmul.u32 @!p0 $0x8, v6;
	v4 =	vperm.xlane @!p0 v3, v4;
	_ =	sdelay $0x1  }
0x3bd: {  	v4 =	vadd.s32 @!p0 v6, v4;
	_ =	sdelay $0x2  }
0x3be: {  	v5 =	vor.u32 @!p0 $0x8, v5  }
0x3bf: {  	s0 =	simm.s32 @!p0 $0xC280;
	v3 =	vperm.xlane @!p0 v3, v5  }
0x3c0: {  	[tilespmem:s0], [sflag:$0x5] =	stream.indirect_vreg.gather @!p0 [hbm4b:s3+s2], $0x80, v4, vm1, $0xb8;
	[tilespmem:$0x1B280] =	vst v63  }
0x3c1: {  	v3 =	vadd.s32 @!p0 v6, v3;
	s0 =	simm.s32 @!p0 $0xCA80  }
0x3c2: {  	[tilespmem:s0], [sflag:$0x5] =	stream.indirect_vreg.gather @!p0 [hbm4b:s9+s2], $0x80, v4, vm1, $0xb8;
	[tilespmem:$0x1B280] =	vst v63  }
0x3c3: {  	s0 =	simm.s32 @!p0 $0xD280  }
0x3c4: {  	[tilespmem:s0], [sflag:$0x5] =	stream.indirect_vreg.gather @!p0 [hbm4b:s10+s2], $0x80, v4, vm1, $0xb8;
	[tilespmem:$0x1B280] =	vst v63  }
0x3c5: {  	s0 =	simm.s32 @!p0 $0xDA80  }
0x3c6: {  	[tilespmem:s0], [sflag:$0x5] =	stream.indirect_vreg.gather @!p0 [hbm4b:s3+s2], $0x80, v3, vm1, $0xb8;
	[tilespmem:$0x1B280] =	vst v63  }
0x3c7: {  	s0 =	simm.s32 @!p0 $0xE280  }
0x3c8: {  	[tilespmem:s0], [sflag:$0x5] =	stream.indirect_vreg.gather @!p0 [hbm4b:s9+s2], $0x80, v3, vm1, $0xb8;
	[tilespmem:$0x1B280] =	vst v63  }
0x3c9: {  	s0 =	simm.s32 @!p0 $0xEA80  }
0x3ca: {  	[tilespmem:s0], [sflag:$0x5] =	stream.indirect_vreg.gather @!p0 [hbm4b:s10+s2], $0x80, v3, vm1, $0xb8;
	[tilespmem:$0x1B280] =	vst v63  }
0x3cb: {  	_ =	swait.ge [sflag:s26], $0x3000  }
0x3cc: {  	[sflag:s26] =	ssyncset.done $0x0  }
0x3cd: {  	[sflag:s26] =	ssyncadd.s32 $0xFFFFD000  }
0x3ce: {  	_ =	swait.ge [sflag:s28], $0x3000  }
0x3cf: {  	s11 =	simm.s32 @!p1 $0x9;
	[sflag:s28] =	ssyncset.done $0x0  }
0x3d0: {  	s18 =	simm.s32 $0x0;
	s16 =	simm.s32 $0x0;
	[sflag:s28] =	ssyncadd.s32 $0xFFFFD000  }
0x3d1: {  	s0 =	smul.u32 $0x1800, s18;
	s2 =	sand.u32 $0x300, s16;
	_ =	swait.ge @!p1 [sflag:s11], $0x3000  }
0x3d2: {  	s7 =	sor.u32 $0x80, s2;
	[sflag:s11] =	ssyncset.done @!p1 $0x0  }
0x3d3: {  	s14 =	sor.u32 s0, s7;
	[sflag:s11] =	ssyncadd.s32 @!p1 $0xFFFFD000  }
0x3d4: {  	v3 =	vld [tilespmem:s14+$0x6280]  }
0x3d5: {  	v4 =	vld [tilespmem:s14+$0xF280]  }
0x3d6: {  	v5 =	vld [tilespmem:s14+$0x6290]  }
0x3d7: {  	v6 =	vld [tilespmem:s14+$0xF290]  }
0x3d8: {  	v7 =	vld [tilespmem:s14+$0x62A0]  }
0x3d9: {  	v8 =	vld [tilespmem:s14+$0xF2A0]  }
0x3da: {  	v9 =	vld [tilespmem:s14+$0x62B0]  }
0x3db: {  	v10 =	vld [tilespmem:s14+$0xF2B0]  }
0x3dc: {  	v11 =	vld [tilespmem:s14+$0x62C0]  }
0x3dd: {  	v60 =	vld [tilespmem:s14+$0xF2C0]  }
0x3de: {  	v61 =	vld [tilespmem:s14+$0x62D0]  }
0x3df: {  	v62 =	vld [tilespmem:s14+$0xF2D0]  }
0x3e0: {  	v63 =	vld [tilespmem:s14+$0x62E0]  }
0x3e1: {  	v16 =	vld [tilespmem:s14+$0xF2E0]  }
0x3e2: {  	v17 =	vld [tilespmem:s14+$0x62F0]  }
0x3e3: {  	v18 =	vld [tilespmem:s14+$0xF2F0]  }
0x3e4: {  	v19 =	vld [tilespmem:s14+$0x6680]  }
0x3e5: {  	v20 =	vld [tilespmem:s14+$0xF680]  }
0x3e6: {  	v21 =	vld [tilespmem:s14+$0x6690]  }
0x3e7: {  	v22 =	vld [tilespmem:s14+$0xF690]  }
0x3e8: {  	v23 =	vld [tilespmem:s14+$0x66A0]  }
0x3e9: {  	v24 =	vld [tilespmem:s14+$0xF6E0]  }
0x3ea: {  	s11 =	sor.u32 s2, s0;
	v25 =	vld [tilespmem:s14+$0x66F0]  }
0x3eb: {  	v15 =	vld [tilespmem:s11+$0x6280]  }
0x3ec: {  	v14 =	vld [tilespmem:s11+$0xF2B0]  }
0x3ed: {  	v38 =	vld [tilespmem:s11+$0x62C0]  }
0x3ee: {  	v39 =	vld [tilespmem:s11+$0xF2C0]  }
0x3ef: {  	v40 =	vld [tilespmem:s11+$0x62D0]  }
0x3f0: {  	v41 =	vld [tilespmem:s11+$0x62E0]  }
0x3f1: {  	v51 =	vld [tilespmem:s11+$0x62F0]  }
0x3f2: {  	v53 =	vld [tilespmem:s11+$0xF2F0]  }
0x3f3: {  	v54 =	vld [tilespmem:s11+$0x6680];
	v3 =	vadd.f32 v4, v3  }
0x3f4: {  	v56 =	vld [tilespmem:s11+$0xF680];
	v5 =	vadd.f32 v6, v5  }
0x3f5: {  	v4 =	vld [tilespmem:s14+$0xF6A0];
	[tilespmem:s14+$0x18280] =	vst v3;
	v3 =	vadd.f32 v8, v7  }
0x3f6: {  	v6 =	vld [tilespmem:s14+$0x66B0];
	[tilespmem:s14+$0x18290] =	vst v5;
	v5 =	vadd.f32 v10, v9  }
0x3f7: {  	v7 =	vld [tilespmem:s14+$0xF6B0];
	[tilespmem:s14+$0x182A0] =	vst v3;
	v3 =	vadd.f32 v60, v11  }
0x3f8: {  	v8 =	vld [tilespmem:s14+$0x66C0];
	[tilespmem:s14+$0x182B0] =	vst v5;
	v5 =	vadd.f32 v62, v61  }
0x3f9: {  	v9 =	vld [tilespmem:s14+$0xF6C0];
	[tilespmem:s14+$0x182C0] =	vst v3;
	v3 =	vadd.f32 v16, v63  }
0x3fa: {  	v10 =	vld [tilespmem:s14+$0x66D0];
	[tilespmem:s14+$0x182D0] =	vst v5;
	v5 =	vadd.f32 v18, v17  }
0x3fb: {  	v11 =	vld [tilespmem:s14+$0xF6D0];
	[tilespmem:s14+$0x182E0] =	vst v3;
	v3 =	vadd.f32 v20, v19  }
0x3fc: {  	v18 =	vld [tilespmem:s14+$0x66E0];
	[tilespmem:s14+$0x182F0] =	vst v5;
	v5 =	vadd.f32 v22, v21  }
0x3fd: {  	[tilespmem:s14+$0x18680] =	vst v3;
	v3 =	vadd.f32 v4, v23;
	v4 =	vld [tilespmem:s14+$0xF6F0]  }
0x3fe: {  	v57 =	vld [tilespmem:s11+$0x6690];
	[tilespmem:s14+$0x18690] =	vst v5;
	v5 =	vadd.f32 v7, v6  }
0x3ff: {  	v59 =	vld [tilespmem:s11+$0xF690];
	[tilespmem:s14+$0x186A0] =	vst v3;
	v3 =	vadd.f32 v9, v8  }
0x400: {  	v6 =	vld [tilespmem:s11+$0xF280];
	[tilespmem:s14+$0x186B0] =	vst v5;
	v5 =	vadd.f32 v11, v10  }
0x401: {  	v7 =	vld [tilespmem:s11+$0x6290];
	[tilespmem:s14+$0x186C0] =	vst v3;
	v3 =	vadd.f32 v24, v18  }
0x402: {  	v8 =	vld [tilespmem:s11+$0xF290];
	[tilespmem:s14+$0x186D0] =	vst v5;
	v4 =	vadd.f32 v4, v25  }
0x403: {  	s17 =	sadd.s32 $0x800, s0;
	v9 =	vld [tilespmem:s11+$0x62A0];
	[tilespmem:s14+$0x186E0] =	vst v3  }
0x404: {  	s15 =	sor.u32 s7, s17;
	v5 =	vld [tilespmem:s11+$0xF2A0];
	[tilespmem:s14+$0x186F0] =	vst v4  }
0x405: {  	v4 =	vld [tilespmem:s15+$0x6280]  }
0x406: {  	v10 =	vld [tilespmem:s15+$0xF280]  }
0x407: {  	v11 =	vld [tilespmem:s15+$0x6290]  }
0x408: {  	v26 =	vld [tilespmem:s15+$0xF290]  }
0x409: {  	v27 =	vld [tilespmem:s15+$0x62A0]  }
0x40a: {  	v28 =	vld [tilespmem:s15+$0xF2A0]  }
0x40b: {  	v29 =	vld [tilespmem:s15+$0x62B0]  }
0x40c: {  	v30 =	vld [tilespmem:s15+$0xF2B0]  }
0x40d: {  	v31 =	vld [tilespmem:s15+$0x62C0]  }
0x40e: {  	v32 =	vld [tilespmem:s15+$0xF2C0]  }
0x40f: {  	v6 =	vadd.f32 v6, v15;
	v33 =	vld [tilespmem:s15+$0x62D0]  }
0x410: {  	v7 =	vadd.f32 v8, v7;
	v34 =	vld [tilespmem:s15+$0xF2D0]  }
0x411: {  	[tilespmem:s11+$0x18280] =	vst v6;
	v35 =	vld [tilespmem:s15+$0x62E0];
	v5 =	vadd.f32 v5, v9  }
0x412: {  	v36 =	vld [tilespmem:s15+$0x62F0];
	[tilespmem:s11+$0x18290] =	vst v7;
	v4 =	vadd.f32 v10, v4  }
0x413: {  	[tilespmem:s11+$0x182A0] =	vst v5;
	v10 =	vld [tilespmem:s15+$0xF2E0];
	v11 =	vadd.f32 v26, v11  }
0x414: {  	v37 =	vld [tilespmem:s15+$0xF2F0];
	[tilespmem:s15+$0x18280] =	vst v4;
	v4 =	vadd.f32 v28, v27  }
0x415: {  	v3 =	vld [tilespmem:s11+$0x62B0];
	[tilespmem:s15+$0x18290] =	vst v11;
	v11 =	vadd.f32 v30, v29  }
0x416: {  	v8 =	vld [tilespmem:s11+$0x66B0];
	[tilespmem:s15+$0x182A0] =	vst v4;
	v4 =	vadd.f32 v32, v31  }
0x417: {  	v6 =	vld [tilespmem:s11+$0xF6B0];
	[tilespmem:s15+$0x182B0] =	vst v11;
	v11 =	vadd.f32 v34, v33  }
0x418: {  	v7 =	vld [tilespmem:s11+$0x66C0];
	[tilespmem:s15+$0x182C0] =	vst v4;
	v4 =	vadd.f32 v10, v35  }
0x419: {  	v9 =	vld [tilespmem:s11+$0xF6C0];
	[tilespmem:s15+$0x182D0] =	vst v11;
	v11 =	vadd.f32 v37, v36  }
0x41a: {  	s14 =	sadd.s32 $0xC00, s0;
	v5 =	vadd.f32 v39, v38;
	v38 =	vld [tilespmem:s11+$0x66E0];
	[tilespmem:s15+$0x182E0] =	vst v4  }
0x41b: {  	s18 =	sor.u32 s7, s14;
	v10 =	vld [tilespmem:s11+$0xF2D0];
	[tilespmem:s15+$0x182F0] =	vst v11  }
0x41c: {  	v11 =	vld [tilespmem:s18+$0x6280]  }
0x41d: {  	v42 =	vld [tilespmem:s18+$0xF280]  }
0x41e: {  	v43 =	vld [tilespmem:s18+$0x6290]  }
0x41f: {  	v44 =	vld [tilespmem:s18+$0xF290]  }
0x420: {  	v45 =	vld [tilespmem:s18+$0x62A0]  }
0x421: {  	v46 =	vld [tilespmem:s18+$0xF2A0]  }
0x422: {  	v47 =	vld [tilespmem:s18+$0x62B0]  }
0x423: {  	v24 =	vld [tilespmem:s18+$0xF2B0]  }
0x424: {  	v25 =	vld [tilespmem:s18+$0x62C0]  }
0x425: {  	v26 =	vld [tilespmem:s18+$0xF2C0]  }
0x426: {  	v27 =	vld [tilespmem:s18+$0x62D0]  }
0x427: {  	v3 =	vadd.f32 v14, v3;
	v28 =	vld [tilespmem:s18+$0xF2D0]  }
0x428: {  	v29 =	vld [tilespmem:s18+$0x62E0]  }
0x429: {  	[tilespmem:s11+$0x182B0] =	vst v3;
	v49 =	vld [tilespmem:s18+$0x62F0];
	v11 =	vadd.f32 v42, v11  }
0x42a: {  	[tilespmem:s11+$0x182C0] =	vst v5;
	v50 =	vld [tilespmem:s18+$0xF2F0];
	v19 =	vadd.f32 v44, v43  }
0x42b: {  	v48 =	vld [tilespmem:s18+$0xF2E0];
	v52 =	vadd.f32 v24, v47;
	[tilespmem:s18+$0x18280] =	vst v11  }
0x42c: {  	v39 =	vld [tilespmem:s11+$0xF6E0];
	v11 =	vadd.f32 v46, v45;
	[tilespmem:s18+$0x18290] =	vst v19  }
0x42d: {  	v5 =	vld [tilespmem:s11+$0xF6D0];
	v55 =	vadd.f32 v28, v27;
	[tilespmem:s18+$0x182B0] =	vst v52  }
0x42e: {  	v37 =	vld [tilespmem:s11+$0xF6A0];
	[tilespmem:s18+$0x182A0] =	vst v11;
	v11 =	vadd.f32 v26, v25  }
0x42f: {  	v4 =	vld [tilespmem:s11+$0xF2E0];
	v58 =	vadd.f32 v50, v49;
	[tilespmem:s18+$0x182D0] =	vst v55  }
0x430: {  	v3 =	vadd.f32 v10, v40;
	v10 =	vld [tilespmem:s11+$0x66D0];
	[tilespmem:s18+$0x182C0] =	vst v11;
	v11 =	vadd.f32 v48, v29  }
0x431: {  	s15 =	sadd.s32 $0x1000, s0;
	v40 =	vld [tilespmem:s11+$0x66F0];
	[tilespmem:s18+$0x182F0] =	vst v58  }
0x432: {  	s19 =	sor.u32 s7, s15;
	[tilespmem:s18+$0x182E0] =	vst v11;
	v11 =	vld [tilespmem:s11+$0x66A0]  }
0x433: {  	v19 =	vld [tilespmem:s19+$0x6280]  }
0x434: {  	v60 =	vld [tilespmem:s19+$0xF280]  }
0x435: {  	v61 =	vld [tilespmem:s19+$0x6290]  }
0x436: {  	v62 =	vld [tilespmem:s19+$0xF290]  }
0x437: {  	v63 =	vld [tilespmem:s19+$0x62A0]  }
0x438: {  	v4 =	vadd.f32 v4, v41;
	v36 =	vld [tilespmem:s19+$0xF2A0]  }
0x439: {  	[tilespmem:s11+$0x182D0] =	vst v3;
	v3 =	vadd.f32 v53, v51;
	v30 =	vld [tilespmem:s19+$0x62B0]  }
0x43a: {  	[tilespmem:s11+$0x182E0] =	vst v4;
	v4 =	vadd.f32 v56, v54;
	v31 =	vld [tilespmem:s19+$0xF2B0]  }
0x43b: {  	[tilespmem:s11+$0x182F0] =	vst v3;
	v3 =	vadd.f32 v59, v57;
	v32 =	vld [tilespmem:s19+$0x62C0]  }
0x43c: {  	[tilespmem:s11+$0x18680] =	vst v4;
	v4 =	vadd.f32 v37, v11;
	v11 =	vld [tilespmem:s11+$0xF6F0]  }
0x43d: {  	v6 =	vadd.f32 v6, v8;
	[tilespmem:s11+$0x18690] =	vst v3;
	v3 =	vld [tilespmem:s19+$0xF2C0]  }
0x43e: {  	v8 =	vld [tilespmem:s19+$0x62D0];
	[tilespmem:s11+$0x186A0] =	vst v4;
	v4 =	vadd.f32 v9, v7  }
0x43f: {  	[tilespmem:s11+$0x186B0] =	vst v6;
	v5 =	vadd.f32 v5, v10;
	v6 =	vld [tilespmem:s19+$0x62E0]  }
0x440: {  	v10 =	vld [tilespmem:s19+$0x62F0];
	[tilespmem:s11+$0x186C0] =	vst v4;
	v4 =	vadd.f32 v39, v38  }
0x441: {  	[tilespmem:s11+$0x186D0] =	vst v5;
	v7 =	vld [tilespmem:s19+$0xF2D0];
	v5 =	vadd.f32 v11, v40  }
0x442: {  	v9 =	vld [tilespmem:s19+$0xF2E0];
	[tilespmem:s11+$0x186E0] =	vst v4  }
0x443: {  	s17 =	sor.u32 s2, s17;
	v4 =	vld [tilespmem:s19+$0xF2F0];
	[tilespmem:s11+$0x186F0] =	vst v5  }
0x444: {  	v5 =	vld [tilespmem:s17+$0x6280]  }
0x445: {  	v11 =	vld [tilespmem:s17+$0xF280]  }
0x446: {  	v41 =	vld [tilespmem:s17+$0x6290]  }
0x447: {  	v42 =	vld [tilespmem:s17+$0xF290]  }
0x448: {  	v43 =	vld [tilespmem:s17+$0x62A0]  }
0x449: {  	v44 =	vadd.f32 v60, v19;
	v45 =	vld [tilespmem:s17+$0xF2A0]  }
0x44a: {  	v46 =	vadd.f32 v62, v61;
	v47 =	vld [tilespmem:s17+$0x62B0]  }
0x44b: {  	v48 =	vadd.f32 v36, v63;
	[tilespmem:s19+$0x18280] =	vst v44;
	v49 =	vld [tilespmem:s17+$0xF2B0]  }
0x44c: {  	v50 =	vadd.f32 v31, v30;
	[tilespmem:s19+$0x18290] =	vst v46;
	v51 =	vld [tilespmem:s17+$0x62C0]  }
0x44d: {  	v3 =	vadd.f32 v3, v32;
	[tilespmem:s19+$0x182A0] =	vst v48;
	v52 =	vld [tilespmem:s17+$0xF2C0]  }
0x44e: {  	[tilespmem:s19+$0x182B0] =	vst v50;
	v7 =	vadd.f32 v7, v8;
	v8 =	vld [tilespmem:s17+$0x62D0]  }
0x44f: {  	[tilespmem:s19+$0x182C0] =	vst v3;
	v3 =	vadd.f32 v9, v6;
	v6 =	vld [tilespmem:s17+$0xF2D0]  }
0x450: {  	v9 =	vld [tilespmem:s17+$0x62F0];
	[tilespmem:s19+$0x182D0] =	vst v7;
	v4 =	vadd.f32 v4, v10  }
0x451: {  	v7 =	vld [tilespmem:s17+$0x62E0];
	[tilespmem:s19+$0x182E0] =	vst v3;
	v3 =	vadd.f32 v11, v5  }
0x452: {  	v5 =	vld [tilespmem:s17+$0xF2E0];
	[tilespmem:s19+$0x182F0] =	vst v4;
	v4 =	vadd.f32 v42, v41  }
0x453: {  	v10 =	vld [tilespmem:s17+$0xF2F0];
	[tilespmem:s17+$0x18280] =	vst v3;
	v3 =	vadd.f32 v45, v43  }
0x454: {  	[tilespmem:s17+$0x18290] =	vst v4;
	v4 =	vadd.f32 v49, v47  }
0x455: {  	[tilespmem:s17+$0x182A0] =	vst v3;
	v3 =	vadd.f32 v52, v51  }
0x456: {  	[tilespmem:s17+$0x182B0] =	vst v4;
	v4 =	vadd.f32 v6, v8  }
0x457: {  	s0 =	sadd.s32 $0x1400, s0;
	[tilespmem:s17+$0x182C0] =	vst v3;
	v3 =	vadd.f32 v5, v7  }
0x458: {  	s7 =	sor.u32 s7, s0;
	[tilespmem:s17+$0x182D0] =	vst v4;
	v4 =	vadd.f32 v10, v9  }
0x459: {  	v5 =	vld [tilespmem:s7+$0x62F0];
	[tilespmem:s17+$0x182E0] =	vst v3  }
0x45a: {  	s14 =	sor.u32 s2, s14;
	v3 =	vld [tilespmem:s7+$0xF2F0];
	[tilespmem:s17+$0x182F0] =	vst v4  }
0x45b: {  	v4 =	vld [tilespmem:s14+$0x6280]  }
0x45c: {  	v6 =	vld [tilespmem:s14+$0xF280]  }
0x45d: {  	v7 =	vld [tilespmem:s14+$0x6290]  }
0x45e: {  	v8 =	vld [tilespmem:s14+$0xF290]  }
0x45f: {  	v9 =	vld [tilespmem:s14+$0x62A0]  }
0x460: {  	v10 =	vld [tilespmem:s14+$0xF2A0]  }
0x461: {  	v11 =	vld [tilespmem:s14+$0x62B0]  }
0x462: {  	v53 =	vld [tilespmem:s14+$0xF2B0]  }
0x463: {  	v54 =	vld [tilespmem:s14+$0x62C0]  }
0x464: {  	v55 =	vld [tilespmem:s14+$0xF2C0]  }
0x465: {  	v56 =	vld [tilespmem:s14+$0x62D0]  }
0x466: {  	v57 =	vld [tilespmem:s14+$0xF2D0]  }
0x467: {  	v3 =	vadd.f32 v3, v5;
	v5 =	vld [tilespmem:s14+$0x62E0]  }
0x468: {  	v4 =	vadd.f32 v6, v4;
	v6 =	vld [tilespmem:s14+$0xF2E0]  }
0x469: {  	[tilespmem:s7+$0x182F0] =	vst v3;
	v3 =	vadd.f32 v8, v7;
	v7 =	vld [tilespmem:s14+$0x62F0]  }
0x46a: {  	v8 =	vld [tilespmem:s14+$0xF2F0];
	[tilespmem:s14+$0x18280] =	vst v4;
	v4 =	vadd.f32 v10, v9  }
0x46b: {  	[tilespmem:s14+$0x18290] =	vst v3;
	v3 =	vadd.f32 v53, v11  }
0x46c: {  	[tilespmem:s14+$0x182A0] =	vst v4;
	v4 =	vadd.f32 v55, v54  }
0x46d: {  	v60 =	vld [tilespmem:s7+$0x62A0];
	[tilespmem:s14+$0x182B0] =	vst v3;
	v3 =	vadd.f32 v57, v56  }
0x46e: {  	v5 =	vadd.f32 v6, v5;
	v6 =	vld [tilespmem:s7+$0xF280];
	[tilespmem:s14+$0x182C0] =	vst v4  }
0x46f: {  	v4 =	vld [tilespmem:s7+$0x6280];
	[tilespmem:s14+$0x182D0] =	vst v3;
	v3 =	vadd.f32 v8, v7  }
0x470: {  	v7 =	vld [tilespmem:s7+$0x6290];
	[tilespmem:s14+$0x182E0] =	vst v5  }
0x471: {  	s11 =	sor.u32 s2, s15;
	v5 =	vld [tilespmem:s7+$0xF290];
	[tilespmem:s14+$0x182F0] =	vst v3  }
0x472: {  	v3 =	vld [tilespmem:s11+$0x6280]  }
0x473: {  	v8 =	vld [tilespmem:s11+$0xF280]  }
0x474: {  	v9 =	vld [tilespmem:s11+$0x6290]  }
0x475: {  	v10 =	vld [tilespmem:s11+$0xF290]  }
0x476: {  	v11 =	vld [tilespmem:s11+$0x62A0]  }
0x477: {  	v58 =	vld [tilespmem:s11+$0xF2A0]  }
0x478: {  	v59 =	vld [tilespmem:s11+$0xF2B0]  }
0x479: {  	v61 =	vld [tilespmem:s11+$0xF2C0]  }
0x47a: {  	v62 =	vld [tilespmem:s11+$0x62D0]  }
0x47b: {  	v63 =	vld [tilespmem:s11+$0xF2D0];
	v3 =	vadd.f32 v8, v3  }
0x47c: {  	v8 =	vld [tilespmem:s11+$0x62B0]  }
0x47d: {  	v4 =	vadd.f32 v6, v4;
	[tilespmem:s11+$0x18280] =	vst v3;
	v3 =	vadd.f32 v10, v9;
	v9 =	vld [tilespmem:s7+$0xF2A0]  }
0x47e: {  	v11 =	vadd.f32 v58, v11;
	v10 =	vld [tilespmem:s11+$0x62C0]  }
0x47f: {  	[tilespmem:s7+$0x18280] =	vst v4;
	v4 =	vadd.f32 v5, v7;
	v5 =	vld [tilespmem:s11+$0xF2E0]  }
0x480: {  	[tilespmem:s11+$0x182A0] =	vst v11;
	v11 =	vld [tilespmem:s11+$0x62E0]  }
0x481: {  	[tilespmem:s11+$0x18290] =	vst v3;
	v3 =	vld [tilespmem:s7+$0x62B0];
	v6 =	vadd.f32 v59, v8  }
0x482: {  	[tilespmem:s7+$0x18290] =	vst v4;
	v8 =	vld [tilespmem:s11+$0x62F0];
	v7 =	vadd.f32 v9, v60  }
0x483: {  	[tilespmem:s11+$0x182B0] =	vst v6;
	v9 =	vld [tilespmem:s11+$0xF2F0];
	v6 =	vadd.f32 v61, v10  }
0x484: {  	v10 =	vadd.f32 v63, v62;
	[tilespmem:s7+$0x182A0] =	vst v7;
	v7 =	vld [tilespmem:s7+$0xF2B0]  }
0x485: {  	v4 =	vld [tilespmem:s7+$0x62C0];
	[tilespmem:s11+$0x182C0] =	vst v6  }
0x486: {  	v6 =	vld [tilespmem:s7+$0xF2C0];
	[tilespmem:s11+$0x182D0] =	vst v10;
	v10 =	vadd.f32 v5, v11  }
0x487: {  	s31 =	simm.s32 $0x0;
	s30 =	sor.u32 s2, s0;
	v5 =	vld [tilespmem:s7+$0x62D0]  }
.LBB2_7:
0x488: {  	s31 =	sadd.s32 $0x2, s31;
	[tilespmem:s11+$0x182E0] =	vst v10;
	v8 =	vadd.f32 v9, v8;
	v9 =	vld [tilespmem:s7+$0xF2D0]  }
0x489: {  	s16 =	sadd.s32 $0x100, s16;
	s0 =	sshrl.u32 s31, $0x3;
	p1 =	slt.u32 s31, $0xE;
	v3 =	vadd.f32 v7, v3;
	v7 =	vld [tilespmem:s7+$0x62E0]  }
0x48a: {  	s15 =	smul.u32 $0x1800, s0;
	s0 =	sand.u32 $0x300, s16;
	[tilespmem:s11+$0x182F0] =	vst v8;
	v8 =	vld [tilespmem:s7+$0xF2E0]  }
0x48b: {  	s14 =	sor.u32 $0x80, s0;
	v10 =	vld [tilespmem:s30+$0x6280];
	[tilespmem:s7+$0x182B0] =	vst v3;
	v3 =	vadd.f32 v6, v4  }
0x48c: {  	s2 =	sor.u32 s0, s15;
	s11 =	sor.u32 s15, s14;
	v4 =	vld [tilespmem:s30+$0xF280]  }
0x48d: {  	v6 =	vld [tilespmem:s11+$0x6280];
	[tilespmem:s7+$0x182C0] =	vst v3;
	v3 =	vadd.f32 v9, v5  }
0x48e: {  	v5 =	vld [tilespmem:s11+$0xF280]  }
0x48f: {  	v9 =	vld [tilespmem:s11+$0x6290];
	[tilespmem:s7+$0x182D0] =	vst v3;
	v3 =	vadd.f32 v8, v7  }
0x490: {  	v7 =	vld [tilespmem:s11+$0xF290]  }
0x491: {  	v8 =	vld [tilespmem:s11+$0x62A0];
	v4 =	vadd.f32 v4, v10;
	[tilespmem:s7+$0x182E0] =	vst v3  }
0x492: {  	v3 =	vld [tilespmem:s11+$0xF2A0]  }
0x493: {  	v10 =	vld [tilespmem:s11+$0x62B0];
	[tilespmem:s30+$0x18280] =	vst v4  }
0x494: {  	v4 =	vld [tilespmem:s11+$0xF2B0]  }
0x495: {  	v11 =	vld [tilespmem:s11+$0x62C0]  }
0x496: {  	v12 =	vld [tilespmem:s11+$0xF2C0]  }
0x497: {  	v13 =	vld [tilespmem:s11+$0x62D0]  }
0x498: {  	v14 =	vld [tilespmem:s11+$0xF2D0]  }
0x499: {  	v15 =	vld [tilespmem:s11+$0x62E0]  }
0x49a: {  	v16 =	vld [tilespmem:s11+$0xF2E0]  }
0x49b: {  	v17 =	vld [tilespmem:s11+$0x62F0]  }
0x49c: {  	v18 =	vld [tilespmem:s11+$0xF2F0]  }
0x49d: {  	v19 =	vld [tilespmem:s11+$0x6680]  }
0x49e: {  	v20 =	vld [tilespmem:s11+$0xF680]  }
0x49f: {  	v21 =	vld [tilespmem:s11+$0x6690]  }
0x4a0: {  	v22 =	vld [tilespmem:s11+$0xF690]  }
0x4a1: {  	v23 =	vld [tilespmem:s11+$0x66A0]  }
0x4a2: {  	v5 =	vadd.f32 v5, v6;
	v6 =	vld [tilespmem:s11+$0xF6A0]  }
0x4a3: {  	v7 =	vadd.f32 v7, v9;
	v9 =	vld [tilespmem:s11+$0x66B0]  }
0x4a4: {  	v3 =	vadd.f32 v3, v8;
	[tilespmem:s11+$0x18280] =	vst v5;
	v5 =	vld [tilespmem:s11+$0xF6B0]  }
0x4a5: {  	v4 =	vadd.f32 v4, v10;
	[tilespmem:s11+$0x18290] =	vst v7;
	v7 =	vld [tilespmem:s11+$0x66C0]  }
0x4a6: {  	[tilespmem:s11+$0x182A0] =	vst v3;
	v3 =	vadd.f32 v12, v11;
	v8 =	vld [tilespmem:s11+$0xF6C0]  }
0x4a7: {  	[tilespmem:s11+$0x182B0] =	vst v4;
	v4 =	vadd.f32 v14, v13;
	v10 =	vld [tilespmem:s11+$0x66D0]  }
0x4a8: {  	[tilespmem:s11+$0x182C0] =	vst v3;
	v3 =	vadd.f32 v16, v15;
	v11 =	vld [tilespmem:s11+$0xF6D0]  }
0x4a9: {  	[tilespmem:s11+$0x182D0] =	vst v4;
	v4 =	vadd.f32 v18, v17;
	v12 =	vld [tilespmem:s11+$0x66E0]  }
0x4aa: {  	[tilespmem:s11+$0x182E0] =	vst v3;
	v3 =	vadd.f32 v20, v19;
	v13 =	vld [tilespmem:s11+$0xF6E0]  }
0x4ab: {  	[tilespmem:s11+$0x182F0] =	vst v4;
	v4 =	vadd.f32 v22, v21;
	v14 =	vld [tilespmem:s11+$0x66F0]  }
0x4ac: {  	[tilespmem:s11+$0x18680] =	vst v3;
	v3 =	vadd.f32 v6, v23;
	v6 =	vld [tilespmem:s11+$0xF6F0]  }
0x4ad: {  	v15 =	vld [tilespmem:s2+$0x6280];
	[tilespmem:s11+$0x18690] =	vst v4;
	v4 =	vadd.f32 v5, v9  }
0x4ae: {  	v5 =	vld [tilespmem:s2+$0xF280];
	[tilespmem:s11+$0x186A0] =	vst v3;
	v3 =	vadd.f32 v8, v7  }
0x4af: {  	v7 =	vld [tilespmem:s2+$0x6290];
	[tilespmem:s11+$0x186B0] =	vst v4;
	v4 =	vadd.f32 v11, v10  }
0x4b0: {  	v8 =	vld [tilespmem:s2+$0xF290];
	[tilespmem:s11+$0x186C0] =	vst v3;
	v3 =	vadd.f32 v13, v12  }
0x4b1: {  	v9 =	vld [tilespmem:s2+$0x62A0];
	[tilespmem:s11+$0x186D0] =	vst v4;
	v4 =	vadd.f32 v6, v14  }
0x4b2: {  	s7 =	sadd.s32 $0x800, s15;
	v6 =	vld [tilespmem:s2+$0xF2A0];
	[tilespmem:s11+$0x186E0] =	vst v3  }
0x4b3: {  	s17 =	sor.u32 s0, s7;
	s7 =	sor.u32 s14, s7;
	v3 =	vadd.f32 v5, v15;
	v5 =	vld [tilespmem:s2+$0x62B0];
	[tilespmem:s11+$0x186F0] =	vst v4  }
0x4b4: {  	v4 =	vld [tilespmem:s7+$0x6280]  }
0x4b5: {  	[tilespmem:s2+$0x18280] =	vst v3;
	v3 =	vadd.f32 v8, v7;
	v7 =	vld [tilespmem:s7+$0xF280]  }
0x4b6: {  	v8 =	vld [tilespmem:s7+$0x6290]  }
0x4b7: {  	[tilespmem:s2+$0x18290] =	vst v3;
	v3 =	vadd.f32 v6, v9;
	v6 =	vld [tilespmem:s7+$0xF290]  }
0x4b8: {  	v9 =	vld [tilespmem:s7+$0x62A0]  }
0x4b9: {  	[tilespmem:s2+$0x182A0] =	vst v3;
	v3 =	vld [tilespmem:s7+$0xF2A0]  }
0x4ba: {  	v10 =	vld [tilespmem:s7+$0x62B0]  }
0x4bb: {  	v11 =	vld [tilespmem:s7+$0xF2B0]  }
0x4bc: {  	v12 =	vld [tilespmem:s7+$0x62C0]  }
0x4bd: {  	v13 =	vld [tilespmem:s7+$0xF2C0]  }
0x4be: {  	v14 =	vld [tilespmem:s7+$0x62D0]  }
0x4bf: {  	v15 =	vld [tilespmem:s7+$0xF2D0]  }
0x4c0: {  	v16 =	vld [tilespmem:s7+$0x62E0]  }
0x4c1: {  	v4 =	vadd.f32 v7, v4;
	v7 =	vld [tilespmem:s7+$0xF2E0]  }
0x4c2: {  	v6 =	vadd.f32 v6, v8;
	v8 =	vld [tilespmem:s7+$0x62F0]  }
0x4c3: {  	v3 =	vadd.f32 v3, v9;
	[tilespmem:s7+$0x18280] =	vst v4;
	v4 =	vld [tilespmem:s7+$0xF2F0]  }
0x4c4: {  	v9 =	vld [tilespmem:s2+$0xF2B0];
	[tilespmem:s7+$0x18290] =	vst v6;
	v6 =	vadd.f32 v11, v10  }
0x4c5: {  	v10 =	vld [tilespmem:s2+$0x62C0];
	[tilespmem:s7+$0x182A0] =	vst v3;
	v3 =	vadd.f32 v13, v12  }
0x4c6: {  	v11 =	vld [tilespmem:s2+$0xF2C0];
	[tilespmem:s7+$0x182B0] =	vst v6;
	v6 =	vadd.f32 v15, v14  }
0x4c7: {  	v12 =	vld [tilespmem:s2+$0x62D0];
	[tilespmem:s7+$0x182C0] =	vst v3;
	v3 =	vadd.f32 v7, v16  }
0x4c8: {  	v7 =	vld [tilespmem:s2+$0xF2D0];
	[tilespmem:s7+$0x182D0] =	vst v6;
	v4 =	vadd.f32 v4, v8  }
0x4c9: {  	s11 =	sadd.s32 $0xC00, s15;
	v5 =	vadd.f32 v9, v5;
	v6 =	vld [tilespmem:s2+$0x62E0];
	[tilespmem:s7+$0x182E0] =	vst v3  }
0x4ca: {  	s18 =	sor.u32 s0, s11;
	v3 =	vld [tilespmem:s2+$0xF2E0];
	[tilespmem:s7+$0x182F0] =	vst v4;
	s7 =	sor.u32 s14, s11  }
0x4cb: {  	[tilespmem:s2+$0x182B0] =	vst v5;
	v4 =	vadd.f32 v11, v10;
	v5 =	vld [tilespmem:s7+$0x6280]  }
0x4cc: {  	v8 =	vld [tilespmem:s7+$0xF280]  }
0x4cd: {  	[tilespmem:s2+$0x182C0] =	vst v4;
	v4 =	vadd.f32 v7, v12;
	v7 =	vld [tilespmem:s7+$0x6290]  }
0x4ce: {  	v9 =	vld [tilespmem:s7+$0xF290]  }
0x4cf: {  	[tilespmem:s2+$0x182D0] =	vst v4;
	v3 =	vadd.f32 v3, v6;
	v4 =	vld [tilespmem:s7+$0x62A0]  }
0x4d0: {  	v6 =	vld [tilespmem:s7+$0xF2A0]  }
0x4d1: {  	[tilespmem:s2+$0x182E0] =	vst v3;
	v3 =	vld [tilespmem:s7+$0x62B0]  }
0x4d2: {  	v10 =	vld [tilespmem:s7+$0xF2B0]  }
0x4d3: {  	v11 =	vld [tilespmem:s7+$0x62C0]  }
0x4d4: {  	v12 =	vld [tilespmem:s7+$0xF2C0]  }
0x4d5: {  	v13 =	vld [tilespmem:s7+$0x62D0]  }
0x4d6: {  	v14 =	vld [tilespmem:s7+$0xF2D0]  }
0x4d7: {  	v15 =	vld [tilespmem:s7+$0x62E0]  }
0x4d8: {  	v5 =	vadd.f32 v8, v5;
	v8 =	vld [tilespmem:s7+$0xF2E0]  }
0x4d9: {  	v7 =	vadd.f32 v9, v7;
	v9 =	vld [tilespmem:s7+$0x62F0]  }
0x4da: {  	v4 =	vadd.f32 v6, v4;
	[tilespmem:s7+$0x18280] =	vst v5;
	v5 =	vld [tilespmem:s7+$0xF2F0]  }
0x4db: {  	v3 =	vadd.f32 v10, v3;
	v6 =	vld [tilespmem:s2+$0x62F0];
	[tilespmem:s7+$0x18290] =	vst v7  }
0x4dc: {  	v7 =	vld [tilespmem:s2+$0xF2F0];
	[tilespmem:s7+$0x182A0] =	vst v4;
	v4 =	vadd.f32 v12, v11  }
0x4dd: {  	v10 =	vld [tilespmem:s2+$0x6680];
	[tilespmem:s7+$0x182B0] =	vst v3;
	v3 =	vadd.f32 v14, v13  }
0x4de: {  	v11 =	vld [tilespmem:s2+$0xF680];
	[tilespmem:s7+$0x182C0] =	vst v4;
	v4 =	vadd.f32 v8, v15  }
0x4df: {  	v8 =	vld [tilespmem:s2+$0x6690];
	[tilespmem:s7+$0x182D0] =	vst v3;
	v3 =	vadd.f32 v5, v9  }
0x4e0: {  	s19 =	sadd.s32 $0x1000, s15;
	v5 =	vld [tilespmem:s2+$0xF690];
	[tilespmem:s7+$0x182E0] =	vst v4  }
0x4e1: {  	s11 =	sor.u32 s0, s19;
	v4 =	vadd.f32 v7, v6;
	v6 =	vld [tilespmem:s2+$0x66A0];
	[tilespmem:s7+$0x182F0] =	vst v3;
	s7 =	sor.u32 s14, s19  }
0x4e2: {  	v3 =	vld [tilespmem:s7+$0x6280]  }
0x4e3: {  	[tilespmem:s2+$0x182F0] =	vst v4;
	v4 =	vadd.f32 v11, v10;
	v7 =	vld [tilespmem:s7+$0xF280]  }
0x4e4: {  	v9 =	vld [tilespmem:s7+$0x6290]  }
0x4e5: {  	[tilespmem:s2+$0x18680] =	vst v4;
	v4 =	vadd.f32 v5, v8;
	v5 =	vld [tilespmem:s7+$0xF290]  }
0x4e6: {  	v8 =	vld [tilespmem:s7+$0x62A0]  }
0x4e7: {  	[tilespmem:s2+$0x18690] =	vst v4;
	v4 =	vld [tilespmem:s7+$0xF2A0]  }
0x4e8: {  	v10 =	vld [tilespmem:s7+$0x62B0]  }
0x4e9: {  	v11 =	vld [tilespmem:s7+$0xF2B0]  }
0x4ea: {  	v12 =	vld [tilespmem:s7+$0x62C0]  }
0x4eb: {  	v13 =	vld [tilespmem:s7+$0xF2C0]  }
0x4ec: {  	v14 =	vld [tilespmem:s7+$0x62D0]  }
0x4ed: {  	v15 =	vld [tilespmem:s7+$0xF2D0]  }
0x4ee: {  	v16 =	vld [tilespmem:s7+$0x62E0]  }
0x4ef: {  	v3 =	vadd.f32 v7, v3;
	v7 =	vld [tilespmem:s7+$0xF2E0]  }
0x4f0: {  	v5 =	vadd.f32 v5, v9;
	v9 =	vld [tilespmem:s7+$0x62F0]  }
0x4f1: {  	[tilespmem:s7+$0x18280] =	vst v3;
	v3 =	vadd.f32 v4, v8;
	v4 =	vld [tilespmem:s7+$0xF2F0]  }
0x4f2: {  	v8 =	vld [tilespmem:s2+$0xF6A0];
	[tilespmem:s7+$0x18290] =	vst v5;
	v5 =	vadd.f32 v11, v10  }
0x4f3: {  	v10 =	vld [tilespmem:s2+$0x66B0];
	[tilespmem:s7+$0x182A0] =	vst v3;
	v3 =	vadd.f32 v13, v12  }
0x4f4: {  	v11 =	vld [tilespmem:s2+$0xF6B0];
	[tilespmem:s7+$0x182B0] =	vst v5;
	v5 =	vadd.f32 v15, v14  }
0x4f5: {  	v12 =	vld [tilespmem:s2+$0x66C0];
	[tilespmem:s7+$0x182C0] =	vst v3;
	v3 =	vadd.f32 v7, v16  }
0x4f6: {  	v7 =	vld [tilespmem:s2+$0xF6C0];
	[tilespmem:s7+$0x182D0] =	vst v5;
	v4 =	vadd.f32 v4, v9  }
0x4f7: {  	s15 =	sadd.s32 $0x1400, s15;
	v5 =	vadd.f32 v8, v6;
	v6 =	vld [tilespmem:s2+$0x66D0];
	[tilespmem:s7+$0x182E0] =	vst v3  }
0x4f8: {  	s0 =	sor.u32 s0, s15;
	v3 =	vld [tilespmem:s2+$0xF6D0];
	[tilespmem:s7+$0x182F0] =	vst v4;
	s7 =	sor.u32 s14, s15  }
0x4f9: {  	[tilespmem:s2+$0x186A0] =	vst v5;
	v4 =	vadd.f32 v11, v10;
	v5 =	vld [tilespmem:s7+$0x62F0]  }
0x4fa: {  	v8 =	vld [tilespmem:s7+$0xF2F0]  }
0x4fb: {  	[tilespmem:s2+$0x186B0] =	vst v4;
	v4 =	vadd.f32 v7, v12;
	v7 =	vld [tilespmem:s2+$0x66E0]  }
0x4fc: {  	v9 =	vld [tilespmem:s2+$0xF6E0]  }
0x4fd: {  	[tilespmem:s2+$0x186C0] =	vst v4;
	v3 =	vadd.f32 v3, v6;
	v4 =	vld [tilespmem:s2+$0x66F0]  }
0x4fe: {  	v6 =	vld [tilespmem:s2+$0xF6F0]  }
0x4ff: {  	[tilespmem:s2+$0x186D0] =	vst v3;
	v3 =	vadd.f32 v8, v5;
	v5 =	vld [tilespmem:s30+$0x6290]  }
0x500: {  	v8 =	vld [tilespmem:s30+$0xF290]  }
0x501: {  	v7 =	vadd.f32 v9, v7;
	[tilespmem:s7+$0x182F0] =	vst v3;
	v3 =	vld [tilespmem:s30+$0x62A0]  }
0x502: {  	v9 =	vld [tilespmem:s30+$0xF2A0]  }
0x503: {  	[tilespmem:s2+$0x186E0] =	vst v7;
	v4 =	vadd.f32 v6, v4;
	v6 =	vld [tilespmem:s30+$0x62B0]  }
0x504: {  	v7 =	vld [tilespmem:s30+$0xF2B0]  }
0x505: {  	[tilespmem:s2+$0x186F0] =	vst v4;
	v4 =	vadd.f32 v8, v5;
	v5 =	vld [tilespmem:s30+$0x62C0]  }
0x506: {  	v8 =	vld [tilespmem:s17+$0x6280]  }
0x507: {  	v10 =	vld [tilespmem:s17+$0xF280];
	[tilespmem:s30+$0x18290] =	vst v4;
	v3 =	vadd.f32 v9, v3  }
0x508: {  	v4 =	vld [tilespmem:s17+$0x6290]  }
0x509: {  	v9 =	vld [tilespmem:s17+$0xF290];
	[tilespmem:s30+$0x182A0] =	vst v3;
	v3 =	vadd.f32 v7, v6  }
0x50a: {  	v6 =	vld [tilespmem:s17+$0x62A0]  }
0x50b: {  	v7 =	vld [tilespmem:s17+$0xF2A0];
	[tilespmem:s30+$0x182B0] =	vst v3  }
0x50c: {  	v3 =	vadd.f32 v10, v8;
	v8 =	vld [tilespmem:s17+$0x62B0]  }
0x50d: {  	v10 =	vld [tilespmem:s17+$0xF2B0]  }
0x50e: {  	[tilespmem:s17+$0x18280] =	vst v3;
	v3 =	vadd.f32 v9, v4;
	v4 =	vld [tilespmem:s17+$0x62C0]  }
0x50f: {  	v9 =	vld [tilespmem:s17+$0xF2C0]  }
0x510: {  	[tilespmem:s17+$0x18290] =	vst v3;
	v3 =	vadd.f32 v7, v6;
	v6 =	vld [tilespmem:s17+$0x62D0]  }
0x511: {  	v7 =	vld [tilespmem:s17+$0xF2D0]  }
0x512: {  	[tilespmem:s17+$0x182A0] =	vst v3;
	v3 =	vadd.f32 v10, v8;
	v8 =	vld [tilespmem:s17+$0x62E0]  }
0x513: {  	v10 =	vld [tilespmem:s17+$0xF2E0]  }
0x514: {  	[tilespmem:s17+$0x182B0] =	vst v3;
	v3 =	vadd.f32 v9, v4;
	v4 =	vld [tilespmem:s17+$0x62F0]  }
0x515: {  	v9 =	vld [tilespmem:s17+$0xF2F0]  }
0x516: {  	[tilespmem:s17+$0x182C0] =	vst v3;
	v3 =	vadd.f32 v7, v6;
	v6 =	vld [tilespmem:s30+$0xF2C0]  }
0x517: {  	v7 =	vld [tilespmem:s30+$0x62D0]  }
0x518: {  	[tilespmem:s17+$0x182D0] =	vst v3;
	v3 =	vadd.f32 v10, v8;
	v8 =	vld [tilespmem:s30+$0xF2D0]  }
0x519: {  	v10 =	vld [tilespmem:s30+$0x62E0]  }
0x51a: {  	[tilespmem:s17+$0x182E0] =	vst v3;
	v3 =	vadd.f32 v9, v4;
	v4 =	vld [tilespmem:s30+$0xF2E0]  }
0x51b: {  	v5 =	vadd.f32 v6, v5;
	v6 =	vld [tilespmem:s30+$0x62F0]  }
0x51c: {  	[tilespmem:s17+$0x182F0] =	vst v3;
	v3 =	vld [tilespmem:s30+$0xF2F0]  }
0x51d: {  	v9 =	vld [tilespmem:s18+$0x6280];
	[tilespmem:s30+$0x182C0] =	vst v5;
	v5 =	vadd.f32 v8, v7  }
0x51e: {  	v7 =	vld [tilespmem:s18+$0xF280]  }
0x51f: {  	v8 =	vld [tilespmem:s18+$0x6290];
	[tilespmem:s30+$0x182D0] =	vst v5;
	v4 =	vadd.f32 v4, v10  }
0x520: {  	v5 =	vld [tilespmem:s18+$0xF290]  }
0x521: {  	v10 =	vld [tilespmem:s18+$0x62A0];
	[tilespmem:s30+$0x182E0] =	vst v4;
	v3 =	vadd.f32 v3, v6  }
0x522: {  	v4 =	vld [tilespmem:s18+$0xF2A0]  }
0x523: {  	v6 =	vadd.f32 v7, v9;
	v7 =	vld [tilespmem:s18+$0x62B0];
	[tilespmem:s30+$0x182F0] =	vst v3;
	s30 =	smov.u32 s0  }
0x524: {  	v3 =	vld [tilespmem:s18+$0xF2B0]  }
0x525: {  	[tilespmem:s18+$0x18280] =	vst v6;
	v5 =	vadd.f32 v5, v8;
	v6 =	vld [tilespmem:s18+$0x62C0]  }
0x526: {  	v8 =	vld [tilespmem:s18+$0xF2C0]  }
0x527: {  	[tilespmem:s18+$0x18290] =	vst v5;
	v4 =	vadd.f32 v4, v10;
	v5 =	vld [tilespmem:s18+$0x62D0]  }
0x528: {  	v9 =	vld [tilespmem:s18+$0xF2D0]  }
0x529: {  	[tilespmem:s18+$0x182A0] =	vst v4;
	v3 =	vadd.f32 v3, v7;
	v4 =	vld [tilespmem:s18+$0x62E0]  }
0x52a: {  	v7 =	vld [tilespmem:s18+$0xF2E0]  }
0x52b: {  	[tilespmem:s18+$0x182B0] =	vst v3;
	v3 =	vadd.f32 v8, v6;
	v6 =	vld [tilespmem:s18+$0x62F0]  }
0x52c: {  	v8 =	vld [tilespmem:s18+$0xF2F0]  }
0x52d: {  	[tilespmem:s18+$0x182C0] =	vst v3;
	v3 =	vadd.f32 v9, v5;
	v5 =	vld [tilespmem:s7+$0x6280]  }
0x52e: {  	v9 =	vld [tilespmem:s7+$0xF280]  }
0x52f: {  	[tilespmem:s18+$0x182D0] =	vst v3;
	v3 =	vadd.f32 v7, v4;
	v4 =	vld [tilespmem:s7+$0x6290]  }
0x530: {  	v7 =	vld [tilespmem:s7+$0xF290]  }
0x531: {  	[tilespmem:s18+$0x182E0] =	vst v3;
	v3 =	vadd.f32 v8, v6;
	v6 =	vld [tilespmem:s7+$0x62A0]  }
0x532: {  	v8 =	vld [tilespmem:s7+$0xF2A0]  }
0x533: {  	[tilespmem:s18+$0x182F0] =	vst v3;
	v5 =	vadd.f32 v9, v5;
	v3 =	vld [tilespmem:s7+$0x62B0]  }
0x534: {  	v9 =	vld [tilespmem:s11+$0x6280]  }
0x535: {  	v10 =	vld [tilespmem:s11+$0xF280];
	[tilespmem:s7+$0x18280] =	vst v5;
	v4 =	vadd.f32 v7, v4  }
0x536: {  	v5 =	vld [tilespmem:s11+$0x6290]  }
0x537: {  	v7 =	vld [tilespmem:s11+$0xF290];
	[tilespmem:s7+$0x18290] =	vst v4;
	v4 =	vadd.f32 v8, v6  }
0x538: {  	v6 =	vld [tilespmem:s11+$0x62A0]  }
0x539: {  	v8 =	vld [tilespmem:s11+$0xF2A0];
	[tilespmem:s7+$0x182A0] =	vst v4  }
0x53a: {  	v4 =	vadd.f32 v10, v9;
	v9 =	vld [tilespmem:s11+$0x62B0]  }
0x53b: {  	v10 =	vld [tilespmem:s11+$0xF2B0]  }
0x53c: {  	[tilespmem:s11+$0x18280] =	vst v4;
	v4 =	vadd.f32 v7, v5;
	v5 =	vld [tilespmem:s11+$0x62C0]  }
0x53d: {  	v7 =	vld [tilespmem:s11+$0xF2C0]  }
0x53e: {  	[tilespmem:s11+$0x18290] =	vst v4;
	v4 =	vadd.f32 v8, v6;
	v6 =	vld [tilespmem:s11+$0x62D0]  }
0x53f: {  	v11 =	vld [tilespmem:s11+$0xF2D0]  }
0x540: {  	[tilespmem:s11+$0x182A0] =	vst v4;
	v4 =	vadd.f32 v10, v9;
	v10 =	vld [tilespmem:s11+$0x62E0]  }
0x541: {  	v12 =	vld [tilespmem:s11+$0xF2E0]  }
0x542: {  	[tilespmem:s11+$0x182B0] =	vst v4;
	v4 =	vadd.f32 v7, v5;
	v8 =	vld [tilespmem:s11+$0x62F0]  }
.Ltmp4:
0x543: {  	v9 =	vld [tilespmem:s11+$0xF2F0];
	(pc) =	sbr.rel @p1 .LBB2_7-.Ltmp4, $4  }
0x544: {  	[tilespmem:s11+$0x182C0] =	vst v4;
	v5 =	vadd.f32 v11, v6;
	v7 =	vld [tilespmem:s7+$0xF2B0]  }
0x545: {  	v4 =	vld [tilespmem:s7+$0x62C0]  }
0x546: {  	[tilespmem:s11+$0x182D0] =	vst v5;
	v10 =	vadd.f32 v12, v10;
	v6 =	vld [tilespmem:s7+$0xF2C0]  }
0x547: {  	v5 =	vld [tilespmem:s7+$0x62D0]  }
0x548: {  	v8 =	vadd.f32 v9, v8;
	v52 =	vld [tilespmem:s7+$0xF2D0]  }
0x549: {  	[tilespmem:s11+$0x182E0] =	vst v10;
	v54 =	vld [tilespmem:s7+$0x62E0]  }
0x54a: {  	v55 =	vld [tilespmem:s7+$0xF2E0];
	[tilespmem:s11+$0x182F0] =	vst v8  }
0x54b: {  	v8 =	vld [tilespmem:s30+$0x6280]  }
0x54c: {  	v48 =	vld [tilespmem:s30+$0xF280]  }
0x54d: {  	v49 =	vld [tilespmem:s30+$0x6290]  }
0x54e: {  	v50 =	vld [tilespmem:s30+$0xF290]  }
0x54f: {  	v10 =	vld [tilespmem:s30+$0x62A0]  }
0x550: {  	v11 =	vld [tilespmem:s30+$0xF2A0]  }
0x551: {  	v12 =	vld [tilespmem:s30+$0x62B0]  }
0x552: {  	v13 =	vld [tilespmem:s30+$0xF2B0]  }
0x553: {  	v51 =	vld [tilespmem:s30+$0x62C0]  }
0x554: {  	v3 =	vadd.f32 v7, v3;
	v56 =	vld [tilespmem:s30+$0xF2C0]  }
0x555: {  	v57 =	vld [tilespmem:s30+$0x62D0];
	v4 =	vadd.f32 v6, v4  }
0x556: {  	v14 =	vld [tilespmem:s30+$0xF2D0];
	[tilespmem:s7+$0x182B0] =	vst v3;
	v3 =	vadd.f32 v52, v5  }
0x557: {  	v59 =	vld [tilespmem:s30+$0x62F0];
	[tilespmem:s7+$0x182C0] =	vst v4;
	v61 =	vadd.f32 v55, v54  }
0x558: {  	v60 =	vld [tilespmem:s30+$0xF2F0];
	[tilespmem:s7+$0x182D0] =	vst v3;
	v8 =	vadd.f32 v48, v8  }
0x559: {  	v15 =	vld [tilespmem:s30+$0x62E0];
	[tilespmem:s7+$0x182E0] =	vst v61;
	v10 =	vadd.f32 v11, v10  }
0x55a: {  	v58 =	vld [tilespmem:s30+$0xF2E0];
	v53 =	vadd.f32 v13, v12;
	[tilespmem:s30+$0x18280] =	vst v8  }
0x55b: {  	v3 =	vadd.f32 v56, v51;
	[tilespmem:s30+$0x182A0] =	vst v10  }
0x55c: {  	v62 =	vadd.f32 v14, v57;
	[tilespmem:s30+$0x182B0] =	vst v53  }
0x55d: {  	v63 =	vadd.f32 v60, v59;
	[tilespmem:s30+$0x182C0] =	vst v3  }
.Ltmp5:
0x55e: {  	v8 =	vadd.f32 v50, v49;
	[tilespmem:s30+$0x182D0] =	vst v62;
	(pc) =	sbr.rel @p0 .LBB2_10-.Ltmp5, $4  }
0x55f: {  	s0 =	sadd.s32 $0x6000, s8;
	v3 =	vadd.f32 v58, v15;
	[tilespmem:s30+$0x182F0] =	vst v63  }
0x560: {  	s0 =	sshrl.u32 s0, $0x3;
	[tilespmem:s30+$0x18290] =	vst v8  }
0x561: {  	s0 =	sadd.s32 s4, s0;
	[tilespmem:s30+$0x182E0] =	vst v3  }
0x562: {  	[hbm4b:s0+s5] =	stream.linear.scatter [tilespmem:s29], [sflag:$0x9], $0x3000, $0x38;
	[tilespmem:$0x1B280] =	vst v63  }
0x563: {  	s0 =	sadd.s32 $0x50, s13  }
0x564: {  	s0 =	sshrl.u32 s0, $0x3  }
0x565: {  	s0 =	smul.u32 $0x1800, s0;
	_ =	sdelay $0x1  }
0x566: {  	s0 =	sadd.s32 s6, s0  }
0x567: {  	s0 =	sshrl.u32 s0, $0x3  }
0x568: {  	s2 =	simm.s32 $0x6280;
	s0 =	sadd.s32 s1, s0  }
0x569: {  	[tilespmem:s2], [sflag:$0x3] =	stream.linear.gather [hbm4b:s0+s5], $0x3000, $0x38;
	[tilespmem:$0x1B280] =	vst v63  }
0x56a: {  	v3 =	vld [tilespmem:s13+$0x50];
	_ =	sdelay $0x4  }
0x56b: {  	v4 =	vshrl.u32 v3, $0x3  }
0x56c: {  	v4 =	vmul.u32 $0x30, v4  }
0x56d: {  	v3 =	vand.u32 $0x7, v3  }
0x56e: {  	v3 =	vor.u32 v3, v4  }
0x56f: {  	v4 =	vperm.xlane v3, v0;
	_ =	sdelay $0x1  }
0x570: {  	v4 =	vadd.s32 v1, v4;
	_ =	sdelay $0x3  }
0x571: {  	s16 =	simm.s32 $0xF280;
	v3 =	vperm.xlane v3, v2  }
0x572: {  	[tilespmem:s16], [sflag:$0x6] =	stream.indirect_vreg.gather [hbm4b:s3+s5], $0x80, v4, vm0, $0xb8;
	[tilespmem:$0x1B280] =	vst v63  }
0x573: {  	s17 =	simm.s32 $0xFA80;
	v3 =	vadd.s32 v1, v3  }
0x574: {  	[tilespmem:s17], [sflag:$0x6] =	stream.indirect_vreg.gather [hbm4b:s9+s5], $0x80, v4, vm0, $0xb8;
	[tilespmem:$0x1B280] =	vst v63  }
0x575: {  	s18 =	simm.s32 $0x10280  }
0x576: {  	[tilespmem:s18], [sflag:$0x6] =	stream.indirect_vreg.gather [hbm4b:s10+s5], $0x80, v4, vm0, $0xb8;
	[tilespmem:$0x1B280] =	vst v63  }
0x577: {  	s19 =	simm.s32 $0x10A80  }
0x578: {  	[tilespmem:s19], [sflag:$0x6] =	stream.indirect_vreg.gather [hbm4b:s3+s5], $0x80, v3, vm0, $0xb8;
	[tilespmem:$0x1B280] =	vst v63  }
.Ltmp6:
0x579: {  	_ = 	snop;
	(pc) =	sbr.rel .LBB2_2-.Ltmp6, $4  }
0x57a: {  	s30 =	simm.s32 $0x11280  }
0x57b: {  	[tilespmem:s30], [sflag:$0x6] =	stream.indirect_vreg.gather [hbm4b:s9+s5], $0x80, v3, vm0, $0xb8;
	[tilespmem:$0x1B280] =	vst v63  }
0x57c: {  	s31 =	simm.s32 $0x11A80;
	s12 =	sadd.s32 $0x1, s12  }
0x57d: {  	[tilespmem:s31], [sflag:$0x6] =	stream.indirect_vreg.gather [hbm4b:s10+s5], $0x80, v3, vm0, $0xb8;
	[tilespmem:$0x1B280] =	vst v63  }
.LBB2_11:
0x57e: {  	_ =	sfence.sel $0x180000  }
0x57f: {  	[bflag:$0x0] =	sbarrier.arrive $0xFFFF  }
0x580: {  	_ =	strace $0x90000047  }
0x581: {  	s0 =	stileid.u32;
	[bflag:$0x2] =	sbarrier.arrive $0xFFFF  }
0x582: {  	p0 =	sne.s32 s0, $0x0;
	s0 =	rddreg [dreg:$0x4]  }
0x583: {  	s0 =	sadd.s32 @!p0 $0x100000, s0  }
0x584: {  	[sflag:s0] =	ssyncadd.tile.s32 @!p0 $0x1;
	_ =	shalt  }
.Lfunc_end2:
_tile_overlayer_lowered:
.L_overlay_start_2:
0x585: {  	(tag) =	ssettag $0x2  }
0x586: {  	s0 =	rddreg [dreg:$0x0];
	s2 =	stileid.u32  }
0x587: {  	s1 =	rddreg [dreg:$0x1];
	p0 =	sne.s32 s2, $0x0  }
0x588: {  	s3 =	rddreg [dreg:$0x2];
	[bflag:$0x3] =	sbarrier.arrive $0xFFFF;
	s2 =	simm.s32 @!p0 $0x1C0A  }
0x589: {  	[timem:s3], [sflag:s2] =	dma.local @!p0 [hbm:s0], s1  }
0x58a: {  	s0 =	simm.s32 @!p0 $0xA  }
0x58b: {  	_ =	swait.ge @!p0 [sflag:s0], s1  }
0x58c: {  	s1 =	ssub.s32 @!p0 $0x0, s1;
	[sflag:s0] =	ssyncset.done @!p0 $0x0  }
0x58d: {  	[sflag:s0] =	ssyncadd.s32 @!p0 s1  }
0x58e: {  	[bflag:$0x3] =	sbarrier.arrive $0xFFFF  }
0x58f: {  	_ =	shalt  }

</sc_bundles>
